<compile_context>
chip_gen: v7x
topology: tpu7x:2x2x1
jax: 0.10.2.dev20260603
libtpu: 0.0.44.dev20260713+nightly
codegen_flags: <defaults>
</compile_context>

<pallas_src>
import jax
import jax.numpy as jnp
from jax.experimental import pallas as pl

_BATCH = 16
_NC = 81
_NB = 15130
_NBPAD = 15232
_MAXN = 200
_CRIT = 0.45
_TH = 0.05
_CB = 16

_NROWS = _BATCH * (_NC - 1)
_NW = 32
_RPW = _NROWS // _NW
_CAP = 1024
_FILL = 208
_CAND = _CAP + _FILL
_BUF = _CAND + 16
_NCHUNK = _NBPAD // 16
_NSPLIT = 17


def _decode_softmax_body(db_ref, bb_ref, sc_ref, boxes_ref, probs_ref):
    s = sc_ref[0]
    m = jnp.max(s, axis=0, keepdims=True)
    e = jnp.exp(s - m)
    denom = jnp.sum(e, axis=0, keepdims=True)
    p = e[1:] / denom
    probs_ref[0] = jnp.where(p > _TH, p, -jnp.inf)

    bb = bb_ref[0]
    db = db_ref[...]
    xy0 = 0.1 * bb[0:1] * db[2:3] + db[0:1]
    xy1 = 0.1 * bb[1:2] * db[3:4] + db[1:2]
    wh0 = jnp.exp(0.2 * bb[2:3]) * db[2:3]
    wh1 = jnp.exp(0.2 * bb[3:4]) * db[3:4]
    l = xy0 - 0.5 * wh0
    t = xy1 - 0.5 * wh1
    r = xy0 + 0.5 * wh0
    btm = xy1 + 0.5 * wh1
    boxes_ref[0] = jnp.concatenate([l, t, r, btm], axis=0)


def _decode_softmax(bboxes_in, scores_in, dboxes_xywh):
    pad = _NBPAD - _NB
    bb = jnp.pad(bboxes_in, ((0, 0), (0, 0), (0, pad)))
    sc = jnp.pad(scores_in, ((0, 0), (0, 0), (0, pad)), constant_values=-1e30)
    db = jnp.pad(jnp.transpose(dboxes_xywh, (1, 0)), ((0, 0), (0, pad)))
    boxes, probs = pl.pallas_call(
        _decode_softmax_body,
        grid=(_BATCH,),
        in_specs=[
            pl.BlockSpec((4, _NBPAD), lambda b: (0, 0)),
            pl.BlockSpec((1, 4, _NBPAD), lambda b: (b, 0, 0)),
            pl.BlockSpec((1, _NC, _NBPAD), lambda b: (b, 0, 0)),
        ],
        out_specs=[
            pl.BlockSpec((1, 4, _NBPAD), lambda b: (b, 0, 0)),
            pl.BlockSpec((1, _NC - 1, _NBPAD), lambda b: (b, 0, 0)),
        ],
        out_shape=[
            jax.ShapeDtypeStruct((_BATCH, 4, _NBPAD), jnp.float32),
            jax.ShapeDtypeStruct((_BATCH, _NC - 1, _NBPAD), jnp.float32),
        ],
    )(db, bb, sc)
    return boxes, probs


def _nms_body(l_ref, t_ref, r_ref, b_ref, s_ref, out_ref):
    l = l_ref[0]
    t = t_ref[0]
    r = r_ref[0]
    b = b_ref[0]
    s = s_ref[0]
    area = (r - l) * (b - t)

    li = jnp.transpose(l)[:, :, None]
    ti = jnp.transpose(t)[:, :, None]
    ri = jnp.transpose(r)[:, :, None]
    bi = jnp.transpose(b)[:, :, None]
    ai = jnp.transpose(area)[:, :, None]
    lj = l[None]
    tj = t[None]
    rj = r[None]
    bj = b[None]
    aj = area[None]
    dx = jnp.maximum(jnp.minimum(ri, rj) - jnp.maximum(li, lj), 0.0)
    dy = jnp.maximum(jnp.minimum(bi, bj) - jnp.maximum(ti, tj), 0.0)
    inter = dx * dy
    iou = inter / (ai + aj - inter)
    ii = jax.lax.broadcasted_iota(jnp.int32, (_MAXN, 1, _MAXN), 0)
    jj = jax.lax.broadcasted_iota(jnp.int32, (_MAXN, 1, _MAXN), 2)
    M = jnp.where((iou >= _CRIT) & (jj > ii), 1.0, 0.0)

    keep = jnp.where(s > _TH, 1.0, 0.0)
    for i in range(_MAXN):
        ki = keep[:, i:i + 1]
        keep = keep * (1.0 - M[i] * ki)
    out_ref[0] = jnp.where(keep > 0.0, s, -jnp.inf)


def _nms(bl, bt, br, bb2, ts):
    spec = pl.BlockSpec((1, _CB, _MAXN), lambda b, c: (b, c, 0))
    return pl.pallas_call(
        _nms_body,
        grid=(_BATCH, (_NC - 1) // _CB),
        in_specs=[spec] * 5,
        out_specs=spec,
        out_shape=jax.ShapeDtypeStruct((_BATCH, _NC - 1, _MAXN), jnp.float32),
    )(bl, bt, br, bb2, ts)


def kernel(bboxes_in, scores_in, dboxes_xywh):
    bb = jnp.transpose(bboxes_in, (0, 2, 1))
    sc = jnp.transpose(scores_in, (0, 2, 1))
    db = dboxes_xywh[None]
    xy = 0.1 * bb[..., :2] * db[..., 2:] + db[..., :2]
    wh = jnp.exp(0.2 * bb[..., 2:]) * db[..., 2:]
    l = xy[..., 0] - 0.5 * wh[..., 0]
    t = xy[..., 1] - 0.5 * wh[..., 1]
    r = xy[..., 0] + 0.5 * wh[..., 0]
    btm = xy[..., 1] + 0.5 * wh[..., 1]
    probs = jax.nn.softmax(sc, axis=-1)
    cls_probs = jnp.transpose(probs[:, :, 1:], (0, 2, 1))
    s_masked = jnp.where(cls_probs > _TH, cls_probs, -jnp.inf)

    pc = s_masked.reshape(_NROWS, _NSPLIT, _NB // _NSPLIT)
    s1, i1 = jax.lax.top_k(pc, _MAXN)
    base = (jnp.arange(_NSPLIT, dtype=jnp.int32) * (_NB // _NSPLIT))
    g1 = (i1 + base[None, :, None]).reshape(_NROWS, _NSPLIT * _MAXN)
    neg_s, g2 = jax.lax.sort((-s1.reshape(_NROWS, -1), g1),
                             num_keys=1, is_stable=True)
    top_s = (-neg_s[:, :_MAXN]).reshape(_BATCH, _NC - 1, _MAXN)
    top_i = g2[:, :_MAXN].reshape(_BATCH, _NC - 1, _MAXN)
    bl = jnp.take_along_axis(l[:, None, :], top_i, axis=2)
    bt = jnp.take_along_axis(t[:, None, :], top_i, axis=2)
    br = jnp.take_along_axis(r[:, None, :], top_i, axis=2)
    bb2 = jnp.take_along_axis(btm[:, None, :], top_i, axis=2)

    out_s = _nms(bl, bt, br, bb2, top_s)

    s_flat = out_s.reshape(_BATCH, -1)
    top_s2, top_i2 = jax.lax.top_k(s_flat, _MAXN)
    gl = jnp.take_along_axis(bl.reshape(_BATCH, -1), top_i2, axis=1)
    gt = jnp.take_along_axis(bt.reshape(_BATCH, -1), top_i2, axis=1)
    gr = jnp.take_along_axis(br.reshape(_BATCH, -1), top_i2, axis=1)
    gb = jnp.take_along_axis(bb2.reshape(_BATCH, -1), top_i2, axis=1)
    boxes_out = jnp.stack([gl, gt, gr, gb], axis=-1)
    labels_out = (top_i2 // _MAXN + 1).astype(jnp.int32)
    scores_out = jnp.where(jnp.isfinite(top_s2), top_s2, 0.0)
    return boxes_out, scores_out, labels_out

# --- scband reference (transcript-rebuilt; emitter-appended) ---
"""Pipeline reference for scband-ssd-r34-44848048505198 (READ-ONLY COPY).

The authoritative reference and input builder live on the scoring server;
editing this copy changes nothing except your own understanding.
"""

import jax, jax.numpy as jnp
import numpy as np
import itertools
from math import sqrt

BATCH = 16
NUM_CLASSES = 81
MAX_NUM = 200
MAX_OUTPUT = 200
CRITERIA = 0.45
SCALE_XY = 0.1
SCALE_WH = 0.2


def _build_dboxes_xywh():
    fig_w, fig_h = 1200, 1200
    feat_size = [[50, 50], [25, 25], [13, 13], [7, 7], [3, 3], [3, 3]]
    steps = [(int(fig_w / fs[0]), int(fig_h / fs[1])) for fs in feat_size]
    scales = [(int(s * fig_w / 300), int(s * fig_h / 300)) for s in [21, 45, 99, 153, 207, 261, 315]]
    aspect_ratios = [[2], [2, 3], [2, 3], [2, 3], [2], [2]]
    steps_w = [st[0] for st in steps]
    steps_h = [st[1] for st in steps]
    fkw = fig_w // np.array(steps_w)
    fkh = fig_h // np.array(steps_h)
    boxes = []
    for idx, sfeat in enumerate(feat_size):
        sfeat_w, sfeat_h = sfeat
        sk1 = scales[idx][0] / fig_w
        sk2 = scales[idx + 1][1] / fig_h
        sk3 = sqrt(sk1 * sk2)
        all_sizes = [(sk1, sk1), (sk3, sk3)]
        for alpha in aspect_ratios[idx]:
            w, h = sk1 * sqrt(alpha), sk1 / sqrt(alpha)
            all_sizes.append((w, h))
            all_sizes.append((h, w))
        for w, h in all_sizes:
            for i, j in itertools.product(range(sfeat_w), range(sfeat_h)):
                cx, cy = (j + 0.5) / fkh[idx], (i + 0.5) / fkw[idx]
                boxes.append((cx, cy, w, h))
    db = np.clip(np.array(boxes, dtype=np.float32), 0.0, 1.0)
    return db


def setup_inputs(seed: int = 0) -> dict:
    key = jax.random.key(seed)
    k1, k2 = jax.random.split(key)
    dboxes = _build_dboxes_xywh()  # [15130, 4] in xywh
    nboxes = dboxes.shape[0]
    bboxes_in = jax.random.normal(k1, (BATCH, 4, nboxes), dtype=jnp.float32)
    scores_in = jax.random.normal(k2, (BATCH, NUM_CLASSES, nboxes), dtype=jnp.float32)
    return {"bboxes_in": bboxes_in, "scores_in": scores_in, "dboxes_xywh": jnp.asarray(dboxes)}


def _iou_one_to_many(box, boxes):
    # box: [4] ltrb, boxes: [M, 4] ltrb
    lt = jnp.maximum(box[:2], boxes[:, :2])
    rb = jnp.minimum(box[2:], boxes[:, 2:])
    delta = jnp.clip(rb - lt, 0.0)
    inter = delta[:, 0] * delta[:, 1]
    a1 = (box[2] - box[0]) * (box[3] - box[1])
    d2 = boxes[:, 2:] - boxes[:, :2]
    a2 = d2[:, 0] * d2[:, 1]
    return inter / (a1 + a2 - inter)


def _nms_class(boxes, scores):
    # boxes: [nb, 4], scores: [nb] -> (b: [MAX_NUM, 4], s: [MAX_NUM])
    s = jnp.where(scores > 0.05, scores, -jnp.inf)
    top_s, top_i = jax.lax.top_k(s, MAX_NUM)
    b = boxes[top_i]
    keep0 = top_s > 0.05
    idxs = jnp.arange(MAX_NUM)
    def body(i, keep):
        iou = _iou_one_to_many(b[i], b)
        suppress = (iou >= CRITERIA) & (idxs > i) & keep[i]
        return keep & (~suppress)
    keep = jax.lax.fori_loop(0, MAX_NUM, body, keep0)
    out_s = jnp.where(keep, top_s, -jnp.inf)
    return b, out_s


def _decode(bboxes_in, scores_in, dboxes_xywh):
    bb = jnp.transpose(bboxes_in, (0, 2, 1))      # [B, nb, 4]
    sc = jnp.transpose(scores_in, (0, 2, 1))      # [B, nb, C]
    db = dboxes_xywh[None]                        # [1, nb, 4]
    xy = SCALE_XY * bb[..., :2] * db[..., 2:] + db[..., :2]
    wh = jnp.exp(SCALE_WH * bb[..., 2:]) * db[..., 2:]
    l = xy[..., 0] - 0.5 * wh[..., 0]
    t = xy[..., 1] - 0.5 * wh[..., 1]
    r = xy[..., 0] + 0.5 * wh[..., 0]
    btm = xy[..., 1] + 0.5 * wh[..., 1]
    boxes = jnp.stack([l, t, r, btm], axis=-1)    # [B, nb, 4] ltrb
    probs = jax.nn.softmax(sc, axis=-1)           # [B, nb, C]
    return boxes, probs


def reference(bboxes_in, scores_in, dboxes_xywh):
    boxes, probs = _decode(bboxes_in, scores_in, dboxes_xywh)
    cls_probs = jnp.transpose(probs[:, :, 1:], (0, 2, 1))  # skip background -> [B, C-1, nb]
    nms_c = jax.vmap(_nms_class, in_axes=(None, 0))
    nms_b = jax.vmap(nms_c, in_axes=(0, 0))
    b_out, s_out = nms_b(boxes, cls_probs)  # [B, C-1, 200, 4], [B, C-1, 200]
    B = boxes.shape[0]
    C1 = cls_probs.shape[1]
    labels = jnp.broadcast_to((jnp.arange(C1, dtype=jnp.int32) + 1)[None, :, None], (B, C1, MAX_NUM))
    s_flat = s_out.reshape(B, C1 * MAX_NUM)
    b_flat = b_out.reshape(B, C1 * MAX_NUM, 4)
    l_flat = labels.reshape(B, C1 * MAX_NUM)
    top_s, top_i = jax.lax.top_k(s_flat, MAX_OUTPUT)
    boxes_out = jnp.take_along_axis(b_flat, top_i[..., None], axis=1)
    labels_out = jnp.take_along_axis(l_flat, top_i, axis=1)
    scores_out = jnp.where(jnp.isfinite(top_s), top_s, 0.0)
    return boxes_out, scores_out, labels_out

if __name__ == "__main__":
    import jax
    _d = setup_inputs()
    print(jax.jit(kernel)(*tuple(_d.values())))

</pallas_src>

<mosaic_0001>
module attributes {stable_mosaic.version = 14 : i64} {
  func.func @_nms_body(%arg0: i32, %arg1: i32, %arg2: memref<1x16x200xf32, #tpu.memory_space<vmem>>, %arg3: memref<1x16x200xf32, #tpu.memory_space<vmem>>, %arg4: memref<1x16x200xf32, #tpu.memory_space<vmem>>, %arg5: memref<1x16x200xf32, #tpu.memory_space<vmem>>, %arg6: memref<1x16x200xf32, #tpu.memory_space<vmem>>, %arg7: memref<1x16x200xf32, #tpu.memory_space<vmem>>) attributes {dimension_semantics = [#tpu.dimension_semantics<arbitrary>, #tpu.dimension_semantics<arbitrary>], iteration_bounds = array<i64: 16, 5>, scalar_prefetch = 0 : i64, scratch_operands = 0 : i64, tpu.core_type = #tpu.core_type<tc>, window_params = [{transform_indices = @transform_0, window_bounds = array<i64: 1, 16, 200>}, {transform_indices = @transform_1, window_bounds = array<i64: 1, 16, 200>}, {transform_indices = @transform_2, window_bounds = array<i64: 1, 16, 200>}, {transform_indices = @transform_3, window_bounds = array<i64: 1, 16, 200>}, {transform_indices = @transform_4, window_bounds = array<i64: 1, 16, 200>}, {transform_indices = @transform_5, window_bounds = array<i64: 1, 16, 200>}]} {
    %get3A = arith.constant 0 : index
    %get3A_0 = arith.constant 0 : index
    %get3A_1 = arith.constant 0 : index
    %get3A_2 = vector.load %arg2[%get3A, %get3A_0, %get3A_1] : memref<1x16x200xf32, #tpu.memory_space<vmem>>, vector<1x16x200xf32>
    %get3A_3 = vector.shape_cast %get3A_2 : vector<1x16x200xf32> to vector<16x200xf32>
    %get3A_4 = arith.constant 0 : index
    %get3A_5 = arith.constant 0 : index
    %get3A_6 = arith.constant 0 : index
    %get3A_7 = vector.load %arg3[%get3A_4, %get3A_5, %get3A_6] : memref<1x16x200xf32, #tpu.memory_space<vmem>>, vector<1x16x200xf32>
    %get3A_8 = vector.shape_cast %get3A_7 : vector<1x16x200xf32> to vector<16x200xf32>
    %get3A_9 = arith.constant 0 : index
    %get3A_10 = arith.constant 0 : index
    %get3A_11 = arith.constant 0 : index
    %get3A_12 = vector.load %arg4[%get3A_9, %get3A_10, %get3A_11] : memref<1x16x200xf32, #tpu.memory_space<vmem>>, vector<1x16x200xf32>
    %get3A_13 = vector.shape_cast %get3A_12 : vector<1x16x200xf32> to vector<16x200xf32>
    %get3A_14 = arith.constant 0 : index
    %get3A_15 = arith.constant 0 : index
    %get3A_16 = arith.constant 0 : index
    %get3A_17 = vector.load %arg5[%get3A_14, %get3A_15, %get3A_16] : memref<1x16x200xf32, #tpu.memory_space<vmem>>, vector<1x16x200xf32>
    %get3A_18 = vector.shape_cast %get3A_17 : vector<1x16x200xf32> to vector<16x200xf32>
    %get3A_19 = arith.constant 0 : index
    %get3A_20 = arith.constant 0 : index
    %get3A_21 = arith.constant 0 : index
    %get3A_22 = vector.load %arg6[%get3A_19, %get3A_20, %get3A_21] : memref<1x16x200xf32, #tpu.memory_space<vmem>>, vector<1x16x200xf32>
    %get3A_23 = vector.shape_cast %get3A_22 : vector<1x16x200xf32> to vector<16x200xf32>
    %sub3A = arith.subf %get3A_13, %get3A_3 : vector<16x200xf32>
    %sub3A_24 = arith.subf %get3A_18, %get3A_8 : vector<16x200xf32>
    %mul3A = arith.mulf %sub3A, %sub3A_24 : vector<16x200xf32>
    %transpose3A = tpu.transpose %get3A_3, [1, 0] : vector<16x200xf32> -> vector<200x16xf32>
    %broadcast_in_dim3A = vector.shape_cast %transpose3A : vector<200x16xf32> to vector<200x16x1xf32>
    %transpose3A_25 = tpu.transpose %get3A_8, [1, 0] : vector<16x200xf32> -> vector<200x16xf32>
    %broadcast_in_dim3A_26 = vector.shape_cast %transpose3A_25 : vector<200x16xf32> to vector<200x16x1xf32>
    %transpose3A_27 = tpu.transpose %get3A_13, [1, 0] : vector<16x200xf32> -> vector<200x16xf32>
    %broadcast_in_dim3A_28 = vector.shape_cast %transpose3A_27 : vector<200x16xf32> to vector<200x16x1xf32>
    %transpose3A_29 = tpu.transpose %get3A_18, [1, 0] : vector<16x200xf32> -> vector<200x16xf32>
    %broadcast_in_dim3A_30 = vector.shape_cast %transpose3A_29 : vector<200x16xf32> to vector<200x16x1xf32>
    %transpose3A_31 = tpu.transpose %mul3A, [1, 0] : vector<16x200xf32> -> vector<200x16xf32>
    %broadcast_in_dim3A_32 = vector.shape_cast %transpose3A_31 : vector<200x16xf32> to vector<200x16x1xf32>
    %broadcast_in_dim3A_33 = vector.shape_cast %get3A_3 : vector<16x200xf32> to vector<1x16x200xf32>
    %broadcast_in_dim3A_34 = vector.shape_cast %get3A_8 : vector<16x200xf32> to vector<1x16x200xf32>
    %broadcast_in_dim3A_35 = vector.shape_cast %get3A_13 : vector<16x200xf32> to vector<1x16x200xf32>
    %broadcast_in_dim3A_36 = vector.shape_cast %get3A_18 : vector<16x200xf32> to vector<1x16x200xf32>
    %broadcast_in_dim3A_37 = vector.shape_cast %mul3A : vector<16x200xf32> to vector<1x16x200xf32>
    %min3A = vector.broadcast %broadcast_in_dim3A_28 : vector<200x16x1xf32> to vector<200x16x200xf32>
    %min3A_38 = vector.broadcast %broadcast_in_dim3A_35 : vector<1x16x200xf32> to vector<200x16x200xf32>
    %min3A_39 = arith.minimumf %min3A, %min3A_38 : vector<200x16x200xf32>
    %max3A = vector.broadcast %broadcast_in_dim3A : vector<200x16x1xf32> to vector<200x16x200xf32>
    %max3A_40 = vector.broadcast %broadcast_in_dim3A_33 : vector<1x16x200xf32> to vector<200x16x200xf32>
    %max3A_41 = arith.maximumf %max3A, %max3A_40 : vector<200x16x200xf32>
    %sub3A_42 = arith.subf %min3A_39, %max3A_41 : vector<200x16x200xf32>
    %max3A_43 = arith.constant 0.000000e+00 : f32
    %max3A_44 = vector.broadcast %max3A_43 : f32 to vector<200x16x200xf32>
    %max3A_45 = arith.maximumf %sub3A_42, %max3A_44 : vector<200x16x200xf32>
    %min3A_46 = vector.broadcast %broadcast_in_dim3A_30 : vector<200x16x1xf32> to vector<200x16x200xf32>
    %min3A_47 = vector.broadcast %broadcast_in_dim3A_36 : vector<1x16x200xf32> to vector<200x16x200xf32>
    %min3A_48 = arith.minimumf %min3A_46, %min3A_47 : vector<200x16x200xf32>
    %max3A_49 = vector.broadcast %broadcast_in_dim3A_26 : vector<200x16x1xf32> to vector<200x16x200xf32>
    %max3A_50 = vector.broadcast %broadcast_in_dim3A_34 : vector<1x16x200xf32> to vector<200x16x200xf32>
    %max3A_51 = arith.maximumf %max3A_49, %max3A_50 : vector<200x16x200xf32>
    %sub3A_52 = arith.subf %min3A_48, %max3A_51 : vector<200x16x200xf32>
    %max3A_53 = arith.constant 0.000000e+00 : f32
    %max3A_54 = vector.broadcast %max3A_53 : f32 to vector<200x16x200xf32>
    %max3A_55 = arith.maximumf %sub3A_52, %max3A_54 : vector<200x16x200xf32>
    %mul3A_56 = arith.mulf %max3A_45, %max3A_55 : vector<200x16x200xf32>
    %add3A = vector.broadcast %broadcast_in_dim3A_32 : vector<200x16x1xf32> to vector<200x16x200xf32>
    %add3A_57 = vector.broadcast %broadcast_in_dim3A_37 : vector<1x16x200xf32> to vector<200x16x200xf32>
    %add3A_58 = arith.addf %add3A, %add3A_57 : vector<200x16x200xf32>
    %sub3A_59 = arith.subf %add3A_58, %mul3A_56 : vector<200x16x200xf32>
    %div3A = arith.divf %mul3A_56, %sub3A_59 : vector<200x16x200xf32>
    %iota3A = tpu.iota {dimensions = array<i32: 0>} : vector<200x1x200xi32>
    %iota3A_60 = tpu.iota {dimensions = array<i32: 2>} : vector<200x1x200xi32>
    %ge3A = arith.constant 4.500000e-01 : f32
    %ge3A_61 = vector.broadcast %ge3A : f32 to vector<200x16x200xf32>
    %ge3A_62 = arith.cmpf oge, %div3A, %ge3A_61 : vector<200x16x200xf32>
    %gt3A = arith.cmpi sgt, %iota3A_60, %iota3A : vector<200x1x200xi32>
    %and3A = vector.broadcast %gt3A : vector<200x1x200xi1> to vector<200x16x200xi1>
    %and3A_63 = arith.andi %ge3A_62, %and3A : vector<200x16x200xi1>
    %jit3A = arith.constant 1.000000e+00 : f32
    %jit3A_64 = arith.constant 0.000000e+00 : f32
    %broadcast_in_dim3A_65 = vector.broadcast %jit3A : f32 to vector<200x16x200xf32>
    %broadcast_in_dim3A_66 = vector.broadcast %jit3A_64 : f32 to vector<200x16x200xf32>
    %select_n3A = arith.select %and3A_63, %broadcast_in_dim3A_65, %broadcast_in_dim3A_66 : vector<200x16x200xi1>, vector<200x16x200xf32>
    %gt3A_67 = arith.constant 5.000000e-02 : f32
    %gt3A_68 = vector.broadcast %gt3A_67 : f32 to vector<16x200xf32>
    %gt3A_69 = arith.cmpf ogt, %get3A_23, %gt3A_68 : vector<16x200xf32>
    %jit3A_70 = arith.constant 1.000000e+00 : f32
    %jit3A_71 = arith.constant 0.000000e+00 : f32
    %broadcast_in_dim3A_72 = vector.broadcast %jit3A_70 : f32 to vector<16x200xf32>
    %broadcast_in_dim3A_73 = vector.broadcast %jit3A_71 : f32 to vector<16x200xf32>
    %select_n3A_74 = arith.select %gt3A_69, %broadcast_in_dim3A_72, %broadcast_in_dim3A_73 : vector<16x200xi1>, vector<16x200xf32>
    %slice3A = vector.extract_strided_slice %select_n3A_74 {offsets = [0, 0], sizes = [16, 1], strides = [1, 1]} : vector<16x200xf32> to vector<16x1xf32>
    %slice3A_75 = vector.extract_strided_slice %select_n3A {offsets = [0, 0, 0], sizes = [1, 16, 200], strides = [1, 1, 1]} : vector<200x16x200xf32> to vector<1x16x200xf32>
    %squeeze3A = vector.shape_cast %slice3A_75 : vector<1x16x200xf32> to vector<16x200xf32>
    %mul3A_76 = vector.broadcast %slice3A : vector<16x1xf32> to vector<16x200xf32>
    %mul3A_77 = arith.mulf %squeeze3A, %mul3A_76 : vector<16x200xf32>
    %sub3A_78 = arith.constant 1.000000e+00 : f32
    %sub3A_79 = vector.broadcast %sub3A_78 : f32 to vector<16x200xf32>
    %sub3A_80 = arith.subf %sub3A_79, %mul3A_77 : vector<16x200xf32>
    %mul3A_81 = arith.mulf %select_n3A_74, %sub3A_80 : vector<16x200xf32>
    %slice3A_82 = vector.extract_strided_slice %mul3A_81 {offsets = [0, 1], sizes = [16, 1], strides = [1, 1]} : vector<16x200xf32> to vector<16x1xf32>
    %slice3A_83 = vector.extract_strided_slice %select_n3A {offsets = [1, 0, 0], sizes = [1, 16, 200], strides = [1, 1, 1]} : vector<200x16x200xf32> to vector<1x16x200xf32>
    %squeeze3A_84 = vector.shape_cast %slice3A_83 : vector<1x16x200xf32> to vector<16x200xf32>
    %mul3A_85 = vector.broadcast %slice3A_82 : vector<16x1xf32> to vector<16x200xf32>
    %mul3A_86 = arith.mulf %squeeze3A_84, %mul3A_85 : vector<16x200xf32>
    %sub3A_87 = arith.constant 1.000000e+00 : f32
    %sub3A_88 = vector.broadcast %sub3A_87 : f32 to vector<16x200xf32>
    %sub3A_89 = arith.subf %sub3A_88, %mul3A_86 : vector<16x200xf32>
    %mul3A_90 = arith.mulf %mul3A_81, %sub3A_89 : vector<16x200xf32>
    %slice3A_91 = vector.extract_strided_slice %mul3A_90 {offsets = [0, 2], sizes = [16, 1], strides = [1, 1]} : vector<16x200xf32> to vector<16x1xf32>
    %slice3A_92 = vector.extract_strided_slice %select_n3A {offsets = [2, 0, 0], sizes = [1, 16, 200], strides = [1, 1, 1]} : vector<200x16x200xf32> to vector<1x16x200xf32>
    %squeeze3A_93 = vector.shape_cast %slice3A_92 : vector<1x16x200xf32> to vector<16x200xf32>
    %mul3A_94 = vector.broadcast %slice3A_91 : vector<16x1xf32> to vector<16x200xf32>
    %mul3A_95 = arith.mulf %squeeze3A_93, %mul3A_94 : vector<16x200xf32>
    %sub3A_96 = arith.constant 1.000000e+00 : f32
    %sub3A_97 = vector.broadcast %sub3A_96 : f32 to vector<16x200xf32>
    %sub3A_98 = arith.subf %sub3A_97, %mul3A_95 : vector<16x200xf32>
    %mul3A_99 = arith.mulf %mul3A_90, %sub3A_98 : vector<16x200xf32>
    %slice3A_100 = vector.extract_strided_slice %mul3A_99 {offsets = [0, 3], sizes = [16, 1], strides = [1, 1]} : vector<16x200xf32> to vector<16x1xf32>
    %slice3A_101 = vector.extract_strided_slice %select_n3A {offsets = [3, 0, 0], sizes = [1, 16, 200], strides = [1, 1, 1]} : vector<200x16x200xf32> to vector<1x16x200xf32>
    %squeeze3A_102 = vector.shape_cast %slice3A_101 : vector<1x16x200xf32> to vector<16x200xf32>
    %mul3A_103 = vector.broadcast %slice3A_100 : vector<16x1xf32> to vector<16x200xf32>
    %mul3A_104 = arith.mulf %squeeze3A_102, %mul3A_103 : vector<16x200xf32>
    %sub3A_105 = arith.constant 1.000000e+00 : f32
    %sub3A_106 = vector.broadcast %sub3A_105 : f32 to vector<16x200xf32>
    %sub3A_107 = arith.subf %sub3A_106, %mul3A_104 : vector<16x200xf32>
    %mul3A_108 = arith.mulf %mul3A_99, %sub3A_107 : vector<16x200xf32>
    %slice3A_109 = vector.extract_strided_slice %mul3A_108 {offsets = [0, 4], sizes = [16, 1], strides = [1, 1]} : vector<16x200xf32> to vector<16x1xf32>
    %slice3A_110 = vector.extract_strided_slice %select_n3A {offsets = [4, 0, 0], sizes = [1, 16, 200], strides = [1, 1, 1]} : vector<200x16x200xf32> to vector<1x16x200xf32>
    %squeeze3A_111 = vector.shape_cast %slice3A_110 : vector<1x16x200xf32> to vector<16x200xf32>
    %mul3A_112 = vector.broadcast %slice3A_109 : vector<16x1xf32> to vector<16x200xf32>
    %mul3A_113 = arith.mulf %squeeze3A_111, %mul3A_112 : vector<16x200xf32>
    %sub3A_114 = arith.constant 1.000000e+00 : f32
    %sub3A_115 = vector.broadcast %sub3A_114 : f32 to vector<16x200xf32>
    %sub3A_116 = arith.subf %sub3A_115, %mul3A_113 : vector<16x200xf32>
    %mul3A_117 = arith.mulf %mul3A_108, %sub3A_116 : vector<16x200xf32>
    %slice3A_118 = vector.extract_strided_slice %mul3A_117 {offsets = [0, 5], sizes = [16, 1], strides = [1, 1]} : vector<16x200xf32> to vector<16x1xf32>
    %slice3A_119 = vector.extract_strided_slice %select_n3A {offsets = [5, 0, 0], sizes = [1, 16, 200], strides = [1, 1, 1]} : vector<200x16x200xf32> to vector<1x16x200xf32>
    %squeeze3A_120 = vector.shape_cast %slice3A_119 : vector<1x16x200xf32> to vector<16x200xf32>
    %mul3A_121 = vector.broadcast %slice3A_118 : vector<16x1xf32> to vector<16x200xf32>
    %mul3A_122 = arith.mulf %squeeze3A_120, %mul3A_121 : vector<16x200xf32>
    %sub3A_123 = arith.constant 1.000000e+00 : f32
    %sub3A_124 = vector.broadcast %sub3A_123 : f32 to vector<16x200xf32>
    %sub3A_125 = arith.subf %sub3A_124, %mul3A_122 : vector<16x200xf32>
    %mul3A_126 = arith.mulf %mul3A_117, %sub3A_125 : vector<16x200xf32>
    %slice3A_127 = vector.extract_strided_slice %mul3A_126 {offsets = [0, 6], sizes = [16, 1], strides = [1, 1]} : vector<16x200xf32> to vector<16x1xf32>
    %slice3A_128 = vector.extract_strided_slice %select_n3A {offsets = [6, 0, 0], sizes = [1, 16, 200], strides = [1, 1, 1]} : vector<200x16x200xf32> to vector<1x16x200xf32>
    %squeeze3A_129 = vector.shape_cast %slice3A_128 : vector<1x16x200xf32> to vector<16x200xf32>
    %mul3A_130 = vector.broadcast %slice3A_127 : vector<16x1xf32> to vector<16x200xf32>
    %mul3A_131 = arith.mulf %squeeze3A_129, %mul3A_130 : vector<16x200xf32>
    %sub3A_132 = arith.constant 1.000000e+00 : f32
    %sub3A_133 = vector.broadcast %sub3A_132 : f32 to vector<16x200xf32>
    %sub3A_134 = arith.subf %sub3A_133, %mul3A_131 : vector<16x200xf32>
    %mul3A_135 = arith.mulf %mul3A_126, %sub3A_134 : vector<16x200xf32>
    %slice3A_136 = vector.extract_strided_slice %mul3A_135 {offsets = [0, 7], sizes = [16, 1], strides = [1, 1]} : vector<16x200xf32> to vector<16x1xf32>
    %slice3A_137 = vector.extract_strided_slice %select_n3A {offsets = [7, 0, 0], sizes = [1, 16, 200], strides = [1, 1, 1]} : vector<200x16x200xf32> to vector<1x16x200xf32>
    %squeeze3A_138 = vector.shape_cast %slice3A_137 : vector<1x16x200xf32> to vector<16x200xf32>
    %mul3A_139 = vector.broadcast %slice3A_136 : vector<16x1xf32> to vector<16x200xf32>
    %mul3A_140 = arith.mulf %squeeze3A_138, %mul3A_139 : vector<16x200xf32>
    %sub3A_141 = arith.constant 1.000000e+00 : f32
    %sub3A_142 = vector.broadcast %sub3A_141 : f32 to vector<16x200xf32>
    %sub3A_143 = arith.subf %sub3A_142, %mul3A_140 : vector<16x200xf32>
    %mul3A_144 = arith.mulf %mul3A_135, %sub3A_143 : vector<16x200xf32>
    %slice3A_145 = vector.extract_strided_slice %mul3A_144 {offsets = [0, 8], sizes = [16, 1], strides = [1, 1]} : vector<16x200xf32> to vector<16x1xf32>
    %slice3A_146 = vector.extract_strided_slice %select_n3A {offsets = [8, 0, 0], sizes = [1, 16, 200], strides = [1, 1, 1]} : vector<200x16x200xf32> to vector<1x16x200xf32>
    %squeeze3A_147 = vector.shape_cast %slice3A_146 : vector<1x16x200xf32> to vector<16x200xf32>
    %mul3A_148 = vector.broadcast %slice3A_145 : vector<16x1xf32> to vector<16x200xf32>
    %mul3A_149 = arith.mulf %squeeze3A_147, %mul3A_148 : vector<16x200xf32>
    %sub3A_150 = arith.constant 1.000000e+00 : f32
    %sub3A_151 = vector.broadcast %sub3A_150 : f32 to vector<16x200xf32>
    %sub3A_152 = arith.subf %sub3A_151, %mul3A_149 : vector<16x200xf32>
    %mul3A_153 = arith.mulf %mul3A_144, %sub3A_152 : vector<16x200xf32>
    %slice3A_154 = vector.extract_strided_slice %mul3A_153 {offsets = [0, 9], sizes = [16, 1], strides = [1, 1]} : vector<16x200xf32> to vector<16x1xf32>
    %slice3A_155 = vector.extract_strided_slice %select_n3A {offsets = [9, 0, 0], sizes = [1, 16, 200], strides = [1, 1, 1]} : vector<200x16x200xf32> to vector<1x16x200xf32>
    %squeeze3A_156 = vector.shape_cast %slice3A_155 : vector<1x16x200xf32> to vector<16x200xf32>
    %mul3A_157 = vector.broadcast %slice3A_154 : vector<16x1xf32> to vector<16x200xf32>
    %mul3A_158 = arith.mulf %squeeze3A_156, %mul3A_157 : vector<16x200xf32>
    %sub3A_159 = arith.constant 1.000000e+00 : f32
    %sub3A_160 = vector.broadcast %sub3A_159 : f32 to vector<16x200xf32>
    %sub3A_161 = arith.subf %sub3A_160, %mul3A_158 : vector<16x200xf32>
    %mul3A_162 = arith.mulf %mul3A_153, %sub3A_161 : vector<16x200xf32>
    %slice3A_163 = vector.extract_strided_slice %mul3A_162 {offsets = [0, 10], sizes = [16, 1], strides = [1, 1]} : vector<16x200xf32> to vector<16x1xf32>
    %slice3A_164 = vector.extract_strided_slice %select_n3A {offsets = [10, 0, 0], sizes = [1, 16, 200], strides = [1, 1, 1]} : vector<200x16x200xf32> to vector<1x16x200xf32>
    %squeeze3A_165 = vector.shape_cast %slice3A_164 : vector<1x16x200xf32> to vector<16x200xf32>
    %mul3A_166 = vector.broadcast %slice3A_163 : vector<16x1xf32> to vector<16x200xf32>
    %mul3A_167 = arith.mulf %squeeze3A_165, %mul3A_166 : vector<16x200xf32>
    %sub3A_168 = arith.constant 1.000000e+00 : f32
    %sub3A_169 = vector.broadcast %sub3A_168 : f32 to vector<16x200xf32>
    %sub3A_170 = arith.subf %sub3A_169, %mul3A_167 : vector<16x200xf32>
    %mul3A_171 = arith.mulf %mul3A_162, %sub3A_170 : vector<16x200xf32>
    %slice3A_172 = vector.extract_strided_slice %mul3A_171 {offsets = [0, 11], sizes = [16, 1], strides = [1, 1]} : vector<16x200xf32> to vector<16x1xf32>
    %slice3A_173 = vector.extract_strided_slice %select_n3A {offsets = [11, 0, 0], sizes = [1, 16, 200], strides = [1, 1, 1]} : vector<200x16x200xf32> to vector<1x16x200xf32>
    %squeeze3A_174 = vector.shape_cast %slice3A_173 : vector<1x16x200xf32> to vector<16x200xf32>
    %mul3A_175 = vector.broadcast %slice3A_172 : vector<16x1xf32> to vector<16x200xf32>
    %mul3A_176 = arith.mulf %squeeze3A_174, %mul3A_175 : vector<16x200xf32>
    %sub3A_177 = arith.constant 1.000000e+00 : f32
    %sub3A_178 = vector.broadcast %sub3A_177 : f32 to vector<16x200xf32>
    %sub3A_179 = arith.subf %sub3A_178, %mul3A_176 : vector<16x200xf32>
    %mul3A_180 = arith.mulf %mul3A_171, %sub3A_179 : vector<16x200xf32>
    %slice3A_181 = vector.extract_strided_slice %mul3A_180 {offsets = [0, 12], sizes = [16, 1], strides = [1, 1]} : vector<16x200xf32> to vector<16x1xf32>
    %slice3A_182 = vector.extract_strided_slice %select_n3A {offsets = [12, 0, 0], sizes = [1, 16, 200], strides = [1, 1, 1]} : vector<200x16x200xf32> to vector<1x16x200xf32>
    %squeeze3A_183 = vector.shape_cast %slice3A_182 : vector<1x16x200xf32> to vector<16x200xf32>
    %mul3A_184 = vector.broadcast %slice3A_181 : vector<16x1xf32> to vector<16x200xf32>
    %mul3A_185 = arith.mulf %squeeze3A_183, %mul3A_184 : vector<16x200xf32>
    %sub3A_186 = arith.constant 1.000000e+00 : f32
    %sub3A_187 = vector.broadcast %sub3A_186 : f32 to vector<16x200xf32>
    %sub3A_188 = arith.subf %sub3A_187, %mul3A_185 : vector<16x200xf32>
    %mul3A_189 = arith.mulf %mul3A_180, %sub3A_188 : vector<16x200xf32>
    %slice3A_190 = vector.extract_strided_slice %mul3A_189 {offsets = [0, 13], sizes = [16, 1], strides = [1, 1]} : vector<16x200xf32> to vector<16x1xf32>
    %slice3A_191 = vector.extract_strided_slice %select_n3A {offsets = [13, 0, 0], sizes = [1, 16, 200], strides = [1, 1, 1]} : vector<200x16x200xf32> to vector<1x16x200xf32>
    %squeeze3A_192 = vector.shape_cast %slice3A_191 : vector<1x16x200xf32> to vector<16x200xf32>
    %mul3A_193 = vector.broadcast %slice3A_190 : vector<16x1xf32> to vector<16x200xf32>
    %mul3A_194 = arith.mulf %squeeze3A_192, %mul3A_193 : vector<16x200xf32>
    %sub3A_195 = arith.constant 1.000000e+00 : f32
    %sub3A_196 = vector.broadcast %sub3A_195 : f32 to vector<16x200xf32>
    %sub3A_197 = arith.subf %sub3A_196, %mul3A_194 : vector<16x200xf32>
    %mul3A_198 = arith.mulf %mul3A_189, %sub3A_197 : vector<16x200xf32>
    %slice3A_199 = vector.extract_strided_slice %mul3A_198 {offsets = [0, 14], sizes = [16, 1], strides = [1, 1]} : vector<16x200xf32> to vector<16x1xf32>
    %slice3A_200 = vector.extract_strided_slice %select_n3A {offsets = [14, 0, 0], sizes = [1, 16, 200], strides = [1, 1, 1]} : vector<200x16x200xf32> to vector<1x16x200xf32>
    %squeeze3A_201 = vector.shape_cast %slice3A_200 : vector<1x16x200xf32> to vector<16x200xf32>
    %mul3A_202 = vector.broadcast %slice3A_199 : vector<16x1xf32> to vector<16x200xf32>
    %mul3A_203 = arith.mulf %squeeze3A_201, %mul3A_202 : vector<16x200xf32>
    %sub3A_204 = arith.constant 1.000000e+00 : f32
    %sub3A_205 = vector.broadcast %sub3A_204 : f32 to vector<16x200xf32>
    %sub3A_206 = arith.subf %sub3A_205, %mul3A_203 : vector<16x200xf32>
    %mul3A_207 = arith.mulf %mul3A_198, %sub3A_206 : vector<16x200xf32>
    %slice3A_208 = vector.extract_strided_slice %mul3A_207 {offsets = [0, 15], sizes = [16, 1], strides = [1, 1]} : vector<16x200xf32> to vector<16x1xf32>
    %slice3A_209 = vector.extract_strided_slice %select_n3A {offsets = [15, 0, 0], sizes = [1, 16, 200], strides = [1, 1, 1]} : vector<200x16x200xf32> to vector<1x16x200xf32>
    %squeeze3A_210 = vector.shape_cast %slice3A_209 : vector<1x16x200xf32> to vector<16x200xf32>
    %mul3A_211 = vector.broadcast %slice3A_208 : vector<16x1xf32> to vector<16x200xf32>
    %mul3A_212 = arith.mulf %squeeze3A_210, %mul3A_211 : vector<16x200xf32>
    %sub3A_213 = arith.constant 1.000000e+00 : f32
    %sub3A_214 = vector.broadcast %sub3A_213 : f32 to vector<16x200xf32>
    %sub3A_215 = arith.subf %sub3A_214, %mul3A_212 : vector<16x200xf32>
    %mul3A_216 = arith.mulf %mul3A_207, %sub3A_215 : vector<16x200xf32>
    %slice3A_217 = vector.extract_strided_slice %mul3A_216 {offsets = [0, 16], sizes = [16, 1], strides = [1, 1]} : vector<16x200xf32> to vector<16x1xf32>
    %slice3A_218 = vector.extract_strided_slice %select_n3A {offsets = [16, 0, 0], sizes = [1, 16, 200], strides = [1, 1, 1]} : vector<200x16x200xf32> to vector<1x16x200xf32>
    %squeeze3A_219 = vector.shape_cast %slice3A_218 : vector<1x16x200xf32> to vector<16x200xf32>
    %mul3A_220 = vector.broadcast %slice3A_217 : vector<16x1xf32> to vector<16x200xf32>
    %mul3A_221 = arith.mulf %squeeze3A_219, %mul3A_220 : vector<16x200xf32>
    %sub3A_222 = arith.constant 1.000000e+00 : f32
    %sub3A_223 = vector.broadcast %sub3A_222 : f32 to vector<16x200xf32>
    %sub3A_224 = arith.subf %sub3A_223, %mul3A_221 : vector<16x200xf32>
    %mul3A_225 = arith.mulf %mul3A_216, %sub3A_224 : vector<16x200xf32>
    %slice3A_226 = vector.extract_strided_slice %mul3A_225 {offsets = [0, 17], sizes = [16, 1], strides = [1, 1]} : vector<16x200xf32> to vector<16x1xf32>
    %slice3A_227 = vector.extract_strided_slice %select_n3A {offsets = [17, 0, 0], sizes = [1, 16, 200], strides = [1, 1, 1]} : vector<200x16x200xf32> to vector<1x16x200xf32>
    %squeeze3A_228 = vector.shape_cast %slice3A_227 : vector<1x16x200xf32> to vector<16x200xf32>
    %mul3A_229 = vector.broadcast %slice3A_226 : vector<16x1xf32> to vector<16x200xf32>
    %mul3A_230 = arith.mulf %squeeze3A_228, %mul3A_229 : vector<16x200xf32>
    %sub3A_231 = arith.constant 1.000000e+00 : f32
    %sub3A_232 = vector.broadcast %sub3A_231 : f32 to vector<16x200xf32>
    %sub3A_233 = arith.subf %sub3A_232, %mul3A_230 : vector<16x200xf32>
    %mul3A_234 = arith.mulf %mul3A_225, %sub3A_233 : vector<16x200xf32>
    %slice3A_235 = vector.extract_strided_slice %mul3A_234 {offsets = [0, 18], sizes = [16, 1], strides = [1, 1]} : vector<16x200xf32> to vector<16x1xf32>
    %slice3A_236 = vector.extract_strided_slice %select_n3A {offsets = [18, 0, 0], sizes = [1, 16, 200], strides = [1, 1, 1]} : vector<200x16x200xf32> to vector<1x16x200xf32>
    %squeeze3A_237 = vector.shape_cast %slice3A_236 : vector<1x16x200xf32> to vector<16x200xf32>
    %mul3A_238 = vector.broadcast %slice3A_235 : vector<16x1xf32> to vector<16x200xf32>
    %mul3A_239 = arith.mulf %squeeze3A_237, %mul3A_238 : vector<16x200xf32>
    %sub3A_240 = arith.constant 1.000000e+00 : f32
    %sub3A_241 = vector.broadcast %sub3A_240 : f32 to vector<16x200xf32>
    %sub3A_242 = arith.subf %sub3A_241, %mul3A_239 : vector<16x200xf32>
    %mul3A_243 = arith.mulf %mul3A_234, %sub3A_242 : vector<16x200xf32>
    %slice3A_244 = vector.extract_strided_slice %mul3A_243 {offsets = [0, 19], sizes = [16, 1], strides = [1, 1]} : vector<16x200xf32> to vector<16x1xf32>
    %slice3A_245 = vector.extract_strided_slice %select_n3A {offsets = [19, 0, 0], sizes = [1, 16, 200], strides = [1, 1, 1]} : vector<200x16x200xf32> to vector<1x16x200xf32>
    %squeeze3A_246 = vector.shape_cast %slice3A_245 : vector<1x16x200xf32> to vector<16x200xf32>
    %mul3A_247 = vector.broadcast %slice3A_244 : vector<16x1xf32> to vector<16x200xf32>
    %mul3A_248 = arith.mulf %squeeze3A_246, %mul3A_247 : vector<16x200xf32>
    %sub3A_249 = arith.constant 1.000000e+00 : f32
    %sub3A_250 = vector.broadcast %sub3A_249 : f32 to vector<16x200xf32>
    %sub3A_251 = arith.subf %sub3A_250, %mul3A_248 : vector<16x200xf32>
    %mul3A_252 = arith.mulf %mul3A_243, %sub3A_251 : vector<16x200xf32>
    %slice3A_253 = vector.extract_strided_slice %mul3A_252 {offsets = [0, 20], sizes = [16, 1], strides = [1, 1]} : vector<16x200xf32> to vector<16x1xf32>
    %slice3A_254 = vector.extract_strided_slice %select_n3A {offsets = [20, 0, 0], sizes = [1, 16, 200], strides = [1, 1, 1]} : vector<200x16x200xf32> to vector<1x16x200xf32>
    %squeeze3A_255 = vector.shape_cast %slice3A_254 : vector<1x16x200xf32> to vector<16x200xf32>
    %mul3A_256 = vector.broadcast %slice3A_253 : vector<16x1xf32> to vector<16x200xf32>
    %mul3A_257 = arith.mulf %squeeze3A_255, %mul3A_256 : vector<16x200xf32>
    %sub3A_258 = arith.constant 1.000000e+00 : f32
    %sub3A_259 = vector.broadcast %sub3A_258 : f32 to vector<16x200xf32>
    %sub3A_260 = arith.subf %sub3A_259, %mul3A_257 : vector<16x200xf32>
    %mul3A_261 = arith.mulf %mul3A_252, %sub3A_260 : vector<16x200xf32>
    %slice3A_262 = vector.extract_strided_slice %mul3A_261 {offsets = [0, 21], sizes = [16, 1], strides = [1, 1]} : vector<16x200xf32> to vector<16x1xf32>
    %slice3A_263 = vector.extract_strided_slice %select_n3A {offsets = [21, 0, 0], sizes = [1, 16, 200], strides = [1, 1, 1]} : vector<200x16x200xf32> to vector<1x16x200xf32>
    %squeeze3A_264 = vector.shape_cast %slice3A_263 : vector<1x16x200xf32> to vector<16x200xf32>
    %mul3A_265 = vector.broadcast %slice3A_262 : vector<16x1xf32> to vector<16x200xf32>
    %mul3A_266 = arith.mulf %squeeze3A_264, %mul3A_265 : vector<16x200xf32>
    %sub3A_267 = arith.constant 1.000000e+00 : f32
    %sub3A_268 = vector.broadcast %sub3A_267 : f32 to vector<16x200xf32>
    %sub3A_269 = arith.subf %sub3A_268, %mul3A_266 : vector<16x200xf32>
    %mul3A_270 = arith.mulf %mul3A_261, %sub3A_269 : vector<16x200xf32>
    %slice3A_271 = vector.extract_strided_slice %mul3A_270 {offsets = [0, 22], sizes = [16, 1], strides = [1, 1]} : vector<16x200xf32> to vector<16x1xf32>
    %slice3A_272 = vector.extract_strided_slice %select_n3A {offsets = [22, 0, 0], sizes = [1, 16, 200], strides = [1, 1, 1]} : vector<200x16x200xf32> to vector<1x16x200xf32>
    %squeeze3A_273 = vector.shape_cast %slice3A_272 : vector<1x16x200xf32> to vector<16x200xf32>
    %mul3A_274 = vector.broadcast %slice3A_271 : vector<16x1xf32> to vector<16x200xf32>
    %mul3A_275 = arith.mulf %squeeze3A_273, %mul3A_274 : vector<16x200xf32>
    %sub3A_276 = arith.constant 1.000000e+00 : f32
    %sub3A_277 = vector.broadcast %sub3A_276 : f32 to vector<16x200xf32>
    %sub3A_278 = arith.subf %sub3A_277, %mul3A_275 : vector<16x200xf32>
    %mul3A_279 = arith.mulf %mul3A_270, %sub3A_278 : vector<16x200xf32>
    %slice3A_280 = vector.extract_strided_slice %mul3A_279 {offsets = [0, 23], sizes = [16, 1], strides = [1, 1]} : vector<16x200xf32> to vector<16x1xf32>
    %slice3A_281 = vector.extract_strided_slice %select_n3A {offsets = [23, 0, 0], sizes = [1, 16, 200], strides = [1, 1, 1]} : vector<200x16x200xf32> to vector<1x16x200xf32>
    %squeeze3A_282 = vector.shape_cast %slice3A_281 : vector<1x16x200xf32> to vector<16x200xf32>
    %mul3A_283 = vector.broadcast %slice3A_280 : vector<16x1xf32> to vector<16x200xf32>
    %mul3A_284 = arith.mulf %squeeze3A_282, %mul3A_283 : vector<16x200xf32>
    %sub3A_285 = arith.constant 1.000000e+00 : f32
    %sub3A_286 = vector.broadcast %sub3A_285 : f32 to vector<16x200xf32>
    %sub3A_287 = arith.subf %sub3A_286, %mul3A_284 : vector<16x200xf32>
    %mul3A_288 = arith.mulf %mul3A_279, %sub3A_287 : vector<16x200xf32>
    %slice3A_289 = vector.extract_strided_slice %mul3A_288 {offsets = [0, 24], sizes = [16, 1], strides = [1, 1]} : vector<16x200xf32> to vector<16x1xf32>
    %slice3A_290 = vector.extract_strided_slice %select_n3A {offsets = [24, 0, 0], sizes = [1, 16, 200], strides = [1, 1, 1]} : vector<200x16x200xf32> to vector<1x16x200xf32>
    %squeeze3A_291 = vector.shape_cast %slice3A_290 : vector<1x16x200xf32> to vector<16x200xf32>
    %mul3A_292 = vector.broadcast %slice3A_289 : vector<16x1xf32> to vector<16x200xf32>
    %mul3A_293 = arith.mulf %squeeze3A_291, %mul3A_292 : vector<16x200xf32>
    %sub3A_294 = arith.constant 1.000000e+00 : f32
    %sub3A_295 = vector.broadcast %sub3A_294 : f32 to vector<16x200xf32>
    %sub3A_296 = arith.subf %sub3A_295, %mul3A_293 : vector<16x200xf32>
    %mul3A_297 = arith.mulf %mul3A_288, %sub3A_296 : vector<16x200xf32>
    %slice3A_298 = vector.extract_strided_slice %mul3A_297 {offsets = [0, 25], sizes = [16, 1], strides = [1, 1]} : vector<16x200xf32> to vector<16x1xf32>
    %slice3A_299 = vector.extract_strided_slice %select_n3A {offsets = [25, 0, 0], sizes = [1, 16, 200], strides = [1, 1, 1]} : vector<200x16x200xf32> to vector<1x16x200xf32>
    %squeeze3A_300 = vector.shape_cast %slice3A_299 : vector<1x16x200xf32> to vector<16x200xf32>
    %mul3A_301 = vector.broadcast %slice3A_298 : vector<16x1xf32> to vector<16x200xf32>
    %mul3A_302 = arith.mulf %squeeze3A_300, %mul3A_301 : vector<16x200xf32>
    %sub3A_303 = arith.constant 1.000000e+00 : f32
    %sub3A_304 = vector.broadcast %sub3A_303 : f32 to vector<16x200xf32>
    %sub3A_305 = arith.subf %sub3A_304, %mul3A_302 : vector<16x200xf32>
    %mul3A_306 = arith.mulf %mul3A_297, %sub3A_305 : vector<16x200xf32>
    %slice3A_307 = vector.extract_strided_slice %mul3A_306 {offsets = [0, 26], sizes = [16, 1], strides = [1, 1]} : vector<16x200xf32> to vector<16x1xf32>
    %slice3A_308 = vector.extract_strided_slice %select_n3A {offsets = [26, 0, 0], sizes = [1, 16, 200], strides = [1, 1, 1]} : vector<200x16x200xf32> to vector<1x16x200xf32>
    %squeeze3A_309 = vector.shape_cast %slice3A_308 : vector<1x16x200xf32> to vector<16x200xf32>
    %mul3A_310 = vector.broadcast %slice3A_307 : vector<16x1xf32> to vector<16x200xf32>
    %mul3A_311 = arith.mulf %squeeze3A_309, %mul3A_310 : vector<16x200xf32>
    %sub3A_312 = arith.constant 1.000000e+00 : f32
    %sub3A_313 = vector.broadcast %sub3A_312 : f32 to vector<16x200xf32>
    %sub3A_314 = arith.subf %sub3A_313, %mul3A_311 : vector<16x200xf32>
    %mul3A_315 = arith.mulf %mul3A_306, %sub3A_314 : vector<16x200xf32>
    %slice3A_316 = vector.extract_strided_slice %mul3A_315 {offsets = [0, 27], sizes = [16, 1], strides = [1, 1]} : vector<16x200xf32> to vector<16x1xf32>
    %slice3A_317 = vector.extract_strided_slice %select_n3A {offsets = [27, 0, 0], sizes = [1, 16, 200], strides = [1, 1, 1]} : vector<200x16x200xf32> to vector<1x16x200xf32>
    %squeeze3A_318 = vector.shape_cast %slice3A_317 : vector<1x16x200xf32> to vector<16x200xf32>
    %mul3A_319 = vector.broadcast %slice3A_316 : vector<16x1xf32> to vector<16x200xf32>
    %mul3A_320 = arith.mulf %squeeze3A_318, %mul3A_319 : vector<16x200xf32>
    %sub3A_321 = arith.constant 1.000000e+00 : f32
    %sub3A_322 = vector.broadcast %sub3A_321 : f32 to vector<16x200xf32>
    %sub3A_323 = arith.subf %sub3A_322, %mul3A_320 : vector<16x200xf32>
    %mul3A_324 = arith.mulf %mul3A_315, %sub3A_323 : vector<16x200xf32>
    %slice3A_325 = vector.extract_strided_slice %mul3A_324 {offsets = [0, 28], sizes = [16, 1], strides = [1, 1]} : vector<16x200xf32> to vector<16x1xf32>
    %slice3A_326 = vector.extract_strided_slice %select_n3A {offsets = [28, 0, 0], sizes = [1, 16, 200], strides = [1, 1, 1]} : vector<200x16x200xf32> to vector<1x16x200xf32>
    %squeeze3A_327 = vector.shape_cast %slice3A_326 : vector<1x16x200xf32> to vector<16x200xf32>
    %mul3A_328 = vector.broadcast %slice3A_325 : vector<16x1xf32> to vector<16x200xf32>
    %mul3A_329 = arith.mulf %squeeze3A_327, %mul3A_328 : vector<16x200xf32>
    %sub3A_330 = arith.constant 1.000000e+00 : f32
    %sub3A_331 = vector.broadcast %sub3A_330 : f32 to vector<16x200xf32>
    %sub3A_332 = arith.subf %sub3A_331, %mul3A_329 : vector<16x200xf32>
    %mul3A_333 = arith.mulf %mul3A_324, %sub3A_332 : vector<16x200xf32>
    %slice3A_334 = vector.extract_strided_slice %mul3A_333 {offsets = [0, 29], sizes = [16, 1], strides = [1, 1]} : vector<16x200xf32> to vector<16x1xf32>
    %slice3A_335 = vector.extract_strided_slice %select_n3A {offsets = [29, 0, 0], sizes = [1, 16, 200], strides = [1, 1, 1]} : vector<200x16x200xf32> to vector<1x16x200xf32>
    %squeeze3A_336 = vector.shape_cast %slice3A_335 : vector<1x16x200xf32> to vector<16x200xf32>
    %mul3A_337 = vector.broadcast %slice3A_334 : vector<16x1xf32> to vector<16x200xf32>
    %mul3A_338 = arith.mulf %squeeze3A_336, %mul3A_337 : vector<16x200xf32>
    %sub3A_339 = arith.constant 1.000000e+00 : f32
    %sub3A_340 = vector.broadcast %sub3A_339 : f32 to vector<16x200xf32>
    %sub3A_341 = arith.subf %sub3A_340, %mul3A_338 : vector<16x200xf32>
    %mul3A_342 = arith.mulf %mul3A_333, %sub3A_341 : vector<16x200xf32>
    %slice3A_343 = vector.extract_strided_slice %mul3A_342 {offsets = [0, 30], sizes = [16, 1], strides = [1, 1]} : vector<16x200xf32> to vector<16x1xf32>
    %slice3A_344 = vector.extract_strided_slice %select_n3A {offsets = [30, 0, 0], sizes = [1, 16, 200], strides = [1, 1, 1]} : vector<200x16x200xf32> to vector<1x16x200xf32>
    %squeeze3A_345 = vector.shape_cast %slice3A_344 : vector<1x16x200xf32> to vector<16x200xf32>
    %mul3A_346 = vector.broadcast %slice3A_343 : vector<16x1xf32> to vector<16x200xf32>
    %mul3A_347 = arith.mulf %squeeze3A_345, %mul3A_346 : vector<16x200xf32>
    %sub3A_348 = arith.constant 1.000000e+00 : f32
    %sub3A_349 = vector.broadcast %sub3A_348 : f32 to vector<16x200xf32>
    %sub3A_350 = arith.subf %sub3A_349, %mul3A_347 : vector<16x200xf32>
    %mul3A_351 = arith.mulf %mul3A_342, %sub3A_350 : vector<16x200xf32>
    %slice3A_352 = vector.extract_strided_slice %mul3A_351 {offsets = [0, 31], sizes = [16, 1], strides = [1, 1]} : vector<16x200xf32> to vector<16x1xf32>
    %slice3A_353 = vector.extract_strided_slice %select_n3A {offsets = [31, 0, 0], sizes = [1, 16, 200], strides = [1, 1, 1]} : vector<200x16x200xf32> to vector<1x16x200xf32>
    %squeeze3A_354 = vector.shape_cast %slice3A_353 : vector<1x16x200xf32> to vector<16x200xf32>
    %mul3A_355 = vector.broadcast %slice3A_352 : vector<16x1xf32> to vector<16x200xf32>
    %mul3A_356 = arith.mulf %squeeze3A_354, %mul3A_355 : vector<16x200xf32>
    %sub3A_357 = arith.constant 1.000000e+00 : f32
    %sub3A_358 = vector.broadcast %sub3A_357 : f32 to vector<16x200xf32>
    %sub3A_359 = arith.subf %sub3A_358, %mul3A_356 : vector<16x200xf32>
    %mul3A_360 = arith.mulf %mul3A_351, %sub3A_359 : vector<16x200xf32>
    %slice3A_361 = vector.extract_strided_slice %mul3A_360 {offsets = [0, 32], sizes = [16, 1], strides = [1, 1]} : vector<16x200xf32> to vector<16x1xf32>
    %slice3A_362 = vector.extract_strided_slice %select_n3A {offsets = [32, 0, 0], sizes = [1, 16, 200], strides = [1, 1, 1]} : vector<200x16x200xf32> to vector<1x16x200xf32>
    %squeeze3A_363 = vector.shape_cast %slice3A_362 : vector<1x16x200xf32> to vector<16x200xf32>
    %mul3A_364 = vector.broadcast %slice3A_361 : vector<16x1xf32> to vector<16x200xf32>
    %mul3A_365 = arith.mulf %squeeze3A_363, %mul3A_364 : vector<16x200xf32>
    %sub3A_366 = arith.constant 1.000000e+00 : f32
    %sub3A_367 = vector.broadcast %sub3A_366 : f32 to vector<16x200xf32>
    %sub3A_368 = arith.subf %sub3A_367, %mul3A_365 : vector<16x200xf32>
    %mul3A_369 = arith.mulf %mul3A_360, %sub3A_368 : vector<16x200xf32>
    %slice3A_370 = vector.extract_strided_slice %mul3A_369 {offsets = [0, 33], sizes = [16, 1], strides = [1, 1]} : vector<16x200xf32> to vector<16x1xf32>
    %slice3A_371 = vector.extract_strided_slice %select_n3A {offsets = [33, 0, 0], sizes = [1, 16, 200], strides = [1, 1, 1]} : vector<200x16x200xf32> to vector<1x16x200xf32>
    %squeeze3A_372 = vector.shape_cast %slice3A_371 : vector<1x16x200xf32> to vector<16x200xf32>
    %mul3A_373 = vector.broadcast %slice3A_370 : vector<16x1xf32> to vector<16x200xf32>
    %mul3A_374 = arith.mulf %squeeze3A_372, %mul3A_373 : vector<16x200xf32>
    %sub3A_375 = arith.constant 1.000000e+00 : f32
    %sub3A_376 = vector.broadcast %sub3A_375 : f32 to vector<16x200xf32>
    %sub3A_377 = arith.subf %sub3A_376, %mul3A_374 : vector<16x200xf32>
    %mul3A_378 = arith.mulf %mul3A_369, %sub3A_377 : vector<16x200xf32>
    %slice3A_379 = vector.extract_strided_slice %mul3A_378 {offsets = [0, 34], sizes = [16, 1], strides = [1, 1]} : vector<16x200xf32> to vector<16x1xf32>
    %slice3A_380 = vector.extract_strided_slice %select_n3A {offsets = [34, 0, 0], sizes = [1, 16, 200], strides = [1, 1, 1]} : vector<200x16x200xf32> to vector<1x16x200xf32>
    %squeeze3A_381 = vector.shape_cast %slice3A_380 : vector<1x16x200xf32> to vector<16x200xf32>
    %mul3A_382 = vector.broadcast %slice3A_379 : vector<16x1xf32> to vector<16x200xf32>
    %mul3A_383 = arith.mulf %squeeze3A_381, %mul3A_382 : vector<16x200xf32>
    %sub3A_384 = arith.constant 1.000000e+00 : f32
    %sub3A_385 = vector.broadcast %sub3A_384 : f32 to vector<16x200xf32>
    %sub3A_386 = arith.subf %sub3A_385, %mul3A_383 : vector<16x200xf32>
    %mul3A_387 = arith.mulf %mul3A_378, %sub3A_386 : vector<16x200xf32>
    %slice3A_388 = vector.extract_strided_slice %mul3A_387 {offsets = [0, 35], sizes = [16, 1], strides = [1, 1]} : vector<16x200xf32> to vector<16x1xf32>
    %slice3A_389 = vector.extract_strided_slice %select_n3A {offsets = [35, 0, 0], sizes = [1, 16, 200], strides = [1, 1, 1]} : vector<200x16x200xf32> to vector<1x16x200xf32>
    %squeeze3A_390 = vector.shape_cast %slice3A_389 : vector<1x16x200xf32> to vector<16x200xf32>
    %mul3A_391 = vector.broadcast %slice3A_388 : vector<16x1xf32> to vector<16x200xf32>
    %mul3A_392 = arith.mulf %squeeze3A_390, %mul3A_391 : vector<16x200xf32>
    %sub3A_393 = arith.constant 1.000000e+00 : f32
    %sub3A_394 = vector.broadcast %sub3A_393 : f32 to vector<16x200xf32>
    %sub3A_395 = arith.subf %sub3A_394, %mul3A_392 : vector<16x200xf32>
    %mul3A_396 = arith.mulf %mul3A_387, %sub3A_395 : vector<16x200xf32>
    %slice3A_397 = vector.extract_strided_slice %mul3A_396 {offsets = [0, 36], sizes = [16, 1], strides = [1, 1]} : vector<16x200xf32> to vector<16x1xf32>
    %slice3A_398 = vector.extract_strided_slice %select_n3A {offsets = [36, 0, 0], sizes = [1, 16, 200], strides = [1, 1, 1]} : vector<200x16x200xf32> to vector<1x16x200xf32>
    %squeeze3A_399 = vector.shape_cast %slice3A_398 : vector<1x16x200xf32> to vector<16x200xf32>
    %mul3A_400 = vector.broadcast %slice3A_397 : vector<16x1xf32> to vector<16x200xf32>
    %mul3A_401 = arith.mulf %squeeze3A_399, %mul3A_400 : vector<16x200xf32>
    %sub3A_402 = arith.constant 1.000000e+00 : f32
    %sub3A_403 = vector.broadcast %sub3A_402 : f32 to vector<16x200xf32>
    %sub3A_404 = arith.subf %sub3A_403, %mul3A_401 : vector<16x200xf32>
    %mul3A_405 = arith.mulf %mul3A_396, %sub3A_404 : vector<16x200xf32>
    %slice3A_406 = vector.extract_strided_slice %mul3A_405 {offsets = [0, 37], sizes = [16, 1], strides = [1, 1]} : vector<16x200xf32> to vector<16x1xf32>
    %slice3A_407 = vector.extract_strided_slice %select_n3A {offsets = [37, 0, 0], sizes = [1, 16, 200], strides = [1, 1, 1]} : vector<200x16x200xf32> to vector<1x16x200xf32>
    %squeeze3A_408 = vector.shape_cast %slice3A_407 : vector<1x16x200xf32> to vector<16x200xf32>
    %mul3A_409 = vector.broadcast %slice3A_406 : vector<16x1xf32> to vector<16x200xf32>
    %mul3A_410 = arith.mulf %squeeze3A_408, %mul3A_409 : vector<16x200xf32>
    %sub3A_411 = arith.constant 1.000000e+00 : f32
    %sub3A_412 = vector.broadcast %sub3A_411 : f32 to vector<16x200xf32>
    %sub3A_413 = arith.subf %sub3A_412, %mul3A_410 : vector<16x200xf32>
    %mul3A_414 = arith.mulf %mul3A_405, %sub3A_413 : vector<16x200xf32>
    %slice3A_415 = vector.extract_strided_slice %mul3A_414 {offsets = [0, 38], sizes = [16, 1], strides = [1, 1]} : vector<16x200xf32> to vector<16x1xf32>
    %slice3A_416 = vector.extract_strided_slice %select_n3A {offsets = [38, 0, 0], sizes = [1, 16, 200], strides = [1, 1, 1]} : vector<200x16x200xf32> to vector<1x16x200xf32>
    %squeeze3A_417 = vector.shape_cast %slice3A_416 : vector<1x16x200xf32> to vector<16x200xf32>
    %mul3A_418 = vector.broadcast %slice3A_415 : vector<16x1xf32> to vector<16x200xf32>
    %mul3A_419 = arith.mulf %squeeze3A_417, %mul3A_418 : vector<16x200xf32>
    %sub3A_420 = arith.constant 1.000000e+00 : f32
    %sub3A_421 = vector.broadcast %sub3A_420 : f32 to vector<16x200xf32>
    %sub3A_422 = arith.subf %sub3A_421, %mul3A_419 : vector<16x200xf32>
    %mul3A_423 = arith.mulf %mul3A_414, %sub3A_422 : vector<16x200xf32>
    %slice3A_424 = vector.extract_strided_slice %mul3A_423 {offsets = [0, 39], sizes = [16, 1], strides = [1, 1]} : vector<16x200xf32> to vector<16x1xf32>
    %slice3A_425 = vector.extract_strided_slice %select_n3A {offsets = [39, 0, 0], sizes = [1, 16, 200], strides = [1, 1, 1]} : vector<200x16x200xf32> to vector<1x16x200xf32>
    %squeeze3A_426 = vector.shape_cast %slice3A_425 : vector<1x16x200xf32> to vector<16x200xf32>
    %mul3A_427 = vector.broadcast %slice3A_424 : vector<16x1xf32> to vector<16x200xf32>
    %mul3A_428 = arith.mulf %squeeze3A_426, %mul3A_427 : vector<16x200xf32>
    %sub3A_429 = arith.constant 1.000000e+00 : f32
    %sub3A_430 = vector.broadcast %sub3A_429 : f32 to vector<16x200xf32>
    %sub3A_431 = arith.subf %sub3A_430, %mul3A_428 : vector<16x200xf32>
    %mul3A_432 = arith.mulf %mul3A_423, %sub3A_431 : vector<16x200xf32>
    %slice3A_433 = vector.extract_strided_slice %mul3A_432 {offsets = [0, 40], sizes = [16, 1], strides = [1, 1]} : vector<16x200xf32> to vector<16x1xf32>
    %slice3A_434 = vector.extract_strided_slice %select_n3A {offsets = [40, 0, 0], sizes = [1, 16, 200], strides = [1, 1, 1]} : vector<200x16x200xf32> to vector<1x16x200xf32>
    %squeeze3A_435 = vector.shape_cast %slice3A_434 : vector<1x16x200xf32> to vector<16x200xf32>
    %mul3A_436 = vector.broadcast %slice3A_433 : vector<16x1xf32> to vector<16x200xf32>
    %mul3A_437 = arith.mulf %squeeze3A_435, %mul3A_436 : vector<16x200xf32>
    %sub3A_438 = arith.constant 1.000000e+00 : f32
    %sub3A_439 = vector.broadcast %sub3A_438 : f32 to vector<16x200xf32>
    %sub3A_440 = arith.subf %sub3A_439, %mul3A_437 : vector<16x200xf32>
    %mul3A_441 = arith.mulf %mul3A_432, %sub3A_440 : vector<16x200xf32>
    %slice3A_442 = vector.extract_strided_slice %mul3A_441 {offsets = [0, 41], sizes = [16, 1], strides = [1, 1]} : vector<16x200xf32> to vector<16x1xf32>
    %slice3A_443 = vector.extract_strided_slice %select_n3A {offsets = [41, 0, 0], sizes = [1, 16, 200], strides = [1, 1, 1]} : vector<200x16x200xf32> to vector<1x16x200xf32>
    %squeeze3A_444 = vector.shape_cast %slice3A_443 : vector<1x16x200xf32> to vector<16x200xf32>
    %mul3A_445 = vector.broadcast %slice3A_442 : vector<16x1xf32> to vector<16x200xf32>
    %mul3A_446 = arith.mulf %squeeze3A_444, %mul3A_445 : vector<16x200xf32>
    %sub3A_447 = arith.constant 1.000000e+00 : f32
    %sub3A_448 = vector.broadcast %sub3A_447 : f32 to vector<16x200xf32>
    %sub3A_449 = arith.subf %sub3A_448, %mul3A_446 : vector<16x200xf32>
    %mul3A_450 = arith.mulf %mul3A_441, %sub3A_449 : vector<16x200xf32>
    %slice3A_451 = vector.extract_strided_slice %mul3A_450 {offsets = [0, 42], sizes = [16, 1], strides = [1, 1]} : vector<16x200xf32> to vector<16x1xf32>
    %slice3A_452 = vector.extract_strided_slice %select_n3A {offsets = [42, 0, 0], sizes = [1, 16, 200], strides = [1, 1, 1]} : vector<200x16x200xf32> to vector<1x16x200xf32>
    %squeeze3A_453 = vector.shape_cast %slice3A_452 : vector<1x16x200xf32> to vector<16x200xf32>
    %mul3A_454 = vector.broadcast %slice3A_451 : vector<16x1xf32> to vector<16x200xf32>
    %mul3A_455 = arith.mulf %squeeze3A_453, %mul3A_454 : vector<16x200xf32>
    %sub3A_456 = arith.constant 1.000000e+00 : f32
    %sub3A_457 = vector.broadcast %sub3A_456 : f32 to vector<16x200xf32>
    %sub3A_458 = arith.subf %sub3A_457, %mul3A_455 : vector<16x200xf32>
    %mul3A_459 = arith.mulf %mul3A_450, %sub3A_458 : vector<16x200xf32>
    %slice3A_460 = vector.extract_strided_slice %mul3A_459 {offsets = [0, 43], sizes = [16, 1], strides = [1, 1]} : vector<16x200xf32> to vector<16x1xf32>
    %slice3A_461 = vector.extract_strided_slice %select_n3A {offsets = [43, 0, 0], sizes = [1, 16, 200], strides = [1, 1, 1]} : vector<200x16x200xf32> to vector<1x16x200xf32>
    %squeeze3A_462 = vector.shape_cast %slice3A_461 : vector<1x16x200xf32> to vector<16x200xf32>
    %mul3A_463 = vector.broadcast %slice3A_460 : vector<16x1xf32> to vector<16x200xf32>
    %mul3A_464 = arith.mulf %squeeze3A_462, %mul3A_463 : vector<16x200xf32>
    %sub3A_465 = arith.constant 1.000000e+00 : f32
    %sub3A_466 = vector.broadcast %sub3A_465 : f32 to vector<16x200xf32>
    %sub3A_467 = arith.subf %sub3A_466, %mul3A_464 : vector<16x200xf32>
    %mul3A_468 = arith.mulf %mul3A_459, %sub3A_467 : vector<16x200xf32>
    %slice3A_469 = vector.extract_strided_slice %mul3A_468 {offsets = [0, 44], sizes = [16, 1], strides = [1, 1]} : vector<16x200xf32> to vector<16x1xf32>
    %slice3A_470 = vector.extract_strided_slice %select_n3A {offsets = [44, 0, 0], sizes = [1, 16, 200], strides = [1, 1, 1]} : vector<200x16x200xf32> to vector<1x16x200xf32>
    %squeeze3A_471 = vector.shape_cast %slice3A_470 : vector<1x16x200xf32> to vector<16x200xf32>
    %mul3A_472 = vector.broadcast %slice3A_469 : vector<16x1xf32> to vector<16x200xf32>
    %mul3A_473 = arith.mulf %squeeze3A_471, %mul3A_472 : vector<16x200xf32>
    %sub3A_474 = arith.constant 1.000000e+00 : f32
    %sub3A_475 = vector.broadcast %sub3A_474 : f32 to vector<16x200xf32>
    %sub3A_476 = arith.subf %sub3A_475, %mul3A_473 : vector<16x200xf32>
    %mul3A_477 = arith.mulf %mul3A_468, %sub3A_476 : vector<16x200xf32>
    %slice3A_478 = vector.extract_strided_slice %mul3A_477 {offsets = [0, 45], sizes = [16, 1], strides = [1, 1]} : vector<16x200xf32> to vector<16x1xf32>
    %slice3A_479 = vector.extract_strided_slice %select_n3A {offsets = [45, 0, 0], sizes = [1, 16, 200], strides = [1, 1, 1]} : vector<200x16x200xf32> to vector<1x16x200xf32>
    %squeeze3A_480 = vector.shape_cast %slice3A_479 : vector<1x16x200xf32> to vector<16x200xf32>
    %mul3A_481 = vector.broadcast %slice3A_478 : vector<16x1xf32> to vector<16x200xf32>
    %mul3A_482 = arith.mulf %squeeze3A_480, %mul3A_481 : vector<16x200xf32>
    %sub3A_483 = arith.constant 1.000000e+00 : f32
    %sub3A_484 = vector.broadcast %sub3A_483 : f32 to vector<16x200xf32>
    %sub3A_485 = arith.subf %sub3A_484, %mul3A_482 : vector<16x200xf32>
    %mul3A_486 = arith.mulf %mul3A_477, %sub3A_485 : vector<16x200xf32>
    %slice3A_487 = vector.extract_strided_slice %mul3A_486 {offsets = [0, 46], sizes = [16, 1], strides = [1, 1]} : vector<16x200xf32> to vector<16x1xf32>
    %slice3A_488 = vector.extract_strided_slice %select_n3A {offsets = [46, 0, 0], sizes = [1, 16, 200], strides = [1, 1, 1]} : vector<200x16x200xf32> to vector<1x16x200xf32>
    %squeeze3A_489 = vector.shape_cast %slice3A_488 : vector<1x16x200xf32> to vector<16x200xf32>
    %mul3A_490 = vector.broadcast %slice3A_487 : vector<16x1xf32> to vector<16x200xf32>
    %mul3A_491 = arith.mulf %squeeze3A_489, %mul3A_490 : vector<16x200xf32>
    %sub3A_492 = arith.constant 1.000000e+00 : f32
    %sub3A_493 = vector.broadcast %sub3A_492 : f32 to vector<16x200xf32>
    %sub3A_494 = arith.subf %sub3A_493, %mul3A_491 : vector<16x200xf32>
    %mul3A_495 = arith.mulf %mul3A_486, %sub3A_494 : vector<16x200xf32>
    %slice3A_496 = vector.extract_strided_slice %mul3A_495 {offsets = [0, 47], sizes = [16, 1], strides = [1, 1]} : vector<16x200xf32> to vector<16x1xf32>
    %slice3A_497 = vector.extract_strided_slice %select_n3A {offsets = [47, 0, 0], sizes = [1, 16, 200], strides = [1, 1, 1]} : vector<200x16x200xf32> to vector<1x16x200xf32>
    %squeeze3A_498 = vector.shape_cast %slice3A_497 : vector<1x16x200xf32> to vector<16x200xf32>
    %mul3A_499 = vector.broadcast %slice3A_496 : vector<16x1xf32> to vector<16x200xf32>
    %mul3A_500 = arith.mulf %squeeze3A_498, %mul3A_499 : vector<16x200xf32>
    %sub3A_501 = arith.constant 1.000000e+00 : f32
    %sub3A_502 = vector.broadcast %sub3A_501 : f32 to vector<16x200xf32>
    %sub3A_503 = arith.subf %sub3A_502, %mul3A_500 : vector<16x200xf32>
    %mul3A_504 = arith.mulf %mul3A_495, %sub3A_503 : vector<16x200xf32>
    %slice3A_505 = vector.extract_strided_slice %mul3A_504 {offsets = [0, 48], sizes = [16, 1], strides = [1, 1]} : vector<16x200xf32> to vector<16x1xf32>
    %slice3A_506 = vector.extract_strided_slice %select_n3A {offsets = [48, 0, 0], sizes = [1, 16, 200], strides = [1, 1, 1]} : vector<200x16x200xf32> to vector<1x16x200xf32>
    %squeeze3A_507 = vector.shape_cast %slice3A_506 : vector<1x16x200xf32> to vector<16x200xf32>
    %mul3A_508 = vector.broadcast %slice3A_505 : vector<16x1xf32> to vector<16x200xf32>
    %mul3A_509 = arith.mulf %squeeze3A_507, %mul3A_508 : vector<16x200xf32>
    %sub3A_510 = arith.constant 1.000000e+00 : f32
    %sub3A_511 = vector.broadcast %sub3A_510 : f32 to vector<16x200xf32>
    %sub3A_512 = arith.subf %sub3A_511, %mul3A_509 : vector<16x200xf32>
    %mul3A_513 = arith.mulf %mul3A_504, %sub3A_512 : vector<16x200xf32>
    %slice3A_514 = vector.extract_strided_slice %mul3A_513 {offsets = [0, 49], sizes = [16, 1], strides = [1, 1]} : vector<16x200xf32> to vector<16x1xf32>
    %slice3A_515 = vector.extract_strided_slice %select_n3A {offsets = [49, 0, 0], sizes = [1, 16, 200], strides = [1, 1, 1]} : vector<200x16x200xf32> to vector<1x16x200xf32>
    %squeeze3A_516 = vector.shape_cast %slice3A_515 : vector<1x16x200xf32> to vector<16x200xf32>
    %mul3A_517 = vector.broadcast %slice3A_514 : vector<16x1xf32> to vector<16x200xf32>
    %mul3A_518 = arith.mulf %squeeze3A_516, %mul3A_517 : vector<16x200xf32>
    %sub3A_519 = arith.constant 1.000000e+00 : f32
    %sub3A_520 = vector.broadcast %sub3A_519 : f32 to vector<16x200xf32>
    %sub3A_521 = arith.subf %sub3A_520, %mul3A_518 : vector<16x200xf32>
    %mul3A_522 = arith.mulf %mul3A_513, %sub3A_521 : vector<16x200xf32>
    %slice3A_523 = vector.extract_strided_slice %mul3A_522 {offsets = [0, 50], sizes = [16, 1], strides = [1, 1]} : vector<16x200xf32> to vector<16x1xf32>
    %slice3A_524 = vector.extract_strided_slice %select_n3A {offsets = [50, 0, 0], sizes = [1, 16, 200], strides = [1, 1, 1]} : vector<200x16x200xf32> to vector<1x16x200xf32>
    %squeeze3A_525 = vector.shape_cast %slice3A_524 : vector<1x16x200xf32> to vector<16x200xf32>
    %mul3A_526 = vector.broadcast %slice3A_523 : vector<16x1xf32> to vector<16x200xf32>
    %mul3A_527 = arith.mulf %squeeze3A_525, %mul3A_526 : vector<16x200xf32>
    %sub3A_528 = arith.constant 1.000000e+00 : f32
    %sub3A_529 = vector.broadcast %sub3A_528 : f32 to vector<16x200xf32>
    %sub3A_530 = arith.subf %sub3A_529, %mul3A_527 : vector<16x200xf32>
    %mul3A_531 = arith.mulf %mul3A_522, %sub3A_530 : vector<16x200xf32>
    %slice3A_532 = vector.extract_strided_slice %mul3A_531 {offsets = [0, 51], sizes = [16, 1], strides = [1, 1]} : vector<16x200xf32> to vector<16x1xf32>
    %slice3A_533 = vector.extract_strided_slice %select_n3A {offsets = [51, 0, 0], sizes = [1, 16, 200], strides = [1, 1, 1]} : vector<200x16x200xf32> to vector<1x16x200xf32>
    %squeeze3A_534 = vector.shape_cast %slice3A_533 : vector<1x16x200xf32> to vector<16x200xf32>
    %mul3A_535 = vector.broadcast %slice3A_532 : vector<16x1xf32> to vector<16x200xf32>
    %mul3A_536 = arith.mulf %squeeze3A_534, %mul3A_535 : vector<16x200xf32>
    %sub3A_537 = arith.constant 1.000000e+00 : f32
    %sub3A_538 = vector.broadcast %sub3A_537 : f32 to vector<16x200xf32>
    %sub3A_539 = arith.subf %sub3A_538, %mul3A_536 : vector<16x200xf32>
    %mul3A_540 = arith.mulf %mul3A_531, %sub3A_539 : vector<16x200xf32>
    %slice3A_541 = vector.extract_strided_slice %mul3A_540 {offsets = [0, 52], sizes = [16, 1], strides = [1, 1]} : vector<16x200xf32> to vector<16x1xf32>
    %slice3A_542 = vector.extract_strided_slice %select_n3A {offsets = [52, 0, 0], sizes = [1, 16, 200], strides = [1, 1, 1]} : vector<200x16x200xf32> to vector<1x16x200xf32>
    %squeeze3A_543 = vector.shape_cast %slice3A_542 : vector<1x16x200xf32> to vector<16x200xf32>
    %mul3A_544 = vector.broadcast %slice3A_541 : vector<16x1xf32> to vector<16x200xf32>
    %mul3A_545 = arith.mulf %squeeze3A_543, %mul3A_544 : vector<16x200xf32>
    %sub3A_546 = arith.constant 1.000000e+00 : f32
    %sub3A_547 = vector.broadcast %sub3A_546 : f32 to vector<16x200xf32>
    %sub3A_548 = arith.subf %sub3A_547, %mul3A_545 : vector<16x200xf32>
    %mul3A_549 = arith.mulf %mul3A_540, %sub3A_548 : vector<16x200xf32>
    %slice3A_550 = vector.extract_strided_slice %mul3A_549 {offsets = [0, 53], sizes = [16, 1], strides = [1, 1]} : vector<16x200xf32> to vector<16x1xf32>
    %slice3A_551 = vector.extract_strided_slice %select_n3A {offsets = [53, 0, 0], sizes = [1, 16, 200], strides = [1, 1, 1]} : vector<200x16x200xf32> to vector<1x16x200xf32>
    %squeeze3A_552 = vector.shape_cast %slice3A_551 : vector<1x16x200xf32> to vector<16x200xf32>
    %mul3A_553 = vector.broadcast %slice3A_550 : vector<16x1xf32> to vector<16x200xf32>
    %mul3A_554 = arith.mulf %squeeze3A_552, %mul3A_553 : vector<16x200xf32>
    %sub3A_555 = arith.constant 1.000000e+00 : f32
    %sub3A_556 = vector.broadcast %sub3A_555 : f32 to vector<16x200xf32>
    %sub3A_557 = arith.subf %sub3A_556, %mul3A_554 : vector<16x200xf32>
    %mul3A_558 = arith.mulf %mul3A_549, %sub3A_557 : vector<16x200xf32>
    %slice3A_559 = vector.extract_strided_slice %mul3A_558 {offsets = [0, 54], sizes = [16, 1], strides = [1, 1]} : vector<16x200xf32> to vector<16x1xf32>
    %slice3A_560 = vector.extract_strided_slice %select_n3A {offsets = [54, 0, 0], sizes = [1, 16, 200], strides = [1, 1, 1]} : vector<200x16x200xf32> to vector<1x16x200xf32>
    %squeeze3A_561 = vector.shape_cast %slice3A_560 : vector<1x16x200xf32> to vector<16x200xf32>
    %mul3A_562 = vector.broadcast %slice3A_559 : vector<16x1xf32> to vector<16x200xf32>
    %mul3A_563 = arith.mulf %squeeze3A_561, %mul3A_562 : vector<16x200xf32>
    %sub3A_564 = arith.constant 1.000000e+00 : f32
    %sub3A_565 = vector.broadcast %sub3A_564 : f32 to vector<16x200xf32>
    %sub3A_566 = arith.subf %sub3A_565, %mul3A_563 : vector<16x200xf32>
    %mul3A_567 = arith.mulf %mul3A_558, %sub3A_566 : vector<16x200xf32>
    %slice3A_568 = vector.extract_strided_slice %mul3A_567 {offsets = [0, 55], sizes = [16, 1], strides = [1, 1]} : vector<16x200xf32> to vector<16x1xf32>
    %slice3A_569 = vector.extract_strided_slice %select_n3A {offsets = [55, 0, 0], sizes = [1, 16, 200], strides = [1, 1, 1]} : vector<200x16x200xf32> to vector<1x16x200xf32>
    %squeeze3A_570 = vector.shape_cast %slice3A_569 : vector<1x16x200xf32> to vector<16x200xf32>
    %mul3A_571 = vector.broadcast %slice3A_568 : vector<16x1xf32> to vector<16x200xf32>
    %mul3A_572 = arith.mulf %squeeze3A_570, %mul3A_571 : vector<16x200xf32>
    %sub3A_573 = arith.constant 1.000000e+00 : f32
    %sub3A_574 = vector.broadcast %sub3A_573 : f32 to vector<16x200xf32>
    %sub3A_575 = arith.subf %sub3A_574, %mul3A_572 : vector<16x200xf32>
    %mul3A_576 = arith.mulf %mul3A_567, %sub3A_575 : vector<16x200xf32>
    %slice3A_577 = vector.extract_strided_slice %mul3A_576 {offsets = [0, 56], sizes = [16, 1], strides = [1, 1]} : vector<16x200xf32> to vector<16x1xf32>
    %slice3A_578 = vector.extract_strided_slice %select_n3A {offsets = [56, 0, 0], sizes = [1, 16, 200], strides = [1, 1, 1]} : vector<200x16x200xf32> to vector<1x16x200xf32>
    %squeeze3A_579 = vector.shape_cast %slice3A_578 : vector<1x16x200xf32> to vector<16x200xf32>
    %mul3A_580 = vector.broadcast %slice3A_577 : vector<16x1xf32> to vector<16x200xf32>
    %mul3A_581 = arith.mulf %squeeze3A_579, %mul3A_580 : vector<16x200xf32>
    %sub3A_582 = arith.constant 1.000000e+00 : f32
    %sub3A_583 = vector.broadcast %sub3A_582 : f32 to vector<16x200xf32>
    %sub3A_584 = arith.subf %sub3A_583, %mul3A_581 : vector<16x200xf32>
    %mul3A_585 = arith.mulf %mul3A_576, %sub3A_584 : vector<16x200xf32>
    %slice3A_586 = vector.extract_strided_slice %mul3A_585 {offsets = [0, 57], sizes = [16, 1], strides = [1, 1]} : vector<16x200xf32> to vector<16x1xf32>
    %slice3A_587 = vector.extract_strided_slice %select_n3A {offsets = [57, 0, 0], sizes = [1, 16, 200], strides = [1, 1, 1]} : vector<200x16x200xf32> to vector<1x16x200xf32>
    %squeeze3A_588 = vector.shape_cast %slice3A_587 : vector<1x16x200xf32> to vector<16x200xf32>
    %mul3A_589 = vector.broadcast %slice3A_586 : vector<16x1xf32> to vector<16x200xf32>
    %mul3A_590 = arith.mulf %squeeze3A_588, %mul3A_589 : vector<16x200xf32>
    %sub3A_591 = arith.constant 1.000000e+00 : f32
    %sub3A_592 = vector.broadcast %sub3A_591 : f32 to vector<16x200xf32>
    %sub3A_593 = arith.subf %sub3A_592, %mul3A_590 : vector<16x200xf32>
    %mul3A_594 = arith.mulf %mul3A_585, %sub3A_593 : vector<16x200xf32>
    %slice3A_595 = vector.extract_strided_slice %mul3A_594 {offsets = [0, 58], sizes = [16, 1], strides = [1, 1]} : vector<16x200xf32> to vector<16x1xf32>
    %slice3A_596 = vector.extract_strided_slice %select_n3A {offsets = [58, 0, 0], sizes = [1, 16, 200], strides = [1, 1, 1]} : vector<200x16x200xf32> to vector<1x16x200xf32>
    %squeeze3A_597 = vector.shape_cast %slice3A_596 : vector<1x16x200xf32> to vector<16x200xf32>
    %mul3A_598 = vector.broadcast %slice3A_595 : vector<16x1xf32> to vector<16x200xf32>
    %mul3A_599 = arith.mulf %squeeze3A_597, %mul3A_598 : vector<16x200xf32>
    %sub3A_600 = arith.constant 1.000000e+00 : f32
    %sub3A_601 = vector.broadcast %sub3A_600 : f32 to vector<16x200xf32>
    %sub3A_602 = arith.subf %sub3A_601, %mul3A_599 : vector<16x200xf32>
    %mul3A_603 = arith.mulf %mul3A_594, %sub3A_602 : vector<16x200xf32>
    %slice3A_604 = vector.extract_strided_slice %mul3A_603 {offsets = [0, 59], sizes = [16, 1], strides = [1, 1]} : vector<16x200xf32> to vector<16x1xf32>
    %slice3A_605 = vector.extract_strided_slice %select_n3A {offsets = [59, 0, 0], sizes = [1, 16, 200], strides = [1, 1, 1]} : vector<200x16x200xf32> to vector<1x16x200xf32>
    %squeeze3A_606 = vector.shape_cast %slice3A_605 : vector<1x16x200xf32> to vector<16x200xf32>
    %mul3A_607 = vector.broadcast %slice3A_604 : vector<16x1xf32> to vector<16x200xf32>
    %mul3A_608 = arith.mulf %squeeze3A_606, %mul3A_607 : vector<16x200xf32>
    %sub3A_609 = arith.constant 1.000000e+00 : f32
    %sub3A_610 = vector.broadcast %sub3A_609 : f32 to vector<16x200xf32>
    %sub3A_611 = arith.subf %sub3A_610, %mul3A_608 : vector<16x200xf32>
    %mul3A_612 = arith.mulf %mul3A_603, %sub3A_611 : vector<16x200xf32>
    %slice3A_613 = vector.extract_strided_slice %mul3A_612 {offsets = [0, 60], sizes = [16, 1], strides = [1, 1]} : vector<16x200xf32> to vector<16x1xf32>
    %slice3A_614 = vector.extract_strided_slice %select_n3A {offsets = [60, 0, 0], sizes = [1, 16, 200], strides = [1, 1, 1]} : vector<200x16x200xf32> to vector<1x16x200xf32>
    %squeeze3A_615 = vector.shape_cast %slice3A_614 : vector<1x16x200xf32> to vector<16x200xf32>
    %mul3A_616 = vector.broadcast %slice3A_613 : vector<16x1xf32> to vector<16x200xf32>
    %mul3A_617 = arith.mulf %squeeze3A_615, %mul3A_616 : vector<16x200xf32>
    %sub3A_618 = arith.constant 1.000000e+00 : f32
    %sub3A_619 = vector.broadcast %sub3A_618 : f32 to vector<16x200xf32>
    %sub3A_620 = arith.subf %sub3A_619, %mul3A_617 : vector<16x200xf32>
    %mul3A_621 = arith.mulf %mul3A_612, %sub3A_620 : vector<16x200xf32>
    %slice3A_622 = vector.extract_strided_slice %mul3A_621 {offsets = [0, 61], sizes = [16, 1], strides = [1, 1]} : vector<16x200xf32> to vector<16x1xf32>
    %slice3A_623 = vector.extract_strided_slice %select_n3A {offsets = [61, 0, 0], sizes = [1, 16, 200], strides = [1, 1, 1]} : vector<200x16x200xf32> to vector<1x16x200xf32>
    %squeeze3A_624 = vector.shape_cast %slice3A_623 : vector<1x16x200xf32> to vector<16x200xf32>
    %mul3A_625 = vector.broadcast %slice3A_622 : vector<16x1xf32> to vector<16x200xf32>
    %mul3A_626 = arith.mulf %squeeze3A_624, %mul3A_625 : vector<16x200xf32>
    %sub3A_627 = arith.constant 1.000000e+00 : f32
    %sub3A_628 = vector.broadcast %sub3A_627 : f32 to vector<16x200xf32>
    %sub3A_629 = arith.subf %sub3A_628, %mul3A_626 : vector<16x200xf32>
    %mul3A_630 = arith.mulf %mul3A_621, %sub3A_629 : vector<16x200xf32>
    %slice3A_631 = vector.extract_strided_slice %mul3A_630 {offsets = [0, 62], sizes = [16, 1], strides = [1, 1]} : vector<16x200xf32> to vector<16x1xf32>
    %slice3A_632 = vector.extract_strided_slice %select_n3A {offsets = [62, 0, 0], sizes = [1, 16, 200], strides = [1, 1, 1]} : vector<200x16x200xf32> to vector<1x16x200xf32>
    %squeeze3A_633 = vector.shape_cast %slice3A_632 : vector<1x16x200xf32> to vector<16x200xf32>
    %mul3A_634 = vector.broadcast %slice3A_631 : vector<16x1xf32> to vector<16x200xf32>
    %mul3A_635 = arith.mulf %squeeze3A_633, %mul3A_634 : vector<16x200xf32>
    %sub3A_636 = arith.constant 1.000000e+00 : f32
    %sub3A_637 = vector.broadcast %sub3A_636 : f32 to vector<16x200xf32>
    %sub3A_638 = arith.subf %sub3A_637, %mul3A_635 : vector<16x200xf32>
    %mul3A_639 = arith.mulf %mul3A_630, %sub3A_638 : vector<16x200xf32>
    %slice3A_640 = vector.extract_strided_slice %mul3A_639 {offsets = [0, 63], sizes = [16, 1], strides = [1, 1]} : vector<16x200xf32> to vector<16x1xf32>
    %slice3A_641 = vector.extract_strided_slice %select_n3A {offsets = [63, 0, 0], sizes = [1, 16, 200], strides = [1, 1, 1]} : vector<200x16x200xf32> to vector<1x16x200xf32>
    %squeeze3A_642 = vector.shape_cast %slice3A_641 : vector<1x16x200xf32> to vector<16x200xf32>
    %mul3A_643 = vector.broadcast %slice3A_640 : vector<16x1xf32> to vector<16x200xf32>
    %mul3A_644 = arith.mulf %squeeze3A_642, %mul3A_643 : vector<16x200xf32>
    %sub3A_645 = arith.constant 1.000000e+00 : f32
    %sub3A_646 = vector.broadcast %sub3A_645 : f32 to vector<16x200xf32>
    %sub3A_647 = arith.subf %sub3A_646, %mul3A_644 : vector<16x200xf32>
    %mul3A_648 = arith.mulf %mul3A_639, %sub3A_647 : vector<16x200xf32>
    %slice3A_649 = vector.extract_strided_slice %mul3A_648 {offsets = [0, 64], sizes = [16, 1], strides = [1, 1]} : vector<16x200xf32> to vector<16x1xf32>
    %slice3A_650 = vector.extract_strided_slice %select_n3A {offsets = [64, 0, 0], sizes = [1, 16, 200], strides = [1, 1, 1]} : vector<200x16x200xf32> to vector<1x16x200xf32>
    %squeeze3A_651 = vector.shape_cast %slice3A_650 : vector<1x16x200xf32> to vector<16x200xf32>
    %mul3A_652 = vector.broadcast %slice3A_649 : vector<16x1xf32> to vector<16x200xf32>
    %mul3A_653 = arith.mulf %squeeze3A_651, %mul3A_652 : vector<16x200xf32>
    %sub3A_654 = arith.constant 1.000000e+00 : f32
    %sub3A_655 = vector.broadcast %sub3A_654 : f32 to vector<16x200xf32>
    %sub3A_656 = arith.subf %sub3A_655, %mul3A_653 : vector<16x200xf32>
    %mul3A_657 = arith.mulf %mul3A_648, %sub3A_656 : vector<16x200xf32>
    %slice3A_658 = vector.extract_strided_slice %mul3A_657 {offsets = [0, 65], sizes = [16, 1], strides = [1, 1]} : vector<16x200xf32> to vector<16x1xf32>
    %slice3A_659 = vector.extract_strided_slice %select_n3A {offsets = [65, 0, 0], sizes = [1, 16, 200], strides = [1, 1, 1]} : vector<200x16x200xf32> to vector<1x16x200xf32>
    %squeeze3A_660 = vector.shape_cast %slice3A_659 : vector<1x16x200xf32> to vector<16x200xf32>
    %mul3A_661 = vector.broadcast %slice3A_658 : vector<16x1xf32> to vector<16x200xf32>
    %mul3A_662 = arith.mulf %squeeze3A_660, %mul3A_661 : vector<16x200xf32>
    %sub3A_663 = arith.constant 1.000000e+00 : f32
    %sub3A_664 = vector.broadcast %sub3A_663 : f32 to vector<16x200xf32>
    %sub3A_665 = arith.subf %sub3A_664, %mul3A_662 : vector<16x200xf32>
    %mul3A_666 = arith.mulf %mul3A_657, %sub3A_665 : vector<16x200xf32>
    %slice3A_667 = vector.extract_strided_slice %mul3A_666 {offsets = [0, 66], sizes = [16, 1], strides = [1, 1]} : vector<16x200xf32> to vector<16x1xf32>
    %slice3A_668 = vector.extract_strided_slice %select_n3A {offsets = [66, 0, 0], sizes = [1, 16, 200], strides = [1, 1, 1]} : vector<200x16x200xf32> to vector<1x16x200xf32>
    %squeeze3A_669 = vector.shape_cast %slice3A_668 : vector<1x16x200xf32> to vector<16x200xf32>
    %mul3A_670 = vector.broadcast %slice3A_667 : vector<16x1xf32> to vector<16x200xf32>
    %mul3A_671 = arith.mulf %squeeze3A_669, %mul3A_670 : vector<16x200xf32>
    %sub3A_672 = arith.constant 1.000000e+00 : f32
    %sub3A_673 = vector.broadcast %sub3A_672 : f32 to vector<16x200xf32>
    %sub3A_674 = arith.subf %sub3A_673, %mul3A_671 : vector<16x200xf32>
    %mul3A_675 = arith.mulf %mul3A_666, %sub3A_674 : vector<16x200xf32>
    %slice3A_676 = vector.extract_strided_slice %mul3A_675 {offsets = [0, 67], sizes = [16, 1], strides = [1, 1]} : vector<16x200xf32> to vector<16x1xf32>
    %slice3A_677 = vector.extract_strided_slice %select_n3A {offsets = [67, 0, 0], sizes = [1, 16, 200], strides = [1, 1, 1]} : vector<200x16x200xf32> to vector<1x16x200xf32>
    %squeeze3A_678 = vector.shape_cast %slice3A_677 : vector<1x16x200xf32> to vector<16x200xf32>
    %mul3A_679 = vector.broadcast %slice3A_676 : vector<16x1xf32> to vector<16x200xf32>
    %mul3A_680 = arith.mulf %squeeze3A_678, %mul3A_679 : vector<16x200xf32>
    %sub3A_681 = arith.constant 1.000000e+00 : f32
    %sub3A_682 = vector.broadcast %sub3A_681 : f32 to vector<16x200xf32>
    %sub3A_683 = arith.subf %sub3A_682, %mul3A_680 : vector<16x200xf32>
    %mul3A_684 = arith.mulf %mul3A_675, %sub3A_683 : vector<16x200xf32>
    %slice3A_685 = vector.extract_strided_slice %mul3A_684 {offsets = [0, 68], sizes = [16, 1], strides = [1, 1]} : vector<16x200xf32> to vector<16x1xf32>
    %slice3A_686 = vector.extract_strided_slice %select_n3A {offsets = [68, 0, 0], sizes = [1, 16, 200], strides = [1, 1, 1]} : vector<200x16x200xf32> to vector<1x16x200xf32>
    %squeeze3A_687 = vector.shape_cast %slice3A_686 : vector<1x16x200xf32> to vector<16x200xf32>
    %mul3A_688 = vector.broadcast %slice3A_685 : vector<16x1xf32> to vector<16x200xf32>
    %mul3A_689 = arith.mulf %squeeze3A_687, %mul3A_688 : vector<16x200xf32>
    %sub3A_690 = arith.constant 1.000000e+00 : f32
    %sub3A_691 = vector.broadcast %sub3A_690 : f32 to vector<16x200xf32>
    %sub3A_692 = arith.subf %sub3A_691, %mul3A_689 : vector<16x200xf32>
    %mul3A_693 = arith.mulf %mul3A_684, %sub3A_692 : vector<16x200xf32>
    %slice3A_694 = vector.extract_strided_slice %mul3A_693 {offsets = [0, 69], sizes = [16, 1], strides = [1, 1]} : vector<16x200xf32> to vector<16x1xf32>
    %slice3A_695 = vector.extract_strided_slice %select_n3A {offsets = [69, 0, 0], sizes = [1, 16, 200], strides = [1, 1, 1]} : vector<200x16x200xf32> to vector<1x16x200xf32>
    %squeeze3A_696 = vector.shape_cast %slice3A_695 : vector<1x16x200xf32> to vector<16x200xf32>
    %mul3A_697 = vector.broadcast %slice3A_694 : vector<16x1xf32> to vector<16x200xf32>
    %mul3A_698 = arith.mulf %squeeze3A_696, %mul3A_697 : vector<16x200xf32>
    %sub3A_699 = arith.constant 1.000000e+00 : f32
    %sub3A_700 = vector.broadcast %sub3A_699 : f32 to vector<16x200xf32>
    %sub3A_701 = arith.subf %sub3A_700, %mul3A_698 : vector<16x200xf32>
    %mul3A_702 = arith.mulf %mul3A_693, %sub3A_701 : vector<16x200xf32>
    %slice3A_703 = vector.extract_strided_slice %mul3A_702 {offsets = [0, 70], sizes = [16, 1], strides = [1, 1]} : vector<16x200xf32> to vector<16x1xf32>
    %slice3A_704 = vector.extract_strided_slice %select_n3A {offsets = [70, 0, 0], sizes = [1, 16, 200], strides = [1, 1, 1]} : vector<200x16x200xf32> to vector<1x16x200xf32>
    %squeeze3A_705 = vector.shape_cast %slice3A_704 : vector<1x16x200xf32> to vector<16x200xf32>
    %mul3A_706 = vector.broadcast %slice3A_703 : vector<16x1xf32> to vector<16x200xf32>
    %mul3A_707 = arith.mulf %squeeze3A_705, %mul3A_706 : vector<16x200xf32>
    %sub3A_708 = arith.constant 1.000000e+00 : f32
    %sub3A_709 = vector.broadcast %sub3A_708 : f32 to vector<16x200xf32>
    %sub3A_710 = arith.subf %sub3A_709, %mul3A_707 : vector<16x200xf32>
    %mul3A_711 = arith.mulf %mul3A_702, %sub3A_710 : vector<16x200xf32>
    %slice3A_712 = vector.extract_strided_slice %mul3A_711 {offsets = [0, 71], sizes = [16, 1], strides = [1, 1]} : vector<16x200xf32> to vector<16x1xf32>
    %slice3A_713 = vector.extract_strided_slice %select_n3A {offsets = [71, 0, 0], sizes = [1, 16, 200], strides = [1, 1, 1]} : vector<200x16x200xf32> to vector<1x16x200xf32>
    %squeeze3A_714 = vector.shape_cast %slice3A_713 : vector<1x16x200xf32> to vector<16x200xf32>
    %mul3A_715 = vector.broadcast %slice3A_712 : vector<16x1xf32> to vector<16x200xf32>
    %mul3A_716 = arith.mulf %squeeze3A_714, %mul3A_715 : vector<16x200xf32>
    %sub3A_717 = arith.constant 1.000000e+00 : f32
    %sub3A_718 = vector.broadcast %sub3A_717 : f32 to vector<16x200xf32>
    %sub3A_719 = arith.subf %sub3A_718, %mul3A_716 : vector<16x200xf32>
    %mul3A_720 = arith.mulf %mul3A_711, %sub3A_719 : vector<16x200xf32>
    %slice3A_721 = vector.extract_strided_slice %mul3A_720 {offsets = [0, 72], sizes = [16, 1], strides = [1, 1]} : vector<16x200xf32> to vector<16x1xf32>
    %slice3A_722 = vector.extract_strided_slice %select_n3A {offsets = [72, 0, 0], sizes = [1, 16, 200], strides = [1, 1, 1]} : vector<200x16x200xf32> to vector<1x16x200xf32>
    %squeeze3A_723 = vector.shape_cast %slice3A_722 : vector<1x16x200xf32> to vector<16x200xf32>
    %mul3A_724 = vector.broadcast %slice3A_721 : vector<16x1xf32> to vector<16x200xf32>
    %mul3A_725 = arith.mulf %squeeze3A_723, %mul3A_724 : vector<16x200xf32>
    %sub3A_726 = arith.constant 1.000000e+00 : f32
    %sub3A_727 = vector.broadcast %sub3A_726 : f32 to vector<16x200xf32>
    %sub3A_728 = arith.subf %sub3A_727, %mul3A_725 : vector<16x200xf32>
    %mul3A_729 = arith.mulf %mul3A_720, %sub3A_728 : vector<16x200xf32>
    %slice3A_730 = vector.extract_strided_slice %mul3A_729 {offsets = [0, 73], sizes = [16, 1], strides = [1, 1]} : vector<16x200xf32> to vector<16x1xf32>
    %slice3A_731 = vector.extract_strided_slice %select_n3A {offsets = [73, 0, 0], sizes = [1, 16, 200], strides = [1, 1, 1]} : vector<200x16x200xf32> to vector<1x16x200xf32>
    %squeeze3A_732 = vector.shape_cast %slice3A_731 : vector<1x16x200xf32> to vector<16x200xf32>
    %mul3A_733 = vector.broadcast %slice3A_730 : vector<16x1xf32> to vector<16x200xf32>
    %mul3A_734 = arith.mulf %squeeze3A_732, %mul3A_733 : vector<16x200xf32>
    %sub3A_735 = arith.constant 1.000000e+00 : f32
    %sub3A_736 = vector.broadcast %sub3A_735 : f32 to vector<16x200xf32>
    %sub3A_737 = arith.subf %sub3A_736, %mul3A_734 : vector<16x200xf32>
    %mul3A_738 = arith.mulf %mul3A_729, %sub3A_737 : vector<16x200xf32>
    %slice3A_739 = vector.extract_strided_slice %mul3A_738 {offsets = [0, 74], sizes = [16, 1], strides = [1, 1]} : vector<16x200xf32> to vector<16x1xf32>
    %slice3A_740 = vector.extract_strided_slice %select_n3A {offsets = [74, 0, 0], sizes = [1, 16, 200], strides = [1, 1, 1]} : vector<200x16x200xf32> to vector<1x16x200xf32>
    %squeeze3A_741 = vector.shape_cast %slice3A_740 : vector<1x16x200xf32> to vector<16x200xf32>
    %mul3A_742 = vector.broadcast %slice3A_739 : vector<16x1xf32> to vector<16x200xf32>
    %mul3A_743 = arith.mulf %squeeze3A_741, %mul3A_742 : vector<16x200xf32>
    %sub3A_744 = arith.constant 1.000000e+00 : f32
    %sub3A_745 = vector.broadcast %sub3A_744 : f32 to vector<16x200xf32>
    %sub3A_746 = arith.subf %sub3A_745, %mul3A_743 : vector<16x200xf32>
    %mul3A_747 = arith.mulf %mul3A_738, %sub3A_746 : vector<16x200xf32>
    %slice3A_748 = vector.extract_strided_slice %mul3A_747 {offsets = [0, 75], sizes = [16, 1], strides = [1, 1]} : vector<16x200xf32> to vector<16x1xf32>
    %slice3A_749 = vector.extract_strided_slice %select_n3A {offsets = [75, 0, 0], sizes = [1, 16, 200], strides = [1, 1, 1]} : vector<200x16x200xf32> to vector<1x16x200xf32>
    %squeeze3A_750 = vector.shape_cast %slice3A_749 : vector<1x16x200xf32> to vector<16x200xf32>
    %mul3A_751 = vector.broadcast %slice3A_748 : vector<16x1xf32> to vector<16x200xf32>
    %mul3A_752 = arith.mulf %squeeze3A_750, %mul3A_751 : vector<16x200xf32>
    %sub3A_753 = arith.constant 1.000000e+00 : f32
    %sub3A_754 = vector.broadcast %sub3A_753 : f32 to vector<16x200xf32>
    %sub3A_755 = arith.subf %sub3A_754, %mul3A_752 : vector<16x200xf32>
    %mul3A_756 = arith.mulf %mul3A_747, %sub3A_755 : vector<16x200xf32>
    %slice3A_757 = vector.extract_strided_slice %mul3A_756 {offsets = [0, 76], sizes = [16, 1], strides = [1, 1]} : vector<16x200xf32> to vector<16x1xf32>
    %slice3A_758 = vector.extract_strided_slice %select_n3A {offsets = [76, 0, 0], sizes = [1, 16, 200], strides = [1, 1, 1]} : vector<200x16x200xf32> to vector<1x16x200xf32>
    %squeeze3A_759 = vector.shape_cast %slice3A_758 : vector<1x16x200xf32> to vector<16x200xf32>
    %mul3A_760 = vector.broadcast %slice3A_757 : vector<16x1xf32> to vector<16x200xf32>
    %mul3A_761 = arith.mulf %squeeze3A_759, %mul3A_760 : vector<16x200xf32>
    %sub3A_762 = arith.constant 1.000000e+00 : f32
    %sub3A_763 = vector.broadcast %sub3A_762 : f32 to vector<16x200xf32>
    %sub3A_764 = arith.subf %sub3A_763, %mul3A_761 : vector<16x200xf32>
    %mul3A_765 = arith.mulf %mul3A_756, %sub3A_764 : vector<16x200xf32>
    %slice3A_766 = vector.extract_strided_slice %mul3A_765 {offsets = [0, 77], sizes = [16, 1], strides = [1, 1]} : vector<16x200xf32> to vector<16x1xf32>
    %slice3A_767 = vector.extract_strided_slice %select_n3A {offsets = [77, 0, 0], sizes = [1, 16, 200], strides = [1, 1, 1]} : vector<200x16x200xf32> to vector<1x16x200xf32>
    %squeeze3A_768 = vector.shape_cast %slice3A_767 : vector<1x16x200xf32> to vector<16x200xf32>
    %mul3A_769 = vector.broadcast %slice3A_766 : vector<16x1xf32> to vector<16x200xf32>
    %mul3A_770 = arith.mulf %squeeze3A_768, %mul3A_769 : vector<16x200xf32>
    %sub3A_771 = arith.constant 1.000000e+00 : f32
    %sub3A_772 = vector.broadcast %sub3A_771 : f32 to vector<16x200xf32>
    %sub3A_773 = arith.subf %sub3A_772, %mul3A_770 : vector<16x200xf32>
    %mul3A_774 = arith.mulf %mul3A_765, %sub3A_773 : vector<16x200xf32>
    %slice3A_775 = vector.extract_strided_slice %mul3A_774 {offsets = [0, 78], sizes = [16, 1], strides = [1, 1]} : vector<16x200xf32> to vector<16x1xf32>
    %slice3A_776 = vector.extract_strided_slice %select_n3A {offsets = [78, 0, 0], sizes = [1, 16, 200], strides = [1, 1, 1]} : vector<200x16x200xf32> to vector<1x16x200xf32>
    %squeeze3A_777 = vector.shape_cast %slice3A_776 : vector<1x16x200xf32> to vector<16x200xf32>
    %mul3A_778 = vector.broadcast %slice3A_775 : vector<16x1xf32> to vector<16x200xf32>
    %mul3A_779 = arith.mulf %squeeze3A_777, %mul3A_778 : vector<16x200xf32>
    %sub3A_780 = arith.constant 1.000000e+00 : f32
    %sub3A_781 = vector.broadcast %sub3A_780 : f32 to vector<16x200xf32>
    %sub3A_782 = arith.subf %sub3A_781, %mul3A_779 : vector<16x200xf32>
    %mul3A_783 = arith.mulf %mul3A_774, %sub3A_782 : vector<16x200xf32>
    %slice3A_784 = vector.extract_strided_slice %mul3A_783 {offsets = [0, 79], sizes = [16, 1], strides = [1, 1]} : vector<16x200xf32> to vector<16x1xf32>
    %slice3A_785 = vector.extract_strided_slice %select_n3A {offsets = [79, 0, 0], sizes = [1, 16, 200], strides = [1, 1, 1]} : vector<200x16x200xf32> to vector<1x16x200xf32>
    %squeeze3A_786 = vector.shape_cast %slice3A_785 : vector<1x16x200xf32> to vector<16x200xf32>
    %mul3A_787 = vector.broadcast %slice3A_784 : vector<16x1xf32> to vector<16x200xf32>
    %mul3A_788 = arith.mulf %squeeze3A_786, %mul3A_787 : vector<16x200xf32>
    %sub3A_789 = arith.constant 1.000000e+00 : f32
    %sub3A_790 = vector.broadcast %sub3A_789 : f32 to vector<16x200xf32>
    %sub3A_791 = arith.subf %sub3A_790, %mul3A_788 : vector<16x200xf32>
    %mul3A_792 = arith.mulf %mul3A_783, %sub3A_791 : vector<16x200xf32>
    %slice3A_793 = vector.extract_strided_slice %mul3A_792 {offsets = [0, 80], sizes = [16, 1], strides = [1, 1]} : vector<16x200xf32> to vector<16x1xf32>
    %slice3A_794 = vector.extract_strided_slice %select_n3A {offsets = [80, 0, 0], sizes = [1, 16, 200], strides = [1, 1, 1]} : vector<200x16x200xf32> to vector<1x16x200xf32>
    %squeeze3A_795 = vector.shape_cast %slice3A_794 : vector<1x16x200xf32> to vector<16x200xf32>
    %mul3A_796 = vector.broadcast %slice3A_793 : vector<16x1xf32> to vector<16x200xf32>
    %mul3A_797 = arith.mulf %squeeze3A_795, %mul3A_796 : vector<16x200xf32>
    %sub3A_798 = arith.constant 1.000000e+00 : f32
    %sub3A_799 = vector.broadcast %sub3A_798 : f32 to vector<16x200xf32>
    %sub3A_800 = arith.subf %sub3A_799, %mul3A_797 : vector<16x200xf32>
    %mul3A_801 = arith.mulf %mul3A_792, %sub3A_800 : vector<16x200xf32>
    %slice3A_802 = vector.extract_strided_slice %mul3A_801 {offsets = [0, 81], sizes = [16, 1], strides = [1, 1]} : vector<16x200xf32> to vector<16x1xf32>
    %slice3A_803 = vector.extract_strided_slice %select_n3A {offsets = [81, 0, 0], sizes = [1, 16, 200], strides = [1, 1, 1]} : vector<200x16x200xf32> to vector<1x16x200xf32>
    %squeeze3A_804 = vector.shape_cast %slice3A_803 : vector<1x16x200xf32> to vector<16x200xf32>
    %mul3A_805 = vector.broadcast %slice3A_802 : vector<16x1xf32> to vector<16x200xf32>
    %mul3A_806 = arith.mulf %squeeze3A_804, %mul3A_805 : vector<16x200xf32>
    %sub3A_807 = arith.constant 1.000000e+00 : f32
    %sub3A_808 = vector.broadcast %sub3A_807 : f32 to vector<16x200xf32>
    %sub3A_809 = arith.subf %sub3A_808, %mul3A_806 : vector<16x200xf32>
    %mul3A_810 = arith.mulf %mul3A_801, %sub3A_809 : vector<16x200xf32>
    %slice3A_811 = vector.extract_strided_slice %mul3A_810 {offsets = [0, 82], sizes = [16, 1], strides = [1, 1]} : vector<16x200xf32> to vector<16x1xf32>
    %slice3A_812 = vector.extract_strided_slice %select_n3A {offsets = [82, 0, 0], sizes = [1, 16, 200], strides = [1, 1, 1]} : vector<200x16x200xf32> to vector<1x16x200xf32>
    %squeeze3A_813 = vector.shape_cast %slice3A_812 : vector<1x16x200xf32> to vector<16x200xf32>
    %mul3A_814 = vector.broadcast %slice3A_811 : vector<16x1xf32> to vector<16x200xf32>
    %mul3A_815 = arith.mulf %squeeze3A_813, %mul3A_814 : vector<16x200xf32>
    %sub3A_816 = arith.constant 1.000000e+00 : f32
    %sub3A_817 = vector.broadcast %sub3A_816 : f32 to vector<16x200xf32>
    %sub3A_818 = arith.subf %sub3A_817, %mul3A_815 : vector<16x200xf32>
    %mul3A_819 = arith.mulf %mul3A_810, %sub3A_818 : vector<16x200xf32>
    %slice3A_820 = vector.extract_strided_slice %mul3A_819 {offsets = [0, 83], sizes = [16, 1], strides = [1, 1]} : vector<16x200xf32> to vector<16x1xf32>
    %slice3A_821 = vector.extract_strided_slice %select_n3A {offsets = [83, 0, 0], sizes = [1, 16, 200], strides = [1, 1, 1]} : vector<200x16x200xf32> to vector<1x16x200xf32>
    %squeeze3A_822 = vector.shape_cast %slice3A_821 : vector<1x16x200xf32> to vector<16x200xf32>
    %mul3A_823 = vector.broadcast %slice3A_820 : vector<16x1xf32> to vector<16x200xf32>
    %mul3A_824 = arith.mulf %squeeze3A_822, %mul3A_823 : vector<16x200xf32>
    %sub3A_825 = arith.constant 1.000000e+00 : f32
    %sub3A_826 = vector.broadcast %sub3A_825 : f32 to vector<16x200xf32>
    %sub3A_827 = arith.subf %sub3A_826, %mul3A_824 : vector<16x200xf32>
    %mul3A_828 = arith.mulf %mul3A_819, %sub3A_827 : vector<16x200xf32>
    %slice3A_829 = vector.extract_strided_slice %mul3A_828 {offsets = [0, 84], sizes = [16, 1], strides = [1, 1]} : vector<16x200xf32> to vector<16x1xf32>
    %slice3A_830 = vector.extract_strided_slice %select_n3A {offsets = [84, 0, 0], sizes = [1, 16, 200], strides = [1, 1, 1]} : vector<200x16x200xf32> to vector<1x16x200xf32>
    %squeeze3A_831 = vector.shape_cast %slice3A_830 : vector<1x16x200xf32> to vector<16x200xf32>
    %mul3A_832 = vector.broadcast %slice3A_829 : vector<16x1xf32> to vector<16x200xf32>
    %mul3A_833 = arith.mulf %squeeze3A_831, %mul3A_832 : vector<16x200xf32>
    %sub3A_834 = arith.constant 1.000000e+00 : f32
    %sub3A_835 = vector.broadcast %sub3A_834 : f32 to vector<16x200xf32>
    %sub3A_836 = arith.subf %sub3A_835, %mul3A_833 : vector<16x200xf32>
    %mul3A_837 = arith.mulf %mul3A_828, %sub3A_836 : vector<16x200xf32>
    %slice3A_838 = vector.extract_strided_slice %mul3A_837 {offsets = [0, 85], sizes = [16, 1], strides = [1, 1]} : vector<16x200xf32> to vector<16x1xf32>
    %slice3A_839 = vector.extract_strided_slice %select_n3A {offsets = [85, 0, 0], sizes = [1, 16, 200], strides = [1, 1, 1]} : vector<200x16x200xf32> to vector<1x16x200xf32>
    %squeeze3A_840 = vector.shape_cast %slice3A_839 : vector<1x16x200xf32> to vector<16x200xf32>
    %mul3A_841 = vector.broadcast %slice3A_838 : vector<16x1xf32> to vector<16x200xf32>
    %mul3A_842 = arith.mulf %squeeze3A_840, %mul3A_841 : vector<16x200xf32>
    %sub3A_843 = arith.constant 1.000000e+00 : f32
    %sub3A_844 = vector.broadcast %sub3A_843 : f32 to vector<16x200xf32>
    %sub3A_845 = arith.subf %sub3A_844, %mul3A_842 : vector<16x200xf32>
    %mul3A_846 = arith.mulf %mul3A_837, %sub3A_845 : vector<16x200xf32>
    %slice3A_847 = vector.extract_strided_slice %mul3A_846 {offsets = [0, 86], sizes = [16, 1], strides = [1, 1]} : vector<16x200xf32> to vector<16x1xf32>
    %slice3A_848 = vector.extract_strided_slice %select_n3A {offsets = [86, 0, 0], sizes = [1, 16, 200], strides = [1, 1, 1]} : vector<200x16x200xf32> to vector<1x16x200xf32>
    %squeeze3A_849 = vector.shape_cast %slice3A_848 : vector<1x16x200xf32> to vector<16x200xf32>
    %mul3A_850 = vector.broadcast %slice3A_847 : vector<16x1xf32> to vector<16x200xf32>
    %mul3A_851 = arith.mulf %squeeze3A_849, %mul3A_850 : vector<16x200xf32>
    %sub3A_852 = arith.constant 1.000000e+00 : f32
    %sub3A_853 = vector.broadcast %sub3A_852 : f32 to vector<16x200xf32>
    %sub3A_854 = arith.subf %sub3A_853, %mul3A_851 : vector<16x200xf32>
    %mul3A_855 = arith.mulf %mul3A_846, %sub3A_854 : vector<16x200xf32>
    %slice3A_856 = vector.extract_strided_slice %mul3A_855 {offsets = [0, 87], sizes = [16, 1], strides = [1, 1]} : vector<16x200xf32> to vector<16x1xf32>
    %slice3A_857 = vector.extract_strided_slice %select_n3A {offsets = [87, 0, 0], sizes = [1, 16, 200], strides = [1, 1, 1]} : vector<200x16x200xf32> to vector<1x16x200xf32>
    %squeeze3A_858 = vector.shape_cast %slice3A_857 : vector<1x16x200xf32> to vector<16x200xf32>
    %mul3A_859 = vector.broadcast %slice3A_856 : vector<16x1xf32> to vector<16x200xf32>
    %mul3A_860 = arith.mulf %squeeze3A_858, %mul3A_859 : vector<16x200xf32>
    %sub3A_861 = arith.constant 1.000000e+00 : f32
    %sub3A_862 = vector.broadcast %sub3A_861 : f32 to vector<16x200xf32>
    %sub3A_863 = arith.subf %sub3A_862, %mul3A_860 : vector<16x200xf32>
    %mul3A_864 = arith.mulf %mul3A_855, %sub3A_863 : vector<16x200xf32>
    %slice3A_865 = vector.extract_strided_slice %mul3A_864 {offsets = [0, 88], sizes = [16, 1], strides = [1, 1]} : vector<16x200xf32> to vector<16x1xf32>
    %slice3A_866 = vector.extract_strided_slice %select_n3A {offsets = [88, 0, 0], sizes = [1, 16, 200], strides = [1, 1, 1]} : vector<200x16x200xf32> to vector<1x16x200xf32>
    %squeeze3A_867 = vector.shape_cast %slice3A_866 : vector<1x16x200xf32> to vector<16x200xf32>
    %mul3A_868 = vector.broadcast %slice3A_865 : vector<16x1xf32> to vector<16x200xf32>
    %mul3A_869 = arith.mulf %squeeze3A_867, %mul3A_868 : vector<16x200xf32>
    %sub3A_870 = arith.constant 1.000000e+00 : f32
    %sub3A_871 = vector.broadcast %sub3A_870 : f32 to vector<16x200xf32>
    %sub3A_872 = arith.subf %sub3A_871, %mul3A_869 : vector<16x200xf32>
    %mul3A_873 = arith.mulf %mul3A_864, %sub3A_872 : vector<16x200xf32>
    %slice3A_874 = vector.extract_strided_slice %mul3A_873 {offsets = [0, 89], sizes = [16, 1], strides = [1, 1]} : vector<16x200xf32> to vector<16x1xf32>
    %slice3A_875 = vector.extract_strided_slice %select_n3A {offsets = [89, 0, 0], sizes = [1, 16, 200], strides = [1, 1, 1]} : vector<200x16x200xf32> to vector<1x16x200xf32>
    %squeeze3A_876 = vector.shape_cast %slice3A_875 : vector<1x16x200xf32> to vector<16x200xf32>
    %mul3A_877 = vector.broadcast %slice3A_874 : vector<16x1xf32> to vector<16x200xf32>
    %mul3A_878 = arith.mulf %squeeze3A_876, %mul3A_877 : vector<16x200xf32>
    %sub3A_879 = arith.constant 1.000000e+00 : f32
    %sub3A_880 = vector.broadcast %sub3A_879 : f32 to vector<16x200xf32>
    %sub3A_881 = arith.subf %sub3A_880, %mul3A_878 : vector<16x200xf32>
    %mul3A_882 = arith.mulf %mul3A_873, %sub3A_881 : vector<16x200xf32>
    %slice3A_883 = vector.extract_strided_slice %mul3A_882 {offsets = [0, 90], sizes = [16, 1], strides = [1, 1]} : vector<16x200xf32> to vector<16x1xf32>
    %slice3A_884 = vector.extract_strided_slice %select_n3A {offsets = [90, 0, 0], sizes = [1, 16, 200], strides = [1, 1, 1]} : vector<200x16x200xf32> to vector<1x16x200xf32>
    %squeeze3A_885 = vector.shape_cast %slice3A_884 : vector<1x16x200xf32> to vector<16x200xf32>
    %mul3A_886 = vector.broadcast %slice3A_883 : vector<16x1xf32> to vector<16x200xf32>
    %mul3A_887 = arith.mulf %squeeze3A_885, %mul3A_886 : vector<16x200xf32>
    %sub3A_888 = arith.constant 1.000000e+00 : f32
    %sub3A_889 = vector.broadcast %sub3A_888 : f32 to vector<16x200xf32>
    %sub3A_890 = arith.subf %sub3A_889, %mul3A_887 : vector<16x200xf32>
    %mul3A_891 = arith.mulf %mul3A_882, %sub3A_890 : vector<16x200xf32>
    %slice3A_892 = vector.extract_strided_slice %mul3A_891 {offsets = [0, 91], sizes = [16, 1], strides = [1, 1]} : vector<16x200xf32> to vector<16x1xf32>
    %slice3A_893 = vector.extract_strided_slice %select_n3A {offsets = [91, 0, 0], sizes = [1, 16, 200], strides = [1, 1, 1]} : vector<200x16x200xf32> to vector<1x16x200xf32>
    %squeeze3A_894 = vector.shape_cast %slice3A_893 : vector<1x16x200xf32> to vector<16x200xf32>
    %mul3A_895 = vector.broadcast %slice3A_892 : vector<16x1xf32> to vector<16x200xf32>
    %mul3A_896 = arith.mulf %squeeze3A_894, %mul3A_895 : vector<16x200xf32>
    %sub3A_897 = arith.constant 1.000000e+00 : f32
    %sub3A_898 = vector.broadcast %sub3A_897 : f32 to vector<16x200xf32>
    %sub3A_899 = arith.subf %sub3A_898, %mul3A_896 : vector<16x200xf32>
    %mul3A_900 = arith.mulf %mul3A_891, %sub3A_899 : vector<16x200xf32>
    %slice3A_901 = vector.extract_strided_slice %mul3A_900 {offsets = [0, 92], sizes = [16, 1], strides = [1, 1]} : vector<16x200xf32> to vector<16x1xf32>
    %slice3A_902 = vector.extract_strided_slice %select_n3A {offsets = [92, 0, 0], sizes = [1, 16, 200], strides = [1, 1, 1]} : vector<200x16x200xf32> to vector<1x16x200xf32>
    %squeeze3A_903 = vector.shape_cast %slice3A_902 : vector<1x16x200xf32> to vector<16x200xf32>
    %mul3A_904 = vector.broadcast %slice3A_901 : vector<16x1xf32> to vector<16x200xf32>
    %mul3A_905 = arith.mulf %squeeze3A_903, %mul3A_904 : vector<16x200xf32>
    %sub3A_906 = arith.constant 1.000000e+00 : f32
    %sub3A_907 = vector.broadcast %sub3A_906 : f32 to vector<16x200xf32>
    %sub3A_908 = arith.subf %sub3A_907, %mul3A_905 : vector<16x200xf32>
    %mul3A_909 = arith.mulf %mul3A_900, %sub3A_908 : vector<16x200xf32>
    %slice3A_910 = vector.extract_strided_slice %mul3A_909 {offsets = [0, 93], sizes = [16, 1], strides = [1, 1]} : vector<16x200xf32> to vector<16x1xf32>
    %slice3A_911 = vector.extract_strided_slice %select_n3A {offsets = [93, 0, 0], sizes = [1, 16, 200], strides = [1, 1, 1]} : vector<200x16x200xf32> to vector<1x16x200xf32>
    %squeeze3A_912 = vector.shape_cast %slice3A_911 : vector<1x16x200xf32> to vector<16x200xf32>
    %mul3A_913 = vector.broadcast %slice3A_910 : vector<16x1xf32> to vector<16x200xf32>
    %mul3A_914 = arith.mulf %squeeze3A_912, %mul3A_913 : vector<16x200xf32>
    %sub3A_915 = arith.constant 1.000000e+00 : f32
    %sub3A_916 = vector.broadcast %sub3A_915 : f32 to vector<16x200xf32>
    %sub3A_917 = arith.subf %sub3A_916, %mul3A_914 : vector<16x200xf32>
    %mul3A_918 = arith.mulf %mul3A_909, %sub3A_917 : vector<16x200xf32>
    %slice3A_919 = vector.extract_strided_slice %mul3A_918 {offsets = [0, 94], sizes = [16, 1], strides = [1, 1]} : vector<16x200xf32> to vector<16x1xf32>
    %slice3A_920 = vector.extract_strided_slice %select_n3A {offsets = [94, 0, 0], sizes = [1, 16, 200], strides = [1, 1, 1]} : vector<200x16x200xf32> to vector<1x16x200xf32>
    %squeeze3A_921 = vector.shape_cast %slice3A_920 : vector<1x16x200xf32> to vector<16x200xf32>
    %mul3A_922 = vector.broadcast %slice3A_919 : vector<16x1xf32> to vector<16x200xf32>
    %mul3A_923 = arith.mulf %squeeze3A_921, %mul3A_922 : vector<16x200xf32>
    %sub3A_924 = arith.constant 1.000000e+00 : f32
    %sub3A_925 = vector.broadcast %sub3A_924 : f32 to vector<16x200xf32>
    %sub3A_926 = arith.subf %sub3A_925, %mul3A_923 : vector<16x200xf32>
    %mul3A_927 = arith.mulf %mul3A_918, %sub3A_926 : vector<16x200xf32>
    %slice3A_928 = vector.extract_strided_slice %mul3A_927 {offsets = [0, 95], sizes = [16, 1], strides = [1, 1]} : vector<16x200xf32> to vector<16x1xf32>
    %slice3A_929 = vector.extract_strided_slice %select_n3A {offsets = [95, 0, 0], sizes = [1, 16, 200], strides = [1, 1, 1]} : vector<200x16x200xf32> to vector<1x16x200xf32>
    %squeeze3A_930 = vector.shape_cast %slice3A_929 : vector<1x16x200xf32> to vector<16x200xf32>
    %mul3A_931 = vector.broadcast %slice3A_928 : vector<16x1xf32> to vector<16x200xf32>
    %mul3A_932 = arith.mulf %squeeze3A_930, %mul3A_931 : vector<16x200xf32>
    %sub3A_933 = arith.constant 1.000000e+00 : f32
    %sub3A_934 = vector.broadcast %sub3A_933 : f32 to vector<16x200xf32>
    %sub3A_935 = arith.subf %sub3A_934, %mul3A_932 : vector<16x200xf32>
    %mul3A_936 = arith.mulf %mul3A_927, %sub3A_935 : vector<16x200xf32>
    %slice3A_937 = vector.extract_strided_slice %mul3A_936 {offsets = [0, 96], sizes = [16, 1], strides = [1, 1]} : vector<16x200xf32> to vector<16x1xf32>
    %slice3A_938 = vector.extract_strided_slice %select_n3A {offsets = [96, 0, 0], sizes = [1, 16, 200], strides = [1, 1, 1]} : vector<200x16x200xf32> to vector<1x16x200xf32>
    %squeeze3A_939 = vector.shape_cast %slice3A_938 : vector<1x16x200xf32> to vector<16x200xf32>
    %mul3A_940 = vector.broadcast %slice3A_937 : vector<16x1xf32> to vector<16x200xf32>
    %mul3A_941 = arith.mulf %squeeze3A_939, %mul3A_940 : vector<16x200xf32>
    %sub3A_942 = arith.constant 1.000000e+00 : f32
    %sub3A_943 = vector.broadcast %sub3A_942 : f32 to vector<16x200xf32>
    %sub3A_944 = arith.subf %sub3A_943, %mul3A_941 : vector<16x200xf32>
    %mul3A_945 = arith.mulf %mul3A_936, %sub3A_944 : vector<16x200xf32>
    %slice3A_946 = vector.extract_strided_slice %mul3A_945 {offsets = [0, 97], sizes = [16, 1], strides = [1, 1]} : vector<16x200xf32> to vector<16x1xf32>
    %slice3A_947 = vector.extract_strided_slice %select_n3A {offsets = [97, 0, 0], sizes = [1, 16, 200], strides = [1, 1, 1]} : vector<200x16x200xf32> to vector<1x16x200xf32>
    %squeeze3A_948 = vector.shape_cast %slice3A_947 : vector<1x16x200xf32> to vector<16x200xf32>
    %mul3A_949 = vector.broadcast %slice3A_946 : vector<16x1xf32> to vector<16x200xf32>
    %mul3A_950 = arith.mulf %squeeze3A_948, %mul3A_949 : vector<16x200xf32>
    %sub3A_951 = arith.constant 1.000000e+00 : f32
    %sub3A_952 = vector.broadcast %sub3A_951 : f32 to vector<16x200xf32>
    %sub3A_953 = arith.subf %sub3A_952, %mul3A_950 : vector<16x200xf32>
    %mul3A_954 = arith.mulf %mul3A_945, %sub3A_953 : vector<16x200xf32>
    %slice3A_955 = vector.extract_strided_slice %mul3A_954 {offsets = [0, 98], sizes = [16, 1], strides = [1, 1]} : vector<16x200xf32> to vector<16x1xf32>
    %slice3A_956 = vector.extract_strided_slice %select_n3A {offsets = [98, 0, 0], sizes = [1, 16, 200], strides = [1, 1, 1]} : vector<200x16x200xf32> to vector<1x16x200xf32>
    %squeeze3A_957 = vector.shape_cast %slice3A_956 : vector<1x16x200xf32> to vector<16x200xf32>
    %mul3A_958 = vector.broadcast %slice3A_955 : vector<16x1xf32> to vector<16x200xf32>
    %mul3A_959 = arith.mulf %squeeze3A_957, %mul3A_958 : vector<16x200xf32>
    %sub3A_960 = arith.constant 1.000000e+00 : f32
    %sub3A_961 = vector.broadcast %sub3A_960 : f32 to vector<16x200xf32>
    %sub3A_962 = arith.subf %sub3A_961, %mul3A_959 : vector<16x200xf32>
    %mul3A_963 = arith.mulf %mul3A_954, %sub3A_962 : vector<16x200xf32>
    %slice3A_964 = vector.extract_strided_slice %mul3A_963 {offsets = [0, 99], sizes = [16, 1], strides = [1, 1]} : vector<16x200xf32> to vector<16x1xf32>
    %slice3A_965 = vector.extract_strided_slice %select_n3A {offsets = [99, 0, 0], sizes = [1, 16, 200], strides = [1, 1, 1]} : vector<200x16x200xf32> to vector<1x16x200xf32>
    %squeeze3A_966 = vector.shape_cast %slice3A_965 : vector<1x16x200xf32> to vector<16x200xf32>
    %mul3A_967 = vector.broadcast %slice3A_964 : vector<16x1xf32> to vector<16x200xf32>
    %mul3A_968 = arith.mulf %squeeze3A_966, %mul3A_967 : vector<16x200xf32>
    %sub3A_969 = arith.constant 1.000000e+00 : f32
    %sub3A_970 = vector.broadcast %sub3A_969 : f32 to vector<16x200xf32>
    %sub3A_971 = arith.subf %sub3A_970, %mul3A_968 : vector<16x200xf32>
    %mul3A_972 = arith.mulf %mul3A_963, %sub3A_971 : vector<16x200xf32>
    %slice3A_973 = vector.extract_strided_slice %mul3A_972 {offsets = [0, 100], sizes = [16, 1], strides = [1, 1]} : vector<16x200xf32> to vector<16x1xf32>
    %slice3A_974 = vector.extract_strided_slice %select_n3A {offsets = [100, 0, 0], sizes = [1, 16, 200], strides = [1, 1, 1]} : vector<200x16x200xf32> to vector<1x16x200xf32>
    %squeeze3A_975 = vector.shape_cast %slice3A_974 : vector<1x16x200xf32> to vector<16x200xf32>
    %mul3A_976 = vector.broadcast %slice3A_973 : vector<16x1xf32> to vector<16x200xf32>
    %mul3A_977 = arith.mulf %squeeze3A_975, %mul3A_976 : vector<16x200xf32>
    %sub3A_978 = arith.constant 1.000000e+00 : f32
    %sub3A_979 = vector.broadcast %sub3A_978 : f32 to vector<16x200xf32>
    %sub3A_980 = arith.subf %sub3A_979, %mul3A_977 : vector<16x200xf32>
    %mul3A_981 = arith.mulf %mul3A_972, %sub3A_980 : vector<16x200xf32>
    %slice3A_982 = vector.extract_strided_slice %mul3A_981 {offsets = [0, 101], sizes = [16, 1], strides = [1, 1]} : vector<16x200xf32> to vector<16x1xf32>
    %slice3A_983 = vector.extract_strided_slice %select_n3A {offsets = [101, 0, 0], sizes = [1, 16, 200], strides = [1, 1, 1]} : vector<200x16x200xf32> to vector<1x16x200xf32>
    %squeeze3A_984 = vector.shape_cast %slice3A_983 : vector<1x16x200xf32> to vector<16x200xf32>
    %mul3A_985 = vector.broadcast %slice3A_982 : vector<16x1xf32> to vector<16x200xf32>
    %mul3A_986 = arith.mulf %squeeze3A_984, %mul3A_985 : vector<16x200xf32>
    %sub3A_987 = arith.constant 1.000000e+00 : f32
    %sub3A_988 = vector.broadcast %sub3A_987 : f32 to vector<16x200xf32>
    %sub3A_989 = arith.subf %sub3A_988, %mul3A_986 : vector<16x200xf32>
    %mul3A_990 = arith.mulf %mul3A_981, %sub3A_989 : vector<16x200xf32>
    %slice3A_991 = vector.extract_strided_slice %mul3A_990 {offsets = [0, 102], sizes = [16, 1], strides = [1, 1]} : vector<16x200xf32> to vector<16x1xf32>
    %slice3A_992 = vector.extract_strided_slice %select_n3A {offsets = [102, 0, 0], sizes = [1, 16, 200], strides = [1, 1, 1]} : vector<200x16x200xf32> to vector<1x16x200xf32>
    %squeeze3A_993 = vector.shape_cast %slice3A_992 : vector<1x16x200xf32> to vector<16x200xf32>
    %mul3A_994 = vector.broadcast %slice3A_991 : vector<16x1xf32> to vector<16x200xf32>
    %mul3A_995 = arith.mulf %squeeze3A_993, %mul3A_994 : vector<16x200xf32>
    %sub3A_996 = arith.constant 1.000000e+00 : f32
    %sub3A_997 = vector.broadcast %sub3A_996 : f32 to vector<16x200xf32>
    %sub3A_998 = arith.subf %sub3A_997, %mul3A_995 : vector<16x200xf32>
    %mul3A_999 = arith.mulf %mul3A_990, %sub3A_998 : vector<16x200xf32>
    %slice3A_1000 = vector.extract_strided_slice %mul3A_999 {offsets = [0, 103], sizes = [16, 1], strides = [1, 1]} : vector<16x200xf32> to vector<16x1xf32>
    %slice3A_1001 = vector.extract_strided_slice %select_n3A {offsets = [103, 0, 0], sizes = [1, 16, 200], strides = [1, 1, 1]} : vector<200x16x200xf32> to vector<1x16x200xf32>
    %squeeze3A_1002 = vector.shape_cast %slice3A_1001 : vector<1x16x200xf32> to vector<16x200xf32>
    %mul3A_1003 = vector.broadcast %slice3A_1000 : vector<16x1xf32> to vector<16x200xf32>
    %mul3A_1004 = arith.mulf %squeeze3A_1002, %mul3A_1003 : vector<16x200xf32>
    %sub3A_1005 = arith.constant 1.000000e+00 : f32
    %sub3A_1006 = vector.broadcast %sub3A_1005 : f32 to vector<16x200xf32>
    %sub3A_1007 = arith.subf %sub3A_1006, %mul3A_1004 : vector<16x200xf32>
    %mul3A_1008 = arith.mulf %mul3A_999, %sub3A_1007 : vector<16x200xf32>
    %slice3A_1009 = vector.extract_strided_slice %mul3A_1008 {offsets = [0, 104], sizes = [16, 1], strides = [1, 1]} : vector<16x200xf32> to vector<16x1xf32>
    %slice3A_1010 = vector.extract_strided_slice %select_n3A {offsets = [104, 0, 0], sizes = [1, 16, 200], strides = [1, 1, 1]} : vector<200x16x200xf32> to vector<1x16x200xf32>
    %squeeze3A_1011 = vector.shape_cast %slice3A_1010 : vector<1x16x200xf32> to vector<16x200xf32>
    %mul3A_1012 = vector.broadcast %slice3A_1009 : vector<16x1xf32> to vector<16x200xf32>
    %mul3A_1013 = arith.mulf %squeeze3A_1011, %mul3A_1012 : vector<16x200xf32>
    %sub3A_1014 = arith.constant 1.000000e+00 : f32
    %sub3A_1015 = vector.broadcast %sub3A_1014 : f32 to vector<16x200xf32>
    %sub3A_1016 = arith.subf %sub3A_1015, %mul3A_1013 : vector<16x200xf32>
    %mul3A_1017 = arith.mulf %mul3A_1008, %sub3A_1016 : vector<16x200xf32>
    %slice3A_1018 = vector.extract_strided_slice %mul3A_1017 {offsets = [0, 105], sizes = [16, 1], strides = [1, 1]} : vector<16x200xf32> to vector<16x1xf32>
    %slice3A_1019 = vector.extract_strided_slice %select_n3A {offsets = [105, 0, 0], sizes = [1, 16, 200], strides = [1, 1, 1]} : vector<200x16x200xf32> to vector<1x16x200xf32>
    %squeeze3A_1020 = vector.shape_cast %slice3A_1019 : vector<1x16x200xf32> to vector<16x200xf32>
    %mul3A_1021 = vector.broadcast %slice3A_1018 : vector<16x1xf32> to vector<16x200xf32>
    %mul3A_1022 = arith.mulf %squeeze3A_1020, %mul3A_1021 : vector<16x200xf32>
    %sub3A_1023 = arith.constant 1.000000e+00 : f32
    %sub3A_1024 = vector.broadcast %sub3A_1023 : f32 to vector<16x200xf32>
    %sub3A_1025 = arith.subf %sub3A_1024, %mul3A_1022 : vector<16x200xf32>
    %mul3A_1026 = arith.mulf %mul3A_1017, %sub3A_1025 : vector<16x200xf32>
    %slice3A_1027 = vector.extract_strided_slice %mul3A_1026 {offsets = [0, 106], sizes = [16, 1], strides = [1, 1]} : vector<16x200xf32> to vector<16x1xf32>
    %slice3A_1028 = vector.extract_strided_slice %select_n3A {offsets = [106, 0, 0], sizes = [1, 16, 200], strides = [1, 1, 1]} : vector<200x16x200xf32> to vector<1x16x200xf32>
    %squeeze3A_1029 = vector.shape_cast %slice3A_1028 : vector<1x16x200xf32> to vector<16x200xf32>
    %mul3A_1030 = vector.broadcast %slice3A_1027 : vector<16x1xf32> to vector<16x200xf32>
    %mul3A_1031 = arith.mulf %squeeze3A_1029, %mul3A_1030 : vector<16x200xf32>
    %sub3A_1032 = arith.constant 1.000000e+00 : f32
    %sub3A_1033 = vector.broadcast %sub3A_1032 : f32 to vector<16x200xf32>
    %sub3A_1034 = arith.subf %sub3A_1033, %mul3A_1031 : vector<16x200xf32>
    %mul3A_1035 = arith.mulf %mul3A_1026, %sub3A_1034 : vector<16x200xf32>
    %slice3A_1036 = vector.extract_strided_slice %mul3A_1035 {offsets = [0, 107], sizes = [16, 1], strides = [1, 1]} : vector<16x200xf32> to vector<16x1xf32>
    %slice3A_1037 = vector.extract_strided_slice %select_n3A {offsets = [107, 0, 0], sizes = [1, 16, 200], strides = [1, 1, 1]} : vector<200x16x200xf32> to vector<1x16x200xf32>
    %squeeze3A_1038 = vector.shape_cast %slice3A_1037 : vector<1x16x200xf32> to vector<16x200xf32>
    %mul3A_1039 = vector.broadcast %slice3A_1036 : vector<16x1xf32> to vector<16x200xf32>
    %mul3A_1040 = arith.mulf %squeeze3A_1038, %mul3A_1039 : vector<16x200xf32>
    %sub3A_1041 = arith.constant 1.000000e+00 : f32
    %sub3A_1042 = vector.broadcast %sub3A_1041 : f32 to vector<16x200xf32>
    %sub3A_1043 = arith.subf %sub3A_1042, %mul3A_1040 : vector<16x200xf32>
    %mul3A_1044 = arith.mulf %mul3A_1035, %sub3A_1043 : vector<16x200xf32>
    %slice3A_1045 = vector.extract_strided_slice %mul3A_1044 {offsets = [0, 108], sizes = [16, 1], strides = [1, 1]} : vector<16x200xf32> to vector<16x1xf32>
    %slice3A_1046 = vector.extract_strided_slice %select_n3A {offsets = [108, 0, 0], sizes = [1, 16, 200], strides = [1, 1, 1]} : vector<200x16x200xf32> to vector<1x16x200xf32>
    %squeeze3A_1047 = vector.shape_cast %slice3A_1046 : vector<1x16x200xf32> to vector<16x200xf32>
    %mul3A_1048 = vector.broadcast %slice3A_1045 : vector<16x1xf32> to vector<16x200xf32>
    %mul3A_1049 = arith.mulf %squeeze3A_1047, %mul3A_1048 : vector<16x200xf32>
    %sub3A_1050 = arith.constant 1.000000e+00 : f32
    %sub3A_1051 = vector.broadcast %sub3A_1050 : f32 to vector<16x200xf32>
    %sub3A_1052 = arith.subf %sub3A_1051, %mul3A_1049 : vector<16x200xf32>
    %mul3A_1053 = arith.mulf %mul3A_1044, %sub3A_1052 : vector<16x200xf32>
    %slice3A_1054 = vector.extract_strided_slice %mul3A_1053 {offsets = [0, 109], sizes = [16, 1], strides = [1, 1]} : vector<16x200xf32> to vector<16x1xf32>
    %slice3A_1055 = vector.extract_strided_slice %select_n3A {offsets = [109, 0, 0], sizes = [1, 16, 200], strides = [1, 1, 1]} : vector<200x16x200xf32> to vector<1x16x200xf32>
    %squeeze3A_1056 = vector.shape_cast %slice3A_1055 : vector<1x16x200xf32> to vector<16x200xf32>
    %mul3A_1057 = vector.broadcast %slice3A_1054 : vector<16x1xf32> to vector<16x200xf32>
    %mul3A_1058 = arith.mulf %squeeze3A_1056, %mul3A_1057 : vector<16x200xf32>
    %sub3A_1059 = arith.constant 1.000000e+00 : f32
    %sub3A_1060 = vector.broadcast %sub3A_1059 : f32 to vector<16x200xf32>
    %sub3A_1061 = arith.subf %sub3A_1060, %mul3A_1058 : vector<16x200xf32>
    %mul3A_1062 = arith.mulf %mul3A_1053, %sub3A_1061 : vector<16x200xf32>
    %slice3A_1063 = vector.extract_strided_slice %mul3A_1062 {offsets = [0, 110], sizes = [16, 1], strides = [1, 1]} : vector<16x200xf32> to vector<16x1xf32>
    %slice3A_1064 = vector.extract_strided_slice %select_n3A {offsets = [110, 0, 0], sizes = [1, 16, 200], strides = [1, 1, 1]} : vector<200x16x200xf32> to vector<1x16x200xf32>
    %squeeze3A_1065 = vector.shape_cast %slice3A_1064 : vector<1x16x200xf32> to vector<16x200xf32>
    %mul3A_1066 = vector.broadcast %slice3A_1063 : vector<16x1xf32> to vector<16x200xf32>
    %mul3A_1067 = arith.mulf %squeeze3A_1065, %mul3A_1066 : vector<16x200xf32>
    %sub3A_1068 = arith.constant 1.000000e+00 : f32
    %sub3A_1069 = vector.broadcast %sub3A_1068 : f32 to vector<16x200xf32>
    %sub3A_1070 = arith.subf %sub3A_1069, %mul3A_1067 : vector<16x200xf32>
    %mul3A_1071 = arith.mulf %mul3A_1062, %sub3A_1070 : vector<16x200xf32>
    %slice3A_1072 = vector.extract_strided_slice %mul3A_1071 {offsets = [0, 111], sizes = [16, 1], strides = [1, 1]} : vector<16x200xf32> to vector<16x1xf32>
    %slice3A_1073 = vector.extract_strided_slice %select_n3A {offsets = [111, 0, 0], sizes = [1, 16, 200], strides = [1, 1, 1]} : vector<200x16x200xf32> to vector<1x16x200xf32>
    %squeeze3A_1074 = vector.shape_cast %slice3A_1073 : vector<1x16x200xf32> to vector<16x200xf32>
    %mul3A_1075 = vector.broadcast %slice3A_1072 : vector<16x1xf32> to vector<16x200xf32>
    %mul3A_1076 = arith.mulf %squeeze3A_1074, %mul3A_1075 : vector<16x200xf32>
    %sub3A_1077 = arith.constant 1.000000e+00 : f32
    %sub3A_1078 = vector.broadcast %sub3A_1077 : f32 to vector<16x200xf32>
    %sub3A_1079 = arith.subf %sub3A_1078, %mul3A_1076 : vector<16x200xf32>
    %mul3A_1080 = arith.mulf %mul3A_1071, %sub3A_1079 : vector<16x200xf32>
    %slice3A_1081 = vector.extract_strided_slice %mul3A_1080 {offsets = [0, 112], sizes = [16, 1], strides = [1, 1]} : vector<16x200xf32> to vector<16x1xf32>
    %slice3A_1082 = vector.extract_strided_slice %select_n3A {offsets = [112, 0, 0], sizes = [1, 16, 200], strides = [1, 1, 1]} : vector<200x16x200xf32> to vector<1x16x200xf32>
    %squeeze3A_1083 = vector.shape_cast %slice3A_1082 : vector<1x16x200xf32> to vector<16x200xf32>
    %mul3A_1084 = vector.broadcast %slice3A_1081 : vector<16x1xf32> to vector<16x200xf32>
    %mul3A_1085 = arith.mulf %squeeze3A_1083, %mul3A_1084 : vector<16x200xf32>
    %sub3A_1086 = arith.constant 1.000000e+00 : f32
    %sub3A_1087 = vector.broadcast %sub3A_1086 : f32 to vector<16x200xf32>
    %sub3A_1088 = arith.subf %sub3A_1087, %mul3A_1085 : vector<16x200xf32>
    %mul3A_1089 = arith.mulf %mul3A_1080, %sub3A_1088 : vector<16x200xf32>
    %slice3A_1090 = vector.extract_strided_slice %mul3A_1089 {offsets = [0, 113], sizes = [16, 1], strides = [1, 1]} : vector<16x200xf32> to vector<16x1xf32>
    %slice3A_1091 = vector.extract_strided_slice %select_n3A {offsets = [113, 0, 0], sizes = [1, 16, 200], strides = [1, 1, 1]} : vector<200x16x200xf32> to vector<1x16x200xf32>
    %squeeze3A_1092 = vector.shape_cast %slice3A_1091 : vector<1x16x200xf32> to vector<16x200xf32>
    %mul3A_1093 = vector.broadcast %slice3A_1090 : vector<16x1xf32> to vector<16x200xf32>
    %mul3A_1094 = arith.mulf %squeeze3A_1092, %mul3A_1093 : vector<16x200xf32>
    %sub3A_1095 = arith.constant 1.000000e+00 : f32
    %sub3A_1096 = vector.broadcast %sub3A_1095 : f32 to vector<16x200xf32>
    %sub3A_1097 = arith.subf %sub3A_1096, %mul3A_1094 : vector<16x200xf32>
    %mul3A_1098 = arith.mulf %mul3A_1089, %sub3A_1097 : vector<16x200xf32>
    %slice3A_1099 = vector.extract_strided_slice %mul3A_1098 {offsets = [0, 114], sizes = [16, 1], strides = [1, 1]} : vector<16x200xf32> to vector<16x1xf32>
    %slice3A_1100 = vector.extract_strided_slice %select_n3A {offsets = [114, 0, 0], sizes = [1, 16, 200], strides = [1, 1, 1]} : vector<200x16x200xf32> to vector<1x16x200xf32>
    %squeeze3A_1101 = vector.shape_cast %slice3A_1100 : vector<1x16x200xf32> to vector<16x200xf32>
    %mul3A_1102 = vector.broadcast %slice3A_1099 : vector<16x1xf32> to vector<16x200xf32>
    %mul3A_1103 = arith.mulf %squeeze3A_1101, %mul3A_1102 : vector<16x200xf32>
    %sub3A_1104 = arith.constant 1.000000e+00 : f32
    %sub3A_1105 = vector.broadcast %sub3A_1104 : f32 to vector<16x200xf32>
    %sub3A_1106 = arith.subf %sub3A_1105, %mul3A_1103 : vector<16x200xf32>
    %mul3A_1107 = arith.mulf %mul3A_1098, %sub3A_1106 : vector<16x200xf32>
    %slice3A_1108 = vector.extract_strided_slice %mul3A_1107 {offsets = [0, 115], sizes = [16, 1], strides = [1, 1]} : vector<16x200xf32> to vector<16x1xf32>
    %slice3A_1109 = vector.extract_strided_slice %select_n3A {offsets = [115, 0, 0], sizes = [1, 16, 200], strides = [1, 1, 1]} : vector<200x16x200xf32> to vector<1x16x200xf32>
    %squeeze3A_1110 = vector.shape_cast %slice3A_1109 : vector<1x16x200xf32> to vector<16x200xf32>
    %mul3A_1111 = vector.broadcast %slice3A_1108 : vector<16x1xf32> to vector<16x200xf32>
    %mul3A_1112 = arith.mulf %squeeze3A_1110, %mul3A_1111 : vector<16x200xf32>
    %sub3A_1113 = arith.constant 1.000000e+00 : f32
    %sub3A_1114 = vector.broadcast %sub3A_1113 : f32 to vector<16x200xf32>
    %sub3A_1115 = arith.subf %sub3A_1114, %mul3A_1112 : vector<16x200xf32>
    %mul3A_1116 = arith.mulf %mul3A_1107, %sub3A_1115 : vector<16x200xf32>
    %slice3A_1117 = vector.extract_strided_slice %mul3A_1116 {offsets = [0, 116], sizes = [16, 1], strides = [1, 1]} : vector<16x200xf32> to vector<16x1xf32>
    %slice3A_1118 = vector.extract_strided_slice %select_n3A {offsets = [116, 0, 0], sizes = [1, 16, 200], strides = [1, 1, 1]} : vector<200x16x200xf32> to vector<1x16x200xf32>
    %squeeze3A_1119 = vector.shape_cast %slice3A_1118 : vector<1x16x200xf32> to vector<16x200xf32>
    %mul3A_1120 = vector.broadcast %slice3A_1117 : vector<16x1xf32> to vector<16x200xf32>
    %mul3A_1121 = arith.mulf %squeeze3A_1119, %mul3A_1120 : vector<16x200xf32>
    %sub3A_1122 = arith.constant 1.000000e+00 : f32
    %sub3A_1123 = vector.broadcast %sub3A_1122 : f32 to vector<16x200xf32>
    %sub3A_1124 = arith.subf %sub3A_1123, %mul3A_1121 : vector<16x200xf32>
    %mul3A_1125 = arith.mulf %mul3A_1116, %sub3A_1124 : vector<16x200xf32>
    %slice3A_1126 = vector.extract_strided_slice %mul3A_1125 {offsets = [0, 117], sizes = [16, 1], strides = [1, 1]} : vector<16x200xf32> to vector<16x1xf32>
    %slice3A_1127 = vector.extract_strided_slice %select_n3A {offsets = [117, 0, 0], sizes = [1, 16, 200], strides = [1, 1, 1]} : vector<200x16x200xf32> to vector<1x16x200xf32>
    %squeeze3A_1128 = vector.shape_cast %slice3A_1127 : vector<1x16x200xf32> to vector<16x200xf32>
    %mul3A_1129 = vector.broadcast %slice3A_1126 : vector<16x1xf32> to vector<16x200xf32>
    %mul3A_1130 = arith.mulf %squeeze3A_1128, %mul3A_1129 : vector<16x200xf32>
    %sub3A_1131 = arith.constant 1.000000e+00 : f32
    %sub3A_1132 = vector.broadcast %sub3A_1131 : f32 to vector<16x200xf32>
    %sub3A_1133 = arith.subf %sub3A_1132, %mul3A_1130 : vector<16x200xf32>
    %mul3A_1134 = arith.mulf %mul3A_1125, %sub3A_1133 : vector<16x200xf32>
    %slice3A_1135 = vector.extract_strided_slice %mul3A_1134 {offsets = [0, 118], sizes = [16, 1], strides = [1, 1]} : vector<16x200xf32> to vector<16x1xf32>
    %slice3A_1136 = vector.extract_strided_slice %select_n3A {offsets = [118, 0, 0], sizes = [1, 16, 200], strides = [1, 1, 1]} : vector<200x16x200xf32> to vector<1x16x200xf32>
    %squeeze3A_1137 = vector.shape_cast %slice3A_1136 : vector<1x16x200xf32> to vector<16x200xf32>
    %mul3A_1138 = vector.broadcast %slice3A_1135 : vector<16x1xf32> to vector<16x200xf32>
    %mul3A_1139 = arith.mulf %squeeze3A_1137, %mul3A_1138 : vector<16x200xf32>
    %sub3A_1140 = arith.constant 1.000000e+00 : f32
    %sub3A_1141 = vector.broadcast %sub3A_1140 : f32 to vector<16x200xf32>
    %sub3A_1142 = arith.subf %sub3A_1141, %mul3A_1139 : vector<16x200xf32>
    %mul3A_1143 = arith.mulf %mul3A_1134, %sub3A_1142 : vector<16x200xf32>
    %slice3A_1144 = vector.extract_strided_slice %mul3A_1143 {offsets = [0, 119], sizes = [16, 1], strides = [1, 1]} : vector<16x200xf32> to vector<16x1xf32>
    %slice3A_1145 = vector.extract_strided_slice %select_n3A {offsets = [119, 0, 0], sizes = [1, 16, 200], strides = [1, 1, 1]} : vector<200x16x200xf32> to vector<1x16x200xf32>
    %squeeze3A_1146 = vector.shape_cast %slice3A_1145 : vector<1x16x200xf32> to vector<16x200xf32>
    %mul3A_1147 = vector.broadcast %slice3A_1144 : vector<16x1xf32> to vector<16x200xf32>
    %mul3A_1148 = arith.mulf %squeeze3A_1146, %mul3A_1147 : vector<16x200xf32>
    %sub3A_1149 = arith.constant 1.000000e+00 : f32
    %sub3A_1150 = vector.broadcast %sub3A_1149 : f32 to vector<16x200xf32>
    %sub3A_1151 = arith.subf %sub3A_1150, %mul3A_1148 : vector<16x200xf32>
    %mul3A_1152 = arith.mulf %mul3A_1143, %sub3A_1151 : vector<16x200xf32>
    %slice3A_1153 = vector.extract_strided_slice %mul3A_1152 {offsets = [0, 120], sizes = [16, 1], strides = [1, 1]} : vector<16x200xf32> to vector<16x1xf32>
    %slice3A_1154 = vector.extract_strided_slice %select_n3A {offsets = [120, 0, 0], sizes = [1, 16, 200], strides = [1, 1, 1]} : vector<200x16x200xf32> to vector<1x16x200xf32>
    %squeeze3A_1155 = vector.shape_cast %slice3A_1154 : vector<1x16x200xf32> to vector<16x200xf32>
    %mul3A_1156 = vector.broadcast %slice3A_1153 : vector<16x1xf32> to vector<16x200xf32>
    %mul3A_1157 = arith.mulf %squeeze3A_1155, %mul3A_1156 : vector<16x200xf32>
    %sub3A_1158 = arith.constant 1.000000e+00 : f32
    %sub3A_1159 = vector.broadcast %sub3A_1158 : f32 to vector<16x200xf32>
    %sub3A_1160 = arith.subf %sub3A_1159, %mul3A_1157 : vector<16x200xf32>
    %mul3A_1161 = arith.mulf %mul3A_1152, %sub3A_1160 : vector<16x200xf32>
    %slice3A_1162 = vector.extract_strided_slice %mul3A_1161 {offsets = [0, 121], sizes = [16, 1], strides = [1, 1]} : vector<16x200xf32> to vector<16x1xf32>
    %slice3A_1163 = vector.extract_strided_slice %select_n3A {offsets = [121, 0, 0], sizes = [1, 16, 200], strides = [1, 1, 1]} : vector<200x16x200xf32> to vector<1x16x200xf32>
    %squeeze3A_1164 = vector.shape_cast %slice3A_1163 : vector<1x16x200xf32> to vector<16x200xf32>
    %mul3A_1165 = vector.broadcast %slice3A_1162 : vector<16x1xf32> to vector<16x200xf32>
    %mul3A_1166 = arith.mulf %squeeze3A_1164, %mul3A_1165 : vector<16x200xf32>
    %sub3A_1167 = arith.constant 1.000000e+00 : f32
    %sub3A_1168 = vector.broadcast %sub3A_1167 : f32 to vector<16x200xf32>
    %sub3A_1169 = arith.subf %sub3A_1168, %mul3A_1166 : vector<16x200xf32>
    %mul3A_1170 = arith.mulf %mul3A_1161, %sub3A_1169 : vector<16x200xf32>
    %slice3A_1171 = vector.extract_strided_slice %mul3A_1170 {offsets = [0, 122], sizes = [16, 1], strides = [1, 1]} : vector<16x200xf32> to vector<16x1xf32>
    %slice3A_1172 = vector.extract_strided_slice %select_n3A {offsets = [122, 0, 0], sizes = [1, 16, 200], strides = [1, 1, 1]} : vector<200x16x200xf32> to vector<1x16x200xf32>
    %squeeze3A_1173 = vector.shape_cast %slice3A_1172 : vector<1x16x200xf32> to vector<16x200xf32>
    %mul3A_1174 = vector.broadcast %slice3A_1171 : vector<16x1xf32> to vector<16x200xf32>
    %mul3A_1175 = arith.mulf %squeeze3A_1173, %mul3A_1174 : vector<16x200xf32>
    %sub3A_1176 = arith.constant 1.000000e+00 : f32
    %sub3A_1177 = vector.broadcast %sub3A_1176 : f32 to vector<16x200xf32>
    %sub3A_1178 = arith.subf %sub3A_1177, %mul3A_1175 : vector<16x200xf32>
    %mul3A_1179 = arith.mulf %mul3A_1170, %sub3A_1178 : vector<16x200xf32>
    %slice3A_1180 = vector.extract_strided_slice %mul3A_1179 {offsets = [0, 123], sizes = [16, 1], strides = [1, 1]} : vector<16x200xf32> to vector<16x1xf32>
    %slice3A_1181 = vector.extract_strided_slice %select_n3A {offsets = [123, 0, 0], sizes = [1, 16, 200], strides = [1, 1, 1]} : vector<200x16x200xf32> to vector<1x16x200xf32>
    %squeeze3A_1182 = vector.shape_cast %slice3A_1181 : vector<1x16x200xf32> to vector<16x200xf32>
    %mul3A_1183 = vector.broadcast %slice3A_1180 : vector<16x1xf32> to vector<16x200xf32>
    %mul3A_1184 = arith.mulf %squeeze3A_1182, %mul3A_1183 : vector<16x200xf32>
    %sub3A_1185 = arith.constant 1.000000e+00 : f32
    %sub3A_1186 = vector.broadcast %sub3A_1185 : f32 to vector<16x200xf32>
    %sub3A_1187 = arith.subf %sub3A_1186, %mul3A_1184 : vector<16x200xf32>
    %mul3A_1188 = arith.mulf %mul3A_1179, %sub3A_1187 : vector<16x200xf32>
    %slice3A_1189 = vector.extract_strided_slice %mul3A_1188 {offsets = [0, 124], sizes = [16, 1], strides = [1, 1]} : vector<16x200xf32> to vector<16x1xf32>
    %slice3A_1190 = vector.extract_strided_slice %select_n3A {offsets = [124, 0, 0], sizes = [1, 16, 200], strides = [1, 1, 1]} : vector<200x16x200xf32> to vector<1x16x200xf32>
    %squeeze3A_1191 = vector.shape_cast %slice3A_1190 : vector<1x16x200xf32> to vector<16x200xf32>
    %mul3A_1192 = vector.broadcast %slice3A_1189 : vector<16x1xf32> to vector<16x200xf32>
    %mul3A_1193 = arith.mulf %squeeze3A_1191, %mul3A_1192 : vector<16x200xf32>
    %sub3A_1194 = arith.constant 1.000000e+00 : f32
    %sub3A_1195 = vector.broadcast %sub3A_1194 : f32 to vector<16x200xf32>
    %sub3A_1196 = arith.subf %sub3A_1195, %mul3A_1193 : vector<16x200xf32>
    %mul3A_1197 = arith.mulf %mul3A_1188, %sub3A_1196 : vector<16x200xf32>
    %slice3A_1198 = vector.extract_strided_slice %mul3A_1197 {offsets = [0, 125], sizes = [16, 1], strides = [1, 1]} : vector<16x200xf32> to vector<16x1xf32>
    %slice3A_1199 = vector.extract_strided_slice %select_n3A {offsets = [125, 0, 0], sizes = [1, 16, 200], strides = [1, 1, 1]} : vector<200x16x200xf32> to vector<1x16x200xf32>
    %squeeze3A_1200 = vector.shape_cast %slice3A_1199 : vector<1x16x200xf32> to vector<16x200xf32>
    %mul3A_1201 = vector.broadcast %slice3A_1198 : vector<16x1xf32> to vector<16x200xf32>
    %mul3A_1202 = arith.mulf %squeeze3A_1200, %mul3A_1201 : vector<16x200xf32>
    %sub3A_1203 = arith.constant 1.000000e+00 : f32
    %sub3A_1204 = vector.broadcast %sub3A_1203 : f32 to vector<16x200xf32>
    %sub3A_1205 = arith.subf %sub3A_1204, %mul3A_1202 : vector<16x200xf32>
    %mul3A_1206 = arith.mulf %mul3A_1197, %sub3A_1205 : vector<16x200xf32>
    %slice3A_1207 = vector.extract_strided_slice %mul3A_1206 {offsets = [0, 126], sizes = [16, 1], strides = [1, 1]} : vector<16x200xf32> to vector<16x1xf32>
    %slice3A_1208 = vector.extract_strided_slice %select_n3A {offsets = [126, 0, 0], sizes = [1, 16, 200], strides = [1, 1, 1]} : vector<200x16x200xf32> to vector<1x16x200xf32>
    %squeeze3A_1209 = vector.shape_cast %slice3A_1208 : vector<1x16x200xf32> to vector<16x200xf32>
    %mul3A_1210 = vector.broadcast %slice3A_1207 : vector<16x1xf32> to vector<16x200xf32>
    %mul3A_1211 = arith.mulf %squeeze3A_1209, %mul3A_1210 : vector<16x200xf32>
    %sub3A_1212 = arith.constant 1.000000e+00 : f32
    %sub3A_1213 = vector.broadcast %sub3A_1212 : f32 to vector<16x200xf32>
    %sub3A_1214 = arith.subf %sub3A_1213, %mul3A_1211 : vector<16x200xf32>
    %mul3A_1215 = arith.mulf %mul3A_1206, %sub3A_1214 : vector<16x200xf32>
    %slice3A_1216 = vector.extract_strided_slice %mul3A_1215 {offsets = [0, 127], sizes = [16, 1], strides = [1, 1]} : vector<16x200xf32> to vector<16x1xf32>
    %slice3A_1217 = vector.extract_strided_slice %select_n3A {offsets = [127, 0, 0], sizes = [1, 16, 200], strides = [1, 1, 1]} : vector<200x16x200xf32> to vector<1x16x200xf32>
    %squeeze3A_1218 = vector.shape_cast %slice3A_1217 : vector<1x16x200xf32> to vector<16x200xf32>
    %mul3A_1219 = vector.broadcast %slice3A_1216 : vector<16x1xf32> to vector<16x200xf32>
    %mul3A_1220 = arith.mulf %squeeze3A_1218, %mul3A_1219 : vector<16x200xf32>
    %sub3A_1221 = arith.constant 1.000000e+00 : f32
    %sub3A_1222 = vector.broadcast %sub3A_1221 : f32 to vector<16x200xf32>
    %sub3A_1223 = arith.subf %sub3A_1222, %mul3A_1220 : vector<16x200xf32>
    %mul3A_1224 = arith.mulf %mul3A_1215, %sub3A_1223 : vector<16x200xf32>
    %slice3A_1225 = vector.extract_strided_slice %mul3A_1224 {offsets = [0, 128], sizes = [16, 1], strides = [1, 1]} : vector<16x200xf32> to vector<16x1xf32>
    %slice3A_1226 = vector.extract_strided_slice %select_n3A {offsets = [128, 0, 0], sizes = [1, 16, 200], strides = [1, 1, 1]} : vector<200x16x200xf32> to vector<1x16x200xf32>
    %squeeze3A_1227 = vector.shape_cast %slice3A_1226 : vector<1x16x200xf32> to vector<16x200xf32>
    %mul3A_1228 = vector.broadcast %slice3A_1225 : vector<16x1xf32> to vector<16x200xf32>
    %mul3A_1229 = arith.mulf %squeeze3A_1227, %mul3A_1228 : vector<16x200xf32>
    %sub3A_1230 = arith.constant 1.000000e+00 : f32
    %sub3A_1231 = vector.broadcast %sub3A_1230 : f32 to vector<16x200xf32>
    %sub3A_1232 = arith.subf %sub3A_1231, %mul3A_1229 : vector<16x200xf32>
    %mul3A_1233 = arith.mulf %mul3A_1224, %sub3A_1232 : vector<16x200xf32>
    %slice3A_1234 = vector.extract_strided_slice %mul3A_1233 {offsets = [0, 129], sizes = [16, 1], strides = [1, 1]} : vector<16x200xf32> to vector<16x1xf32>
    %slice3A_1235 = vector.extract_strided_slice %select_n3A {offsets = [129, 0, 0], sizes = [1, 16, 200], strides = [1, 1, 1]} : vector<200x16x200xf32> to vector<1x16x200xf32>
    %squeeze3A_1236 = vector.shape_cast %slice3A_1235 : vector<1x16x200xf32> to vector<16x200xf32>
    %mul3A_1237 = vector.broadcast %slice3A_1234 : vector<16x1xf32> to vector<16x200xf32>
    %mul3A_1238 = arith.mulf %squeeze3A_1236, %mul3A_1237 : vector<16x200xf32>
    %sub3A_1239 = arith.constant 1.000000e+00 : f32
    %sub3A_1240 = vector.broadcast %sub3A_1239 : f32 to vector<16x200xf32>
    %sub3A_1241 = arith.subf %sub3A_1240, %mul3A_1238 : vector<16x200xf32>
    %mul3A_1242 = arith.mulf %mul3A_1233, %sub3A_1241 : vector<16x200xf32>
    %slice3A_1243 = vector.extract_strided_slice %mul3A_1242 {offsets = [0, 130], sizes = [16, 1], strides = [1, 1]} : vector<16x200xf32> to vector<16x1xf32>
    %slice3A_1244 = vector.extract_strided_slice %select_n3A {offsets = [130, 0, 0], sizes = [1, 16, 200], strides = [1, 1, 1]} : vector<200x16x200xf32> to vector<1x16x200xf32>
    %squeeze3A_1245 = vector.shape_cast %slice3A_1244 : vector<1x16x200xf32> to vector<16x200xf32>
    %mul3A_1246 = vector.broadcast %slice3A_1243 : vector<16x1xf32> to vector<16x200xf32>
    %mul3A_1247 = arith.mulf %squeeze3A_1245, %mul3A_1246 : vector<16x200xf32>
    %sub3A_1248 = arith.constant 1.000000e+00 : f32
    %sub3A_1249 = vector.broadcast %sub3A_1248 : f32 to vector<16x200xf32>
    %sub3A_1250 = arith.subf %sub3A_1249, %mul3A_1247 : vector<16x200xf32>
    %mul3A_1251 = arith.mulf %mul3A_1242, %sub3A_1250 : vector<16x200xf32>
    %slice3A_1252 = vector.extract_strided_slice %mul3A_1251 {offsets = [0, 131], sizes = [16, 1], strides = [1, 1]} : vector<16x200xf32> to vector<16x1xf32>
    %slice3A_1253 = vector.extract_strided_slice %select_n3A {offsets = [131, 0, 0], sizes = [1, 16, 200], strides = [1, 1, 1]} : vector<200x16x200xf32> to vector<1x16x200xf32>
    %squeeze3A_1254 = vector.shape_cast %slice3A_1253 : vector<1x16x200xf32> to vector<16x200xf32>
    %mul3A_1255 = vector.broadcast %slice3A_1252 : vector<16x1xf32> to vector<16x200xf32>
    %mul3A_1256 = arith.mulf %squeeze3A_1254, %mul3A_1255 : vector<16x200xf32>
    %sub3A_1257 = arith.constant 1.000000e+00 : f32
    %sub3A_1258 = vector.broadcast %sub3A_1257 : f32 to vector<16x200xf32>
    %sub3A_1259 = arith.subf %sub3A_1258, %mul3A_1256 : vector<16x200xf32>
    %mul3A_1260 = arith.mulf %mul3A_1251, %sub3A_1259 : vector<16x200xf32>
    %slice3A_1261 = vector.extract_strided_slice %mul3A_1260 {offsets = [0, 132], sizes = [16, 1], strides = [1, 1]} : vector<16x200xf32> to vector<16x1xf32>
    %slice3A_1262 = vector.extract_strided_slice %select_n3A {offsets = [132, 0, 0], sizes = [1, 16, 200], strides = [1, 1, 1]} : vector<200x16x200xf32> to vector<1x16x200xf32>
    %squeeze3A_1263 = vector.shape_cast %slice3A_1262 : vector<1x16x200xf32> to vector<16x200xf32>
    %mul3A_1264 = vector.broadcast %slice3A_1261 : vector<16x1xf32> to vector<16x200xf32>
    %mul3A_1265 = arith.mulf %squeeze3A_1263, %mul3A_1264 : vector<16x200xf32>
    %sub3A_1266 = arith.constant 1.000000e+00 : f32
    %sub3A_1267 = vector.broadcast %sub3A_1266 : f32 to vector<16x200xf32>
    %sub3A_1268 = arith.subf %sub3A_1267, %mul3A_1265 : vector<16x200xf32>
    %mul3A_1269 = arith.mulf %mul3A_1260, %sub3A_1268 : vector<16x200xf32>
    %slice3A_1270 = vector.extract_strided_slice %mul3A_1269 {offsets = [0, 133], sizes = [16, 1], strides = [1, 1]} : vector<16x200xf32> to vector<16x1xf32>
    %slice3A_1271 = vector.extract_strided_slice %select_n3A {offsets = [133, 0, 0], sizes = [1, 16, 200], strides = [1, 1, 1]} : vector<200x16x200xf32> to vector<1x16x200xf32>
    %squeeze3A_1272 = vector.shape_cast %slice3A_1271 : vector<1x16x200xf32> to vector<16x200xf32>
    %mul3A_1273 = vector.broadcast %slice3A_1270 : vector<16x1xf32> to vector<16x200xf32>
    %mul3A_1274 = arith.mulf %squeeze3A_1272, %mul3A_1273 : vector<16x200xf32>
    %sub3A_1275 = arith.constant 1.000000e+00 : f32
    %sub3A_1276 = vector.broadcast %sub3A_1275 : f32 to vector<16x200xf32>
    %sub3A_1277 = arith.subf %sub3A_1276, %mul3A_1274 : vector<16x200xf32>
    %mul3A_1278 = arith.mulf %mul3A_1269, %sub3A_1277 : vector<16x200xf32>
    %slice3A_1279 = vector.extract_strided_slice %mul3A_1278 {offsets = [0, 134], sizes = [16, 1], strides = [1, 1]} : vector<16x200xf32> to vector<16x1xf32>
    %slice3A_1280 = vector.extract_strided_slice %select_n3A {offsets = [134, 0, 0], sizes = [1, 16, 200], strides = [1, 1, 1]} : vector<200x16x200xf32> to vector<1x16x200xf32>
    %squeeze3A_1281 = vector.shape_cast %slice3A_1280 : vector<1x16x200xf32> to vector<16x200xf32>
    %mul3A_1282 = vector.broadcast %slice3A_1279 : vector<16x1xf32> to vector<16x200xf32>
    %mul3A_1283 = arith.mulf %squeeze3A_1281, %mul3A_1282 : vector<16x200xf32>
    %sub3A_1284 = arith.constant 1.000000e+00 : f32
    %sub3A_1285 = vector.broadcast %sub3A_1284 : f32 to vector<16x200xf32>
    %sub3A_1286 = arith.subf %sub3A_1285, %mul3A_1283 : vector<16x200xf32>
    %mul3A_1287 = arith.mulf %mul3A_1278, %sub3A_1286 : vector<16x200xf32>
    %slice3A_1288 = vector.extract_strided_slice %mul3A_1287 {offsets = [0, 135], sizes = [16, 1], strides = [1, 1]} : vector<16x200xf32> to vector<16x1xf32>
    %slice3A_1289 = vector.extract_strided_slice %select_n3A {offsets = [135, 0, 0], sizes = [1, 16, 200], strides = [1, 1, 1]} : vector<200x16x200xf32> to vector<1x16x200xf32>
    %squeeze3A_1290 = vector.shape_cast %slice3A_1289 : vector<1x16x200xf32> to vector<16x200xf32>
    %mul3A_1291 = vector.broadcast %slice3A_1288 : vector<16x1xf32> to vector<16x200xf32>
    %mul3A_1292 = arith.mulf %squeeze3A_1290, %mul3A_1291 : vector<16x200xf32>
    %sub3A_1293 = arith.constant 1.000000e+00 : f32
    %sub3A_1294 = vector.broadcast %sub3A_1293 : f32 to vector<16x200xf32>
    %sub3A_1295 = arith.subf %sub3A_1294, %mul3A_1292 : vector<16x200xf32>
    %mul3A_1296 = arith.mulf %mul3A_1287, %sub3A_1295 : vector<16x200xf32>
    %slice3A_1297 = vector.extract_strided_slice %mul3A_1296 {offsets = [0, 136], sizes = [16, 1], strides = [1, 1]} : vector<16x200xf32> to vector<16x1xf32>
    %slice3A_1298 = vector.extract_strided_slice %select_n3A {offsets = [136, 0, 0], sizes = [1, 16, 200], strides = [1, 1, 1]} : vector<200x16x200xf32> to vector<1x16x200xf32>
    %squeeze3A_1299 = vector.shape_cast %slice3A_1298 : vector<1x16x200xf32> to vector<16x200xf32>
    %mul3A_1300 = vector.broadcast %slice3A_1297 : vector<16x1xf32> to vector<16x200xf32>
    %mul3A_1301 = arith.mulf %squeeze3A_1299, %mul3A_1300 : vector<16x200xf32>
    %sub3A_1302 = arith.constant 1.000000e+00 : f32
    %sub3A_1303 = vector.broadcast %sub3A_1302 : f32 to vector<16x200xf32>
    %sub3A_1304 = arith.subf %sub3A_1303, %mul3A_1301 : vector<16x200xf32>
    %mul3A_1305 = arith.mulf %mul3A_1296, %sub3A_1304 : vector<16x200xf32>
    %slice3A_1306 = vector.extract_strided_slice %mul3A_1305 {offsets = [0, 137], sizes = [16, 1], strides = [1, 1]} : vector<16x200xf32> to vector<16x1xf32>
    %slice3A_1307 = vector.extract_strided_slice %select_n3A {offsets = [137, 0, 0], sizes = [1, 16, 200], strides = [1, 1, 1]} : vector<200x16x200xf32> to vector<1x16x200xf32>
    %squeeze3A_1308 = vector.shape_cast %slice3A_1307 : vector<1x16x200xf32> to vector<16x200xf32>
    %mul3A_1309 = vector.broadcast %slice3A_1306 : vector<16x1xf32> to vector<16x200xf32>
    %mul3A_1310 = arith.mulf %squeeze3A_1308, %mul3A_1309 : vector<16x200xf32>
    %sub3A_1311 = arith.constant 1.000000e+00 : f32
    %sub3A_1312 = vector.broadcast %sub3A_1311 : f32 to vector<16x200xf32>
    %sub3A_1313 = arith.subf %sub3A_1312, %mul3A_1310 : vector<16x200xf32>
    %mul3A_1314 = arith.mulf %mul3A_1305, %sub3A_1313 : vector<16x200xf32>
    %slice3A_1315 = vector.extract_strided_slice %mul3A_1314 {offsets = [0, 138], sizes = [16, 1], strides = [1, 1]} : vector<16x200xf32> to vector<16x1xf32>
    %slice3A_1316 = vector.extract_strided_slice %select_n3A {offsets = [138, 0, 0], sizes = [1, 16, 200], strides = [1, 1, 1]} : vector<200x16x200xf32> to vector<1x16x200xf32>
    %squeeze3A_1317 = vector.shape_cast %slice3A_1316 : vector<1x16x200xf32> to vector<16x200xf32>
    %mul3A_1318 = vector.broadcast %slice3A_1315 : vector<16x1xf32> to vector<16x200xf32>
    %mul3A_1319 = arith.mulf %squeeze3A_1317, %mul3A_1318 : vector<16x200xf32>
    %sub3A_1320 = arith.constant 1.000000e+00 : f32
    %sub3A_1321 = vector.broadcast %sub3A_1320 : f32 to vector<16x200xf32>
    %sub3A_1322 = arith.subf %sub3A_1321, %mul3A_1319 : vector<16x200xf32>
    %mul3A_1323 = arith.mulf %mul3A_1314, %sub3A_1322 : vector<16x200xf32>
    %slice3A_1324 = vector.extract_strided_slice %mul3A_1323 {offsets = [0, 139], sizes = [16, 1], strides = [1, 1]} : vector<16x200xf32> to vector<16x1xf32>
    %slice3A_1325 = vector.extract_strided_slice %select_n3A {offsets = [139, 0, 0], sizes = [1, 16, 200], strides = [1, 1, 1]} : vector<200x16x200xf32> to vector<1x16x200xf32>
    %squeeze3A_1326 = vector.shape_cast %slice3A_1325 : vector<1x16x200xf32> to vector<16x200xf32>
    %mul3A_1327 = vector.broadcast %slice3A_1324 : vector<16x1xf32> to vector<16x200xf32>
    %mul3A_1328 = arith.mulf %squeeze3A_1326, %mul3A_1327 : vector<16x200xf32>
    %sub3A_1329 = arith.constant 1.000000e+00 : f32
    %sub3A_1330 = vector.broadcast %sub3A_1329 : f32 to vector<16x200xf32>
    %sub3A_1331 = arith.subf %sub3A_1330, %mul3A_1328 : vector<16x200xf32>
    %mul3A_1332 = arith.mulf %mul3A_1323, %sub3A_1331 : vector<16x200xf32>
    %slice3A_1333 = vector.extract_strided_slice %mul3A_1332 {offsets = [0, 140], sizes = [16, 1], strides = [1, 1]} : vector<16x200xf32> to vector<16x1xf32>
    %slice3A_1334 = vector.extract_strided_slice %select_n3A {offsets = [140, 0, 0], sizes = [1, 16, 200], strides = [1, 1, 1]} : vector<200x16x200xf32> to vector<1x16x200xf32>
    %squeeze3A_1335 = vector.shape_cast %slice3A_1334 : vector<1x16x200xf32> to vector<16x200xf32>
    %mul3A_1336 = vector.broadcast %slice3A_1333 : vector<16x1xf32> to vector<16x200xf32>
    %mul3A_1337 = arith.mulf %squeeze3A_1335, %mul3A_1336 : vector<16x200xf32>
    %sub3A_1338 = arith.constant 1.000000e+00 : f32
    %sub3A_1339 = vector.broadcast %sub3A_1338 : f32 to vector<16x200xf32>
    %sub3A_1340 = arith.subf %sub3A_1339, %mul3A_1337 : vector<16x200xf32>
    %mul3A_1341 = arith.mulf %mul3A_1332, %sub3A_1340 : vector<16x200xf32>
    %slice3A_1342 = vector.extract_strided_slice %mul3A_1341 {offsets = [0, 141], sizes = [16, 1], strides = [1, 1]} : vector<16x200xf32> to vector<16x1xf32>
    %slice3A_1343 = vector.extract_strided_slice %select_n3A {offsets = [141, 0, 0], sizes = [1, 16, 200], strides = [1, 1, 1]} : vector<200x16x200xf32> to vector<1x16x200xf32>
    %squeeze3A_1344 = vector.shape_cast %slice3A_1343 : vector<1x16x200xf32> to vector<16x200xf32>
    %mul3A_1345 = vector.broadcast %slice3A_1342 : vector<16x1xf32> to vector<16x200xf32>
    %mul3A_1346 = arith.mulf %squeeze3A_1344, %mul3A_1345 : vector<16x200xf32>
    %sub3A_1347 = arith.constant 1.000000e+00 : f32
    %sub3A_1348 = vector.broadcast %sub3A_1347 : f32 to vector<16x200xf32>
    %sub3A_1349 = arith.subf %sub3A_1348, %mul3A_1346 : vector<16x200xf32>
    %mul3A_1350 = arith.mulf %mul3A_1341, %sub3A_1349 : vector<16x200xf32>
    %slice3A_1351 = vector.extract_strided_slice %mul3A_1350 {offsets = [0, 142], sizes = [16, 1], strides = [1, 1]} : vector<16x200xf32> to vector<16x1xf32>
    %slice3A_1352 = vector.extract_strided_slice %select_n3A {offsets = [142, 0, 0], sizes = [1, 16, 200], strides = [1, 1, 1]} : vector<200x16x200xf32> to vector<1x16x200xf32>
    %squeeze3A_1353 = vector.shape_cast %slice3A_1352 : vector<1x16x200xf32> to vector<16x200xf32>
    %mul3A_1354 = vector.broadcast %slice3A_1351 : vector<16x1xf32> to vector<16x200xf32>
    %mul3A_1355 = arith.mulf %squeeze3A_1353, %mul3A_1354 : vector<16x200xf32>
    %sub3A_1356 = arith.constant 1.000000e+00 : f32
    %sub3A_1357 = vector.broadcast %sub3A_1356 : f32 to vector<16x200xf32>
    %sub3A_1358 = arith.subf %sub3A_1357, %mul3A_1355 : vector<16x200xf32>
    %mul3A_1359 = arith.mulf %mul3A_1350, %sub3A_1358 : vector<16x200xf32>
    %slice3A_1360 = vector.extract_strided_slice %mul3A_1359 {offsets = [0, 143], sizes = [16, 1], strides = [1, 1]} : vector<16x200xf32> to vector<16x1xf32>
    %slice3A_1361 = vector.extract_strided_slice %select_n3A {offsets = [143, 0, 0], sizes = [1, 16, 200], strides = [1, 1, 1]} : vector<200x16x200xf32> to vector<1x16x200xf32>
    %squeeze3A_1362 = vector.shape_cast %slice3A_1361 : vector<1x16x200xf32> to vector<16x200xf32>
    %mul3A_1363 = vector.broadcast %slice3A_1360 : vector<16x1xf32> to vector<16x200xf32>
    %mul3A_1364 = arith.mulf %squeeze3A_1362, %mul3A_1363 : vector<16x200xf32>
    %sub3A_1365 = arith.constant 1.000000e+00 : f32
    %sub3A_1366 = vector.broadcast %sub3A_1365 : f32 to vector<16x200xf32>
    %sub3A_1367 = arith.subf %sub3A_1366, %mul3A_1364 : vector<16x200xf32>
    %mul3A_1368 = arith.mulf %mul3A_1359, %sub3A_1367 : vector<16x200xf32>
    %slice3A_1369 = vector.extract_strided_slice %mul3A_1368 {offsets = [0, 144], sizes = [16, 1], strides = [1, 1]} : vector<16x200xf32> to vector<16x1xf32>
    %slice3A_1370 = vector.extract_strided_slice %select_n3A {offsets = [144, 0, 0], sizes = [1, 16, 200], strides = [1, 1, 1]} : vector<200x16x200xf32> to vector<1x16x200xf32>
    %squeeze3A_1371 = vector.shape_cast %slice3A_1370 : vector<1x16x200xf32> to vector<16x200xf32>
    %mul3A_1372 = vector.broadcast %slice3A_1369 : vector<16x1xf32> to vector<16x200xf32>
    %mul3A_1373 = arith.mulf %squeeze3A_1371, %mul3A_1372 : vector<16x200xf32>
    %sub3A_1374 = arith.constant 1.000000e+00 : f32
    %sub3A_1375 = vector.broadcast %sub3A_1374 : f32 to vector<16x200xf32>
    %sub3A_1376 = arith.subf %sub3A_1375, %mul3A_1373 : vector<16x200xf32>
    %mul3A_1377 = arith.mulf %mul3A_1368, %sub3A_1376 : vector<16x200xf32>
    %slice3A_1378 = vector.extract_strided_slice %mul3A_1377 {offsets = [0, 145], sizes = [16, 1], strides = [1, 1]} : vector<16x200xf32> to vector<16x1xf32>
    %slice3A_1379 = vector.extract_strided_slice %select_n3A {offsets = [145, 0, 0], sizes = [1, 16, 200], strides = [1, 1, 1]} : vector<200x16x200xf32> to vector<1x16x200xf32>
    %squeeze3A_1380 = vector.shape_cast %slice3A_1379 : vector<1x16x200xf32> to vector<16x200xf32>
    %mul3A_1381 = vector.broadcast %slice3A_1378 : vector<16x1xf32> to vector<16x200xf32>
    %mul3A_1382 = arith.mulf %squeeze3A_1380, %mul3A_1381 : vector<16x200xf32>
    %sub3A_1383 = arith.constant 1.000000e+00 : f32
    %sub3A_1384 = vector.broadcast %sub3A_1383 : f32 to vector<16x200xf32>
    %sub3A_1385 = arith.subf %sub3A_1384, %mul3A_1382 : vector<16x200xf32>
    %mul3A_1386 = arith.mulf %mul3A_1377, %sub3A_1385 : vector<16x200xf32>
    %slice3A_1387 = vector.extract_strided_slice %mul3A_1386 {offsets = [0, 146], sizes = [16, 1], strides = [1, 1]} : vector<16x200xf32> to vector<16x1xf32>
    %slice3A_1388 = vector.extract_strided_slice %select_n3A {offsets = [146, 0, 0], sizes = [1, 16, 200], strides = [1, 1, 1]} : vector<200x16x200xf32> to vector<1x16x200xf32>
    %squeeze3A_1389 = vector.shape_cast %slice3A_1388 : vector<1x16x200xf32> to vector<16x200xf32>
    %mul3A_1390 = vector.broadcast %slice3A_1387 : vector<16x1xf32> to vector<16x200xf32>
    %mul3A_1391 = arith.mulf %squeeze3A_1389, %mul3A_1390 : vector<16x200xf32>
    %sub3A_1392 = arith.constant 1.000000e+00 : f32
    %sub3A_1393 = vector.broadcast %sub3A_1392 : f32 to vector<16x200xf32>
    %sub3A_1394 = arith.subf %sub3A_1393, %mul3A_1391 : vector<16x200xf32>
    %mul3A_1395 = arith.mulf %mul3A_1386, %sub3A_1394 : vector<16x200xf32>
    %slice3A_1396 = vector.extract_strided_slice %mul3A_1395 {offsets = [0, 147], sizes = [16, 1], strides = [1, 1]} : vector<16x200xf32> to vector<16x1xf32>
    %slice3A_1397 = vector.extract_strided_slice %select_n3A {offsets = [147, 0, 0], sizes = [1, 16, 200], strides = [1, 1, 1]} : vector<200x16x200xf32> to vector<1x16x200xf32>
    %squeeze3A_1398 = vector.shape_cast %slice3A_1397 : vector<1x16x200xf32> to vector<16x200xf32>
    %mul3A_1399 = vector.broadcast %slice3A_1396 : vector<16x1xf32> to vector<16x200xf32>
    %mul3A_1400 = arith.mulf %squeeze3A_1398, %mul3A_1399 : vector<16x200xf32>
    %sub3A_1401 = arith.constant 1.000000e+00 : f32
    %sub3A_1402 = vector.broadcast %sub3A_1401 : f32 to vector<16x200xf32>
    %sub3A_1403 = arith.subf %sub3A_1402, %mul3A_1400 : vector<16x200xf32>
    %mul3A_1404 = arith.mulf %mul3A_1395, %sub3A_1403 : vector<16x200xf32>
    %slice3A_1405 = vector.extract_strided_slice %mul3A_1404 {offsets = [0, 148], sizes = [16, 1], strides = [1, 1]} : vector<16x200xf32> to vector<16x1xf32>
    %slice3A_1406 = vector.extract_strided_slice %select_n3A {offsets = [148, 0, 0], sizes = [1, 16, 200], strides = [1, 1, 1]} : vector<200x16x200xf32> to vector<1x16x200xf32>
    %squeeze3A_1407 = vector.shape_cast %slice3A_1406 : vector<1x16x200xf32> to vector<16x200xf32>
    %mul3A_1408 = vector.broadcast %slice3A_1405 : vector<16x1xf32> to vector<16x200xf32>
    %mul3A_1409 = arith.mulf %squeeze3A_1407, %mul3A_1408 : vector<16x200xf32>
    %sub3A_1410 = arith.constant 1.000000e+00 : f32
    %sub3A_1411 = vector.broadcast %sub3A_1410 : f32 to vector<16x200xf32>
    %sub3A_1412 = arith.subf %sub3A_1411, %mul3A_1409 : vector<16x200xf32>
    %mul3A_1413 = arith.mulf %mul3A_1404, %sub3A_1412 : vector<16x200xf32>
    %slice3A_1414 = vector.extract_strided_slice %mul3A_1413 {offsets = [0, 149], sizes = [16, 1], strides = [1, 1]} : vector<16x200xf32> to vector<16x1xf32>
    %slice3A_1415 = vector.extract_strided_slice %select_n3A {offsets = [149, 0, 0], sizes = [1, 16, 200], strides = [1, 1, 1]} : vector<200x16x200xf32> to vector<1x16x200xf32>
    %squeeze3A_1416 = vector.shape_cast %slice3A_1415 : vector<1x16x200xf32> to vector<16x200xf32>
    %mul3A_1417 = vector.broadcast %slice3A_1414 : vector<16x1xf32> to vector<16x200xf32>
    %mul3A_1418 = arith.mulf %squeeze3A_1416, %mul3A_1417 : vector<16x200xf32>
    %sub3A_1419 = arith.constant 1.000000e+00 : f32
    %sub3A_1420 = vector.broadcast %sub3A_1419 : f32 to vector<16x200xf32>
    %sub3A_1421 = arith.subf %sub3A_1420, %mul3A_1418 : vector<16x200xf32>
    %mul3A_1422 = arith.mulf %mul3A_1413, %sub3A_1421 : vector<16x200xf32>
    %slice3A_1423 = vector.extract_strided_slice %mul3A_1422 {offsets = [0, 150], sizes = [16, 1], strides = [1, 1]} : vector<16x200xf32> to vector<16x1xf32>
    %slice3A_1424 = vector.extract_strided_slice %select_n3A {offsets = [150, 0, 0], sizes = [1, 16, 200], strides = [1, 1, 1]} : vector<200x16x200xf32> to vector<1x16x200xf32>
    %squeeze3A_1425 = vector.shape_cast %slice3A_1424 : vector<1x16x200xf32> to vector<16x200xf32>
    %mul3A_1426 = vector.broadcast %slice3A_1423 : vector<16x1xf32> to vector<16x200xf32>
    %mul3A_1427 = arith.mulf %squeeze3A_1425, %mul3A_1426 : vector<16x200xf32>
    %sub3A_1428 = arith.constant 1.000000e+00 : f32
    %sub3A_1429 = vector.broadcast %sub3A_1428 : f32 to vector<16x200xf32>
    %sub3A_1430 = arith.subf %sub3A_1429, %mul3A_1427 : vector<16x200xf32>
    %mul3A_1431 = arith.mulf %mul3A_1422, %sub3A_1430 : vector<16x200xf32>
    %slice3A_1432 = vector.extract_strided_slice %mul3A_1431 {offsets = [0, 151], sizes = [16, 1], strides = [1, 1]} : vector<16x200xf32> to vector<16x1xf32>
    %slice3A_1433 = vector.extract_strided_slice %select_n3A {offsets = [151, 0, 0], sizes = [1, 16, 200], strides = [1, 1, 1]} : vector<200x16x200xf32> to vector<1x16x200xf32>
    %squeeze3A_1434 = vector.shape_cast %slice3A_1433 : vector<1x16x200xf32> to vector<16x200xf32>
    %mul3A_1435 = vector.broadcast %slice3A_1432 : vector<16x1xf32> to vector<16x200xf32>
    %mul3A_1436 = arith.mulf %squeeze3A_1434, %mul3A_1435 : vector<16x200xf32>
    %sub3A_1437 = arith.constant 1.000000e+00 : f32
    %sub3A_1438 = vector.broadcast %sub3A_1437 : f32 to vector<16x200xf32>
    %sub3A_1439 = arith.subf %sub3A_1438, %mul3A_1436 : vector<16x200xf32>
    %mul3A_1440 = arith.mulf %mul3A_1431, %sub3A_1439 : vector<16x200xf32>
    %slice3A_1441 = vector.extract_strided_slice %mul3A_1440 {offsets = [0, 152], sizes = [16, 1], strides = [1, 1]} : vector<16x200xf32> to vector<16x1xf32>
    %slice3A_1442 = vector.extract_strided_slice %select_n3A {offsets = [152, 0, 0], sizes = [1, 16, 200], strides = [1, 1, 1]} : vector<200x16x200xf32> to vector<1x16x200xf32>
    %squeeze3A_1443 = vector.shape_cast %slice3A_1442 : vector<1x16x200xf32> to vector<16x200xf32>
    %mul3A_1444 = vector.broadcast %slice3A_1441 : vector<16x1xf32> to vector<16x200xf32>
    %mul3A_1445 = arith.mulf %squeeze3A_1443, %mul3A_1444 : vector<16x200xf32>
    %sub3A_1446 = arith.constant 1.000000e+00 : f32
    %sub3A_1447 = vector.broadcast %sub3A_1446 : f32 to vector<16x200xf32>
    %sub3A_1448 = arith.subf %sub3A_1447, %mul3A_1445 : vector<16x200xf32>
    %mul3A_1449 = arith.mulf %mul3A_1440, %sub3A_1448 : vector<16x200xf32>
    %slice3A_1450 = vector.extract_strided_slice %mul3A_1449 {offsets = [0, 153], sizes = [16, 1], strides = [1, 1]} : vector<16x200xf32> to vector<16x1xf32>
    %slice3A_1451 = vector.extract_strided_slice %select_n3A {offsets = [153, 0, 0], sizes = [1, 16, 200], strides = [1, 1, 1]} : vector<200x16x200xf32> to vector<1x16x200xf32>
    %squeeze3A_1452 = vector.shape_cast %slice3A_1451 : vector<1x16x200xf32> to vector<16x200xf32>
    %mul3A_1453 = vector.broadcast %slice3A_1450 : vector<16x1xf32> to vector<16x200xf32>
    %mul3A_1454 = arith.mulf %squeeze3A_1452, %mul3A_1453 : vector<16x200xf32>
    %sub3A_1455 = arith.constant 1.000000e+00 : f32
    %sub3A_1456 = vector.broadcast %sub3A_1455 : f32 to vector<16x200xf32>
    %sub3A_1457 = arith.subf %sub3A_1456, %mul3A_1454 : vector<16x200xf32>
    %mul3A_1458 = arith.mulf %mul3A_1449, %sub3A_1457 : vector<16x200xf32>
    %slice3A_1459 = vector.extract_strided_slice %mul3A_1458 {offsets = [0, 154], sizes = [16, 1], strides = [1, 1]} : vector<16x200xf32> to vector<16x1xf32>
    %slice3A_1460 = vector.extract_strided_slice %select_n3A {offsets = [154, 0, 0], sizes = [1, 16, 200], strides = [1, 1, 1]} : vector<200x16x200xf32> to vector<1x16x200xf32>
    %squeeze3A_1461 = vector.shape_cast %slice3A_1460 : vector<1x16x200xf32> to vector<16x200xf32>
    %mul3A_1462 = vector.broadcast %slice3A_1459 : vector<16x1xf32> to vector<16x200xf32>
    %mul3A_1463 = arith.mulf %squeeze3A_1461, %mul3A_1462 : vector<16x200xf32>
    %sub3A_1464 = arith.constant 1.000000e+00 : f32
    %sub3A_1465 = vector.broadcast %sub3A_1464 : f32 to vector<16x200xf32>
    %sub3A_1466 = arith.subf %sub3A_1465, %mul3A_1463 : vector<16x200xf32>
    %mul3A_1467 = arith.mulf %mul3A_1458, %sub3A_1466 : vector<16x200xf32>
    %slice3A_1468 = vector.extract_strided_slice %mul3A_1467 {offsets = [0, 155], sizes = [16, 1], strides = [1, 1]} : vector<16x200xf32> to vector<16x1xf32>
    %slice3A_1469 = vector.extract_strided_slice %select_n3A {offsets = [155, 0, 0], sizes = [1, 16, 200], strides = [1, 1, 1]} : vector<200x16x200xf32> to vector<1x16x200xf32>
    %squeeze3A_1470 = vector.shape_cast %slice3A_1469 : vector<1x16x200xf32> to vector<16x200xf32>
    %mul3A_1471 = vector.broadcast %slice3A_1468 : vector<16x1xf32> to vector<16x200xf32>
    %mul3A_1472 = arith.mulf %squeeze3A_1470, %mul3A_1471 : vector<16x200xf32>
    %sub3A_1473 = arith.constant 1.000000e+00 : f32
    %sub3A_1474 = vector.broadcast %sub3A_1473 : f32 to vector<16x200xf32>
    %sub3A_1475 = arith.subf %sub3A_1474, %mul3A_1472 : vector<16x200xf32>
    %mul3A_1476 = arith.mulf %mul3A_1467, %sub3A_1475 : vector<16x200xf32>
    %slice3A_1477 = vector.extract_strided_slice %mul3A_1476 {offsets = [0, 156], sizes = [16, 1], strides = [1, 1]} : vector<16x200xf32> to vector<16x1xf32>
    %slice3A_1478 = vector.extract_strided_slice %select_n3A {offsets = [156, 0, 0], sizes = [1, 16, 200], strides = [1, 1, 1]} : vector<200x16x200xf32> to vector<1x16x200xf32>
    %squeeze3A_1479 = vector.shape_cast %slice3A_1478 : vector<1x16x200xf32> to vector<16x200xf32>
    %mul3A_1480 = vector.broadcast %slice3A_1477 : vector<16x1xf32> to vector<16x200xf32>
    %mul3A_1481 = arith.mulf %squeeze3A_1479, %mul3A_1480 : vector<16x200xf32>
    %sub3A_1482 = arith.constant 1.000000e+00 : f32
    %sub3A_1483 = vector.broadcast %sub3A_1482 : f32 to vector<16x200xf32>
    %sub3A_1484 = arith.subf %sub3A_1483, %mul3A_1481 : vector<16x200xf32>
    %mul3A_1485 = arith.mulf %mul3A_1476, %sub3A_1484 : vector<16x200xf32>
    %slice3A_1486 = vector.extract_strided_slice %mul3A_1485 {offsets = [0, 157], sizes = [16, 1], strides = [1, 1]} : vector<16x200xf32> to vector<16x1xf32>
    %slice3A_1487 = vector.extract_strided_slice %select_n3A {offsets = [157, 0, 0], sizes = [1, 16, 200], strides = [1, 1, 1]} : vector<200x16x200xf32> to vector<1x16x200xf32>
    %squeeze3A_1488 = vector.shape_cast %slice3A_1487 : vector<1x16x200xf32> to vector<16x200xf32>
    %mul3A_1489 = vector.broadcast %slice3A_1486 : vector<16x1xf32> to vector<16x200xf32>
    %mul3A_1490 = arith.mulf %squeeze3A_1488, %mul3A_1489 : vector<16x200xf32>
    %sub3A_1491 = arith.constant 1.000000e+00 : f32
    %sub3A_1492 = vector.broadcast %sub3A_1491 : f32 to vector<16x200xf32>
    %sub3A_1493 = arith.subf %sub3A_1492, %mul3A_1490 : vector<16x200xf32>
    %mul3A_1494 = arith.mulf %mul3A_1485, %sub3A_1493 : vector<16x200xf32>
    %slice3A_1495 = vector.extract_strided_slice %mul3A_1494 {offsets = [0, 158], sizes = [16, 1], strides = [1, 1]} : vector<16x200xf32> to vector<16x1xf32>
    %slice3A_1496 = vector.extract_strided_slice %select_n3A {offsets = [158, 0, 0], sizes = [1, 16, 200], strides = [1, 1, 1]} : vector<200x16x200xf32> to vector<1x16x200xf32>
    %squeeze3A_1497 = vector.shape_cast %slice3A_1496 : vector<1x16x200xf32> to vector<16x200xf32>
    %mul3A_1498 = vector.broadcast %slice3A_1495 : vector<16x1xf32> to vector<16x200xf32>
    %mul3A_1499 = arith.mulf %squeeze3A_1497, %mul3A_1498 : vector<16x200xf32>
    %sub3A_1500 = arith.constant 1.000000e+00 : f32
    %sub3A_1501 = vector.broadcast %sub3A_1500 : f32 to vector<16x200xf32>
    %sub3A_1502 = arith.subf %sub3A_1501, %mul3A_1499 : vector<16x200xf32>
    %mul3A_1503 = arith.mulf %mul3A_1494, %sub3A_1502 : vector<16x200xf32>
    %slice3A_1504 = vector.extract_strided_slice %mul3A_1503 {offsets = [0, 159], sizes = [16, 1], strides = [1, 1]} : vector<16x200xf32> to vector<16x1xf32>
    %slice3A_1505 = vector.extract_strided_slice %select_n3A {offsets = [159, 0, 0], sizes = [1, 16, 200], strides = [1, 1, 1]} : vector<200x16x200xf32> to vector<1x16x200xf32>
    %squeeze3A_1506 = vector.shape_cast %slice3A_1505 : vector<1x16x200xf32> to vector<16x200xf32>
    %mul3A_1507 = vector.broadcast %slice3A_1504 : vector<16x1xf32> to vector<16x200xf32>
    %mul3A_1508 = arith.mulf %squeeze3A_1506, %mul3A_1507 : vector<16x200xf32>
    %sub3A_1509 = arith.constant 1.000000e+00 : f32
    %sub3A_1510 = vector.broadcast %sub3A_1509 : f32 to vector<16x200xf32>
    %sub3A_1511 = arith.subf %sub3A_1510, %mul3A_1508 : vector<16x200xf32>
    %mul3A_1512 = arith.mulf %mul3A_1503, %sub3A_1511 : vector<16x200xf32>
    %slice3A_1513 = vector.extract_strided_slice %mul3A_1512 {offsets = [0, 160], sizes = [16, 1], strides = [1, 1]} : vector<16x200xf32> to vector<16x1xf32>
    %slice3A_1514 = vector.extract_strided_slice %select_n3A {offsets = [160, 0, 0], sizes = [1, 16, 200], strides = [1, 1, 1]} : vector<200x16x200xf32> to vector<1x16x200xf32>
    %squeeze3A_1515 = vector.shape_cast %slice3A_1514 : vector<1x16x200xf32> to vector<16x200xf32>
    %mul3A_1516 = vector.broadcast %slice3A_1513 : vector<16x1xf32> to vector<16x200xf32>
    %mul3A_1517 = arith.mulf %squeeze3A_1515, %mul3A_1516 : vector<16x200xf32>
    %sub3A_1518 = arith.constant 1.000000e+00 : f32
    %sub3A_1519 = vector.broadcast %sub3A_1518 : f32 to vector<16x200xf32>
    %sub3A_1520 = arith.subf %sub3A_1519, %mul3A_1517 : vector<16x200xf32>
    %mul3A_1521 = arith.mulf %mul3A_1512, %sub3A_1520 : vector<16x200xf32>
    %slice3A_1522 = vector.extract_strided_slice %mul3A_1521 {offsets = [0, 161], sizes = [16, 1], strides = [1, 1]} : vector<16x200xf32> to vector<16x1xf32>
    %slice3A_1523 = vector.extract_strided_slice %select_n3A {offsets = [161, 0, 0], sizes = [1, 16, 200], strides = [1, 1, 1]} : vector<200x16x200xf32> to vector<1x16x200xf32>
    %squeeze3A_1524 = vector.shape_cast %slice3A_1523 : vector<1x16x200xf32> to vector<16x200xf32>
    %mul3A_1525 = vector.broadcast %slice3A_1522 : vector<16x1xf32> to vector<16x200xf32>
    %mul3A_1526 = arith.mulf %squeeze3A_1524, %mul3A_1525 : vector<16x200xf32>
    %sub3A_1527 = arith.constant 1.000000e+00 : f32
    %sub3A_1528 = vector.broadcast %sub3A_1527 : f32 to vector<16x200xf32>
    %sub3A_1529 = arith.subf %sub3A_1528, %mul3A_1526 : vector<16x200xf32>
    %mul3A_1530 = arith.mulf %mul3A_1521, %sub3A_1529 : vector<16x200xf32>
    %slice3A_1531 = vector.extract_strided_slice %mul3A_1530 {offsets = [0, 162], sizes = [16, 1], strides = [1, 1]} : vector<16x200xf32> to vector<16x1xf32>
    %slice3A_1532 = vector.extract_strided_slice %select_n3A {offsets = [162, 0, 0], sizes = [1, 16, 200], strides = [1, 1, 1]} : vector<200x16x200xf32> to vector<1x16x200xf32>
    %squeeze3A_1533 = vector.shape_cast %slice3A_1532 : vector<1x16x200xf32> to vector<16x200xf32>
    %mul3A_1534 = vector.broadcast %slice3A_1531 : vector<16x1xf32> to vector<16x200xf32>
    %mul3A_1535 = arith.mulf %squeeze3A_1533, %mul3A_1534 : vector<16x200xf32>
    %sub3A_1536 = arith.constant 1.000000e+00 : f32
    %sub3A_1537 = vector.broadcast %sub3A_1536 : f32 to vector<16x200xf32>
    %sub3A_1538 = arith.subf %sub3A_1537, %mul3A_1535 : vector<16x200xf32>
    %mul3A_1539 = arith.mulf %mul3A_1530, %sub3A_1538 : vector<16x200xf32>
    %slice3A_1540 = vector.extract_strided_slice %mul3A_1539 {offsets = [0, 163], sizes = [16, 1], strides = [1, 1]} : vector<16x200xf32> to vector<16x1xf32>
    %slice3A_1541 = vector.extract_strided_slice %select_n3A {offsets = [163, 0, 0], sizes = [1, 16, 200], strides = [1, 1, 1]} : vector<200x16x200xf32> to vector<1x16x200xf32>
    %squeeze3A_1542 = vector.shape_cast %slice3A_1541 : vector<1x16x200xf32> to vector<16x200xf32>
    %mul3A_1543 = vector.broadcast %slice3A_1540 : vector<16x1xf32> to vector<16x200xf32>
    %mul3A_1544 = arith.mulf %squeeze3A_1542, %mul3A_1543 : vector<16x200xf32>
    %sub3A_1545 = arith.constant 1.000000e+00 : f32
    %sub3A_1546 = vector.broadcast %sub3A_1545 : f32 to vector<16x200xf32>
    %sub3A_1547 = arith.subf %sub3A_1546, %mul3A_1544 : vector<16x200xf32>
    %mul3A_1548 = arith.mulf %mul3A_1539, %sub3A_1547 : vector<16x200xf32>
    %slice3A_1549 = vector.extract_strided_slice %mul3A_1548 {offsets = [0, 164], sizes = [16, 1], strides = [1, 1]} : vector<16x200xf32> to vector<16x1xf32>
    %slice3A_1550 = vector.extract_strided_slice %select_n3A {offsets = [164, 0, 0], sizes = [1, 16, 200], strides = [1, 1, 1]} : vector<200x16x200xf32> to vector<1x16x200xf32>
    %squeeze3A_1551 = vector.shape_cast %slice3A_1550 : vector<1x16x200xf32> to vector<16x200xf32>
    %mul3A_1552 = vector.broadcast %slice3A_1549 : vector<16x1xf32> to vector<16x200xf32>
    %mul3A_1553 = arith.mulf %squeeze3A_1551, %mul3A_1552 : vector<16x200xf32>
    %sub3A_1554 = arith.constant 1.000000e+00 : f32
    %sub3A_1555 = vector.broadcast %sub3A_1554 : f32 to vector<16x200xf32>
    %sub3A_1556 = arith.subf %sub3A_1555, %mul3A_1553 : vector<16x200xf32>
    %mul3A_1557 = arith.mulf %mul3A_1548, %sub3A_1556 : vector<16x200xf32>
    %slice3A_1558 = vector.extract_strided_slice %mul3A_1557 {offsets = [0, 165], sizes = [16, 1], strides = [1, 1]} : vector<16x200xf32> to vector<16x1xf32>
    %slice3A_1559 = vector.extract_strided_slice %select_n3A {offsets = [165, 0, 0], sizes = [1, 16, 200], strides = [1, 1, 1]} : vector<200x16x200xf32> to vector<1x16x200xf32>
    %squeeze3A_1560 = vector.shape_cast %slice3A_1559 : vector<1x16x200xf32> to vector<16x200xf32>
    %mul3A_1561 = vector.broadcast %slice3A_1558 : vector<16x1xf32> to vector<16x200xf32>
    %mul3A_1562 = arith.mulf %squeeze3A_1560, %mul3A_1561 : vector<16x200xf32>
    %sub3A_1563 = arith.constant 1.000000e+00 : f32
    %sub3A_1564 = vector.broadcast %sub3A_1563 : f32 to vector<16x200xf32>
    %sub3A_1565 = arith.subf %sub3A_1564, %mul3A_1562 : vector<16x200xf32>
    %mul3A_1566 = arith.mulf %mul3A_1557, %sub3A_1565 : vector<16x200xf32>
    %slice3A_1567 = vector.extract_strided_slice %mul3A_1566 {offsets = [0, 166], sizes = [16, 1], strides = [1, 1]} : vector<16x200xf32> to vector<16x1xf32>
    %slice3A_1568 = vector.extract_strided_slice %select_n3A {offsets = [166, 0, 0], sizes = [1, 16, 200], strides = [1, 1, 1]} : vector<200x16x200xf32> to vector<1x16x200xf32>
    %squeeze3A_1569 = vector.shape_cast %slice3A_1568 : vector<1x16x200xf32> to vector<16x200xf32>
    %mul3A_1570 = vector.broadcast %slice3A_1567 : vector<16x1xf32> to vector<16x200xf32>
    %mul3A_1571 = arith.mulf %squeeze3A_1569, %mul3A_1570 : vector<16x200xf32>
    %sub3A_1572 = arith.constant 1.000000e+00 : f32
    %sub3A_1573 = vector.broadcast %sub3A_1572 : f32 to vector<16x200xf32>
    %sub3A_1574 = arith.subf %sub3A_1573, %mul3A_1571 : vector<16x200xf32>
    %mul3A_1575 = arith.mulf %mul3A_1566, %sub3A_1574 : vector<16x200xf32>
    %slice3A_1576 = vector.extract_strided_slice %mul3A_1575 {offsets = [0, 167], sizes = [16, 1], strides = [1, 1]} : vector<16x200xf32> to vector<16x1xf32>
    %slice3A_1577 = vector.extract_strided_slice %select_n3A {offsets = [167, 0, 0], sizes = [1, 16, 200], strides = [1, 1, 1]} : vector<200x16x200xf32> to vector<1x16x200xf32>
    %squeeze3A_1578 = vector.shape_cast %slice3A_1577 : vector<1x16x200xf32> to vector<16x200xf32>
    %mul3A_1579 = vector.broadcast %slice3A_1576 : vector<16x1xf32> to vector<16x200xf32>
    %mul3A_1580 = arith.mulf %squeeze3A_1578, %mul3A_1579 : vector<16x200xf32>
    %sub3A_1581 = arith.constant 1.000000e+00 : f32
    %sub3A_1582 = vector.broadcast %sub3A_1581 : f32 to vector<16x200xf32>
    %sub3A_1583 = arith.subf %sub3A_1582, %mul3A_1580 : vector<16x200xf32>
    %mul3A_1584 = arith.mulf %mul3A_1575, %sub3A_1583 : vector<16x200xf32>
    %slice3A_1585 = vector.extract_strided_slice %mul3A_1584 {offsets = [0, 168], sizes = [16, 1], strides = [1, 1]} : vector<16x200xf32> to vector<16x1xf32>
    %slice3A_1586 = vector.extract_strided_slice %select_n3A {offsets = [168, 0, 0], sizes = [1, 16, 200], strides = [1, 1, 1]} : vector<200x16x200xf32> to vector<1x16x200xf32>
    %squeeze3A_1587 = vector.shape_cast %slice3A_1586 : vector<1x16x200xf32> to vector<16x200xf32>
    %mul3A_1588 = vector.broadcast %slice3A_1585 : vector<16x1xf32> to vector<16x200xf32>
    %mul3A_1589 = arith.mulf %squeeze3A_1587, %mul3A_1588 : vector<16x200xf32>
    %sub3A_1590 = arith.constant 1.000000e+00 : f32
    %sub3A_1591 = vector.broadcast %sub3A_1590 : f32 to vector<16x200xf32>
    %sub3A_1592 = arith.subf %sub3A_1591, %mul3A_1589 : vector<16x200xf32>
    %mul3A_1593 = arith.mulf %mul3A_1584, %sub3A_1592 : vector<16x200xf32>
    %slice3A_1594 = vector.extract_strided_slice %mul3A_1593 {offsets = [0, 169], sizes = [16, 1], strides = [1, 1]} : vector<16x200xf32> to vector<16x1xf32>
    %slice3A_1595 = vector.extract_strided_slice %select_n3A {offsets = [169, 0, 0], sizes = [1, 16, 200], strides = [1, 1, 1]} : vector<200x16x200xf32> to vector<1x16x200xf32>
    %squeeze3A_1596 = vector.shape_cast %slice3A_1595 : vector<1x16x200xf32> to vector<16x200xf32>
    %mul3A_1597 = vector.broadcast %slice3A_1594 : vector<16x1xf32> to vector<16x200xf32>
    %mul3A_1598 = arith.mulf %squeeze3A_1596, %mul3A_1597 : vector<16x200xf32>
    %sub3A_1599 = arith.constant 1.000000e+00 : f32
    %sub3A_1600 = vector.broadcast %sub3A_1599 : f32 to vector<16x200xf32>
    %sub3A_1601 = arith.subf %sub3A_1600, %mul3A_1598 : vector<16x200xf32>
    %mul3A_1602 = arith.mulf %mul3A_1593, %sub3A_1601 : vector<16x200xf32>
    %slice3A_1603 = vector.extract_strided_slice %mul3A_1602 {offsets = [0, 170], sizes = [16, 1], strides = [1, 1]} : vector<16x200xf32> to vector<16x1xf32>
    %slice3A_1604 = vector.extract_strided_slice %select_n3A {offsets = [170, 0, 0], sizes = [1, 16, 200], strides = [1, 1, 1]} : vector<200x16x200xf32> to vector<1x16x200xf32>
    %squeeze3A_1605 = vector.shape_cast %slice3A_1604 : vector<1x16x200xf32> to vector<16x200xf32>
    %mul3A_1606 = vector.broadcast %slice3A_1603 : vector<16x1xf32> to vector<16x200xf32>
    %mul3A_1607 = arith.mulf %squeeze3A_1605, %mul3A_1606 : vector<16x200xf32>
    %sub3A_1608 = arith.constant 1.000000e+00 : f32
    %sub3A_1609 = vector.broadcast %sub3A_1608 : f32 to vector<16x200xf32>
    %sub3A_1610 = arith.subf %sub3A_1609, %mul3A_1607 : vector<16x200xf32>
    %mul3A_1611 = arith.mulf %mul3A_1602, %sub3A_1610 : vector<16x200xf32>
    %slice3A_1612 = vector.extract_strided_slice %mul3A_1611 {offsets = [0, 171], sizes = [16, 1], strides = [1, 1]} : vector<16x200xf32> to vector<16x1xf32>
    %slice3A_1613 = vector.extract_strided_slice %select_n3A {offsets = [171, 0, 0], sizes = [1, 16, 200], strides = [1, 1, 1]} : vector<200x16x200xf32> to vector<1x16x200xf32>
    %squeeze3A_1614 = vector.shape_cast %slice3A_1613 : vector<1x16x200xf32> to vector<16x200xf32>
    %mul3A_1615 = vector.broadcast %slice3A_1612 : vector<16x1xf32> to vector<16x200xf32>
    %mul3A_1616 = arith.mulf %squeeze3A_1614, %mul3A_1615 : vector<16x200xf32>
    %sub3A_1617 = arith.constant 1.000000e+00 : f32
    %sub3A_1618 = vector.broadcast %sub3A_1617 : f32 to vector<16x200xf32>
    %sub3A_1619 = arith.subf %sub3A_1618, %mul3A_1616 : vector<16x200xf32>
    %mul3A_1620 = arith.mulf %mul3A_1611, %sub3A_1619 : vector<16x200xf32>
    %slice3A_1621 = vector.extract_strided_slice %mul3A_1620 {offsets = [0, 172], sizes = [16, 1], strides = [1, 1]} : vector<16x200xf32> to vector<16x1xf32>
    %slice3A_1622 = vector.extract_strided_slice %select_n3A {offsets = [172, 0, 0], sizes = [1, 16, 200], strides = [1, 1, 1]} : vector<200x16x200xf32> to vector<1x16x200xf32>
    %squeeze3A_1623 = vector.shape_cast %slice3A_1622 : vector<1x16x200xf32> to vector<16x200xf32>
    %mul3A_1624 = vector.broadcast %slice3A_1621 : vector<16x1xf32> to vector<16x200xf32>
    %mul3A_1625 = arith.mulf %squeeze3A_1623, %mul3A_1624 : vector<16x200xf32>
    %sub3A_1626 = arith.constant 1.000000e+00 : f32
    %sub3A_1627 = vector.broadcast %sub3A_1626 : f32 to vector<16x200xf32>
    %sub3A_1628 = arith.subf %sub3A_1627, %mul3A_1625 : vector<16x200xf32>
    %mul3A_1629 = arith.mulf %mul3A_1620, %sub3A_1628 : vector<16x200xf32>
    %slice3A_1630 = vector.extract_strided_slice %mul3A_1629 {offsets = [0, 173], sizes = [16, 1], strides = [1, 1]} : vector<16x200xf32> to vector<16x1xf32>
    %slice3A_1631 = vector.extract_strided_slice %select_n3A {offsets = [173, 0, 0], sizes = [1, 16, 200], strides = [1, 1, 1]} : vector<200x16x200xf32> to vector<1x16x200xf32>
    %squeeze3A_1632 = vector.shape_cast %slice3A_1631 : vector<1x16x200xf32> to vector<16x200xf32>
    %mul3A_1633 = vector.broadcast %slice3A_1630 : vector<16x1xf32> to vector<16x200xf32>
    %mul3A_1634 = arith.mulf %squeeze3A_1632, %mul3A_1633 : vector<16x200xf32>
    %sub3A_1635 = arith.constant 1.000000e+00 : f32
    %sub3A_1636 = vector.broadcast %sub3A_1635 : f32 to vector<16x200xf32>
    %sub3A_1637 = arith.subf %sub3A_1636, %mul3A_1634 : vector<16x200xf32>
    %mul3A_1638 = arith.mulf %mul3A_1629, %sub3A_1637 : vector<16x200xf32>
    %slice3A_1639 = vector.extract_strided_slice %mul3A_1638 {offsets = [0, 174], sizes = [16, 1], strides = [1, 1]} : vector<16x200xf32> to vector<16x1xf32>
    %slice3A_1640 = vector.extract_strided_slice %select_n3A {offsets = [174, 0, 0], sizes = [1, 16, 200], strides = [1, 1, 1]} : vector<200x16x200xf32> to vector<1x16x200xf32>
    %squeeze3A_1641 = vector.shape_cast %slice3A_1640 : vector<1x16x200xf32> to vector<16x200xf32>
    %mul3A_1642 = vector.broadcast %slice3A_1639 : vector<16x1xf32> to vector<16x200xf32>
    %mul3A_1643 = arith.mulf %squeeze3A_1641, %mul3A_1642 : vector<16x200xf32>
    %sub3A_1644 = arith.constant 1.000000e+00 : f32
    %sub3A_1645 = vector.broadcast %sub3A_1644 : f32 to vector<16x200xf32>
    %sub3A_1646 = arith.subf %sub3A_1645, %mul3A_1643 : vector<16x200xf32>
    %mul3A_1647 = arith.mulf %mul3A_1638, %sub3A_1646 : vector<16x200xf32>
    %slice3A_1648 = vector.extract_strided_slice %mul3A_1647 {offsets = [0, 175], sizes = [16, 1], strides = [1, 1]} : vector<16x200xf32> to vector<16x1xf32>
    %slice3A_1649 = vector.extract_strided_slice %select_n3A {offsets = [175, 0, 0], sizes = [1, 16, 200], strides = [1, 1, 1]} : vector<200x16x200xf32> to vector<1x16x200xf32>
    %squeeze3A_1650 = vector.shape_cast %slice3A_1649 : vector<1x16x200xf32> to vector<16x200xf32>
    %mul3A_1651 = vector.broadcast %slice3A_1648 : vector<16x1xf32> to vector<16x200xf32>
    %mul3A_1652 = arith.mulf %squeeze3A_1650, %mul3A_1651 : vector<16x200xf32>
    %sub3A_1653 = arith.constant 1.000000e+00 : f32
    %sub3A_1654 = vector.broadcast %sub3A_1653 : f32 to vector<16x200xf32>
    %sub3A_1655 = arith.subf %sub3A_1654, %mul3A_1652 : vector<16x200xf32>
    %mul3A_1656 = arith.mulf %mul3A_1647, %sub3A_1655 : vector<16x200xf32>
    %slice3A_1657 = vector.extract_strided_slice %mul3A_1656 {offsets = [0, 176], sizes = [16, 1], strides = [1, 1]} : vector<16x200xf32> to vector<16x1xf32>
    %slice3A_1658 = vector.extract_strided_slice %select_n3A {offsets = [176, 0, 0], sizes = [1, 16, 200], strides = [1, 1, 1]} : vector<200x16x200xf32> to vector<1x16x200xf32>
    %squeeze3A_1659 = vector.shape_cast %slice3A_1658 : vector<1x16x200xf32> to vector<16x200xf32>
    %mul3A_1660 = vector.broadcast %slice3A_1657 : vector<16x1xf32> to vector<16x200xf32>
    %mul3A_1661 = arith.mulf %squeeze3A_1659, %mul3A_1660 : vector<16x200xf32>
    %sub3A_1662 = arith.constant 1.000000e+00 : f32
    %sub3A_1663 = vector.broadcast %sub3A_1662 : f32 to vector<16x200xf32>
    %sub3A_1664 = arith.subf %sub3A_1663, %mul3A_1661 : vector<16x200xf32>
    %mul3A_1665 = arith.mulf %mul3A_1656, %sub3A_1664 : vector<16x200xf32>
    %slice3A_1666 = vector.extract_strided_slice %mul3A_1665 {offsets = [0, 177], sizes = [16, 1], strides = [1, 1]} : vector<16x200xf32> to vector<16x1xf32>
    %slice3A_1667 = vector.extract_strided_slice %select_n3A {offsets = [177, 0, 0], sizes = [1, 16, 200], strides = [1, 1, 1]} : vector<200x16x200xf32> to vector<1x16x200xf32>
    %squeeze3A_1668 = vector.shape_cast %slice3A_1667 : vector<1x16x200xf32> to vector<16x200xf32>
    %mul3A_1669 = vector.broadcast %slice3A_1666 : vector<16x1xf32> to vector<16x200xf32>
    %mul3A_1670 = arith.mulf %squeeze3A_1668, %mul3A_1669 : vector<16x200xf32>
    %sub3A_1671 = arith.constant 1.000000e+00 : f32
    %sub3A_1672 = vector.broadcast %sub3A_1671 : f32 to vector<16x200xf32>
    %sub3A_1673 = arith.subf %sub3A_1672, %mul3A_1670 : vector<16x200xf32>
    %mul3A_1674 = arith.mulf %mul3A_1665, %sub3A_1673 : vector<16x200xf32>
    %slice3A_1675 = vector.extract_strided_slice %mul3A_1674 {offsets = [0, 178], sizes = [16, 1], strides = [1, 1]} : vector<16x200xf32> to vector<16x1xf32>
    %slice3A_1676 = vector.extract_strided_slice %select_n3A {offsets = [178, 0, 0], sizes = [1, 16, 200], strides = [1, 1, 1]} : vector<200x16x200xf32> to vector<1x16x200xf32>
    %squeeze3A_1677 = vector.shape_cast %slice3A_1676 : vector<1x16x200xf32> to vector<16x200xf32>
    %mul3A_1678 = vector.broadcast %slice3A_1675 : vector<16x1xf32> to vector<16x200xf32>
    %mul3A_1679 = arith.mulf %squeeze3A_1677, %mul3A_1678 : vector<16x200xf32>
    %sub3A_1680 = arith.constant 1.000000e+00 : f32
    %sub3A_1681 = vector.broadcast %sub3A_1680 : f32 to vector<16x200xf32>
    %sub3A_1682 = arith.subf %sub3A_1681, %mul3A_1679 : vector<16x200xf32>
    %mul3A_1683 = arith.mulf %mul3A_1674, %sub3A_1682 : vector<16x200xf32>
    %slice3A_1684 = vector.extract_strided_slice %mul3A_1683 {offsets = [0, 179], sizes = [16, 1], strides = [1, 1]} : vector<16x200xf32> to vector<16x1xf32>
    %slice3A_1685 = vector.extract_strided_slice %select_n3A {offsets = [179, 0, 0], sizes = [1, 16, 200], strides = [1, 1, 1]} : vector<200x16x200xf32> to vector<1x16x200xf32>
    %squeeze3A_1686 = vector.shape_cast %slice3A_1685 : vector<1x16x200xf32> to vector<16x200xf32>
    %mul3A_1687 = vector.broadcast %slice3A_1684 : vector<16x1xf32> to vector<16x200xf32>
    %mul3A_1688 = arith.mulf %squeeze3A_1686, %mul3A_1687 : vector<16x200xf32>
    %sub3A_1689 = arith.constant 1.000000e+00 : f32
    %sub3A_1690 = vector.broadcast %sub3A_1689 : f32 to vector<16x200xf32>
    %sub3A_1691 = arith.subf %sub3A_1690, %mul3A_1688 : vector<16x200xf32>
    %mul3A_1692 = arith.mulf %mul3A_1683, %sub3A_1691 : vector<16x200xf32>
    %slice3A_1693 = vector.extract_strided_slice %mul3A_1692 {offsets = [0, 180], sizes = [16, 1], strides = [1, 1]} : vector<16x200xf32> to vector<16x1xf32>
    %slice3A_1694 = vector.extract_strided_slice %select_n3A {offsets = [180, 0, 0], sizes = [1, 16, 200], strides = [1, 1, 1]} : vector<200x16x200xf32> to vector<1x16x200xf32>
    %squeeze3A_1695 = vector.shape_cast %slice3A_1694 : vector<1x16x200xf32> to vector<16x200xf32>
    %mul3A_1696 = vector.broadcast %slice3A_1693 : vector<16x1xf32> to vector<16x200xf32>
    %mul3A_1697 = arith.mulf %squeeze3A_1695, %mul3A_1696 : vector<16x200xf32>
    %sub3A_1698 = arith.constant 1.000000e+00 : f32
    %sub3A_1699 = vector.broadcast %sub3A_1698 : f32 to vector<16x200xf32>
    %sub3A_1700 = arith.subf %sub3A_1699, %mul3A_1697 : vector<16x200xf32>
    %mul3A_1701 = arith.mulf %mul3A_1692, %sub3A_1700 : vector<16x200xf32>
    %slice3A_1702 = vector.extract_strided_slice %mul3A_1701 {offsets = [0, 181], sizes = [16, 1], strides = [1, 1]} : vector<16x200xf32> to vector<16x1xf32>
    %slice3A_1703 = vector.extract_strided_slice %select_n3A {offsets = [181, 0, 0], sizes = [1, 16, 200], strides = [1, 1, 1]} : vector<200x16x200xf32> to vector<1x16x200xf32>
    %squeeze3A_1704 = vector.shape_cast %slice3A_1703 : vector<1x16x200xf32> to vector<16x200xf32>
    %mul3A_1705 = vector.broadcast %slice3A_1702 : vector<16x1xf32> to vector<16x200xf32>
    %mul3A_1706 = arith.mulf %squeeze3A_1704, %mul3A_1705 : vector<16x200xf32>
    %sub3A_1707 = arith.constant 1.000000e+00 : f32
    %sub3A_1708 = vector.broadcast %sub3A_1707 : f32 to vector<16x200xf32>
    %sub3A_1709 = arith.subf %sub3A_1708, %mul3A_1706 : vector<16x200xf32>
    %mul3A_1710 = arith.mulf %mul3A_1701, %sub3A_1709 : vector<16x200xf32>
    %slice3A_1711 = vector.extract_strided_slice %mul3A_1710 {offsets = [0, 182], sizes = [16, 1], strides = [1, 1]} : vector<16x200xf32> to vector<16x1xf32>
    %slice3A_1712 = vector.extract_strided_slice %select_n3A {offsets = [182, 0, 0], sizes = [1, 16, 200], strides = [1, 1, 1]} : vector<200x16x200xf32> to vector<1x16x200xf32>
    %squeeze3A_1713 = vector.shape_cast %slice3A_1712 : vector<1x16x200xf32> to vector<16x200xf32>
    %mul3A_1714 = vector.broadcast %slice3A_1711 : vector<16x1xf32> to vector<16x200xf32>
    %mul3A_1715 = arith.mulf %squeeze3A_1713, %mul3A_1714 : vector<16x200xf32>
    %sub3A_1716 = arith.constant 1.000000e+00 : f32
    %sub3A_1717 = vector.broadcast %sub3A_1716 : f32 to vector<16x200xf32>
    %sub3A_1718 = arith.subf %sub3A_1717, %mul3A_1715 : vector<16x200xf32>
    %mul3A_1719 = arith.mulf %mul3A_1710, %sub3A_1718 : vector<16x200xf32>
    %slice3A_1720 = vector.extract_strided_slice %mul3A_1719 {offsets = [0, 183], sizes = [16, 1], strides = [1, 1]} : vector<16x200xf32> to vector<16x1xf32>
    %slice3A_1721 = vector.extract_strided_slice %select_n3A {offsets = [183, 0, 0], sizes = [1, 16, 200], strides = [1, 1, 1]} : vector<200x16x200xf32> to vector<1x16x200xf32>
    %squeeze3A_1722 = vector.shape_cast %slice3A_1721 : vector<1x16x200xf32> to vector<16x200xf32>
    %mul3A_1723 = vector.broadcast %slice3A_1720 : vector<16x1xf32> to vector<16x200xf32>
    %mul3A_1724 = arith.mulf %squeeze3A_1722, %mul3A_1723 : vector<16x200xf32>
    %sub3A_1725 = arith.constant 1.000000e+00 : f32
    %sub3A_1726 = vector.broadcast %sub3A_1725 : f32 to vector<16x200xf32>
    %sub3A_1727 = arith.subf %sub3A_1726, %mul3A_1724 : vector<16x200xf32>
    %mul3A_1728 = arith.mulf %mul3A_1719, %sub3A_1727 : vector<16x200xf32>
    %slice3A_1729 = vector.extract_strided_slice %mul3A_1728 {offsets = [0, 184], sizes = [16, 1], strides = [1, 1]} : vector<16x200xf32> to vector<16x1xf32>
    %slice3A_1730 = vector.extract_strided_slice %select_n3A {offsets = [184, 0, 0], sizes = [1, 16, 200], strides = [1, 1, 1]} : vector<200x16x200xf32> to vector<1x16x200xf32>
    %squeeze3A_1731 = vector.shape_cast %slice3A_1730 : vector<1x16x200xf32> to vector<16x200xf32>
    %mul3A_1732 = vector.broadcast %slice3A_1729 : vector<16x1xf32> to vector<16x200xf32>
    %mul3A_1733 = arith.mulf %squeeze3A_1731, %mul3A_1732 : vector<16x200xf32>
    %sub3A_1734 = arith.constant 1.000000e+00 : f32
    %sub3A_1735 = vector.broadcast %sub3A_1734 : f32 to vector<16x200xf32>
    %sub3A_1736 = arith.subf %sub3A_1735, %mul3A_1733 : vector<16x200xf32>
    %mul3A_1737 = arith.mulf %mul3A_1728, %sub3A_1736 : vector<16x200xf32>
    %slice3A_1738 = vector.extract_strided_slice %mul3A_1737 {offsets = [0, 185], sizes = [16, 1], strides = [1, 1]} : vector<16x200xf32> to vector<16x1xf32>
    %slice3A_1739 = vector.extract_strided_slice %select_n3A {offsets = [185, 0, 0], sizes = [1, 16, 200], strides = [1, 1, 1]} : vector<200x16x200xf32> to vector<1x16x200xf32>
    %squeeze3A_1740 = vector.shape_cast %slice3A_1739 : vector<1x16x200xf32> to vector<16x200xf32>
    %mul3A_1741 = vector.broadcast %slice3A_1738 : vector<16x1xf32> to vector<16x200xf32>
    %mul3A_1742 = arith.mulf %squeeze3A_1740, %mul3A_1741 : vector<16x200xf32>
    %sub3A_1743 = arith.constant 1.000000e+00 : f32
    %sub3A_1744 = vector.broadcast %sub3A_1743 : f32 to vector<16x200xf32>
    %sub3A_1745 = arith.subf %sub3A_1744, %mul3A_1742 : vector<16x200xf32>
    %mul3A_1746 = arith.mulf %mul3A_1737, %sub3A_1745 : vector<16x200xf32>
    %slice3A_1747 = vector.extract_strided_slice %mul3A_1746 {offsets = [0, 186], sizes = [16, 1], strides = [1, 1]} : vector<16x200xf32> to vector<16x1xf32>
    %slice3A_1748 = vector.extract_strided_slice %select_n3A {offsets = [186, 0, 0], sizes = [1, 16, 200], strides = [1, 1, 1]} : vector<200x16x200xf32> to vector<1x16x200xf32>
    %squeeze3A_1749 = vector.shape_cast %slice3A_1748 : vector<1x16x200xf32> to vector<16x200xf32>
    %mul3A_1750 = vector.broadcast %slice3A_1747 : vector<16x1xf32> to vector<16x200xf32>
    %mul3A_1751 = arith.mulf %squeeze3A_1749, %mul3A_1750 : vector<16x200xf32>
    %sub3A_1752 = arith.constant 1.000000e+00 : f32
    %sub3A_1753 = vector.broadcast %sub3A_1752 : f32 to vector<16x200xf32>
    %sub3A_1754 = arith.subf %sub3A_1753, %mul3A_1751 : vector<16x200xf32>
    %mul3A_1755 = arith.mulf %mul3A_1746, %sub3A_1754 : vector<16x200xf32>
    %slice3A_1756 = vector.extract_strided_slice %mul3A_1755 {offsets = [0, 187], sizes = [16, 1], strides = [1, 1]} : vector<16x200xf32> to vector<16x1xf32>
    %slice3A_1757 = vector.extract_strided_slice %select_n3A {offsets = [187, 0, 0], sizes = [1, 16, 200], strides = [1, 1, 1]} : vector<200x16x200xf32> to vector<1x16x200xf32>
    %squeeze3A_1758 = vector.shape_cast %slice3A_1757 : vector<1x16x200xf32> to vector<16x200xf32>
    %mul3A_1759 = vector.broadcast %slice3A_1756 : vector<16x1xf32> to vector<16x200xf32>
    %mul3A_1760 = arith.mulf %squeeze3A_1758, %mul3A_1759 : vector<16x200xf32>
    %sub3A_1761 = arith.constant 1.000000e+00 : f32
    %sub3A_1762 = vector.broadcast %sub3A_1761 : f32 to vector<16x200xf32>
    %sub3A_1763 = arith.subf %sub3A_1762, %mul3A_1760 : vector<16x200xf32>
    %mul3A_1764 = arith.mulf %mul3A_1755, %sub3A_1763 : vector<16x200xf32>
    %slice3A_1765 = vector.extract_strided_slice %mul3A_1764 {offsets = [0, 188], sizes = [16, 1], strides = [1, 1]} : vector<16x200xf32> to vector<16x1xf32>
    %slice3A_1766 = vector.extract_strided_slice %select_n3A {offsets = [188, 0, 0], sizes = [1, 16, 200], strides = [1, 1, 1]} : vector<200x16x200xf32> to vector<1x16x200xf32>
    %squeeze3A_1767 = vector.shape_cast %slice3A_1766 : vector<1x16x200xf32> to vector<16x200xf32>
    %mul3A_1768 = vector.broadcast %slice3A_1765 : vector<16x1xf32> to vector<16x200xf32>
    %mul3A_1769 = arith.mulf %squeeze3A_1767, %mul3A_1768 : vector<16x200xf32>
    %sub3A_1770 = arith.constant 1.000000e+00 : f32
    %sub3A_1771 = vector.broadcast %sub3A_1770 : f32 to vector<16x200xf32>
    %sub3A_1772 = arith.subf %sub3A_1771, %mul3A_1769 : vector<16x200xf32>
    %mul3A_1773 = arith.mulf %mul3A_1764, %sub3A_1772 : vector<16x200xf32>
    %slice3A_1774 = vector.extract_strided_slice %mul3A_1773 {offsets = [0, 189], sizes = [16, 1], strides = [1, 1]} : vector<16x200xf32> to vector<16x1xf32>
    %slice3A_1775 = vector.extract_strided_slice %select_n3A {offsets = [189, 0, 0], sizes = [1, 16, 200], strides = [1, 1, 1]} : vector<200x16x200xf32> to vector<1x16x200xf32>
    %squeeze3A_1776 = vector.shape_cast %slice3A_1775 : vector<1x16x200xf32> to vector<16x200xf32>
    %mul3A_1777 = vector.broadcast %slice3A_1774 : vector<16x1xf32> to vector<16x200xf32>
    %mul3A_1778 = arith.mulf %squeeze3A_1776, %mul3A_1777 : vector<16x200xf32>
    %sub3A_1779 = arith.constant 1.000000e+00 : f32
    %sub3A_1780 = vector.broadcast %sub3A_1779 : f32 to vector<16x200xf32>
    %sub3A_1781 = arith.subf %sub3A_1780, %mul3A_1778 : vector<16x200xf32>
    %mul3A_1782 = arith.mulf %mul3A_1773, %sub3A_1781 : vector<16x200xf32>
    %slice3A_1783 = vector.extract_strided_slice %mul3A_1782 {offsets = [0, 190], sizes = [16, 1], strides = [1, 1]} : vector<16x200xf32> to vector<16x1xf32>
    %slice3A_1784 = vector.extract_strided_slice %select_n3A {offsets = [190, 0, 0], sizes = [1, 16, 200], strides = [1, 1, 1]} : vector<200x16x200xf32> to vector<1x16x200xf32>
    %squeeze3A_1785 = vector.shape_cast %slice3A_1784 : vector<1x16x200xf32> to vector<16x200xf32>
    %mul3A_1786 = vector.broadcast %slice3A_1783 : vector<16x1xf32> to vector<16x200xf32>
    %mul3A_1787 = arith.mulf %squeeze3A_1785, %mul3A_1786 : vector<16x200xf32>
    %sub3A_1788 = arith.constant 1.000000e+00 : f32
    %sub3A_1789 = vector.broadcast %sub3A_1788 : f32 to vector<16x200xf32>
    %sub3A_1790 = arith.subf %sub3A_1789, %mul3A_1787 : vector<16x200xf32>
    %mul3A_1791 = arith.mulf %mul3A_1782, %sub3A_1790 : vector<16x200xf32>
    %slice3A_1792 = vector.extract_strided_slice %mul3A_1791 {offsets = [0, 191], sizes = [16, 1], strides = [1, 1]} : vector<16x200xf32> to vector<16x1xf32>
    %slice3A_1793 = vector.extract_strided_slice %select_n3A {offsets = [191, 0, 0], sizes = [1, 16, 200], strides = [1, 1, 1]} : vector<200x16x200xf32> to vector<1x16x200xf32>
    %squeeze3A_1794 = vector.shape_cast %slice3A_1793 : vector<1x16x200xf32> to vector<16x200xf32>
    %mul3A_1795 = vector.broadcast %slice3A_1792 : vector<16x1xf32> to vector<16x200xf32>
    %mul3A_1796 = arith.mulf %squeeze3A_1794, %mul3A_1795 : vector<16x200xf32>
    %sub3A_1797 = arith.constant 1.000000e+00 : f32
    %sub3A_1798 = vector.broadcast %sub3A_1797 : f32 to vector<16x200xf32>
    %sub3A_1799 = arith.subf %sub3A_1798, %mul3A_1796 : vector<16x200xf32>
    %mul3A_1800 = arith.mulf %mul3A_1791, %sub3A_1799 : vector<16x200xf32>
    %slice3A_1801 = vector.extract_strided_slice %mul3A_1800 {offsets = [0, 192], sizes = [16, 1], strides = [1, 1]} : vector<16x200xf32> to vector<16x1xf32>
    %slice3A_1802 = vector.extract_strided_slice %select_n3A {offsets = [192, 0, 0], sizes = [1, 16, 200], strides = [1, 1, 1]} : vector<200x16x200xf32> to vector<1x16x200xf32>
    %squeeze3A_1803 = vector.shape_cast %slice3A_1802 : vector<1x16x200xf32> to vector<16x200xf32>
    %mul3A_1804 = vector.broadcast %slice3A_1801 : vector<16x1xf32> to vector<16x200xf32>
    %mul3A_1805 = arith.mulf %squeeze3A_1803, %mul3A_1804 : vector<16x200xf32>
    %sub3A_1806 = arith.constant 1.000000e+00 : f32
    %sub3A_1807 = vector.broadcast %sub3A_1806 : f32 to vector<16x200xf32>
    %sub3A_1808 = arith.subf %sub3A_1807, %mul3A_1805 : vector<16x200xf32>
    %mul3A_1809 = arith.mulf %mul3A_1800, %sub3A_1808 : vector<16x200xf32>
    %slice3A_1810 = vector.extract_strided_slice %mul3A_1809 {offsets = [0, 193], sizes = [16, 1], strides = [1, 1]} : vector<16x200xf32> to vector<16x1xf32>
    %slice3A_1811 = vector.extract_strided_slice %select_n3A {offsets = [193, 0, 0], sizes = [1, 16, 200], strides = [1, 1, 1]} : vector<200x16x200xf32> to vector<1x16x200xf32>
    %squeeze3A_1812 = vector.shape_cast %slice3A_1811 : vector<1x16x200xf32> to vector<16x200xf32>
    %mul3A_1813 = vector.broadcast %slice3A_1810 : vector<16x1xf32> to vector<16x200xf32>
    %mul3A_1814 = arith.mulf %squeeze3A_1812, %mul3A_1813 : vector<16x200xf32>
    %sub3A_1815 = arith.constant 1.000000e+00 : f32
    %sub3A_1816 = vector.broadcast %sub3A_1815 : f32 to vector<16x200xf32>
    %sub3A_1817 = arith.subf %sub3A_1816, %mul3A_1814 : vector<16x200xf32>
    %mul3A_1818 = arith.mulf %mul3A_1809, %sub3A_1817 : vector<16x200xf32>
    %slice3A_1819 = vector.extract_strided_slice %mul3A_1818 {offsets = [0, 194], sizes = [16, 1], strides = [1, 1]} : vector<16x200xf32> to vector<16x1xf32>
    %slice3A_1820 = vector.extract_strided_slice %select_n3A {offsets = [194, 0, 0], sizes = [1, 16, 200], strides = [1, 1, 1]} : vector<200x16x200xf32> to vector<1x16x200xf32>
    %squeeze3A_1821 = vector.shape_cast %slice3A_1820 : vector<1x16x200xf32> to vector<16x200xf32>
    %mul3A_1822 = vector.broadcast %slice3A_1819 : vector<16x1xf32> to vector<16x200xf32>
    %mul3A_1823 = arith.mulf %squeeze3A_1821, %mul3A_1822 : vector<16x200xf32>
    %sub3A_1824 = arith.constant 1.000000e+00 : f32
    %sub3A_1825 = vector.broadcast %sub3A_1824 : f32 to vector<16x200xf32>
    %sub3A_1826 = arith.subf %sub3A_1825, %mul3A_1823 : vector<16x200xf32>
    %mul3A_1827 = arith.mulf %mul3A_1818, %sub3A_1826 : vector<16x200xf32>
    %slice3A_1828 = vector.extract_strided_slice %mul3A_1827 {offsets = [0, 195], sizes = [16, 1], strides = [1, 1]} : vector<16x200xf32> to vector<16x1xf32>
    %slice3A_1829 = vector.extract_strided_slice %select_n3A {offsets = [195, 0, 0], sizes = [1, 16, 200], strides = [1, 1, 1]} : vector<200x16x200xf32> to vector<1x16x200xf32>
    %squeeze3A_1830 = vector.shape_cast %slice3A_1829 : vector<1x16x200xf32> to vector<16x200xf32>
    %mul3A_1831 = vector.broadcast %slice3A_1828 : vector<16x1xf32> to vector<16x200xf32>
    %mul3A_1832 = arith.mulf %squeeze3A_1830, %mul3A_1831 : vector<16x200xf32>
    %sub3A_1833 = arith.constant 1.000000e+00 : f32
    %sub3A_1834 = vector.broadcast %sub3A_1833 : f32 to vector<16x200xf32>
    %sub3A_1835 = arith.subf %sub3A_1834, %mul3A_1832 : vector<16x200xf32>
    %mul3A_1836 = arith.mulf %mul3A_1827, %sub3A_1835 : vector<16x200xf32>
    %slice3A_1837 = vector.extract_strided_slice %mul3A_1836 {offsets = [0, 196], sizes = [16, 1], strides = [1, 1]} : vector<16x200xf32> to vector<16x1xf32>
    %slice3A_1838 = vector.extract_strided_slice %select_n3A {offsets = [196, 0, 0], sizes = [1, 16, 200], strides = [1, 1, 1]} : vector<200x16x200xf32> to vector<1x16x200xf32>
    %squeeze3A_1839 = vector.shape_cast %slice3A_1838 : vector<1x16x200xf32> to vector<16x200xf32>
    %mul3A_1840 = vector.broadcast %slice3A_1837 : vector<16x1xf32> to vector<16x200xf32>
    %mul3A_1841 = arith.mulf %squeeze3A_1839, %mul3A_1840 : vector<16x200xf32>
    %sub3A_1842 = arith.constant 1.000000e+00 : f32
    %sub3A_1843 = vector.broadcast %sub3A_1842 : f32 to vector<16x200xf32>
    %sub3A_1844 = arith.subf %sub3A_1843, %mul3A_1841 : vector<16x200xf32>
    %mul3A_1845 = arith.mulf %mul3A_1836, %sub3A_1844 : vector<16x200xf32>
    %slice3A_1846 = vector.extract_strided_slice %mul3A_1845 {offsets = [0, 197], sizes = [16, 1], strides = [1, 1]} : vector<16x200xf32> to vector<16x1xf32>
    %slice3A_1847 = vector.extract_strided_slice %select_n3A {offsets = [197, 0, 0], sizes = [1, 16, 200], strides = [1, 1, 1]} : vector<200x16x200xf32> to vector<1x16x200xf32>
    %squeeze3A_1848 = vector.shape_cast %slice3A_1847 : vector<1x16x200xf32> to vector<16x200xf32>
    %mul3A_1849 = vector.broadcast %slice3A_1846 : vector<16x1xf32> to vector<16x200xf32>
    %mul3A_1850 = arith.mulf %squeeze3A_1848, %mul3A_1849 : vector<16x200xf32>
    %sub3A_1851 = arith.constant 1.000000e+00 : f32
    %sub3A_1852 = vector.broadcast %sub3A_1851 : f32 to vector<16x200xf32>
    %sub3A_1853 = arith.subf %sub3A_1852, %mul3A_1850 : vector<16x200xf32>
    %mul3A_1854 = arith.mulf %mul3A_1845, %sub3A_1853 : vector<16x200xf32>
    %slice3A_1855 = vector.extract_strided_slice %mul3A_1854 {offsets = [0, 198], sizes = [16, 1], strides = [1, 1]} : vector<16x200xf32> to vector<16x1xf32>
    %slice3A_1856 = vector.extract_strided_slice %select_n3A {offsets = [198, 0, 0], sizes = [1, 16, 200], strides = [1, 1, 1]} : vector<200x16x200xf32> to vector<1x16x200xf32>
    %squeeze3A_1857 = vector.shape_cast %slice3A_1856 : vector<1x16x200xf32> to vector<16x200xf32>
    %mul3A_1858 = vector.broadcast %slice3A_1855 : vector<16x1xf32> to vector<16x200xf32>
    %mul3A_1859 = arith.mulf %squeeze3A_1857, %mul3A_1858 : vector<16x200xf32>
    %sub3A_1860 = arith.constant 1.000000e+00 : f32
    %sub3A_1861 = vector.broadcast %sub3A_1860 : f32 to vector<16x200xf32>
    %sub3A_1862 = arith.subf %sub3A_1861, %mul3A_1859 : vector<16x200xf32>
    %mul3A_1863 = arith.mulf %mul3A_1854, %sub3A_1862 : vector<16x200xf32>
    %slice3A_1864 = vector.extract_strided_slice %mul3A_1863 {offsets = [0, 199], sizes = [16, 1], strides = [1, 1]} : vector<16x200xf32> to vector<16x1xf32>
    %slice3A_1865 = vector.extract_strided_slice %select_n3A {offsets = [199, 0, 0], sizes = [1, 16, 200], strides = [1, 1, 1]} : vector<200x16x200xf32> to vector<1x16x200xf32>
    %squeeze3A_1866 = vector.shape_cast %slice3A_1865 : vector<1x16x200xf32> to vector<16x200xf32>
    %mul3A_1867 = vector.broadcast %slice3A_1864 : vector<16x1xf32> to vector<16x200xf32>
    %mul3A_1868 = arith.mulf %squeeze3A_1866, %mul3A_1867 : vector<16x200xf32>
    %sub3A_1869 = arith.constant 1.000000e+00 : f32
    %sub3A_1870 = vector.broadcast %sub3A_1869 : f32 to vector<16x200xf32>
    %sub3A_1871 = arith.subf %sub3A_1870, %mul3A_1868 : vector<16x200xf32>
    %mul3A_1872 = arith.mulf %mul3A_1863, %sub3A_1871 : vector<16x200xf32>
    %gt3A_1873 = arith.constant 0.000000e+00 : f32
    %gt3A_1874 = vector.broadcast %gt3A_1873 : f32 to vector<16x200xf32>
    %gt3A_1875 = arith.cmpf ogt, %mul3A_1872, %gt3A_1874 : vector<16x200xf32>
    %jit3A_1876 = arith.constant 0xFF800000 : f32
    %broadcast_in_dim3A_1877 = vector.broadcast %jit3A_1876 : f32 to vector<16x200xf32>
    %select_n3A_1878 = arith.select %gt3A_1875, %get3A_23, %broadcast_in_dim3A_1877 : vector<16x200xi1>, vector<16x200xf32>
    %swap3A = arith.constant 0 : index
    %swap3A_1879 = arith.constant 0 : index
    %swap3A_1880 = arith.constant 0 : index
    %swap3A_1881 = vector.load %arg7[%swap3A, %swap3A_1879, %swap3A_1880] : memref<1x16x200xf32, #tpu.memory_space<vmem>>, vector<1x16x200xf32>
    %swap3A_1882 = vector.shape_cast %swap3A_1881 : vector<1x16x200xf32> to vector<16x200xf32>
    %swap3A_1883 = vector.shape_cast %select_n3A_1878 : vector<16x200xf32> to vector<1x16x200xf32>
    tpu.vector_store %arg7[%swap3A, %swap3A_1879, %swap3A_1880], %swap3A_1883 {strides = array<i32>} : memref<1x16x200xf32, #tpu.memory_space<vmem>>, vector<1x16x200xf32>,
    return
  }
  func.func @transform_0(%arg0: i32, %arg1: i32) -> (i32, i32, i32) {
    %c0_i32 = arith.constant 0 : i32
    %c0_i32_0 = arith.constant 0 : i32
    return %arg0, %arg1, %c0_i32 : i32, i32, i32
  }
  func.func @transform_1(%arg0: i32, %arg1: i32) -> (i32, i32, i32) {
    %c0_i32 = arith.constant 0 : i32
    %c0_i32_0 = arith.constant 0 : i32
    return %arg0, %arg1, %c0_i32 : i32, i32, i32
  }
  func.func @transform_2(%arg0: i32, %arg1: i32) -> (i32, i32, i32) {
    %c0_i32 = arith.constant 0 : i32
    %c0_i32_0 = arith.constant 0 : i32
    return %arg0, %arg1, %c0_i32 : i32, i32, i32
  }
  func.func @transform_3(%arg0: i32, %arg1: i32) -> (i32, i32, i32) {
    %c0_i32 = arith.constant 0 : i32
    %c0_i32_0 = arith.constant 0 : i32
    return %arg0, %arg1, %c0_i32 : i32, i32, i32
  }
  func.func @transform_4(%arg0: i32, %arg1: i32) -> (i32, i32, i32) {
    %c0_i32 = arith.constant 0 : i32
    %c0_i32_0 = arith.constant 0 : i32
    return %arg0, %arg1, %c0_i32 : i32, i32, i32
  }
  func.func @transform_5(%arg0: i32, %arg1: i32) -> (i32, i32, i32) {
    %c0_i32 = arith.constant 0 : i32
    %c0_i32_0 = arith.constant 0 : i32
    return %arg0, %arg1, %c0_i32 : i32, i32, i32
  }
}

</mosaic_0001>

<sc_bundles>
// kernel: gather_offload_async_start.1
scs
__scs_entry_jumppad:
0x0: {  	(pc) =	sbr.rel $0x88, $3  }
0x1: {  	(tag) =	ssettag $0x0;
	lr =	simm.s32 $0x1  }
0x2: {  	[smem:$0x3F9E] =	sst lr;
	_ =	strace $0xD0000000  }
0x3: {  	_ = 	snop  }
0x4: {  	_ = 	snop  }
0x5: {  	_ = 	snop  }
0x6: {  	_ = 	snop  }
0x7: {  	_ = 	snop  }
__scs_overlays_trampoline_lowered:
0x8: {  	[smem:$0x3FAD] =	sst s0  }
0x9: {  	[smem:$0x3FAE] =	sst s1  }
0xa: {  	[smem:$0x3FAF] =	sst s2  }
0xb: {  	[smem:$0x3FB0] =	sst s3  }
0xc: {  	[smem:$0x3FB1] =	sst s4  }
0xd: {  	[smem:$0x3FB2] =	sst s5  }
0xe: {  	[smem:$0x3FB3] =	sst s6  }
0xf: {  	[smem:$0x3FB4] =	sst s7  }
0x10: {  	[smem:$0x3FB5] =	sst s8  }
0x11: {  	[smem:$0x3FB6] =	sst s9;
	s0 =	simm.s32 @!p0 $0x0  }
0x12: {  	s1 =	sld [smem:$0x3F9C];
	s0 =	simm.s32 @p0 $0x1  }
0x13: {  	[smem:$0x3FB7] =	sst s0;
	s0 =	simm.s32 @!p1 $0x0  }
0x14: {  	s2 =	sld [smem:$0x3F9B];
	s0 =	simm.s32 @p1 $0x1  }
0x15: {  	[smem:$0x3FB8] =	sst s0;
	s0 =	simm.s32 @!p2 $0x0  }
0x16: {  	s3 =	sld [smem:$0x3FDB];
	s0 =	simm.s32 @p2 $0x1  }
0x17: {  	s4 =	simm.s32 $0x1BF5;
	[smem:$0x3FBA] =	sst s0  }
0x18: {  	s0 =	sld [smem:$0x3F9D];
	_ =	swait.ge [sflag:s4], $0x0  }
0x19: {  	s7 =	sld [smem:$0x3F9E]  }
0x1a: {  	s8 =	sadd.s32 $0xFFFFE003, lr  }
0x1b: {  	s9 =	sadd.s32 $0xFFFFFEF7, lr;
	s5 =	simm.s32 $0xFFFFFFFF;
	p2 =	slt.u32 s8, $0xFFFFF086  }
0x1c: {  	p1 =	slt.u32 s9, $0xF7A;
	s5 =	simm.s32 @!p2 $0x0  }
0x1d: {  	s5 =	simm.s32 @p1 $0x1;
	p0 =	seq.s32 s7, s2  }
0x1e: {  	s7 =	smul.u32 @!p0 $0xF7A, s2;
	p2 =	seq.s32 @!p0 s5, $0x0  }
0x1f: {  	s9 =	smul.u32 $0xF7A, s1;
	s8 =	simm.s32 @!p0 $0x1BF5;
	p2 =	por !p2, p0  }
0x20: {  	[sflag:s8] =	ssyncset.s32 @!p0 $0xFFFFF086;
	s6 =	sadd.s32 @!p0 s3, s7;
	s7 =	simm.s32 @!p0 $0x108  }
0x21: {  	s3 =	sadd.s32 s3, s9;
	s6 =	sadd.s32 @!p0 $0x88, s6;
	s7 =	simm.s32 @p2 $0x1082  }
0x22: {  	[simem:s7], [sflag:s8] =	dma.local @!p0 [hbm:s6], $0xF7A  }
0x23: {  	s9 =	sor.u32 $0xD0000000, s2;
	s6 =	simm.s32 $0x108;
	_ =	swait.ge @!p0 [sflag:s8], $0x0  }
0x24: {  	s3 =	sadd.s32 $0x88, s3;
	s6 =	simm.s32 @!p1 $0x1082;
	[sflag:s4] =	ssyncset.s32 $0xFFFFF086  }
0x25: {  	[simem:s6], [sflag:s4] =	dma.local [hbm:s3], $0xF7A  }
0x26: {  	[smem:$0x3F9E] =	sst s1;
	(tag) =	ssettag s2;
	_ =	strace s9  }
0x27: {  	s1 =	sld [smem:$0x3FAE]  }
0x28: {  	s2 =	sld [smem:$0x3FAF]  }
0x29: {  	s4 =	sld [smem:$0x3FB1]  }
0x2a: {  	p0 =	seq.s32 s5, $0x0;
	s5 =	sld [smem:$0x3FB2]  }
0x2b: {  	s6 =	sld [smem:$0x3FB3]  }
0x2c: {  	s7 =	sld [smem:$0x3FB4]  }
0x2d: {  	s3 =	simm.s32 $0x108;
	s8 =	sld [smem:$0x3FB5]  }
0x2e: {  	s3 =	simm.s32 @!p0 $0x1082;
	s9 =	sld [smem:$0x3FB6]  }
0x2f: {  	lr =	sadd.s32 s0, s3;
	s0 =	sld [smem:$0x3FAD]  }
0x30: {  	s3 =	sld [smem:$0x3FB0]  }
0x31: {  	[smem:$0x3FB9] =	sst s10  }
0x32: {  	s10 =	sld [smem:$0x3FB7];
	_ =	sdelay $0x3  }
0x33: {  	p0 =	seq.s32 s10, $0x1;
	s10 =	sld [smem:$0x3FB9];
	_ =	sdelay $0x3  }
0x34: {  	[smem:$0x3FB9] =	sst s10  }
0x35: {  	s10 =	sld [smem:$0x3FB8];
	_ =	sdelay $0x3  }
0x36: {  	p1 =	seq.s32 s10, $0x1;
	s10 =	sld [smem:$0x3FB9];
	_ =	sdelay $0x3  }
0x37: {  	[smem:$0x3FB9] =	sst s10  }
0x38: {  	s10 =	sld [smem:$0x3FBA]  }
0x39: {  	_ = 	snop;
	(pc) =	sbr.ind lr, $3  }
0x3a: {  	_ = 	snop  }
0x3b: {  	_ = 	snop  }
0x3c: {  	p2 =	seq.s32 s10, $0x1;
	s10 =	sld [smem:$0x3FB9]  }
0x3d: {  	_ =	shalt  }
0x3e: {  	_ =	shalt  }
0x3f: {  	_ =	shalt  }
0x40: {  	_ =	shalt  }
0x41: {  	_ =	shalt  }
0x42: {  	_ =	shalt  }
0x43: {  	_ =	shalt  }
0x44: {  	_ =	shalt  }
0x45: {  	_ =	shalt  }
0x46: {  	_ =	shalt  }
0x47: {  	_ =	shalt  }
0x48: {  	_ =	shalt  }
0x49: {  	_ =	shalt  }
0x4a: {  	_ =	shalt  }
0x4b: {  	_ =	shalt  }
0x4c: {  	_ =	shalt  }
0x4d: {  	_ =	shalt  }
0x4e: {  	_ =	shalt  }
0x4f: {  	_ =	shalt  }
0x50: {  	_ =	shalt  }
0x51: {  	_ =	shalt  }
0x52: {  	_ =	shalt  }
0x53: {  	_ =	shalt  }
0x54: {  	_ =	shalt  }
0x55: {  	_ =	shalt  }
0x56: {  	_ =	shalt  }
0x57: {  	_ =	shalt  }
0x58: {  	_ =	shalt  }
0x59: {  	_ =	shalt  }
0x5a: {  	_ =	shalt  }
0x5b: {  	_ =	shalt  }
0x5c: {  	_ =	shalt  }
0x5d: {  	_ =	shalt  }
0x5e: {  	_ =	shalt  }
0x5f: {  	_ =	shalt  }
0x60: {  	_ =	shalt  }
0x61: {  	_ =	shalt  }
0x62: {  	_ =	shalt  }
0x63: {  	_ =	shalt  }
0x64: {  	_ =	shalt  }
0x65: {  	_ =	shalt  }
0x66: {  	_ =	shalt  }
0x67: {  	_ =	shalt  }
0x68: {  	_ =	shalt  }
0x69: {  	_ =	shalt  }
0x6a: {  	_ =	shalt  }
0x6b: {  	_ =	shalt  }
0x6c: {  	_ =	shalt  }
0x6d: {  	_ =	shalt  }
0x6e: {  	_ =	shalt  }
0x6f: {  	_ =	shalt  }
0x70: {  	_ =	shalt  }
0x71: {  	_ =	shalt  }
0x72: {  	_ =	shalt  }
0x73: {  	_ =	shalt  }
0x74: {  	_ =	shalt  }
0x75: {  	_ =	shalt  }
0x76: {  	_ =	shalt  }
0x77: {  	_ =	shalt  }
0x78: {  	_ =	shalt  }
0x79: {  	_ =	shalt  }
0x7a: {  	_ =	shalt  }
0x7b: {  	_ =	shalt  }
0x7c: {  	_ =	shalt  }
0x7d: {  	_ =	shalt  }
0x7e: {  	_ =	shalt  }
0x7f: {  	_ =	shalt  }
0x80: {  	_ =	shalt  }
0x81: {  	_ =	shalt  }
0x82: {  	_ =	shalt  }
0x83: {  	_ =	shalt  }
0x84: {  	_ =	shalt  }
0x85: {  	_ =	shalt  }
0x86: {  	_ =	shalt  }
0x87: {  	_ =	shalt  }
.Lfunc_end0:
.L_simem_size_0:
called_computation.2_lowered:
.L_overlay_start_0:
0x88: {  	s2 =	sld [smem:$0x3FD9]  }
0x89: {  	s3 =	sld [smem:$0x3FFE];
	_ =	sdelay $0x1  }
0x8a: {  	s1 =	srdreg.scid  }
0x8b: {  	s0 =	sand.u32 $0x1, s1  }
0x8c: {  	s16 =	sshll.u32 s0, $0xA;
	s2 =	sadd.s32 s3, s2  }
0x8d: {  	s2 =	sadd.s32 s2, s16  }
0x8e: {  	[smem:$0x3FC5] =	sst s2  }
0x8f: {  	_ = 	snop  }
0x90: {  	(tm) =	ssettm $0x1  }
0x91: {  	s17 =	sld [smem:$0x3FFB];
	_ =	sdelay $0x3  }
0x92: {  	_ =	strace s17  }
0x93: {  	s2 =	sld [smem:$0x3FFC];
	_ =	sdelay $0x3  }
0x94: {  	_ =	strace s2  }
0x95: {  	s2 =	sld [smem:$0x3FFD];
	_ =	sdelay $0x3  }
0x96: {  	_ =	strace s2  }
0x97: {  	_ =	strace $0x8FFFFFFF  }
0x98: {  	s18 =	sld [smem:$0x3FDB];
	_ =	sdelay $0x1  }
0x99: {  	s19 =	simm.s32 $_scs_section_size  }
0x9a: {  	s4 =	simm.s32 $_size__tile_overlayer_lowered;
	s5 =	simm.s32 $_tile_overlayer_lowered  }
0x9b: {  	s22 =	simm.s32 $0x1BFF;
	s21 =	sshll.u32 s5, $0x1;
	s2 =	sadd.s32 s19, s18  }
0x9c: {  	s6 =	simm.s32 $0x0;
	s20 =	sshll.u32 s4, $0x1;
	s4 =	sadd.s32 s21, s2  }
0x9d: {  	[timem:s6], [sflag:s22] =	dma.local [hbm:s4], s20  }
0x9e: {  	_ =	swait.ge [sflag:s22], s20  }
0x9f: {  	s3 =	ssub.s32 $0x0, s20;
	[sflag:s22] =	ssyncset.done $0x0  }
0xa0: {  	[sflag:s22] =	ssyncadd.s32 s3;
	_ =	sdelay $0x1  }
0xa1: {  	s23 =	simm.s32 $0x1B8B  }
0xa2: {  	_ =	swait.ge [sflag:s23], $0x1  }
0xa3: {  	[sflag:s23] =	ssyncset.done $0x0  }
0xa4: {  	s25 =	simm.s32 $0x1B8E;
	s24 =	sld [smem:$0x3FFE];
	[sflag:s23] =	ssyncadd.s32 $0xFFFFFFFF  }
0xa5: {  	s26 =	simm.s32 $execute0_lowered;
	[smem:$0x3FD2] =	sst s25  }
0xa6: {  	s4 =	sshll.u32 s26, $0x1;
	_ =	strace $0x8000004F;
	[dreg:$0x1] =	wrdreg $0xFFFFFFFF  }
0xa7: {  	s28 =	simm.s32 $_size_execute0_lowered;
	s2 =	sadd.s32 s2, s4;
	[dreg:$0x0] =	wrdreg $0x0  }
0xa8: {  	s4 =	sshll.u32 s28, $0x1;
	[dreg:$0x2] =	wrdreg s2  }
0xa9: {  	[dreg:$0x3] =	wrdreg s4  }
0xaa: {  	[dreg:$0x4] =	wrdreg $0xC0  }
0xab: {  	_ =	task [dreg:s6], $0x5FFFF  }
0xac: {  	[dreg:$0x1] =	wrdreg $0xFFFFFFFF  }
0xad: {  	[dreg:$0x0] =	wrdreg $0x60  }
0xae: {  	[dreg:$0x2] =	wrdreg s24  }
0xaf: {  	[dreg:$0x3] =	wrdreg $0x9  }
0xb0: {  	_ =	task.clear_ibuf [dreg:s6], $0x4FFFF;
	_ =	strace $0x9000004F  }
0xb1: {  	s29 =	simm.s32 $0x9;
	_ =	strace $0x80000051  }
0xb2: {  	_ =	swait.ge [sflag:s29], $0x1  }
0xb3: {  	[sflag:s29] =	ssyncadd.s32 $0xFFFFFFFF  }
0xb4: {  	_ =	strace $0x90000051  }
0xb5: {  	_ =	sfence  }
0xb6: {  	s30 =	sld [smem:$0x0];
	_ =	sdelay $0x2  }
0xb7: {  	s31 =	sshll.u32 s1, $0xD;
	s1 =	sshrl.u32 s1, $0x2  }
0xb8: {  	s3 =	sand.u32 $0x4000, s31;
	s1 =	sadd.s32 s1, s30  }
0xb9: {  	s0 =	sor.u32 s3, s0;
	s1 =	sshll.u32 s1, $0x11  }
0xba: {  	s0 =	sor.u32 s1, s0  }
0xbb: {  	s0 =	sadd.s32 $0x8F2B, s0  }
0xbc: {  	[sflag:s0] =	ssyncadd.remote.s32 $0x1  }
0xbd: {  	_ =	sfence.sel $0xFFFF  }
0xbe: {  	[dreg:$0x0] =	wrdreg $0xFFFFFFFF;
	(pc) =	sbr.abs _section_cstart, $3  }
0xbf: {  	[dreg:$0x1] =	wrdreg $0xFFFFFFFF  }
0xc0: {  	_ =	task.clear_ibuf [dreg:s6], $0x2FFFF;
	_ =	strace $0x9FFFFFFF  }
0xc1: {  	(tm) =	ssettm $0x7FFFFFFF  }
tec
execute0_lowered:
.L_overlay_start_1:
0x0: {  	(tag) =	ssettag $0x1  }
0x1: {  	s8 =	rddreg [dreg:$0x0];
	s1 =	stileid.u32  }
0x2: {  	s2 =	srdreg.scid;
	s0 =	rddreg [dreg:$0x1]  }
0x3: {  	_ =	strace $0x80000050;
	s5 =	simm.s32 $0x1;
	s9 =	simm.s32 $0x1  }
0x4: {  	s10 =	simm.s32 $0x3;
	s2 =	sand.u32 $0x1, s2;
	s3 =	sshll.u32 s1, $0x1  }
0x5: {  	s13 =	simm.s32 $0x0;
	s12 =	simm.s32 $0x0;
	s6 =	sor.u32 s3, s2  }
0x6: {  	[sflag:s5] =	ssyncpa.u1 $0x0;
	s2 =	sadd.s32 $0x4B5000, s8;
	s4 =	smul.u32 $0x1900, s6  }
0x7: {  	s3 =	sadd.s32 $0x478000, s8;
	p0 =	slt.u32 s6, $0x9;
	s6 =	simm.s32 $0x32000  }
.Ltmp0:
0x8: {  	s6 =	simm.s32 @!p0 $0x0;
	s7 =	ssub.s32 $0x3E800, s4;
	(pc) =	sbr.rel .LBB2_1-.Ltmp0, $4  }
0x9: {  	s9 =	simm.s32 @!p0 $0x0;
	p0 =	sne.s32 s7, s6;
	s7 =	simm.s32 $0x1  }
0xa: {  	s8 =	sadd.s32 $0x496600, s8;
	s6 =	simm.s32 $0x2;
	s7 =	simm.s32 @!p0 $0x0  }
0xb: {  	s11 =	smov.u32 s4;
	[sflag:s6] =	ssyncpa.u1 $0x0;
	s7 =	sadd.s32 s9, s7  }
0xc: {  	vm0 =	vmmov $0xffff;
	[sflag:s10] =	ssyncpa.u1 $0x0;
	s10 =	simm.s32 $0x0;
	s9 =	sadd.s32 $0x1, s7  }
.LBB2_4:
0xd: {  	vm1 =	veq.s32 v4, $0x80000000;
	v56 =	vand.u32 $0xF, v4;
	v6 =	vand.u32 $0x3FFF, v6  }
0xe: {  	v2 =	vor.u32 v2, v5;
	v59 =	vshrl.u32 v1, $0x4;
	v60 =	vand.u32 $0xF, v1  }
0xf: {  	v4 =	vsel vm1, $0xFFFFFFFF, v56;
	v6 =	vsel vm1, $0xFFFFFFFF, v6;
	v2 =	vor.u32 v3, v2  }
0x10: {  	vm1 =	veq.s32 v1, $0x80000000;
	v5 =	vand.u32 $0x3FFF, v59;
	v7 =	vshrl.u32 v4, $0x3  }
0x11: {  	v57 =	vshll.u32 v6, $0x3;
	v4 =	vshll.u32 v4, $0x7;
	v1 =	vsel vm1, $0xFFFFFFFF, v60  }
0x12: {  	v5 =	vsel vm1, $0xFFFFFFFF, v5;
	v6 =	vand.u32 $0x7F, v6;
	v7 =	vmul.u32 $0x1DC00, v7  }
0x13: {  	v58 =	vand.u32 $0xFFFFFC00, v57;
	v4 =	vand.u32 $0x380, v4;
	v61 =	vshrl.u32 v1, $0x3  }
0x14: {  	v62 =	vshll.u32 v5, $0x3;
	v3 =	vadd.s32 v7, v58;
	v7 =	vmul.u32 $0x1DC00, v61  }
0x15: {  	v1 =	vshll.u32 v1, $0x7;
	v3 =	vor.u32 v4, v3;
	v4 =	vand.u32 $0xFFFFFC00, v62  }
0x16: {  	v1 =	vand.u32 $0x380, v1;
	v3 =	vor.u32 v6, v3;
	v4 =	vadd.s32 v7, v4  }
0x17: {  	[tilespmem:s16], [sflag:$0x1] =	stream.indirect_vreg.gather [hbm4b:s2+s10], $0x1, v0, vm0, $0x4038;
	v63 =	vand.u32 $0x7F, v5;
	v1 =	vor.u32 v1, v4;
	[tilespmem:$0x6400] =	vst v63  }
0x18: {  	s15 =	sadd.s32 $0x10, s15;
	(ifvalue) =	ssetifvalue $0x7FFFFFFF;
	v0 =	vor.u32 v63, v1  }
0x19: {  	[tilespmem:s15], [sflag:$0x1] =	stream.indirect_vreg.gather [hbm4b:s2+s10], $0x1, v2, vm0, $0x4038;
	[tilespmem:$0x6400] =	vst v63  }
0x1a: {  	s15 =	sadd.s32 $0x10, s15;
	(ifvalue) =	ssetifvalue $0x7FFFFFFF  }
0x1b: {  	[tilespmem:s15], [sflag:$0x1] =	stream.indirect_vreg.gather [hbm4b:s2+s10], $0x1, v3, vm0, $0x4038;
	[tilespmem:$0x6400] =	vst v63  }
0x1c: {  	s15 =	sadd.s32 $0x10, s15;
	(ifvalue) =	ssetifvalue $0x7FFFFFFF  }
0x1d: {  	[tilespmem:s15], [sflag:$0x1] =	stream.indirect_vreg.gather [hbm4b:s2+s10], $0x1, v0, vm0, $0x4038;
	[tilespmem:$0x6400] =	vst v63  }
0x1e: {  	_ =	swait.ge [sflag:s5], $0x1900  }
0x1f: {  	s30 =	sshrl.u32 s13, $0x3;
	[sflag:s5] =	ssyncset.done $0x0  }
0x20: {  	s31 =	sand.u32 $0x7, s13;
	s15 =	sadd.s32 s8, s30;
	[sflag:s5] =	ssyncadd.s32 $0xFFFFE700  }
0x21: {  	[hbm4b:s15+s31] =	stream.linear.scatter [tilespmem:s14], [sflag:$0x3], $0x1900, $0x38;
	[tilespmem:$0x6400] =	vst v63  }
.LBB2_5:
0x22: {  	s15 =	sadd.s32 $0x32000, s11  }
0x23: {  	p1 =	sgt.s32 s15, $0x3E7FF  }
0x24: {  	s15 =	smov.u32 @p1 s4;
	p1 =	sne.s32 s12, s9  }
.Ltmp1:
0x25: {  	p0 =	slt.u32 s12, $0x2;
	(pc) =	sbr.rel @!p1 .LBB2_6-.Ltmp1, $4  }
0x26: {  	s14 =	simm.s32 @!p0 $0x3  }
0x27: {  	_ =	swait.ge @!p0 [sflag:s14], $0x1900  }
0x28: {  	s16 =	sadd.s32 $0x1, s12;
	s13 =	smov.u32 s11;
	[sflag:s14] =	ssyncset.done @!p0 $0x0  }
0x29: {  	s12 =	smov.u32 s16;
	s11 =	smov.u32 s15;
	[sflag:s14] =	ssyncadd.s32 @!p0 $0xFFFFE700  }
.LBB2_1:
0x2a: {  	p0 =	sge.u32 s12, s7  }
0x2b: {  	s14 =	sxor.u32 @!p0 $0x1, s12  }
0x2c: {  	s14 =	smul.u32 @!p0 $0x6400, s14  }
0x2d: {  	s31 =	sadd.s32 $0xFFFFFFFF, s12;
	s15 =	sshrl.u32 @!p0 s11, $0x3  }
0x2e: {  	s16 =	sand.u32 @!p0 $0x7, s11;
	s15 =	sadd.s32 @!p0 s3, s15;
	s14 =	sshra.s32 @!p0 s14, $0x2  }
0x2f: {  	[tilespmem:s14], [sflag:$0x2] =	stream.linear.gather @!p0 [hbm4b:s15+s16], $0x1900, $0x38;
	[tilespmem:$0x6400] =	vst v63  }
0x30: {  	p0 =	sge.u32 s31, s7  }
.Ltmp2:
0x31: {  	_ = 	snop;
	(pc) =	sbr.rel @p0 .LBB2_5-.Ltmp2, $1  }
0x32: {  	_ =	sdelay $0x3  }
0x33: {  	s14 =	sand.u32 $0x1, s12  }
0x34: {  	_ =	swait.ge [sflag:s6], $0x1900;
	p0 =	seq.s32 s14, $0x1;
	s14 =	simm.s32 $0x1900  }
0x35: {  	[sflag:s6] =	ssyncset.done $0x0;
	s14 =	simm.s32 @!p0 $0x0  }
0x36: {  	[sflag:s6] =	ssyncadd.s32 $0xFFFFE700;
	(ifvalue) =	ssetifvalue $0x7FFFFFFF;
	v0 =	vld.msk [tilespmem:s14+$0x0 ss:$0x1], $0xffff  }
0x37: {  	s15 =	sadd.s32 $0x10, s14  }
0x38: {  	v1 =	vld.msk [tilespmem:s15+$0x0 ss:$0x1], $0xffff;
	_ =	sdelay $0x2  }
0x39: {  	v2 =	vshrl.u32 v0, $0x4  }
0x3a: {  	vm1 =	veq.s32 v0, $0x80000000;
	v0 =	vand.u32 $0xF, v0;
	v2 =	vand.u32 $0x3FFF, v2  }
0x3b: {  	v0 =	vsel vm1, $0xFFFFFFFF, v0;
	v6 =	vshrl.u32 v1, $0x4;
	v2 =	vsel vm1, $0xFFFFFFFF, v2  }
0x3c: {  	v3 =	vshrl.u32 v0, $0x3;
	v0 =	vshll.u32 v0, $0x7;
	vm1 =	veq.s32 v1, $0x80000000  }
0x3d: {  	s15 =	sadd.s32 $0x10, s15;
	v1 =	vand.u32 $0xF, v1;
	v4 =	vshll.u32 v2, $0x3;
	v3 =	vmul.u32 $0x1DC00, v3  }
0x3e: {  	v0 =	vand.u32 $0x380, v0;
	v7 =	vand.u32 $0x7F, v2;
	v5 =	vand.u32 $0xFFFFFC00, v4;
	v4 =	vld.msk [tilespmem:s15+$0x0 ss:$0x1], $0xffff  }
0x3f: {  	v1 =	vsel vm1, $0xFFFFFFFF, v1;
	v2 =	vadd.s32 v3, v5;
	v3 =	vand.u32 $0x3FFF, v6  }
0x40: {  	v3 =	vsel vm1, $0xFFFFFFFF, v3;
	v0 =	vor.u32 v0, v2;
	v2 =	vshrl.u32 v1, $0x3  }
0x41: {  	v1 =	vshll.u32 v1, $0x7;
	v5 =	vshll.u32 v3, $0x3;
	v8 =	vmul.u32 $0x1DC00, v2  }
0x42: {  	s18 =	simm.s32 $0x30;
	s14 =	sadd.s32 $0x3200, s14;
	s17 =	sadd.s32 $0x10, s15;
	v2 =	vand.u32 $0x380, v1;
	v0 =	vor.u32 v7, v0;
	v5 =	vand.u32 $0xFFFFFC00, v5  }
0x43: {  	s16 =	smov.u32 s14;
	s15 =	smov.u32 s14;
	v1 =	vld.msk [tilespmem:s17+$0x0 ss:$0x1], $0xffff;
	v3 =	vand.u32 $0x7F, v3;
	(ifvalue) =	ssetifvalue $0x7FFFFFFF;
	v6 =	vshrl.u32 v4, $0x4;
	v5 =	vadd.s32 v8, v5  }
.LBB2_3:
0x44: {  	s18 =	sadd.s32 $0x10, s18  }
0x45: {  	vm1 =	veq.s32 v4, $0x80000000;
	v4 =	vand.u32 $0xF, v4;
	v6 =	vand.u32 $0x3FFF, v6;
	s15 =	sadd.s32 $0x10, s15;
	p0 =	slt.u32 s18, $0x18F0  }
.Ltmp3:
0x46: {  	v5 =	vor.u32 v2, v5;
	v4 =	vsel vm1, $0xFFFFFFFF, v4;
	v7 =	vsel vm1, $0xFFFFFFFF, v6;
	(pc) =	sbr.rel @p0 .LBB2_3-.Ltmp3, $4  }
0x47: {  	v2 =	vshrl.u32 v4, $0x3;
	v6 =	vshll.u32 v7, $0x3;
	v4 =	vshll.u32 v4, $0x7;
	[tilespmem:s16], [sflag:$0x1] =	stream.indirect_vreg.gather [hbm4b:s2+s10], $0x1, v0, vm0, $0x4038;
	[tilespmem:$0x6400] =	vst v63  }
0x48: {  	v0 =	vor.u32 v3, v5;
	s16 =	smov.u32 s15;
	v8 =	vmul.u32 $0x1DC00, v2;
	v2 =	vand.u32 $0x380, v4  }
0x49: {  	s17 =	sadd.s32 $0x10, s17;
	v9 =	vand.u32 $0xFFFFFC00, v6  }
0x4a: {  	v3 =	vand.u32 $0x7F, v7;
	v6 =	vshrl.u32 v1, $0x4;
	v5 =	vadd.s32 v8, v9;
	(ifvalue) =	ssetifvalue $0x7FFFFFFF;
	v4 =	vmovc v1;
	v1 =	vld.msk [tilespmem:s17+$0x0 ss:$0x1], $0xffff  }
.Ltmp4:
0x4b: {  	_ = 	snop;
	(pc) =	sbr.rel .LBB2_4-.Ltmp4, $1  }
0x4c: {  	_ =	sdelay $0x3  }
.LBB2_6:
0x4d: {  	_ =	sfence.sel $0x180000  }
0x4e: {  	s2 =	simm.s32 $0x2;
	[bflag:$0x0] =	sbarrier.arrive $0xFFFF  }
0x4f: {  	s30 =	simm.s32 $0x3;
	[sflag:s2] =	ssyncpa.u1 $0x1  }
0x50: {  	s31 =	simm.s32 $0x1;
	[sflag:s30] =	ssyncpa.u1 $0x1  }
0x51: {  	[sflag:s31] =	ssyncpa.u1 $0x1  }
0x52: {  	p0 =	sne.s32 s1, $0x0;
	_ =	strace $0x90000050  }
0x53: {  	s0 =	sadd.s32 @!p0 $0x100000, s0;
	[bflag:$0x2] =	sbarrier.arrive $0xFFFF  }
0x54: {  	[sflag:s0] =	ssyncadd.tile.s32 @!p0 $0x1;
	_ =	shalt  }
.Lfunc_end2:
_tile_overlayer_lowered:
.L_overlay_start_2:
0x55: {  	(tag) =	ssettag $0x2  }
0x56: {  	s0 =	rddreg [dreg:$0x0];
	s2 =	stileid.u32  }
0x57: {  	s1 =	rddreg [dreg:$0x1];
	p0 =	sne.s32 s2, $0x0  }
0x58: {  	s3 =	rddreg [dreg:$0x2];
	[bflag:$0x3] =	sbarrier.arrive $0xFFFF;
	s2 =	simm.s32 @!p0 $0x1C01  }
0x59: {  	[timem:s3], [sflag:s2] =	dma.local @!p0 [hbm:s0], s1  }
0x5a: {  	s0 =	simm.s32 @!p0 $0x1  }
0x5b: {  	_ =	swait.ge @!p0 [sflag:s0], s1  }
0x5c: {  	s1 =	ssub.s32 @!p0 $0x0, s1;
	[sflag:s0] =	ssyncset.done @!p0 $0x0  }
0x5d: {  	[sflag:s0] =	ssyncadd.s32 @!p0 s1  }
0x5e: {  	[bflag:$0x3] =	sbarrier.arrive $0xFFFF  }
0x5f: {  	_ =	shalt  }

// kernel: gather_offload_async_start.2
scs
__scs_entry_jumppad:
0x0: {  	(pc) =	sbr.rel $0x88, $3  }
0x1: {  	(tag) =	ssettag $0x0;
	lr =	simm.s32 $0x1  }
0x2: {  	[smem:$0x3F9E] =	sst lr;
	_ =	strace $0xD0000000  }
0x3: {  	_ = 	snop  }
0x4: {  	_ = 	snop  }
0x5: {  	_ = 	snop  }
0x6: {  	_ = 	snop  }
0x7: {  	_ = 	snop  }
__scs_overlays_trampoline_lowered:
0x8: {  	[smem:$0x3FAD] =	sst s0  }
0x9: {  	[smem:$0x3FAE] =	sst s1  }
0xa: {  	[smem:$0x3FAF] =	sst s2  }
0xb: {  	[smem:$0x3FB0] =	sst s3  }
0xc: {  	[smem:$0x3FB1] =	sst s4  }
0xd: {  	[smem:$0x3FB2] =	sst s5  }
0xe: {  	[smem:$0x3FB3] =	sst s6  }
0xf: {  	[smem:$0x3FB4] =	sst s7  }
0x10: {  	[smem:$0x3FB5] =	sst s8  }
0x11: {  	[smem:$0x3FB6] =	sst s9;
	s0 =	simm.s32 @!p0 $0x0  }
0x12: {  	s1 =	sld [smem:$0x3F9C];
	s0 =	simm.s32 @p0 $0x1  }
0x13: {  	[smem:$0x3FB7] =	sst s0;
	s0 =	simm.s32 @!p1 $0x0  }
0x14: {  	s2 =	sld [smem:$0x3F9B];
	s0 =	simm.s32 @p1 $0x1  }
0x15: {  	[smem:$0x3FB8] =	sst s0;
	s0 =	simm.s32 @!p2 $0x0  }
0x16: {  	s3 =	sld [smem:$0x3FDB];
	s0 =	simm.s32 @p2 $0x1  }
0x17: {  	s4 =	simm.s32 $0x1BF5;
	[smem:$0x3FBA] =	sst s0  }
0x18: {  	s0 =	sld [smem:$0x3F9D];
	_ =	swait.ge [sflag:s4], $0x0  }
0x19: {  	s7 =	sld [smem:$0x3F9E]  }
0x1a: {  	s8 =	sadd.s32 $0xFFFFE003, lr  }
0x1b: {  	s9 =	sadd.s32 $0xFFFFFEF7, lr;
	s5 =	simm.s32 $0xFFFFFFFF;
	p2 =	slt.u32 s8, $0xFFFFF086  }
0x1c: {  	p1 =	slt.u32 s9, $0xF7A;
	s5 =	simm.s32 @!p2 $0x0  }
0x1d: {  	s5 =	simm.s32 @p1 $0x1;
	p0 =	seq.s32 s7, s2  }
0x1e: {  	s7 =	smul.u32 @!p0 $0xF7A, s2;
	p2 =	seq.s32 @!p0 s5, $0x0  }
0x1f: {  	s9 =	smul.u32 $0xF7A, s1;
	s8 =	simm.s32 @!p0 $0x1BF5;
	p2 =	por !p2, p0  }
0x20: {  	[sflag:s8] =	ssyncset.s32 @!p0 $0xFFFFF086;
	s6 =	sadd.s32 @!p0 s3, s7;
	s7 =	simm.s32 @!p0 $0x108  }
0x21: {  	s3 =	sadd.s32 s3, s9;
	s6 =	sadd.s32 @!p0 $0x88, s6;
	s7 =	simm.s32 @p2 $0x1082  }
0x22: {  	[simem:s7], [sflag:s8] =	dma.local @!p0 [hbm:s6], $0xF7A  }
0x23: {  	s9 =	sor.u32 $0xD0000000, s2;
	s6 =	simm.s32 $0x108;
	_ =	swait.ge @!p0 [sflag:s8], $0x0  }
0x24: {  	s3 =	sadd.s32 $0x88, s3;
	s6 =	simm.s32 @!p1 $0x1082;
	[sflag:s4] =	ssyncset.s32 $0xFFFFF086  }
0x25: {  	[simem:s6], [sflag:s4] =	dma.local [hbm:s3], $0xF7A  }
0x26: {  	[smem:$0x3F9E] =	sst s1;
	(tag) =	ssettag s2;
	_ =	strace s9  }
0x27: {  	s1 =	sld [smem:$0x3FAE]  }
0x28: {  	s2 =	sld [smem:$0x3FAF]  }
0x29: {  	s4 =	sld [smem:$0x3FB1]  }
0x2a: {  	p0 =	seq.s32 s5, $0x0;
	s5 =	sld [smem:$0x3FB2]  }
0x2b: {  	s6 =	sld [smem:$0x3FB3]  }
0x2c: {  	s7 =	sld [smem:$0x3FB4]  }
0x2d: {  	s3 =	simm.s32 $0x108;
	s8 =	sld [smem:$0x3FB5]  }
0x2e: {  	s3 =	simm.s32 @!p0 $0x1082;
	s9 =	sld [smem:$0x3FB6]  }
0x2f: {  	lr =	sadd.s32 s0, s3;
	s0 =	sld [smem:$0x3FAD]  }
0x30: {  	s3 =	sld [smem:$0x3FB0]  }
0x31: {  	[smem:$0x3FB9] =	sst s10  }
0x32: {  	s10 =	sld [smem:$0x3FB7];
	_ =	sdelay $0x3  }
0x33: {  	p0 =	seq.s32 s10, $0x1;
	s10 =	sld [smem:$0x3FB9];
	_ =	sdelay $0x3  }
0x34: {  	[smem:$0x3FB9] =	sst s10  }
0x35: {  	s10 =	sld [smem:$0x3FB8];
	_ =	sdelay $0x3  }
0x36: {  	p1 =	seq.s32 s10, $0x1;
	s10 =	sld [smem:$0x3FB9];
	_ =	sdelay $0x3  }
0x37: {  	[smem:$0x3FB9] =	sst s10  }
0x38: {  	s10 =	sld [smem:$0x3FBA]  }
0x39: {  	_ = 	snop;
	(pc) =	sbr.ind lr, $3  }
0x3a: {  	_ = 	snop  }
0x3b: {  	_ = 	snop  }
0x3c: {  	p2 =	seq.s32 s10, $0x1;
	s10 =	sld [smem:$0x3FB9]  }
0x3d: {  	_ =	shalt  }
0x3e: {  	_ =	shalt  }
0x3f: {  	_ =	shalt  }
0x40: {  	_ =	shalt  }
0x41: {  	_ =	shalt  }
0x42: {  	_ =	shalt  }
0x43: {  	_ =	shalt  }
0x44: {  	_ =	shalt  }
0x45: {  	_ =	shalt  }
0x46: {  	_ =	shalt  }
0x47: {  	_ =	shalt  }
0x48: {  	_ =	shalt  }
0x49: {  	_ =	shalt  }
0x4a: {  	_ =	shalt  }
0x4b: {  	_ =	shalt  }
0x4c: {  	_ =	shalt  }
0x4d: {  	_ =	shalt  }
0x4e: {  	_ =	shalt  }
0x4f: {  	_ =	shalt  }
0x50: {  	_ =	shalt  }
0x51: {  	_ =	shalt  }
0x52: {  	_ =	shalt  }
0x53: {  	_ =	shalt  }
0x54: {  	_ =	shalt  }
0x55: {  	_ =	shalt  }
0x56: {  	_ =	shalt  }
0x57: {  	_ =	shalt  }
0x58: {  	_ =	shalt  }
0x59: {  	_ =	shalt  }
0x5a: {  	_ =	shalt  }
0x5b: {  	_ =	shalt  }
0x5c: {  	_ =	shalt  }
0x5d: {  	_ =	shalt  }
0x5e: {  	_ =	shalt  }
0x5f: {  	_ =	shalt  }
0x60: {  	_ =	shalt  }
0x61: {  	_ =	shalt  }
0x62: {  	_ =	shalt  }
0x63: {  	_ =	shalt  }
0x64: {  	_ =	shalt  }
0x65: {  	_ =	shalt  }
0x66: {  	_ =	shalt  }
0x67: {  	_ =	shalt  }
0x68: {  	_ =	shalt  }
0x69: {  	_ =	shalt  }
0x6a: {  	_ =	shalt  }
0x6b: {  	_ =	shalt  }
0x6c: {  	_ =	shalt  }
0x6d: {  	_ =	shalt  }
0x6e: {  	_ =	shalt  }
0x6f: {  	_ =	shalt  }
0x70: {  	_ =	shalt  }
0x71: {  	_ =	shalt  }
0x72: {  	_ =	shalt  }
0x73: {  	_ =	shalt  }
0x74: {  	_ =	shalt  }
0x75: {  	_ =	shalt  }
0x76: {  	_ =	shalt  }
0x77: {  	_ =	shalt  }
0x78: {  	_ =	shalt  }
0x79: {  	_ =	shalt  }
0x7a: {  	_ =	shalt  }
0x7b: {  	_ =	shalt  }
0x7c: {  	_ =	shalt  }
0x7d: {  	_ =	shalt  }
0x7e: {  	_ =	shalt  }
0x7f: {  	_ =	shalt  }
0x80: {  	_ =	shalt  }
0x81: {  	_ =	shalt  }
0x82: {  	_ =	shalt  }
0x83: {  	_ =	shalt  }
0x84: {  	_ =	shalt  }
0x85: {  	_ =	shalt  }
0x86: {  	_ =	shalt  }
0x87: {  	_ =	shalt  }
.Lfunc_end0:
.L_simem_size_0:
called_computation.3_lowered:
.L_overlay_start_0:
0x88: {  	s2 =	sld [smem:$0x3FD9]  }
0x89: {  	s3 =	sld [smem:$0x3FFE];
	_ =	sdelay $0x1  }
0x8a: {  	s1 =	srdreg.scid  }
0x8b: {  	s0 =	sand.u32 $0x1, s1  }
0x8c: {  	s17 =	sshll.u32 s0, $0xA;
	s2 =	sadd.s32 s3, s2  }
0x8d: {  	s2 =	sadd.s32 s2, s17  }
0x8e: {  	[smem:$0x3FC5] =	sst s2  }
0x8f: {  	_ = 	snop  }
0x90: {  	(tm) =	ssettm $0x1  }
0x91: {  	s18 =	sld [smem:$0x3FFB];
	_ =	sdelay $0x3  }
0x92: {  	_ =	strace s18  }
0x93: {  	s2 =	sld [smem:$0x3FFC];
	_ =	sdelay $0x3  }
0x94: {  	_ =	strace s2  }
0x95: {  	s2 =	sld [smem:$0x3FFD];
	_ =	sdelay $0x3  }
0x96: {  	_ =	strace s2  }
0x97: {  	_ =	strace $0x8FFFFFFF  }
0x98: {  	s19 =	sld [smem:$0x3FDB];
	_ =	sdelay $0x1  }
0x99: {  	s20 =	simm.s32 $_scs_section_size  }
0x9a: {  	s4 =	simm.s32 $_size__tile_overlayer_lowered;
	s5 =	simm.s32 $_tile_overlayer_lowered  }
0x9b: {  	s6 =	simm.s32 $0x1BFF;
	s21 =	sshll.u32 s5, $0x1;
	s3 =	sadd.s32 s20, s19  }
0x9c: {  	s22 =	simm.s32 $0x0;
	s4 =	sshll.u32 s4, $0x1;
	s5 =	sadd.s32 s21, s3  }
0x9d: {  	[timem:s22], [sflag:s6] =	dma.local [hbm:s5], s4  }
0x9e: {  	_ =	swait.ge [sflag:s6], s4  }
0x9f: {  	s4 =	ssub.s32 $0x0, s4;
	[sflag:s6] =	ssyncset.done $0x0  }
0xa0: {  	[sflag:s6] =	ssyncadd.s32 s4;
	_ =	sdelay $0x1  }
0xa1: {  	s23 =	simm.s32 $0x1B8B  }
0xa2: {  	_ =	swait.ge [sflag:s23], $0x1  }
0xa3: {  	[sflag:s23] =	ssyncset.done $0x0  }
0xa4: {  	[sflag:s23] =	ssyncadd.s32 $0xFFFFFFFF  }
0xa5: {  	s4 =	sld [smem:$0x0]  }
0xa6: {  	s5 =	sand.u32 $0xFFFFFFFE, s1  }
0xa7: {  	p0 =	sne.s32 s1, s5  }
0xa8: {  	s5 =	sshll.u32 @p0 s5, $0xE  }
0xa9: {  	s5 =	sadd.s32 @p0 $0x11B8D, s5;
	s6 =	sshll.u32 @p0 s4, $0x11  }
0xaa: {  	s5 =	sor.u32 @p0 s6, s5  }
0xab: {  	[sflag:s5] =	ssyncadd.remote.s32 @p0 $0x1;
	_ =	sdelay $0x1  }
0xac: {  	s5 =	simm.s32 @p0 $0x1B8D  }
0xad: {  	_ =	swait.eq @p0 [sflag:s5], $0x1  }
0xae: {  	[sflag:s5] =	ssyncadd.s32 @p0 $0xFFFFFFFF  }
0xaf: {  	s6 =	sshll.u32 @!p0 s1, $0xE  }
0xb0: {  	s6 =	sor.u32 @!p0 $0x4000, s6;
	s5 =	simm.s32 @!p0 $0x1B8D  }
0xb1: {  	s4 =	sshll.u32 @!p0 s4, $0x11;
	s6 =	sadd.s32 @!p0 $0x11B8D, s6;
	_ =	swait.eq @!p0 [sflag:s5], $0x1  }
0xb2: {  	s4 =	sor.u32 @!p0 s4, s6;
	[sflag:s5] =	ssyncadd.s32 @!p0 $0xFFFFFFFF  }
0xb3: {  	s25 =	simm.s32 $0x1B8E;
	s24 =	sld [smem:$0x3FFE];
	[sflag:s4] =	ssyncadd.remote.s32 @!p0 $0x1  }
0xb4: {  	s26 =	simm.s32 $execute0_lowered;
	[smem:$0x3FD2] =	sst s25  }
0xb5: {  	s5 =	sshll.u32 s26, $0x1;
	_ =	strace $0x80000052;
	[dreg:$0x1] =	wrdreg $0xFFFFFFFF  }
0xb6: {  	s28 =	simm.s32 $_size_execute0_lowered;
	s3 =	sadd.s32 s3, s5;
	[dreg:$0x0] =	wrdreg $0x0  }
0xb7: {  	s5 =	sshll.u32 s28, $0x1;
	[dreg:$0x2] =	wrdreg s3  }
0xb8: {  	[dreg:$0x3] =	wrdreg s5  }
0xb9: {  	[dreg:$0x4] =	wrdreg $0xC0  }
0xba: {  	_ =	task [dreg:s22], $0x5FFFF  }
0xbb: {  	[dreg:$0x1] =	wrdreg $0xFFFFFFFF  }
0xbc: {  	[dreg:$0x0] =	wrdreg $0x60  }
0xbd: {  	[dreg:$0x2] =	wrdreg s24  }
0xbe: {  	[dreg:$0x3] =	wrdreg $0xA  }
0xbf: {  	_ =	task.clear_ibuf [dreg:s22], $0x4FFFF;
	_ =	strace $0x90000052  }
0xc0: {  	s29 =	simm.s32 $0xA;
	_ =	strace $0x80000054  }
0xc1: {  	_ =	swait.ge [sflag:s29], $0x1  }
0xc2: {  	[sflag:s29] =	ssyncadd.s32 $0xFFFFFFFF  }
0xc3: {  	_ =	strace $0x90000054  }
0xc4: {  	_ =	sfence  }
0xc5: {  	s30 =	sld [smem:$0x0];
	_ =	sdelay $0x2  }
0xc6: {  	s31 =	sshll.u32 s1, $0xD;
	s1 =	sshrl.u32 s1, $0x2  }
0xc7: {  	s4 =	sand.u32 $0x4000, s31;
	s1 =	sadd.s32 s1, s30  }
0xc8: {  	s0 =	sor.u32 s4, s0;
	s1 =	sshll.u32 s1, $0x11  }
0xc9: {  	s0 =	sor.u32 s1, s0  }
0xca: {  	s0 =	sadd.s32 $0x8F2B, s0  }
0xcb: {  	[sflag:s0] =	ssyncadd.remote.s32 $0x1  }
0xcc: {  	_ =	sfence.sel $0xFFFF  }
0xcd: {  	[dreg:$0x0] =	wrdreg $0xFFFFFFFF;
	(pc) =	sbr.abs _section_cstart, $3  }
0xce: {  	[dreg:$0x1] =	wrdreg $0xFFFFFFFF  }
0xcf: {  	_ =	task.clear_ibuf [dreg:s22], $0x2FFFF;
	_ =	strace $0x9FFFFFFF  }
0xd0: {  	(tm) =	ssettm $0x7FFFFFFF  }
0xd1: {  	_ =	shalt  }
tec
execute0_lowered:
.L_overlay_start_1:
0x0: {  	(tag) =	ssettag $0x1  }
0x1: {  	s2 =	rddreg [dreg:$0x0]  }
0x2: {  	s1 =	stileid.u32;
	s3 =	srdreg.scid  }
0x3: {  	s0 =	rddreg [dreg:$0x1];
	_ =	strace $0x80000053;
	s5 =	simm.s32 $0x1  }
0x4: {  	s8 =	simm.s32 $0x1;
	s3 =	sand.u32 $0x1, s3;
	s4 =	sshll.u32 s1, $0x1  }
0x5: {  	s9 =	simm.s32 $0x3;
	s10 =	simm.s32 $0x0;
	s6 =	sor.u32 s4, s3  }
0x6: {  	s13 =	simm.s32 $0x0;
	s12 =	simm.s32 $0x0;
	s4 =	smul.u32 $0x1900, s6  }
0x7: {  	[sflag:s5] =	ssyncpa.u1 $0x0;
	p0 =	slt.u32 s6, $0x9;
	s6 =	simm.s32 $0x32000  }
.Ltmp0:
0x8: {  	s6 =	simm.s32 @!p0 $0x0;
	s7 =	ssub.s32 $0x3E800, s4;
	(pc) =	sbr.rel .LBB2_1-.Ltmp0, $4  }
0x9: {  	s8 =	simm.s32 @!p0 $0x0;
	p0 =	sne.s32 s7, s6;
	s7 =	simm.s32 $0x1  }
0xa: {  	s3 =	sadd.s32 $0x4BC800, s2;
	s6 =	simm.s32 $0x2;
	s7 =	simm.s32 @!p0 $0x0  }
0xb: {  	s11 =	smov.u32 s4;
	[sflag:s6] =	ssyncpa.u1 $0x0;
	s7 =	sadd.s32 s8, s7  }
0xc: {  	vm0 =	vmmov $0xffff;
	s8 =	sadd.s32 $0x478000, s2;
	[sflag:s9] =	ssyncpa.u1 $0x0;
	s9 =	sadd.s32 $0x1, s7  }
.LBB2_4:
0xd: {  	vm1 =	veq.s32 v4, $0x80000000;
	v56 =	vand.u32 $0xF, v4;
	v6 =	vand.u32 $0x3FFF, v6  }
0xe: {  	v2 =	vor.u32 v2, v5;
	v59 =	vshrl.u32 v1, $0x4;
	v60 =	vand.u32 $0xF, v1  }
0xf: {  	v4 =	vsel vm1, $0xFFFFFFFF, v56;
	v6 =	vsel vm1, $0xFFFFFFFF, v6;
	v2 =	vor.u32 v3, v2  }
0x10: {  	vm1 =	veq.s32 v1, $0x80000000;
	v5 =	vand.u32 $0x3FFF, v59;
	v7 =	vshrl.u32 v4, $0x3  }
0x11: {  	v57 =	vshll.u32 v6, $0x3;
	v4 =	vshll.u32 v4, $0x7;
	v1 =	vsel vm1, $0xFFFFFFFF, v60  }
0x12: {  	v5 =	vsel vm1, $0xFFFFFFFF, v5;
	v6 =	vand.u32 $0x7F, v6;
	v7 =	vmul.u32 $0x1DC00, v7  }
0x13: {  	v58 =	vand.u32 $0xFFFFFC00, v57;
	v4 =	vand.u32 $0x380, v4;
	v61 =	vshrl.u32 v1, $0x3  }
0x14: {  	v62 =	vshll.u32 v5, $0x3;
	v3 =	vadd.s32 v7, v58;
	v7 =	vmul.u32 $0x1DC00, v61  }
0x15: {  	v1 =	vshll.u32 v1, $0x7;
	v3 =	vor.u32 v4, v3;
	v4 =	vand.u32 $0xFFFFFC00, v62  }
0x16: {  	v1 =	vand.u32 $0x380, v1;
	v3 =	vor.u32 v6, v3;
	v4 =	vadd.s32 v7, v4  }
0x17: {  	[tilespmem:s16], [sflag:$0x1] =	stream.indirect_vreg.gather [hbm4b:s3+s10], $0x1, v0, vm0, $0x4038;
	v63 =	vand.u32 $0x7F, v5;
	v1 =	vor.u32 v1, v4;
	[tilespmem:$0x6400] =	vst v63  }
0x18: {  	s15 =	sadd.s32 $0x10, s15;
	(ifvalue) =	ssetifvalue $0x7FFFFFFF;
	v0 =	vor.u32 v63, v1  }
0x19: {  	[tilespmem:s15], [sflag:$0x1] =	stream.indirect_vreg.gather [hbm4b:s3+s10], $0x1, v2, vm0, $0x4038;
	[tilespmem:$0x6400] =	vst v63  }
0x1a: {  	s15 =	sadd.s32 $0x10, s15;
	(ifvalue) =	ssetifvalue $0x7FFFFFFF  }
0x1b: {  	[tilespmem:s15], [sflag:$0x1] =	stream.indirect_vreg.gather [hbm4b:s3+s10], $0x1, v3, vm0, $0x4038;
	[tilespmem:$0x6400] =	vst v63  }
0x1c: {  	s15 =	sadd.s32 $0x10, s15;
	(ifvalue) =	ssetifvalue $0x7FFFFFFF  }
0x1d: {  	[tilespmem:s15], [sflag:$0x1] =	stream.indirect_vreg.gather [hbm4b:s3+s10], $0x1, v0, vm0, $0x4038;
	[tilespmem:$0x6400] =	vst v63  }
0x1e: {  	_ =	swait.ge [sflag:s5], $0x1900  }
0x1f: {  	s30 =	sshrl.u32 s13, $0x3;
	[sflag:s5] =	ssyncset.done $0x0  }
0x20: {  	s31 =	sand.u32 $0x7, s13;
	s15 =	sadd.s32 s2, s30;
	[sflag:s5] =	ssyncadd.s32 $0xFFFFE700  }
0x21: {  	[hbm4b:s15+s31] =	stream.linear.scatter [tilespmem:s14], [sflag:$0x3], $0x1900, $0x38;
	[tilespmem:$0x6400] =	vst v63  }
.LBB2_5:
0x22: {  	s15 =	sadd.s32 $0x32000, s11  }
0x23: {  	p1 =	sgt.s32 s15, $0x3E7FF  }
0x24: {  	s15 =	smov.u32 @p1 s4;
	p1 =	sne.s32 s12, s9  }
.Ltmp1:
0x25: {  	p0 =	slt.u32 s12, $0x2;
	(pc) =	sbr.rel @!p1 .LBB2_6-.Ltmp1, $4  }
0x26: {  	s14 =	simm.s32 @!p0 $0x3  }
0x27: {  	_ =	swait.ge @!p0 [sflag:s14], $0x1900  }
0x28: {  	s16 =	sadd.s32 $0x1, s12;
	s13 =	smov.u32 s11;
	[sflag:s14] =	ssyncset.done @!p0 $0x0  }
0x29: {  	s12 =	smov.u32 s16;
	s11 =	smov.u32 s15;
	[sflag:s14] =	ssyncadd.s32 @!p0 $0xFFFFE700  }
.LBB2_1:
0x2a: {  	p0 =	sge.u32 s12, s7  }
0x2b: {  	s14 =	sxor.u32 @!p0 $0x1, s12  }
0x2c: {  	s14 =	smul.u32 @!p0 $0x6400, s14  }
0x2d: {  	s31 =	sadd.s32 $0xFFFFFFFF, s12;
	s15 =	sshrl.u32 @!p0 s11, $0x3  }
0x2e: {  	s16 =	sand.u32 @!p0 $0x7, s11;
	s15 =	sadd.s32 @!p0 s8, s15;
	s14 =	sshra.s32 @!p0 s14, $0x2  }
0x2f: {  	[tilespmem:s14], [sflag:$0x2] =	stream.linear.gather @!p0 [hbm4b:s15+s16], $0x1900, $0x38;
	[tilespmem:$0x6400] =	vst v63  }
0x30: {  	p0 =	sge.u32 s31, s7  }
.Ltmp2:
0x31: {  	_ = 	snop;
	(pc) =	sbr.rel @p0 .LBB2_5-.Ltmp2, $1  }
0x32: {  	_ =	sdelay $0x3  }
0x33: {  	s14 =	sand.u32 $0x1, s12  }
0x34: {  	_ =	swait.ge [sflag:s6], $0x1900;
	p0 =	seq.s32 s14, $0x1;
	s14 =	simm.s32 $0x1900  }
0x35: {  	[sflag:s6] =	ssyncset.done $0x0;
	s14 =	simm.s32 @!p0 $0x0  }
0x36: {  	[sflag:s6] =	ssyncadd.s32 $0xFFFFE700;
	(ifvalue) =	ssetifvalue $0x7FFFFFFF;
	v0 =	vld.msk [tilespmem:s14+$0x0 ss:$0x1], $0xffff  }
0x37: {  	s15 =	sadd.s32 $0x10, s14  }
0x38: {  	v1 =	vld.msk [tilespmem:s15+$0x0 ss:$0x1], $0xffff;
	_ =	sdelay $0x2  }
0x39: {  	v2 =	vshrl.u32 v0, $0x4  }
0x3a: {  	vm1 =	veq.s32 v0, $0x80000000;
	v0 =	vand.u32 $0xF, v0;
	v2 =	vand.u32 $0x3FFF, v2  }
0x3b: {  	v0 =	vsel vm1, $0xFFFFFFFF, v0;
	v6 =	vshrl.u32 v1, $0x4;
	v2 =	vsel vm1, $0xFFFFFFFF, v2  }
0x3c: {  	v3 =	vshrl.u32 v0, $0x3;
	v0 =	vshll.u32 v0, $0x7;
	vm1 =	veq.s32 v1, $0x80000000  }
0x3d: {  	s15 =	sadd.s32 $0x10, s15;
	v1 =	vand.u32 $0xF, v1;
	v4 =	vshll.u32 v2, $0x3;
	v3 =	vmul.u32 $0x1DC00, v3  }
0x3e: {  	v0 =	vand.u32 $0x380, v0;
	v7 =	vand.u32 $0x7F, v2;
	v5 =	vand.u32 $0xFFFFFC00, v4;
	v4 =	vld.msk [tilespmem:s15+$0x0 ss:$0x1], $0xffff  }
0x3f: {  	v1 =	vsel vm1, $0xFFFFFFFF, v1;
	v2 =	vadd.s32 v3, v5;
	v3 =	vand.u32 $0x3FFF, v6  }
0x40: {  	v3 =	vsel vm1, $0xFFFFFFFF, v3;
	v0 =	vor.u32 v0, v2;
	v2 =	vshrl.u32 v1, $0x3  }
0x41: {  	v1 =	vshll.u32 v1, $0x7;
	v5 =	vshll.u32 v3, $0x3;
	v8 =	vmul.u32 $0x1DC00, v2  }
0x42: {  	s18 =	simm.s32 $0x30;
	s14 =	sadd.s32 $0x3200, s14;
	s17 =	sadd.s32 $0x10, s15;
	v2 =	vand.u32 $0x380, v1;
	v0 =	vor.u32 v7, v0;
	v5 =	vand.u32 $0xFFFFFC00, v5  }
0x43: {  	s16 =	smov.u32 s14;
	s15 =	smov.u32 s14;
	v1 =	vld.msk [tilespmem:s17+$0x0 ss:$0x1], $0xffff;
	v3 =	vand.u32 $0x7F, v3;
	(ifvalue) =	ssetifvalue $0x7FFFFFFF;
	v6 =	vshrl.u32 v4, $0x4;
	v5 =	vadd.s32 v8, v5  }
.LBB2_3:
0x44: {  	s18 =	sadd.s32 $0x10, s18  }
0x45: {  	vm1 =	veq.s32 v4, $0x80000000;
	v4 =	vand.u32 $0xF, v4;
	v6 =	vand.u32 $0x3FFF, v6;
	s15 =	sadd.s32 $0x10, s15;
	p0 =	slt.u32 s18, $0x18F0  }
.Ltmp3:
0x46: {  	v5 =	vor.u32 v2, v5;
	v4 =	vsel vm1, $0xFFFFFFFF, v4;
	v7 =	vsel vm1, $0xFFFFFFFF, v6;
	(pc) =	sbr.rel @p0 .LBB2_3-.Ltmp3, $4  }
0x47: {  	v2 =	vshrl.u32 v4, $0x3;
	v6 =	vshll.u32 v7, $0x3;
	v4 =	vshll.u32 v4, $0x7;
	[tilespmem:s16], [sflag:$0x1] =	stream.indirect_vreg.gather [hbm4b:s3+s10], $0x1, v0, vm0, $0x4038;
	[tilespmem:$0x6400] =	vst v63  }
0x48: {  	v0 =	vor.u32 v3, v5;
	s16 =	smov.u32 s15;
	v8 =	vmul.u32 $0x1DC00, v2;
	v2 =	vand.u32 $0x380, v4  }
0x49: {  	s17 =	sadd.s32 $0x10, s17;
	v9 =	vand.u32 $0xFFFFFC00, v6  }
0x4a: {  	v3 =	vand.u32 $0x7F, v7;
	v6 =	vshrl.u32 v1, $0x4;
	v5 =	vadd.s32 v8, v9;
	(ifvalue) =	ssetifvalue $0x7FFFFFFF;
	v4 =	vmovc v1;
	v1 =	vld.msk [tilespmem:s17+$0x0 ss:$0x1], $0xffff  }
.Ltmp4:
0x4b: {  	_ = 	snop;
	(pc) =	sbr.rel .LBB2_4-.Ltmp4, $1  }
0x4c: {  	_ =	sdelay $0x3  }
.LBB2_6:
0x4d: {  	_ =	sfence.sel $0x180000  }
0x4e: {  	s2 =	simm.s32 $0x2;
	[bflag:$0x0] =	sbarrier.arrive $0xFFFF  }
0x4f: {  	s30 =	simm.s32 $0x3;
	[sflag:s2] =	ssyncpa.u1 $0x1  }
0x50: {  	s31 =	simm.s32 $0x1;
	[sflag:s30] =	ssyncpa.u1 $0x1  }
0x51: {  	[sflag:s31] =	ssyncpa.u1 $0x1  }
0x52: {  	p0 =	sne.s32 s1, $0x0;
	_ =	strace $0x90000053  }
0x53: {  	s0 =	sadd.s32 @!p0 $0x100000, s0;
	[bflag:$0x2] =	sbarrier.arrive $0xFFFF  }
0x54: {  	[sflag:s0] =	ssyncadd.tile.s32 @!p0 $0x1;
	_ =	shalt  }
.Lfunc_end2:
_tile_overlayer_lowered:
.L_overlay_start_2:
0x55: {  	(tag) =	ssettag $0x2  }
0x56: {  	s0 =	rddreg [dreg:$0x0];
	s2 =	stileid.u32  }
0x57: {  	s1 =	rddreg [dreg:$0x1];
	p0 =	sne.s32 s2, $0x0  }
0x58: {  	s3 =	rddreg [dreg:$0x2];
	[bflag:$0x3] =	sbarrier.arrive $0xFFFF;
	s2 =	simm.s32 @!p0 $0x1C01  }
0x59: {  	[timem:s3], [sflag:s2] =	dma.local @!p0 [hbm:s0], s1  }
0x5a: {  	s0 =	simm.s32 @!p0 $0x1  }
0x5b: {  	_ =	swait.ge @!p0 [sflag:s0], s1  }
0x5c: {  	s1 =	ssub.s32 @!p0 $0x0, s1;
	[sflag:s0] =	ssyncset.done @!p0 $0x0  }
0x5d: {  	[sflag:s0] =	ssyncadd.s32 @!p0 s1  }
0x5e: {  	[bflag:$0x3] =	sbarrier.arrive $0xFFFF  }
0x5f: {  	_ =	shalt  }

// kernel: gather_offload_async_start.3
scs
__scs_entry_jumppad:
0x0: {  	(pc) =	sbr.rel $0x88, $3  }
0x1: {  	(tag) =	ssettag $0x0;
	lr =	simm.s32 $0x1  }
0x2: {  	[smem:$0x3F9E] =	sst lr;
	_ =	strace $0xD0000000  }
0x3: {  	_ = 	snop  }
0x4: {  	_ = 	snop  }
0x5: {  	_ = 	snop  }
0x6: {  	_ = 	snop  }
0x7: {  	_ = 	snop  }
__scs_overlays_trampoline_lowered:
0x8: {  	[smem:$0x3FAD] =	sst s0  }
0x9: {  	[smem:$0x3FAE] =	sst s1  }
0xa: {  	[smem:$0x3FAF] =	sst s2  }
0xb: {  	[smem:$0x3FB0] =	sst s3  }
0xc: {  	[smem:$0x3FB1] =	sst s4  }
0xd: {  	[smem:$0x3FB2] =	sst s5  }
0xe: {  	[smem:$0x3FB3] =	sst s6  }
0xf: {  	[smem:$0x3FB4] =	sst s7  }
0x10: {  	[smem:$0x3FB5] =	sst s8  }
0x11: {  	[smem:$0x3FB6] =	sst s9;
	s0 =	simm.s32 @!p0 $0x0  }
0x12: {  	s1 =	sld [smem:$0x3F9C];
	s0 =	simm.s32 @p0 $0x1  }
0x13: {  	[smem:$0x3FB7] =	sst s0;
	s0 =	simm.s32 @!p1 $0x0  }
0x14: {  	s2 =	sld [smem:$0x3F9B];
	s0 =	simm.s32 @p1 $0x1  }
0x15: {  	[smem:$0x3FB8] =	sst s0;
	s0 =	simm.s32 @!p2 $0x0  }
0x16: {  	s3 =	sld [smem:$0x3FDB];
	s0 =	simm.s32 @p2 $0x1  }
0x17: {  	s4 =	simm.s32 $0x1BF5;
	[smem:$0x3FBA] =	sst s0  }
0x18: {  	s0 =	sld [smem:$0x3F9D];
	_ =	swait.ge [sflag:s4], $0x0  }
0x19: {  	s7 =	sld [smem:$0x3F9E]  }
0x1a: {  	s8 =	sadd.s32 $0xFFFFE003, lr  }
0x1b: {  	s9 =	sadd.s32 $0xFFFFFEF7, lr;
	s5 =	simm.s32 $0xFFFFFFFF;
	p2 =	slt.u32 s8, $0xFFFFF086  }
0x1c: {  	p1 =	slt.u32 s9, $0xF7A;
	s5 =	simm.s32 @!p2 $0x0  }
0x1d: {  	s5 =	simm.s32 @p1 $0x1;
	p0 =	seq.s32 s7, s2  }
0x1e: {  	s7 =	smul.u32 @!p0 $0xF7A, s2;
	p2 =	seq.s32 @!p0 s5, $0x0  }
0x1f: {  	s9 =	smul.u32 $0xF7A, s1;
	s8 =	simm.s32 @!p0 $0x1BF5;
	p2 =	por !p2, p0  }
0x20: {  	[sflag:s8] =	ssyncset.s32 @!p0 $0xFFFFF086;
	s6 =	sadd.s32 @!p0 s3, s7;
	s7 =	simm.s32 @!p0 $0x108  }
0x21: {  	s3 =	sadd.s32 s3, s9;
	s6 =	sadd.s32 @!p0 $0x88, s6;
	s7 =	simm.s32 @p2 $0x1082  }
0x22: {  	[simem:s7], [sflag:s8] =	dma.local @!p0 [hbm:s6], $0xF7A  }
0x23: {  	s9 =	sor.u32 $0xD0000000, s2;
	s6 =	simm.s32 $0x108;
	_ =	swait.ge @!p0 [sflag:s8], $0x0  }
0x24: {  	s3 =	sadd.s32 $0x88, s3;
	s6 =	simm.s32 @!p1 $0x1082;
	[sflag:s4] =	ssyncset.s32 $0xFFFFF086  }
0x25: {  	[simem:s6], [sflag:s4] =	dma.local [hbm:s3], $0xF7A  }
0x26: {  	[smem:$0x3F9E] =	sst s1;
	(tag) =	ssettag s2;
	_ =	strace s9  }
0x27: {  	s1 =	sld [smem:$0x3FAE]  }
0x28: {  	s2 =	sld [smem:$0x3FAF]  }
0x29: {  	s4 =	sld [smem:$0x3FB1]  }
0x2a: {  	p0 =	seq.s32 s5, $0x0;
	s5 =	sld [smem:$0x3FB2]  }
0x2b: {  	s6 =	sld [smem:$0x3FB3]  }
0x2c: {  	s7 =	sld [smem:$0x3FB4]  }
0x2d: {  	s3 =	simm.s32 $0x108;
	s8 =	sld [smem:$0x3FB5]  }
0x2e: {  	s3 =	simm.s32 @!p0 $0x1082;
	s9 =	sld [smem:$0x3FB6]  }
0x2f: {  	lr =	sadd.s32 s0, s3;
	s0 =	sld [smem:$0x3FAD]  }
0x30: {  	s3 =	sld [smem:$0x3FB0]  }
0x31: {  	[smem:$0x3FB9] =	sst s10  }
0x32: {  	s10 =	sld [smem:$0x3FB7];
	_ =	sdelay $0x3  }
0x33: {  	p0 =	seq.s32 s10, $0x1;
	s10 =	sld [smem:$0x3FB9];
	_ =	sdelay $0x3  }
0x34: {  	[smem:$0x3FB9] =	sst s10  }
0x35: {  	s10 =	sld [smem:$0x3FB8];
	_ =	sdelay $0x3  }
0x36: {  	p1 =	seq.s32 s10, $0x1;
	s10 =	sld [smem:$0x3FB9];
	_ =	sdelay $0x3  }
0x37: {  	[smem:$0x3FB9] =	sst s10  }
0x38: {  	s10 =	sld [smem:$0x3FBA]  }
0x39: {  	_ = 	snop;
	(pc) =	sbr.ind lr, $3  }
0x3a: {  	_ = 	snop  }
0x3b: {  	_ = 	snop  }
0x3c: {  	p2 =	seq.s32 s10, $0x1;
	s10 =	sld [smem:$0x3FB9]  }
0x3d: {  	_ =	shalt  }
0x3e: {  	_ =	shalt  }
0x3f: {  	_ =	shalt  }
0x40: {  	_ =	shalt  }
0x41: {  	_ =	shalt  }
0x42: {  	_ =	shalt  }
0x43: {  	_ =	shalt  }
0x44: {  	_ =	shalt  }
0x45: {  	_ =	shalt  }
0x46: {  	_ =	shalt  }
0x47: {  	_ =	shalt  }
0x48: {  	_ =	shalt  }
0x49: {  	_ =	shalt  }
0x4a: {  	_ =	shalt  }
0x4b: {  	_ =	shalt  }
0x4c: {  	_ =	shalt  }
0x4d: {  	_ =	shalt  }
0x4e: {  	_ =	shalt  }
0x4f: {  	_ =	shalt  }
0x50: {  	_ =	shalt  }
0x51: {  	_ =	shalt  }
0x52: {  	_ =	shalt  }
0x53: {  	_ =	shalt  }
0x54: {  	_ =	shalt  }
0x55: {  	_ =	shalt  }
0x56: {  	_ =	shalt  }
0x57: {  	_ =	shalt  }
0x58: {  	_ =	shalt  }
0x59: {  	_ =	shalt  }
0x5a: {  	_ =	shalt  }
0x5b: {  	_ =	shalt  }
0x5c: {  	_ =	shalt  }
0x5d: {  	_ =	shalt  }
0x5e: {  	_ =	shalt  }
0x5f: {  	_ =	shalt  }
0x60: {  	_ =	shalt  }
0x61: {  	_ =	shalt  }
0x62: {  	_ =	shalt  }
0x63: {  	_ =	shalt  }
0x64: {  	_ =	shalt  }
0x65: {  	_ =	shalt  }
0x66: {  	_ =	shalt  }
0x67: {  	_ =	shalt  }
0x68: {  	_ =	shalt  }
0x69: {  	_ =	shalt  }
0x6a: {  	_ =	shalt  }
0x6b: {  	_ =	shalt  }
0x6c: {  	_ =	shalt  }
0x6d: {  	_ =	shalt  }
0x6e: {  	_ =	shalt  }
0x6f: {  	_ =	shalt  }
0x70: {  	_ =	shalt  }
0x71: {  	_ =	shalt  }
0x72: {  	_ =	shalt  }
0x73: {  	_ =	shalt  }
0x74: {  	_ =	shalt  }
0x75: {  	_ =	shalt  }
0x76: {  	_ =	shalt  }
0x77: {  	_ =	shalt  }
0x78: {  	_ =	shalt  }
0x79: {  	_ =	shalt  }
0x7a: {  	_ =	shalt  }
0x7b: {  	_ =	shalt  }
0x7c: {  	_ =	shalt  }
0x7d: {  	_ =	shalt  }
0x7e: {  	_ =	shalt  }
0x7f: {  	_ =	shalt  }
0x80: {  	_ =	shalt  }
0x81: {  	_ =	shalt  }
0x82: {  	_ =	shalt  }
0x83: {  	_ =	shalt  }
0x84: {  	_ =	shalt  }
0x85: {  	_ =	shalt  }
0x86: {  	_ =	shalt  }
0x87: {  	_ =	shalt  }
.Lfunc_end0:
.L_simem_size_0:
called_computation.4_lowered:
.L_overlay_start_0:
0x88: {  	s2 =	sld [smem:$0x3FD9]  }
0x89: {  	s3 =	sld [smem:$0x3FFE];
	_ =	sdelay $0x1  }
0x8a: {  	s1 =	srdreg.scid  }
0x8b: {  	s0 =	sand.u32 $0x1, s1  }
0x8c: {  	s16 =	sshll.u32 s0, $0xA;
	s2 =	sadd.s32 s3, s2  }
0x8d: {  	s2 =	sadd.s32 s2, s16  }
0x8e: {  	[smem:$0x3FC5] =	sst s2  }
0x8f: {  	_ = 	snop  }
0x90: {  	(tm) =	ssettm $0x1  }
0x91: {  	s17 =	sld [smem:$0x3FFB];
	_ =	sdelay $0x3  }
0x92: {  	_ =	strace s17  }
0x93: {  	s2 =	sld [smem:$0x3FFC];
	_ =	sdelay $0x3  }
0x94: {  	_ =	strace s2  }
0x95: {  	s2 =	sld [smem:$0x3FFD];
	_ =	sdelay $0x3  }
0x96: {  	_ =	strace s2  }
0x97: {  	_ =	strace $0x8FFFFFFF  }
0x98: {  	s18 =	sld [smem:$0x3FDB];
	_ =	sdelay $0x1  }
0x99: {  	s19 =	simm.s32 $_scs_section_size  }
0x9a: {  	s4 =	simm.s32 $_size__tile_overlayer_lowered;
	s5 =	simm.s32 $_tile_overlayer_lowered  }
0x9b: {  	s22 =	simm.s32 $0x1BFF;
	s21 =	sshll.u32 s5, $0x1;
	s2 =	sadd.s32 s19, s18  }
0x9c: {  	s6 =	simm.s32 $0x0;
	s20 =	sshll.u32 s4, $0x1;
	s4 =	sadd.s32 s21, s2  }
0x9d: {  	[timem:s6], [sflag:s22] =	dma.local [hbm:s4], s20  }
0x9e: {  	_ =	swait.ge [sflag:s22], s20  }
0x9f: {  	s3 =	ssub.s32 $0x0, s20;
	[sflag:s22] =	ssyncset.done $0x0  }
0xa0: {  	[sflag:s22] =	ssyncadd.s32 s3;
	_ =	sdelay $0x1  }
0xa1: {  	s23 =	simm.s32 $0x1B8B  }
0xa2: {  	_ =	swait.ge [sflag:s23], $0x1  }
0xa3: {  	[sflag:s23] =	ssyncset.done $0x0  }
0xa4: {  	s25 =	simm.s32 $0x1B8E;
	s24 =	sld [smem:$0x3FFE];
	[sflag:s23] =	ssyncadd.s32 $0xFFFFFFFF  }
0xa5: {  	s26 =	simm.s32 $execute0_lowered;
	[smem:$0x3FD2] =	sst s25  }
0xa6: {  	s4 =	sshll.u32 s26, $0x1;
	_ =	strace $0x80000049;
	[dreg:$0x1] =	wrdreg $0xFFFFFFFF  }
0xa7: {  	s28 =	simm.s32 $_size_execute0_lowered;
	s2 =	sadd.s32 s2, s4;
	[dreg:$0x0] =	wrdreg $0x0  }
0xa8: {  	s4 =	sshll.u32 s28, $0x1;
	[dreg:$0x2] =	wrdreg s2  }
0xa9: {  	[dreg:$0x3] =	wrdreg s4  }
0xaa: {  	[dreg:$0x4] =	wrdreg $0xC0  }
0xab: {  	_ =	task [dreg:s6], $0x5FFFF  }
0xac: {  	[dreg:$0x1] =	wrdreg $0xFFFFFFFF  }
0xad: {  	[dreg:$0x0] =	wrdreg $0x60  }
0xae: {  	[dreg:$0x2] =	wrdreg s24  }
0xaf: {  	[dreg:$0x3] =	wrdreg $0x9  }
0xb0: {  	_ =	task.clear_ibuf [dreg:s6], $0x4FFFF;
	_ =	strace $0x90000049  }
0xb1: {  	s29 =	simm.s32 $0x9;
	_ =	strace $0x8000004B  }
0xb2: {  	_ =	swait.ge [sflag:s29], $0x1  }
0xb3: {  	[sflag:s29] =	ssyncadd.s32 $0xFFFFFFFF  }
0xb4: {  	_ =	strace $0x9000004B  }
0xb5: {  	_ =	sfence  }
0xb6: {  	s30 =	sld [smem:$0x0];
	_ =	sdelay $0x2  }
0xb7: {  	s31 =	sshll.u32 s1, $0xD;
	s1 =	sshrl.u32 s1, $0x2  }
0xb8: {  	s3 =	sand.u32 $0x4000, s31;
	s1 =	sadd.s32 s1, s30  }
0xb9: {  	s0 =	sor.u32 s3, s0;
	s1 =	sshll.u32 s1, $0x11  }
0xba: {  	s0 =	sor.u32 s1, s0  }
0xbb: {  	s0 =	sadd.s32 $0x8F2B, s0  }
0xbc: {  	[sflag:s0] =	ssyncadd.remote.s32 $0x1  }
0xbd: {  	_ =	sfence.sel $0xFFFF  }
0xbe: {  	[dreg:$0x0] =	wrdreg $0xFFFFFFFF;
	(pc) =	sbr.abs _section_cstart, $3  }
0xbf: {  	[dreg:$0x1] =	wrdreg $0xFFFFFFFF  }
0xc0: {  	_ =	task.clear_ibuf [dreg:s6], $0x2FFFF;
	_ =	strace $0x9FFFFFFF  }
0xc1: {  	(tm) =	ssettm $0x7FFFFFFF  }
tec
execute0_lowered:
.L_overlay_start_1:
0x0: {  	(tag) =	ssettag $0x1  }
0x1: {  	s8 =	rddreg [dreg:$0x0];
	s1 =	stileid.u32  }
0x2: {  	s2 =	srdreg.scid;
	s0 =	rddreg [dreg:$0x1]  }
0x3: {  	_ =	strace $0x8000004A;
	s5 =	simm.s32 $0x1;
	s9 =	simm.s32 $0x1  }
0x4: {  	s10 =	simm.s32 $0x3;
	s2 =	sand.u32 $0x1, s2;
	s3 =	sshll.u32 s1, $0x1  }
0x5: {  	s13 =	simm.s32 $0x0;
	s12 =	simm.s32 $0x0;
	s6 =	sor.u32 s3, s2  }
0x6: {  	[sflag:s5] =	ssyncpa.u1 $0x0;
	s2 =	sadd.s32 $0x253000, s8;
	s4 =	smul.u32 $0x1900, s6  }
0x7: {  	s3 =	sadd.s32 $0x478000, s8;
	p0 =	slt.u32 s6, $0x9;
	s6 =	simm.s32 $0x32000  }
.Ltmp0:
0x8: {  	s6 =	simm.s32 @!p0 $0x0;
	s7 =	ssub.s32 $0x3E800, s4;
	(pc) =	sbr.rel .LBB2_1-.Ltmp0, $4  }
0x9: {  	s9 =	simm.s32 @!p0 $0x0;
	p0 =	sne.s32 s7, s6;
	s7 =	simm.s32 $0x1  }
0xa: {  	s8 =	sadd.s32 $0x489E00, s8;
	s6 =	simm.s32 $0x2;
	s7 =	simm.s32 @!p0 $0x0  }
0xb: {  	s11 =	smov.u32 s4;
	[sflag:s6] =	ssyncpa.u1 $0x0;
	s7 =	sadd.s32 s9, s7  }
0xc: {  	vm0 =	vmmov $0xffff;
	[sflag:s10] =	ssyncpa.u1 $0x0;
	s10 =	simm.s32 $0x0;
	s9 =	sadd.s32 $0x1, s7  }
.LBB2_4:
0xd: {  	vm1 =	veq.s32 v4, $0x80000000;
	v56 =	vand.u32 $0xF, v4;
	v6 =	vand.u32 $0x3FFF, v6  }
0xe: {  	v2 =	vor.u32 v2, v5;
	v59 =	vshrl.u32 v1, $0x4;
	v60 =	vand.u32 $0xF, v1  }
0xf: {  	v4 =	vsel vm1, $0xFFFFFFFF, v56;
	v6 =	vsel vm1, $0xFFFFFFFF, v6;
	v2 =	vor.u32 v3, v2  }
0x10: {  	vm1 =	veq.s32 v1, $0x80000000;
	v5 =	vand.u32 $0x3FFF, v59;
	v7 =	vshrl.u32 v4, $0x3  }
0x11: {  	v57 =	vshll.u32 v6, $0x3;
	v4 =	vshll.u32 v4, $0x7;
	v1 =	vsel vm1, $0xFFFFFFFF, v60  }
0x12: {  	v5 =	vsel vm1, $0xFFFFFFFF, v5;
	v6 =	vand.u32 $0x7F, v6;
	v7 =	vmul.u32 $0x1DC00, v7  }
0x13: {  	v58 =	vand.u32 $0xFFFFFC00, v57;
	v4 =	vand.u32 $0x380, v4;
	v61 =	vshrl.u32 v1, $0x3  }
0x14: {  	v62 =	vshll.u32 v5, $0x3;
	v3 =	vadd.s32 v7, v58;
	v7 =	vmul.u32 $0x1DC00, v61  }
0x15: {  	v1 =	vshll.u32 v1, $0x7;
	v3 =	vor.u32 v4, v3;
	v4 =	vand.u32 $0xFFFFFC00, v62  }
0x16: {  	v1 =	vand.u32 $0x380, v1;
	v3 =	vor.u32 v6, v3;
	v4 =	vadd.s32 v7, v4  }
0x17: {  	[tilespmem:s16], [sflag:$0x1] =	stream.indirect_vreg.gather [hbm4b:s2+s10], $0x1, v0, vm0, $0x4038;
	v63 =	vand.u32 $0x7F, v5;
	v1 =	vor.u32 v1, v4;
	[tilespmem:$0x6400] =	vst v63  }
0x18: {  	s15 =	sadd.s32 $0x10, s15;
	(ifvalue) =	ssetifvalue $0x7FFFFFFF;
	v0 =	vor.u32 v63, v1  }
0x19: {  	[tilespmem:s15], [sflag:$0x1] =	stream.indirect_vreg.gather [hbm4b:s2+s10], $0x1, v2, vm0, $0x4038;
	[tilespmem:$0x6400] =	vst v63  }
0x1a: {  	s15 =	sadd.s32 $0x10, s15;
	(ifvalue) =	ssetifvalue $0x7FFFFFFF  }
0x1b: {  	[tilespmem:s15], [sflag:$0x1] =	stream.indirect_vreg.gather [hbm4b:s2+s10], $0x1, v3, vm0, $0x4038;
	[tilespmem:$0x6400] =	vst v63  }
0x1c: {  	s15 =	sadd.s32 $0x10, s15;
	(ifvalue) =	ssetifvalue $0x7FFFFFFF  }
0x1d: {  	[tilespmem:s15], [sflag:$0x1] =	stream.indirect_vreg.gather [hbm4b:s2+s10], $0x1, v0, vm0, $0x4038;
	[tilespmem:$0x6400] =	vst v63  }
0x1e: {  	_ =	swait.ge [sflag:s5], $0x1900  }
0x1f: {  	s30 =	sshrl.u32 s13, $0x3;
	[sflag:s5] =	ssyncset.done $0x0  }
0x20: {  	s31 =	sand.u32 $0x7, s13;
	s15 =	sadd.s32 s8, s30;
	[sflag:s5] =	ssyncadd.s32 $0xFFFFE700  }
0x21: {  	[hbm4b:s15+s31] =	stream.linear.scatter [tilespmem:s14], [sflag:$0x3], $0x1900, $0x38;
	[tilespmem:$0x6400] =	vst v63  }
.LBB2_5:
0x22: {  	s15 =	sadd.s32 $0x32000, s11  }
0x23: {  	p1 =	sgt.s32 s15, $0x3E7FF  }
0x24: {  	s15 =	smov.u32 @p1 s4;
	p1 =	sne.s32 s12, s9  }
.Ltmp1:
0x25: {  	p0 =	slt.u32 s12, $0x2;
	(pc) =	sbr.rel @!p1 .LBB2_6-.Ltmp1, $4  }
0x26: {  	s14 =	simm.s32 @!p0 $0x3  }
0x27: {  	_ =	swait.ge @!p0 [sflag:s14], $0x1900  }
0x28: {  	s16 =	sadd.s32 $0x1, s12;
	s13 =	smov.u32 s11;
	[sflag:s14] =	ssyncset.done @!p0 $0x0  }
0x29: {  	s12 =	smov.u32 s16;
	s11 =	smov.u32 s15;
	[sflag:s14] =	ssyncadd.s32 @!p0 $0xFFFFE700  }
.LBB2_1:
0x2a: {  	p0 =	sge.u32 s12, s7  }
0x2b: {  	s14 =	sxor.u32 @!p0 $0x1, s12  }
0x2c: {  	s14 =	smul.u32 @!p0 $0x6400, s14  }
0x2d: {  	s31 =	sadd.s32 $0xFFFFFFFF, s12;
	s15 =	sshrl.u32 @!p0 s11, $0x3  }
0x2e: {  	s16 =	sand.u32 @!p0 $0x7, s11;
	s15 =	sadd.s32 @!p0 s3, s15;
	s14 =	sshra.s32 @!p0 s14, $0x2  }
0x2f: {  	[tilespmem:s14], [sflag:$0x2] =	stream.linear.gather @!p0 [hbm4b:s15+s16], $0x1900, $0x38;
	[tilespmem:$0x6400] =	vst v63  }
0x30: {  	p0 =	sge.u32 s31, s7  }
.Ltmp2:
0x31: {  	_ = 	snop;
	(pc) =	sbr.rel @p0 .LBB2_5-.Ltmp2, $1  }
0x32: {  	_ =	sdelay $0x3  }
0x33: {  	s14 =	sand.u32 $0x1, s12  }
0x34: {  	_ =	swait.ge [sflag:s6], $0x1900;
	p0 =	seq.s32 s14, $0x1;
	s14 =	simm.s32 $0x1900  }
0x35: {  	[sflag:s6] =	ssyncset.done $0x0;
	s14 =	simm.s32 @!p0 $0x0  }
0x36: {  	[sflag:s6] =	ssyncadd.s32 $0xFFFFE700;
	(ifvalue) =	ssetifvalue $0x7FFFFFFF;
	v0 =	vld.msk [tilespmem:s14+$0x0 ss:$0x1], $0xffff  }
0x37: {  	s15 =	sadd.s32 $0x10, s14  }
0x38: {  	v1 =	vld.msk [tilespmem:s15+$0x0 ss:$0x1], $0xffff;
	_ =	sdelay $0x2  }
0x39: {  	v2 =	vshrl.u32 v0, $0x4  }
0x3a: {  	vm1 =	veq.s32 v0, $0x80000000;
	v0 =	vand.u32 $0xF, v0;
	v2 =	vand.u32 $0x3FFF, v2  }
0x3b: {  	v0 =	vsel vm1, $0xFFFFFFFF, v0;
	v6 =	vshrl.u32 v1, $0x4;
	v2 =	vsel vm1, $0xFFFFFFFF, v2  }
0x3c: {  	v3 =	vshrl.u32 v0, $0x3;
	v0 =	vshll.u32 v0, $0x7;
	vm1 =	veq.s32 v1, $0x80000000  }
0x3d: {  	s15 =	sadd.s32 $0x10, s15;
	v1 =	vand.u32 $0xF, v1;
	v4 =	vshll.u32 v2, $0x3;
	v3 =	vmul.u32 $0x1DC00, v3  }
0x3e: {  	v0 =	vand.u32 $0x380, v0;
	v7 =	vand.u32 $0x7F, v2;
	v5 =	vand.u32 $0xFFFFFC00, v4;
	v4 =	vld.msk [tilespmem:s15+$0x0 ss:$0x1], $0xffff  }
0x3f: {  	v1 =	vsel vm1, $0xFFFFFFFF, v1;
	v2 =	vadd.s32 v3, v5;
	v3 =	vand.u32 $0x3FFF, v6  }
0x40: {  	v3 =	vsel vm1, $0xFFFFFFFF, v3;
	v0 =	vor.u32 v0, v2;
	v2 =	vshrl.u32 v1, $0x3  }
0x41: {  	v1 =	vshll.u32 v1, $0x7;
	v5 =	vshll.u32 v3, $0x3;
	v8 =	vmul.u32 $0x1DC00, v2  }
0x42: {  	s18 =	simm.s32 $0x30;
	s14 =	sadd.s32 $0x3200, s14;
	s17 =	sadd.s32 $0x10, s15;
	v2 =	vand.u32 $0x380, v1;
	v0 =	vor.u32 v7, v0;
	v5 =	vand.u32 $0xFFFFFC00, v5  }
0x43: {  	s16 =	smov.u32 s14;
	s15 =	smov.u32 s14;
	v1 =	vld.msk [tilespmem:s17+$0x0 ss:$0x1], $0xffff;
	v3 =	vand.u32 $0x7F, v3;
	(ifvalue) =	ssetifvalue $0x7FFFFFFF;
	v6 =	vshrl.u32 v4, $0x4;
	v5 =	vadd.s32 v8, v5  }
.LBB2_3:
0x44: {  	s18 =	sadd.s32 $0x10, s18  }
0x45: {  	vm1 =	veq.s32 v4, $0x80000000;
	v4 =	vand.u32 $0xF, v4;
	v6 =	vand.u32 $0x3FFF, v6;
	s15 =	sadd.s32 $0x10, s15;
	p0 =	slt.u32 s18, $0x18F0  }
.Ltmp3:
0x46: {  	v5 =	vor.u32 v2, v5;
	v4 =	vsel vm1, $0xFFFFFFFF, v4;
	v7 =	vsel vm1, $0xFFFFFFFF, v6;
	(pc) =	sbr.rel @p0 .LBB2_3-.Ltmp3, $4  }
0x47: {  	v2 =	vshrl.u32 v4, $0x3;
	v6 =	vshll.u32 v7, $0x3;
	v4 =	vshll.u32 v4, $0x7;
	[tilespmem:s16], [sflag:$0x1] =	stream.indirect_vreg.gather [hbm4b:s2+s10], $0x1, v0, vm0, $0x4038;
	[tilespmem:$0x6400] =	vst v63  }
0x48: {  	v0 =	vor.u32 v3, v5;
	s16 =	smov.u32 s15;
	v8 =	vmul.u32 $0x1DC00, v2;
	v2 =	vand.u32 $0x380, v4  }
0x49: {  	s17 =	sadd.s32 $0x10, s17;
	v9 =	vand.u32 $0xFFFFFC00, v6  }
0x4a: {  	v3 =	vand.u32 $0x7F, v7;
	v6 =	vshrl.u32 v1, $0x4;
	v5 =	vadd.s32 v8, v9;
	(ifvalue) =	ssetifvalue $0x7FFFFFFF;
	v4 =	vmovc v1;
	v1 =	vld.msk [tilespmem:s17+$0x0 ss:$0x1], $0xffff  }
.Ltmp4:
0x4b: {  	_ = 	snop;
	(pc) =	sbr.rel .LBB2_4-.Ltmp4, $1  }
0x4c: {  	_ =	sdelay $0x3  }
.LBB2_6:
0x4d: {  	_ =	sfence.sel $0x180000  }
0x4e: {  	s2 =	simm.s32 $0x2;
	[bflag:$0x0] =	sbarrier.arrive $0xFFFF  }
0x4f: {  	s30 =	simm.s32 $0x3;
	[sflag:s2] =	ssyncpa.u1 $0x1  }
0x50: {  	s31 =	simm.s32 $0x1;
	[sflag:s30] =	ssyncpa.u1 $0x1  }
0x51: {  	[sflag:s31] =	ssyncpa.u1 $0x1  }
0x52: {  	p0 =	sne.s32 s1, $0x0;
	_ =	strace $0x9000004A  }
0x53: {  	s0 =	sadd.s32 @!p0 $0x100000, s0;
	[bflag:$0x2] =	sbarrier.arrive $0xFFFF  }
0x54: {  	[sflag:s0] =	ssyncadd.tile.s32 @!p0 $0x1;
	_ =	shalt  }
.Lfunc_end2:
_tile_overlayer_lowered:
.L_overlay_start_2:
0x55: {  	(tag) =	ssettag $0x2  }
0x56: {  	s0 =	rddreg [dreg:$0x0];
	s2 =	stileid.u32  }
0x57: {  	s1 =	rddreg [dreg:$0x1];
	p0 =	sne.s32 s2, $0x0  }
0x58: {  	s3 =	rddreg [dreg:$0x2];
	[bflag:$0x3] =	sbarrier.arrive $0xFFFF;
	s2 =	simm.s32 @!p0 $0x1C01  }
0x59: {  	[timem:s3], [sflag:s2] =	dma.local @!p0 [hbm:s0], s1  }
0x5a: {  	s0 =	simm.s32 @!p0 $0x1  }
0x5b: {  	_ =	swait.ge @!p0 [sflag:s0], s1  }
0x5c: {  	s1 =	ssub.s32 @!p0 $0x0, s1;
	[sflag:s0] =	ssyncset.done @!p0 $0x0  }
0x5d: {  	[sflag:s0] =	ssyncadd.s32 @!p0 s1  }
0x5e: {  	[bflag:$0x3] =	sbarrier.arrive $0xFFFF  }
0x5f: {  	_ =	shalt  }

// kernel: gather_offload_async_start.4
scs
__scs_entry_jumppad:
0x0: {  	(pc) =	sbr.rel $0x88, $3  }
0x1: {  	(tag) =	ssettag $0x0;
	lr =	simm.s32 $0x1  }
0x2: {  	[smem:$0x3F9E] =	sst lr;
	_ =	strace $0xD0000000  }
0x3: {  	_ = 	snop  }
0x4: {  	_ = 	snop  }
0x5: {  	_ = 	snop  }
0x6: {  	_ = 	snop  }
0x7: {  	_ = 	snop  }
__scs_overlays_trampoline_lowered:
0x8: {  	[smem:$0x3FAD] =	sst s0  }
0x9: {  	[smem:$0x3FAE] =	sst s1  }
0xa: {  	[smem:$0x3FAF] =	sst s2  }
0xb: {  	[smem:$0x3FB0] =	sst s3  }
0xc: {  	[smem:$0x3FB1] =	sst s4  }
0xd: {  	[smem:$0x3FB2] =	sst s5  }
0xe: {  	[smem:$0x3FB3] =	sst s6  }
0xf: {  	[smem:$0x3FB4] =	sst s7  }
0x10: {  	[smem:$0x3FB5] =	sst s8  }
0x11: {  	[smem:$0x3FB6] =	sst s9;
	s0 =	simm.s32 @!p0 $0x0  }
0x12: {  	s1 =	sld [smem:$0x3F9C];
	s0 =	simm.s32 @p0 $0x1  }
0x13: {  	[smem:$0x3FB7] =	sst s0;
	s0 =	simm.s32 @!p1 $0x0  }
0x14: {  	s2 =	sld [smem:$0x3F9B];
	s0 =	simm.s32 @p1 $0x1  }
0x15: {  	[smem:$0x3FB8] =	sst s0;
	s0 =	simm.s32 @!p2 $0x0  }
0x16: {  	s3 =	sld [smem:$0x3FDB];
	s0 =	simm.s32 @p2 $0x1  }
0x17: {  	s4 =	simm.s32 $0x1BF5;
	[smem:$0x3FBA] =	sst s0  }
0x18: {  	s0 =	sld [smem:$0x3F9D];
	_ =	swait.ge [sflag:s4], $0x0  }
0x19: {  	s7 =	sld [smem:$0x3F9E]  }
0x1a: {  	s8 =	sadd.s32 $0xFFFFE003, lr  }
0x1b: {  	s9 =	sadd.s32 $0xFFFFFEF7, lr;
	s5 =	simm.s32 $0xFFFFFFFF;
	p2 =	slt.u32 s8, $0xFFFFF086  }
0x1c: {  	p1 =	slt.u32 s9, $0xF7A;
	s5 =	simm.s32 @!p2 $0x0  }
0x1d: {  	s5 =	simm.s32 @p1 $0x1;
	p0 =	seq.s32 s7, s2  }
0x1e: {  	s7 =	smul.u32 @!p0 $0xF7A, s2;
	p2 =	seq.s32 @!p0 s5, $0x0  }
0x1f: {  	s9 =	smul.u32 $0xF7A, s1;
	s8 =	simm.s32 @!p0 $0x1BF5;
	p2 =	por !p2, p0  }
0x20: {  	[sflag:s8] =	ssyncset.s32 @!p0 $0xFFFFF086;
	s6 =	sadd.s32 @!p0 s3, s7;
	s7 =	simm.s32 @!p0 $0x108  }
0x21: {  	s3 =	sadd.s32 s3, s9;
	s6 =	sadd.s32 @!p0 $0x88, s6;
	s7 =	simm.s32 @p2 $0x1082  }
0x22: {  	[simem:s7], [sflag:s8] =	dma.local @!p0 [hbm:s6], $0xF7A  }
0x23: {  	s9 =	sor.u32 $0xD0000000, s2;
	s6 =	simm.s32 $0x108;
	_ =	swait.ge @!p0 [sflag:s8], $0x0  }
0x24: {  	s3 =	sadd.s32 $0x88, s3;
	s6 =	simm.s32 @!p1 $0x1082;
	[sflag:s4] =	ssyncset.s32 $0xFFFFF086  }
0x25: {  	[simem:s6], [sflag:s4] =	dma.local [hbm:s3], $0xF7A  }
0x26: {  	[smem:$0x3F9E] =	sst s1;
	(tag) =	ssettag s2;
	_ =	strace s9  }
0x27: {  	s1 =	sld [smem:$0x3FAE]  }
0x28: {  	s2 =	sld [smem:$0x3FAF]  }
0x29: {  	s4 =	sld [smem:$0x3FB1]  }
0x2a: {  	p0 =	seq.s32 s5, $0x0;
	s5 =	sld [smem:$0x3FB2]  }
0x2b: {  	s6 =	sld [smem:$0x3FB3]  }
0x2c: {  	s7 =	sld [smem:$0x3FB4]  }
0x2d: {  	s3 =	simm.s32 $0x108;
	s8 =	sld [smem:$0x3FB5]  }
0x2e: {  	s3 =	simm.s32 @!p0 $0x1082;
	s9 =	sld [smem:$0x3FB6]  }
0x2f: {  	lr =	sadd.s32 s0, s3;
	s0 =	sld [smem:$0x3FAD]  }
0x30: {  	s3 =	sld [smem:$0x3FB0]  }
0x31: {  	[smem:$0x3FB9] =	sst s10  }
0x32: {  	s10 =	sld [smem:$0x3FB7];
	_ =	sdelay $0x3  }
0x33: {  	p0 =	seq.s32 s10, $0x1;
	s10 =	sld [smem:$0x3FB9];
	_ =	sdelay $0x3  }
0x34: {  	[smem:$0x3FB9] =	sst s10  }
0x35: {  	s10 =	sld [smem:$0x3FB8];
	_ =	sdelay $0x3  }
0x36: {  	p1 =	seq.s32 s10, $0x1;
	s10 =	sld [smem:$0x3FB9];
	_ =	sdelay $0x3  }
0x37: {  	[smem:$0x3FB9] =	sst s10  }
0x38: {  	s10 =	sld [smem:$0x3FBA]  }
0x39: {  	_ = 	snop;
	(pc) =	sbr.ind lr, $3  }
0x3a: {  	_ = 	snop  }
0x3b: {  	_ = 	snop  }
0x3c: {  	p2 =	seq.s32 s10, $0x1;
	s10 =	sld [smem:$0x3FB9]  }
0x3d: {  	_ =	shalt  }
0x3e: {  	_ =	shalt  }
0x3f: {  	_ =	shalt  }
0x40: {  	_ =	shalt  }
0x41: {  	_ =	shalt  }
0x42: {  	_ =	shalt  }
0x43: {  	_ =	shalt  }
0x44: {  	_ =	shalt  }
0x45: {  	_ =	shalt  }
0x46: {  	_ =	shalt  }
0x47: {  	_ =	shalt  }
0x48: {  	_ =	shalt  }
0x49: {  	_ =	shalt  }
0x4a: {  	_ =	shalt  }
0x4b: {  	_ =	shalt  }
0x4c: {  	_ =	shalt  }
0x4d: {  	_ =	shalt  }
0x4e: {  	_ =	shalt  }
0x4f: {  	_ =	shalt  }
0x50: {  	_ =	shalt  }
0x51: {  	_ =	shalt  }
0x52: {  	_ =	shalt  }
0x53: {  	_ =	shalt  }
0x54: {  	_ =	shalt  }
0x55: {  	_ =	shalt  }
0x56: {  	_ =	shalt  }
0x57: {  	_ =	shalt  }
0x58: {  	_ =	shalt  }
0x59: {  	_ =	shalt  }
0x5a: {  	_ =	shalt  }
0x5b: {  	_ =	shalt  }
0x5c: {  	_ =	shalt  }
0x5d: {  	_ =	shalt  }
0x5e: {  	_ =	shalt  }
0x5f: {  	_ =	shalt  }
0x60: {  	_ =	shalt  }
0x61: {  	_ =	shalt  }
0x62: {  	_ =	shalt  }
0x63: {  	_ =	shalt  }
0x64: {  	_ =	shalt  }
0x65: {  	_ =	shalt  }
0x66: {  	_ =	shalt  }
0x67: {  	_ =	shalt  }
0x68: {  	_ =	shalt  }
0x69: {  	_ =	shalt  }
0x6a: {  	_ =	shalt  }
0x6b: {  	_ =	shalt  }
0x6c: {  	_ =	shalt  }
0x6d: {  	_ =	shalt  }
0x6e: {  	_ =	shalt  }
0x6f: {  	_ =	shalt  }
0x70: {  	_ =	shalt  }
0x71: {  	_ =	shalt  }
0x72: {  	_ =	shalt  }
0x73: {  	_ =	shalt  }
0x74: {  	_ =	shalt  }
0x75: {  	_ =	shalt  }
0x76: {  	_ =	shalt  }
0x77: {  	_ =	shalt  }
0x78: {  	_ =	shalt  }
0x79: {  	_ =	shalt  }
0x7a: {  	_ =	shalt  }
0x7b: {  	_ =	shalt  }
0x7c: {  	_ =	shalt  }
0x7d: {  	_ =	shalt  }
0x7e: {  	_ =	shalt  }
0x7f: {  	_ =	shalt  }
0x80: {  	_ =	shalt  }
0x81: {  	_ =	shalt  }
0x82: {  	_ =	shalt  }
0x83: {  	_ =	shalt  }
0x84: {  	_ =	shalt  }
0x85: {  	_ =	shalt  }
0x86: {  	_ =	shalt  }
0x87: {  	_ =	shalt  }
.Lfunc_end0:
.L_simem_size_0:
called_computation.5_lowered:
.L_overlay_start_0:
0x88: {  	s2 =	sld [smem:$0x3FD9]  }
0x89: {  	s3 =	sld [smem:$0x3FFE];
	_ =	sdelay $0x1  }
0x8a: {  	s1 =	srdreg.scid  }
0x8b: {  	s0 =	sand.u32 $0x1, s1  }
0x8c: {  	s14 =	sshll.u32 s0, $0xA;
	s2 =	sadd.s32 s3, s2  }
0x8d: {  	s2 =	sadd.s32 s2, s14  }
0x8e: {  	[smem:$0x3FC5] =	sst s2  }
0x8f: {  	_ = 	snop  }
0x90: {  	s2 =	sld [smem:$0x3FD0];
	_ =	sdelay $0x2  }
0x91: {  	s15 =	simm.s32 $0xB;
	s4 =	simm.s32 $0x10  }
0x92: {  	[smem:s4], [sflag:s15] =	dma.local [hbm:s2], $0x1  }
0x93: {  	_ =	swait.eq [sflag:s15], $0x1  }
0x94: {  	[sflag:s15] =	ssyncset.done $0x0  }
0x95: {  	s16 =	sld [smem:$0x10];
	[sflag:s15] =	ssyncadd.s32 $0xFFFFFFFF  }
0x96: {  	s17 =	sld [smem:$0x11];
	(tm) =	ssettm $0x1  }
0x97: {  	s18 =	sld [smem:$0x3FFB];
	_ =	sdelay $0x3  }
0x98: {  	_ =	strace s18  }
0x99: {  	s4 =	sld [smem:$0x3FFC];
	_ =	sdelay $0x3  }
0x9a: {  	_ =	strace s4  }
0x9b: {  	s4 =	sld [smem:$0x3FFD];
	_ =	sdelay $0x3  }
0x9c: {  	_ =	strace s4  }
0x9d: {  	_ =	strace $0x8FFFFFFF  }
0x9e: {  	s19 =	sld [smem:$0x3FDB];
	_ =	sdelay $0x1  }
0x9f: {  	s5 =	simm.s32 $_scs_section_size  }
0xa0: {  	s6 =	simm.s32 $_size__tile_overlayer_lowered;
	s7 =	simm.s32 $_tile_overlayer_lowered  }
0xa1: {  	s22 =	simm.s32 $0x1BFF;
	s21 =	sshll.u32 s7, $0x1;
	s4 =	sadd.s32 s5, s19  }
0xa2: {  	s8 =	simm.s32 $0x0;
	s20 =	sshll.u32 s6, $0x1;
	s6 =	sadd.s32 s21, s4  }
0xa3: {  	[timem:s8], [sflag:s22] =	dma.local [hbm:s6], s20  }
0xa4: {  	_ =	swait.ge [sflag:s22], s20  }
0xa5: {  	s5 =	ssub.s32 $0x0, s20;
	[sflag:s22] =	ssyncset.done $0x0  }
0xa6: {  	[sflag:s22] =	ssyncadd.s32 s5;
	_ =	sdelay $0x1  }
0xa7: {  	s23 =	simm.s32 $0x1B8B  }
0xa8: {  	_ =	swait.ge [sflag:s23], $0x1  }
0xa9: {  	[sflag:s23] =	ssyncset.done $0x0  }
0xaa: {  	s25 =	simm.s32 $0x1B8E;
	s24 =	sld [smem:$0x3FFE];
	[sflag:s23] =	ssyncadd.s32 $0xFFFFFFFF  }
0xab: {  	s26 =	simm.s32 $execute0_lowered;
	[smem:$0x3FD2] =	sst s25  }
0xac: {  	s6 =	sshll.u32 s26, $0x1;
	_ =	strace $0x80000055;
	[dreg:$0x1] =	wrdreg $0xFFFFFFFF  }
0xad: {  	s28 =	simm.s32 $_size_execute0_lowered;
	s4 =	sadd.s32 s4, s6;
	[dreg:$0x0] =	wrdreg $0x0  }
0xae: {  	s6 =	sshll.u32 s28, $0x1;
	[dreg:$0x2] =	wrdreg s4  }
0xaf: {  	[dreg:$0x3] =	wrdreg s6  }
0xb0: {  	[dreg:$0x4] =	wrdreg $0xC0  }
0xb1: {  	_ =	task [dreg:s8], $0x5FFFF  }
0xb2: {  	[dreg:$0x1] =	wrdreg $0xFFFFFFFF  }
0xb3: {  	[dreg:$0x0] =	wrdreg $0x60  }
0xb4: {  	[dreg:$0x2] =	wrdreg s24  }
0xb5: {  	[dreg:$0x3] =	wrdreg s16  }
0xb6: {  	[dreg:$0x4] =	wrdreg s17  }
0xb7: {  	[dreg:$0x5] =	wrdreg $0x9  }
0xb8: {  	_ =	task.clear_ibuf [dreg:s8], $0x6FFFF;
	_ =	strace $0x90000055  }
0xb9: {  	s29 =	simm.s32 $0x9;
	_ =	strace $0x80000057  }
0xba: {  	_ =	swait.ge [sflag:s29], $0x1  }
0xbb: {  	[sflag:s29] =	ssyncadd.s32 $0xFFFFFFFF  }
0xbc: {  	_ =	strace $0x90000057  }
0xbd: {  	_ =	sfence  }
0xbe: {  	s30 =	sld [smem:$0x0];
	_ =	sdelay $0x2  }
0xbf: {  	s31 =	sshll.u32 s1, $0xD;
	s1 =	sshrl.u32 s1, $0x2  }
0xc0: {  	s3 =	sand.u32 $0x4000, s31;
	s1 =	sadd.s32 s1, s30  }
0xc1: {  	s0 =	sor.u32 s3, s0;
	s1 =	sshll.u32 s1, $0x11  }
0xc2: {  	s0 =	sor.u32 s1, s0  }
0xc3: {  	s0 =	sadd.s32 $0x8F2B, s0  }
0xc4: {  	[sflag:s0] =	ssyncadd.remote.s32 $0x1  }
0xc5: {  	_ =	sfence.sel $0xFFFF  }
0xc6: {  	[dreg:$0x0] =	wrdreg $0xFFFFFFFF;
	(pc) =	sbr.abs _section_cstart, $3  }
0xc7: {  	[dreg:$0x1] =	wrdreg $0xFFFFFFFF  }
0xc8: {  	_ =	task.clear_ibuf [dreg:s8], $0x2FFFF;
	_ =	strace $0x9FFFFFFF  }
0xc9: {  	(tm) =	ssettm $0x7FFFFFFF  }
tec
execute0_lowered:
.L_overlay_start_1:
0x0: {  	(tag) =	ssettag $0x1  }
0x1: {  	s8 =	rddreg [dreg:$0x0]  }
0x2: {  	s2 =	rddreg [dreg:$0x1]  }
0x3: {  	s0 =	stileid.u32;
	s1 =	srdreg.scid  }
0x4: {  	s3 =	rddreg [dreg:$0x2];
	s9 =	simm.s32 $0x1;
	s10 =	simm.s32 $0x3  }
0x5: {  	s13 =	simm.s32 $0x0;
	s4 =	sand.u32 $0x1, s1;
	s5 =	sshll.u32 s0, $0x1  }
0x6: {  	s12 =	simm.s32 $0x0;
	s1 =	rddreg [dreg:$0x3];
	s6 =	sor.u32 s5, s4  }
0x7: {  	_ =	strace $0x80000056;
	s8 =	sadd.s32 $0x7E00, s8;
	s4 =	smul.u32 $0x50, s6  }
0x8: {  	s5 =	simm.s32 $0x1;
	p0 =	slt.u32 s6, $0x9;
	s6 =	simm.s32 $0xA00  }
.Ltmp0:
0x9: {  	s6 =	simm.s32 @!p0 $0x0;
	s7 =	ssub.s32 $0xC80, s4;
	(pc) =	sbr.rel .LBB2_1-.Ltmp0, $4  }
0xa: {  	s9 =	simm.s32 @!p0 $0x0;
	p0 =	sne.s32 s7, s6;
	s7 =	simm.s32 $0x1  }
0xb: {  	[sflag:s5] =	ssyncpa.u1 $0x0;
	s6 =	simm.s32 $0x2;
	s7 =	simm.s32 @!p0 $0x0  }
0xc: {  	s11 =	smov.u32 s4;
	[sflag:s6] =	ssyncpa.u1 $0x0;
	s7 =	sadd.s32 s9, s7  }
0xd: {  	vm0 =	vmmov $0xffff;
	[sflag:s10] =	ssyncpa.u1 $0x0;
	s10 =	simm.s32 $0x0;
	s9 =	sadd.s32 $0x1, s7  }
.LBB2_4:
0xe: {  	vm1 =	veq.s32 v4, $0x80000000;
	v56 =	vand.u32 $0xF, v4;
	v6 =	vand.u32 $0x3FFF, v6  }
0xf: {  	v2 =	vor.u32 v2, v5;
	v59 =	vshrl.u32 v1, $0x4;
	v60 =	vand.u32 $0xF, v1  }
0x10: {  	v4 =	vsel vm1, $0xFFFFFFFF, v56;
	v6 =	vsel vm1, $0xFFFFFFFF, v6;
	v2 =	vor.u32 v3, v2  }
0x11: {  	vm1 =	veq.s32 v1, $0x80000000;
	v5 =	vand.u32 $0x3FFF, v59;
	v7 =	vshrl.u32 v4, $0x3  }
0x12: {  	v57 =	vshll.u32 v6, $0x3;
	v4 =	vshll.u32 v4, $0x7;
	v1 =	vsel vm1, $0xFFFFFFFF, v60  }
0x13: {  	v5 =	vsel vm1, $0xFFFFFFFF, v5;
	v6 =	vand.u32 $0x7F, v6;
	v7 =	vmul.u32 $0x1F400, v7  }
0x14: {  	v58 =	vand.u32 $0xFFFFFC00, v57;
	v4 =	vand.u32 $0x380, v4;
	v61 =	vshrl.u32 v1, $0x3  }
0x15: {  	v62 =	vshll.u32 v5, $0x3;
	v3 =	vadd.s32 v7, v58;
	v7 =	vmul.u32 $0x1F400, v61  }
0x16: {  	v1 =	vshll.u32 v1, $0x7;
	v3 =	vor.u32 v4, v3;
	v4 =	vand.u32 $0xFFFFFC00, v62  }
0x17: {  	v1 =	vand.u32 $0x380, v1;
	v3 =	vor.u32 v6, v3;
	v4 =	vadd.s32 v7, v4  }
0x18: {  	[tilespmem:s16], [sflag:$0x1] =	stream.indirect_vreg.gather [hbm4b:s8+s10], $0x1, v0, vm0, $0x4038;
	v63 =	vand.u32 $0x7F, v5;
	v1 =	vor.u32 v1, v4;
	[tilespmem:$0x140] =	vst v63  }
0x19: {  	s15 =	sadd.s32 $0x10, s15;
	(ifvalue) =	ssetifvalue $0x7FFFFFFF;
	v0 =	vor.u32 v63, v1  }
0x1a: {  	[tilespmem:s15], [sflag:$0x1] =	stream.indirect_vreg.gather [hbm4b:s8+s10], $0x1, v2, vm0, $0x4038;
	[tilespmem:$0x140] =	vst v63  }
0x1b: {  	s15 =	sadd.s32 $0x10, s15;
	(ifvalue) =	ssetifvalue $0x7FFFFFFF  }
0x1c: {  	[tilespmem:s15], [sflag:$0x1] =	stream.indirect_vreg.gather [hbm4b:s8+s10], $0x1, v3, vm0, $0x4038;
	[tilespmem:$0x140] =	vst v63  }
0x1d: {  	s15 =	sadd.s32 $0x10, s15;
	(ifvalue) =	ssetifvalue $0x7FFFFFFF  }
0x1e: {  	[tilespmem:s15], [sflag:$0x1] =	stream.indirect_vreg.gather [hbm4b:s8+s10], $0x1, v0, vm0, $0x4038;
	[tilespmem:$0x140] =	vst v63  }
0x1f: {  	_ =	swait.ge [sflag:s5], $0x50  }
0x20: {  	s30 =	sshrl.u32 s13, $0x3;
	[sflag:s5] =	ssyncset.done $0x0  }
0x21: {  	s31 =	sand.u32 $0x7, s13;
	s15 =	sadd.s32 s3, s30;
	[sflag:s5] =	ssyncadd.s32 $0xFFFFFFB0  }
0x22: {  	[hbm4b:s15+s31] =	stream.linear.scatter [tilespmem:s14], [sflag:$0x3], $0x50, $0x38;
	[tilespmem:$0x140] =	vst v63  }
.LBB2_5:
0x23: {  	s15 =	sadd.s32 $0xA00, s11  }
0x24: {  	p1 =	sgt.s32 s15, $0xC7F  }
0x25: {  	s15 =	smov.u32 @p1 s4;
	p1 =	sne.s32 s12, s9  }
.Ltmp1:
0x26: {  	p0 =	slt.u32 s12, $0x2;
	(pc) =	sbr.rel @!p1 .LBB2_6-.Ltmp1, $4  }
0x27: {  	s14 =	simm.s32 @!p0 $0x3  }
0x28: {  	_ =	swait.ge @!p0 [sflag:s14], $0x50  }
0x29: {  	s16 =	sadd.s32 $0x1, s12;
	s13 =	smov.u32 s11;
	[sflag:s14] =	ssyncset.done @!p0 $0x0  }
0x2a: {  	s12 =	smov.u32 s16;
	s11 =	smov.u32 s15;
	[sflag:s14] =	ssyncadd.s32 @!p0 $0xFFFFFFB0  }
.LBB2_1:
0x2b: {  	p0 =	sge.u32 s12, s7  }
0x2c: {  	s14 =	sxor.u32 @!p0 $0x1, s12  }
0x2d: {  	s14 =	smul.u32 @!p0 $0x140, s14  }
0x2e: {  	s31 =	sadd.s32 $0xFFFFFFFF, s12;
	s15 =	sshrl.u32 @!p0 s11, $0x3  }
0x2f: {  	s16 =	sand.u32 @!p0 $0x7, s11;
	s15 =	sadd.s32 @!p0 s2, s15;
	s14 =	sshra.s32 @!p0 s14, $0x2  }
0x30: {  	[tilespmem:s14], [sflag:$0x2] =	stream.linear.gather @!p0 [hbm4b:s15+s16], $0x50, $0x38;
	[tilespmem:$0x140] =	vst v63  }
0x31: {  	p0 =	sge.u32 s31, s7  }
.Ltmp2:
0x32: {  	_ = 	snop;
	(pc) =	sbr.rel @p0 .LBB2_5-.Ltmp2, $1  }
0x33: {  	_ =	sdelay $0x3  }
0x34: {  	s14 =	sand.u32 $0x1, s12  }
0x35: {  	_ =	swait.ge [sflag:s6], $0x50;
	p0 =	seq.s32 s14, $0x1;
	s14 =	simm.s32 $0x50  }
0x36: {  	[sflag:s6] =	ssyncset.done $0x0;
	s14 =	simm.s32 @!p0 $0x0  }
0x37: {  	[sflag:s6] =	ssyncadd.s32 $0xFFFFFFB0;
	(ifvalue) =	ssetifvalue $0x7FFFFFFF;
	v0 =	vld.msk [tilespmem:s14+$0x0 ss:$0x1], $0xffff  }
0x38: {  	s15 =	sadd.s32 $0x10, s14  }
0x39: {  	v1 =	vld.msk [tilespmem:s15+$0x0 ss:$0x1], $0xffff;
	_ =	sdelay $0x2  }
0x3a: {  	v2 =	vshrl.u32 v0, $0x4  }
0x3b: {  	vm1 =	veq.s32 v0, $0x80000000;
	v0 =	vand.u32 $0xF, v0;
	v2 =	vand.u32 $0x3FFF, v2  }
0x3c: {  	v0 =	vsel vm1, $0xFFFFFFFF, v0;
	v6 =	vshrl.u32 v1, $0x4;
	v2 =	vsel vm1, $0xFFFFFFFF, v2  }
0x3d: {  	v3 =	vshrl.u32 v0, $0x3;
	v0 =	vshll.u32 v0, $0x7;
	vm1 =	veq.s32 v1, $0x80000000  }
0x3e: {  	s15 =	sadd.s32 $0x10, s15;
	v1 =	vand.u32 $0xF, v1;
	v4 =	vshll.u32 v2, $0x3;
	v3 =	vmul.u32 $0x1F400, v3  }
0x3f: {  	v0 =	vand.u32 $0x380, v0;
	v7 =	vand.u32 $0x7F, v2;
	v5 =	vand.u32 $0xFFFFFC00, v4;
	v4 =	vld.msk [tilespmem:s15+$0x0 ss:$0x1], $0xffff  }
0x40: {  	v1 =	vsel vm1, $0xFFFFFFFF, v1;
	v2 =	vadd.s32 v3, v5;
	v3 =	vand.u32 $0x3FFF, v6  }
0x41: {  	v3 =	vsel vm1, $0xFFFFFFFF, v3;
	v0 =	vor.u32 v0, v2;
	v2 =	vshrl.u32 v1, $0x3  }
0x42: {  	v1 =	vshll.u32 v1, $0x7;
	v5 =	vshll.u32 v3, $0x3;
	v8 =	vmul.u32 $0x1F400, v2  }
0x43: {  	s18 =	simm.s32 $0x30;
	s14 =	sor.u32 $0xA0, s14;
	s17 =	sadd.s32 $0x10, s15;
	v2 =	vand.u32 $0x380, v1;
	v0 =	vor.u32 v7, v0;
	v5 =	vand.u32 $0xFFFFFC00, v5  }
0x44: {  	s16 =	smov.u32 s14;
	s15 =	smov.u32 s14;
	v1 =	vld.msk [tilespmem:s17+$0x0 ss:$0x1], $0xffff;
	v3 =	vand.u32 $0x7F, v3;
	(ifvalue) =	ssetifvalue $0x7FFFFFFF;
	v6 =	vshrl.u32 v4, $0x4;
	v5 =	vadd.s32 v8, v5  }
.LBB2_3:
0x45: {  	s18 =	sadd.s32 $0x10, s18  }
0x46: {  	vm1 =	veq.s32 v4, $0x80000000;
	v4 =	vand.u32 $0xF, v4;
	v6 =	vand.u32 $0x3FFF, v6;
	s15 =	sadd.s32 $0x10, s15;
	p0 =	slt.u32 s18, $0x40  }
.Ltmp3:
0x47: {  	v5 =	vor.u32 v2, v5;
	v4 =	vsel vm1, $0xFFFFFFFF, v4;
	v7 =	vsel vm1, $0xFFFFFFFF, v6;
	(pc) =	sbr.rel @p0 .LBB2_3-.Ltmp3, $4  }
0x48: {  	v2 =	vshrl.u32 v4, $0x3;
	v6 =	vshll.u32 v7, $0x3;
	v4 =	vshll.u32 v4, $0x7;
	[tilespmem:s16], [sflag:$0x1] =	stream.indirect_vreg.gather [hbm4b:s8+s10], $0x1, v0, vm0, $0x4038;
	[tilespmem:$0x140] =	vst v63  }
0x49: {  	v0 =	vor.u32 v3, v5;
	s16 =	smov.u32 s15;
	v8 =	vmul.u32 $0x1F400, v2;
	v2 =	vand.u32 $0x380, v4  }
0x4a: {  	s17 =	sadd.s32 $0x10, s17;
	v9 =	vand.u32 $0xFFFFFC00, v6  }
0x4b: {  	v3 =	vand.u32 $0x7F, v7;
	v6 =	vshrl.u32 v1, $0x4;
	v5 =	vadd.s32 v8, v9;
	(ifvalue) =	ssetifvalue $0x7FFFFFFF;
	v4 =	vmovc v1;
	v1 =	vld.msk [tilespmem:s17+$0x0 ss:$0x1], $0xffff  }
.Ltmp4:
0x4c: {  	_ = 	snop;
	(pc) =	sbr.rel .LBB2_4-.Ltmp4, $1  }
0x4d: {  	_ =	sdelay $0x3  }
.LBB2_6:
0x4e: {  	_ =	sfence.sel $0x180000  }
0x4f: {  	s2 =	simm.s32 $0x2;
	[bflag:$0x0] =	sbarrier.arrive $0xFFFF  }
0x50: {  	s30 =	simm.s32 $0x3;
	[sflag:s2] =	ssyncpa.u1 $0x1  }
0x51: {  	s31 =	simm.s32 $0x1;
	[sflag:s30] =	ssyncpa.u1 $0x1  }
0x52: {  	[sflag:s31] =	ssyncpa.u1 $0x1  }
0x53: {  	p0 =	sne.s32 s0, $0x0;
	_ =	strace $0x90000056  }
0x54: {  	s0 =	sadd.s32 @!p0 $0x100000, s1;
	[bflag:$0x2] =	sbarrier.arrive $0xFFFF  }
0x55: {  	[sflag:s0] =	ssyncadd.tile.s32 @!p0 $0x1;
	_ =	shalt  }
.Lfunc_end2:
_tile_overlayer_lowered:
.L_overlay_start_2:
0x56: {  	(tag) =	ssettag $0x2  }
0x57: {  	s0 =	rddreg [dreg:$0x0];
	s2 =	stileid.u32  }
0x58: {  	s1 =	rddreg [dreg:$0x1];
	p0 =	sne.s32 s2, $0x0  }
0x59: {  	s3 =	rddreg [dreg:$0x2];
	[bflag:$0x3] =	sbarrier.arrive $0xFFFF;
	s2 =	simm.s32 @!p0 $0x1C01  }
0x5a: {  	[timem:s3], [sflag:s2] =	dma.local @!p0 [hbm:s0], s1  }
0x5b: {  	s0 =	simm.s32 @!p0 $0x1  }
0x5c: {  	_ =	swait.ge @!p0 [sflag:s0], s1  }
0x5d: {  	s1 =	ssub.s32 @!p0 $0x0, s1;
	[sflag:s0] =	ssyncset.done @!p0 $0x0  }
0x5e: {  	[sflag:s0] =	ssyncadd.s32 @!p0 s1  }
0x5f: {  	[bflag:$0x3] =	sbarrier.arrive $0xFFFF  }
0x60: {  	_ =	shalt  }

// kernel: gather_offload_async_start.5
scs
__scs_entry_jumppad:
0x0: {  	(pc) =	sbr.rel $0x88, $3  }
0x1: {  	(tag) =	ssettag $0x0;
	lr =	simm.s32 $0x1  }
0x2: {  	[smem:$0x3F9E] =	sst lr;
	_ =	strace $0xD0000000  }
0x3: {  	_ = 	snop  }
0x4: {  	_ = 	snop  }
0x5: {  	_ = 	snop  }
0x6: {  	_ = 	snop  }
0x7: {  	_ = 	snop  }
__scs_overlays_trampoline_lowered:
0x8: {  	[smem:$0x3FAD] =	sst s0  }
0x9: {  	[smem:$0x3FAE] =	sst s1  }
0xa: {  	[smem:$0x3FAF] =	sst s2  }
0xb: {  	[smem:$0x3FB0] =	sst s3  }
0xc: {  	[smem:$0x3FB1] =	sst s4  }
0xd: {  	[smem:$0x3FB2] =	sst s5  }
0xe: {  	[smem:$0x3FB3] =	sst s6  }
0xf: {  	[smem:$0x3FB4] =	sst s7  }
0x10: {  	[smem:$0x3FB5] =	sst s8  }
0x11: {  	[smem:$0x3FB6] =	sst s9;
	s0 =	simm.s32 @!p0 $0x0  }
0x12: {  	s1 =	sld [smem:$0x3F9C];
	s0 =	simm.s32 @p0 $0x1  }
0x13: {  	[smem:$0x3FB7] =	sst s0;
	s0 =	simm.s32 @!p1 $0x0  }
0x14: {  	s2 =	sld [smem:$0x3F9B];
	s0 =	simm.s32 @p1 $0x1  }
0x15: {  	[smem:$0x3FB8] =	sst s0;
	s0 =	simm.s32 @!p2 $0x0  }
0x16: {  	s3 =	sld [smem:$0x3FDB];
	s0 =	simm.s32 @p2 $0x1  }
0x17: {  	s4 =	simm.s32 $0x1BF5;
	[smem:$0x3FBA] =	sst s0  }
0x18: {  	s0 =	sld [smem:$0x3F9D];
	_ =	swait.ge [sflag:s4], $0x0  }
0x19: {  	s7 =	sld [smem:$0x3F9E]  }
0x1a: {  	s8 =	sadd.s32 $0xFFFFE003, lr  }
0x1b: {  	s9 =	sadd.s32 $0xFFFFFEF7, lr;
	s5 =	simm.s32 $0xFFFFFFFF;
	p2 =	slt.u32 s8, $0xFFFFF086  }
0x1c: {  	p1 =	slt.u32 s9, $0xF7A;
	s5 =	simm.s32 @!p2 $0x0  }
0x1d: {  	s5 =	simm.s32 @p1 $0x1;
	p0 =	seq.s32 s7, s2  }
0x1e: {  	s7 =	smul.u32 @!p0 $0xF7A, s2;
	p2 =	seq.s32 @!p0 s5, $0x0  }
0x1f: {  	s9 =	smul.u32 $0xF7A, s1;
	s8 =	simm.s32 @!p0 $0x1BF5;
	p2 =	por !p2, p0  }
0x20: {  	[sflag:s8] =	ssyncset.s32 @!p0 $0xFFFFF086;
	s6 =	sadd.s32 @!p0 s3, s7;
	s7 =	simm.s32 @!p0 $0x108  }
0x21: {  	s3 =	sadd.s32 s3, s9;
	s6 =	sadd.s32 @!p0 $0x88, s6;
	s7 =	simm.s32 @p2 $0x1082  }
0x22: {  	[simem:s7], [sflag:s8] =	dma.local @!p0 [hbm:s6], $0xF7A  }
0x23: {  	s9 =	sor.u32 $0xD0000000, s2;
	s6 =	simm.s32 $0x108;
	_ =	swait.ge @!p0 [sflag:s8], $0x0  }
0x24: {  	s3 =	sadd.s32 $0x88, s3;
	s6 =	simm.s32 @!p1 $0x1082;
	[sflag:s4] =	ssyncset.s32 $0xFFFFF086  }
0x25: {  	[simem:s6], [sflag:s4] =	dma.local [hbm:s3], $0xF7A  }
0x26: {  	[smem:$0x3F9E] =	sst s1;
	(tag) =	ssettag s2;
	_ =	strace s9  }
0x27: {  	s1 =	sld [smem:$0x3FAE]  }
0x28: {  	s2 =	sld [smem:$0x3FAF]  }
0x29: {  	s4 =	sld [smem:$0x3FB1]  }
0x2a: {  	p0 =	seq.s32 s5, $0x0;
	s5 =	sld [smem:$0x3FB2]  }
0x2b: {  	s6 =	sld [smem:$0x3FB3]  }
0x2c: {  	s7 =	sld [smem:$0x3FB4]  }
0x2d: {  	s3 =	simm.s32 $0x108;
	s8 =	sld [smem:$0x3FB5]  }
0x2e: {  	s3 =	simm.s32 @!p0 $0x1082;
	s9 =	sld [smem:$0x3FB6]  }
0x2f: {  	lr =	sadd.s32 s0, s3;
	s0 =	sld [smem:$0x3FAD]  }
0x30: {  	s3 =	sld [smem:$0x3FB0]  }
0x31: {  	[smem:$0x3FB9] =	sst s10  }
0x32: {  	s10 =	sld [smem:$0x3FB7];
	_ =	sdelay $0x3  }
0x33: {  	p0 =	seq.s32 s10, $0x1;
	s10 =	sld [smem:$0x3FB9];
	_ =	sdelay $0x3  }
0x34: {  	[smem:$0x3FB9] =	sst s10  }
0x35: {  	s10 =	sld [smem:$0x3FB8];
	_ =	sdelay $0x3  }
0x36: {  	p1 =	seq.s32 s10, $0x1;
	s10 =	sld [smem:$0x3FB9];
	_ =	sdelay $0x3  }
0x37: {  	[smem:$0x3FB9] =	sst s10  }
0x38: {  	s10 =	sld [smem:$0x3FBA]  }
0x39: {  	_ = 	snop;
	(pc) =	sbr.ind lr, $3  }
0x3a: {  	_ = 	snop  }
0x3b: {  	_ = 	snop  }
0x3c: {  	p2 =	seq.s32 s10, $0x1;
	s10 =	sld [smem:$0x3FB9]  }
0x3d: {  	_ =	shalt  }
0x3e: {  	_ =	shalt  }
0x3f: {  	_ =	shalt  }
0x40: {  	_ =	shalt  }
0x41: {  	_ =	shalt  }
0x42: {  	_ =	shalt  }
0x43: {  	_ =	shalt  }
0x44: {  	_ =	shalt  }
0x45: {  	_ =	shalt  }
0x46: {  	_ =	shalt  }
0x47: {  	_ =	shalt  }
0x48: {  	_ =	shalt  }
0x49: {  	_ =	shalt  }
0x4a: {  	_ =	shalt  }
0x4b: {  	_ =	shalt  }
0x4c: {  	_ =	shalt  }
0x4d: {  	_ =	shalt  }
0x4e: {  	_ =	shalt  }
0x4f: {  	_ =	shalt  }
0x50: {  	_ =	shalt  }
0x51: {  	_ =	shalt  }
0x52: {  	_ =	shalt  }
0x53: {  	_ =	shalt  }
0x54: {  	_ =	shalt  }
0x55: {  	_ =	shalt  }
0x56: {  	_ =	shalt  }
0x57: {  	_ =	shalt  }
0x58: {  	_ =	shalt  }
0x59: {  	_ =	shalt  }
0x5a: {  	_ =	shalt  }
0x5b: {  	_ =	shalt  }
0x5c: {  	_ =	shalt  }
0x5d: {  	_ =	shalt  }
0x5e: {  	_ =	shalt  }
0x5f: {  	_ =	shalt  }
0x60: {  	_ =	shalt  }
0x61: {  	_ =	shalt  }
0x62: {  	_ =	shalt  }
0x63: {  	_ =	shalt  }
0x64: {  	_ =	shalt  }
0x65: {  	_ =	shalt  }
0x66: {  	_ =	shalt  }
0x67: {  	_ =	shalt  }
0x68: {  	_ =	shalt  }
0x69: {  	_ =	shalt  }
0x6a: {  	_ =	shalt  }
0x6b: {  	_ =	shalt  }
0x6c: {  	_ =	shalt  }
0x6d: {  	_ =	shalt  }
0x6e: {  	_ =	shalt  }
0x6f: {  	_ =	shalt  }
0x70: {  	_ =	shalt  }
0x71: {  	_ =	shalt  }
0x72: {  	_ =	shalt  }
0x73: {  	_ =	shalt  }
0x74: {  	_ =	shalt  }
0x75: {  	_ =	shalt  }
0x76: {  	_ =	shalt  }
0x77: {  	_ =	shalt  }
0x78: {  	_ =	shalt  }
0x79: {  	_ =	shalt  }
0x7a: {  	_ =	shalt  }
0x7b: {  	_ =	shalt  }
0x7c: {  	_ =	shalt  }
0x7d: {  	_ =	shalt  }
0x7e: {  	_ =	shalt  }
0x7f: {  	_ =	shalt  }
0x80: {  	_ =	shalt  }
0x81: {  	_ =	shalt  }
0x82: {  	_ =	shalt  }
0x83: {  	_ =	shalt  }
0x84: {  	_ =	shalt  }
0x85: {  	_ =	shalt  }
0x86: {  	_ =	shalt  }
0x87: {  	_ =	shalt  }
.Lfunc_end0:
.L_simem_size_0:
called_computation.6_lowered:
.L_overlay_start_0:
0x88: {  	s2 =	sld [smem:$0x3FD9]  }
0x89: {  	s3 =	sld [smem:$0x3FFE];
	_ =	sdelay $0x1  }
0x8a: {  	s1 =	srdreg.scid  }
0x8b: {  	s0 =	sand.u32 $0x1, s1  }
0x8c: {  	s15 =	sshll.u32 s0, $0xA;
	s2 =	sadd.s32 s3, s2  }
0x8d: {  	s2 =	sadd.s32 s2, s15  }
0x8e: {  	[smem:$0x3FC5] =	sst s2  }
0x8f: {  	_ = 	snop  }
0x90: {  	s2 =	sld [smem:$0x3FD0];
	_ =	sdelay $0x2  }
0x91: {  	s16 =	simm.s32 $0xB;
	s4 =	simm.s32 $0x10  }
0x92: {  	[smem:s4], [sflag:s16] =	dma.local [hbm:s2], $0x1  }
0x93: {  	_ =	swait.eq [sflag:s16], $0x1  }
0x94: {  	[sflag:s16] =	ssyncset.done $0x0  }
0x95: {  	[sflag:s16] =	ssyncadd.s32 $0xFFFFFFFF  }
0x96: {  	s17 =	sld [smem:$0x10];
	(tm) =	ssettm $0x1  }
0x97: {  	s18 =	sld [smem:$0x3FFB];
	_ =	sdelay $0x3  }
0x98: {  	_ =	strace s18  }
0x99: {  	s2 =	sld [smem:$0x3FFC];
	_ =	sdelay $0x3  }
0x9a: {  	_ =	strace s2  }
0x9b: {  	s2 =	sld [smem:$0x3FFD];
	_ =	sdelay $0x3  }
0x9c: {  	_ =	strace s2  }
0x9d: {  	_ =	strace $0x8FFFFFFF  }
0x9e: {  	s19 =	sld [smem:$0x3FDB];
	_ =	sdelay $0x1  }
0x9f: {  	s20 =	simm.s32 $_scs_section_size  }
0xa0: {  	s5 =	simm.s32 $_size__tile_overlayer_lowered;
	s6 =	simm.s32 $_tile_overlayer_lowered  }
0xa1: {  	s7 =	simm.s32 $0x1BFF;
	s21 =	sshll.u32 s6, $0x1;
	s4 =	sadd.s32 s20, s19  }
0xa2: {  	s22 =	simm.s32 $0x0;
	s5 =	sshll.u32 s5, $0x1;
	s6 =	sadd.s32 s21, s4  }
0xa3: {  	[timem:s22], [sflag:s7] =	dma.local [hbm:s6], s5  }
0xa4: {  	_ =	swait.ge [sflag:s7], s5  }
0xa5: {  	s5 =	ssub.s32 $0x0, s5;
	[sflag:s7] =	ssyncset.done $0x0  }
0xa6: {  	[sflag:s7] =	ssyncadd.s32 s5;
	_ =	sdelay $0x1  }
0xa7: {  	s23 =	simm.s32 $0x1B8B  }
0xa8: {  	_ =	swait.ge [sflag:s23], $0x1  }
0xa9: {  	[sflag:s23] =	ssyncset.done $0x0  }
0xaa: {  	[sflag:s23] =	ssyncadd.s32 $0xFFFFFFFF  }
0xab: {  	s5 =	sld [smem:$0x0]  }
0xac: {  	s6 =	sand.u32 $0xFFFFFFFE, s1  }
0xad: {  	p0 =	sne.s32 s1, s6  }
0xae: {  	s6 =	sshll.u32 @p0 s6, $0xE  }
0xaf: {  	s6 =	sadd.s32 @p0 $0x11B8D, s6;
	s7 =	sshll.u32 @p0 s5, $0x11  }
0xb0: {  	s6 =	sor.u32 @p0 s7, s6  }
0xb1: {  	[sflag:s6] =	ssyncadd.remote.s32 @p0 $0x1;
	_ =	sdelay $0x1  }
0xb2: {  	s6 =	simm.s32 @p0 $0x1B8D  }
0xb3: {  	_ =	swait.eq @p0 [sflag:s6], $0x1  }
0xb4: {  	[sflag:s6] =	ssyncadd.s32 @p0 $0xFFFFFFFF  }
0xb5: {  	s7 =	sshll.u32 @!p0 s1, $0xE  }
0xb6: {  	s7 =	sor.u32 @!p0 $0x4000, s7;
	s6 =	simm.s32 @!p0 $0x1B8D  }
0xb7: {  	s5 =	sshll.u32 @!p0 s5, $0x11;
	s7 =	sadd.s32 @!p0 $0x11B8D, s7;
	_ =	swait.eq @!p0 [sflag:s6], $0x1  }
0xb8: {  	s5 =	sor.u32 @!p0 s5, s7;
	[sflag:s6] =	ssyncadd.s32 @!p0 $0xFFFFFFFF  }
0xb9: {  	s25 =	simm.s32 $0x1B8E;
	s24 =	sld [smem:$0x3FFE];
	[sflag:s5] =	ssyncadd.remote.s32 @!p0 $0x1  }
0xba: {  	s26 =	simm.s32 $execute0_lowered;
	[smem:$0x3FD2] =	sst s25  }
0xbb: {  	s6 =	sshll.u32 s26, $0x1;
	_ =	strace $0x8000005E;
	[dreg:$0x1] =	wrdreg $0xFFFFFFFF  }
0xbc: {  	s28 =	simm.s32 $_size_execute0_lowered;
	s4 =	sadd.s32 s4, s6;
	[dreg:$0x0] =	wrdreg $0x0  }
0xbd: {  	s6 =	sshll.u32 s28, $0x1;
	[dreg:$0x2] =	wrdreg s4  }
0xbe: {  	[dreg:$0x3] =	wrdreg s6  }
0xbf: {  	[dreg:$0x4] =	wrdreg $0xC0  }
0xc0: {  	_ =	task [dreg:s22], $0x5FFFF  }
0xc1: {  	[dreg:$0x1] =	wrdreg $0xFFFFFFFF  }
0xc2: {  	[dreg:$0x0] =	wrdreg $0x60  }
0xc3: {  	[dreg:$0x2] =	wrdreg s24  }
0xc4: {  	[dreg:$0x3] =	wrdreg s17  }
0xc5: {  	[dreg:$0x4] =	wrdreg $0xA  }
0xc6: {  	_ =	task.clear_ibuf [dreg:s22], $0x5FFFF;
	_ =	strace $0x9000005E  }
0xc7: {  	s29 =	simm.s32 $0xA;
	_ =	strace $0x80000060  }
0xc8: {  	_ =	swait.ge [sflag:s29], $0x1  }
0xc9: {  	[sflag:s29] =	ssyncadd.s32 $0xFFFFFFFF  }
0xca: {  	_ =	strace $0x90000060  }
0xcb: {  	_ =	sfence  }
0xcc: {  	s30 =	sld [smem:$0x0];
	_ =	sdelay $0x2  }
0xcd: {  	s31 =	sshll.u32 s1, $0xD;
	s1 =	sshrl.u32 s1, $0x2  }
0xce: {  	s4 =	sand.u32 $0x4000, s31;
	s1 =	sadd.s32 s1, s30  }
0xcf: {  	s0 =	sor.u32 s4, s0;
	s1 =	sshll.u32 s1, $0x11  }
0xd0: {  	s0 =	sor.u32 s1, s0  }
0xd1: {  	s0 =	sadd.s32 $0x8F2B, s0  }
0xd2: {  	[sflag:s0] =	ssyncadd.remote.s32 $0x1  }
0xd3: {  	_ =	sfence.sel $0xFFFF  }
0xd4: {  	[dreg:$0x0] =	wrdreg $0xFFFFFFFF;
	(pc) =	sbr.abs _section_cstart, $3  }
0xd5: {  	[dreg:$0x1] =	wrdreg $0xFFFFFFFF  }
0xd6: {  	_ =	task.clear_ibuf [dreg:s22], $0x2FFFF;
	_ =	strace $0x9FFFFFFF  }
0xd7: {  	(tm) =	ssettm $0x7FFFFFFF  }
tec
execute0_lowered:
.L_overlay_start_1:
0x0: {  	(tag) =	ssettag $0x1  }
0x1: {  	s2 =	rddreg [dreg:$0x0]  }
0x2: {  	s0 =	stileid.u32;
	s1 =	srdreg.scid  }
0x3: {  	s3 =	rddreg [dreg:$0x1];
	s8 =	simm.s32 $0x1;
	s9 =	simm.s32 $0x3  }
0x4: {  	s10 =	simm.s32 $0x0;
	s4 =	sand.u32 $0x1, s1;
	s5 =	sshll.u32 s0, $0x1  }
0x5: {  	s13 =	simm.s32 $0x0;
	s12 =	simm.s32 $0x0;
	s6 =	sor.u32 s5, s4  }
0x6: {  	s1 =	rddreg [dreg:$0x2];
	_ =	strace $0x8000005F;
	s4 =	smul.u32 $0x50, s6  }
0x7: {  	s5 =	simm.s32 $0x1;
	p0 =	slt.u32 s6, $0x9;
	s6 =	simm.s32 $0xA00  }
.Ltmp0:
0x8: {  	s6 =	simm.s32 @!p0 $0x0;
	s7 =	ssub.s32 $0xC80, s4;
	(pc) =	sbr.rel .LBB2_1-.Ltmp0, $4  }
0x9: {  	s8 =	simm.s32 @!p0 $0x0;
	p0 =	sne.s32 s7, s6;
	s7 =	simm.s32 $0x1  }
0xa: {  	[sflag:s5] =	ssyncpa.u1 $0x0;
	s6 =	simm.s32 $0x2;
	s7 =	simm.s32 @!p0 $0x0  }
0xb: {  	s11 =	smov.u32 s4;
	[sflag:s6] =	ssyncpa.u1 $0x0;
	s7 =	sadd.s32 s8, s7  }
0xc: {  	vm0 =	vmmov $0xffff;
	s8 =	sadd.s32 $0x7E00, s2;
	[sflag:s9] =	ssyncpa.u1 $0x0;
	s9 =	sadd.s32 $0x1, s7  }
.LBB2_4:
0xd: {  	vm1 =	veq.s32 v4, $0x80000000;
	v56 =	vand.u32 $0xF, v4;
	v6 =	vand.u32 $0x3FFF, v6  }
0xe: {  	v2 =	vor.u32 v2, v5;
	v59 =	vshrl.u32 v1, $0x4;
	v60 =	vand.u32 $0xF, v1  }
0xf: {  	v4 =	vsel vm1, $0xFFFFFFFF, v56;
	v6 =	vsel vm1, $0xFFFFFFFF, v6;
	v2 =	vor.u32 v3, v2  }
0x10: {  	vm1 =	veq.s32 v1, $0x80000000;
	v5 =	vand.u32 $0x3FFF, v59;
	v7 =	vshrl.u32 v4, $0x3  }
0x11: {  	v57 =	vshll.u32 v6, $0x3;
	v4 =	vshll.u32 v4, $0x7;
	v1 =	vsel vm1, $0xFFFFFFFF, v60  }
0x12: {  	v5 =	vsel vm1, $0xFFFFFFFF, v5;
	v6 =	vand.u32 $0x7F, v6;
	v7 =	vmul.u32 $0x1F400, v7  }
0x13: {  	v58 =	vand.u32 $0xFFFFFC00, v57;
	v4 =	vand.u32 $0x380, v4;
	v61 =	vshrl.u32 v1, $0x3  }
0x14: {  	v62 =	vshll.u32 v5, $0x3;
	v3 =	vadd.s32 v7, v58;
	v7 =	vmul.u32 $0x1F400, v61  }
0x15: {  	v1 =	vshll.u32 v1, $0x7;
	v3 =	vor.u32 v4, v3;
	v4 =	vand.u32 $0xFFFFFC00, v62  }
0x16: {  	v1 =	vand.u32 $0x380, v1;
	v3 =	vor.u32 v6, v3;
	v4 =	vadd.s32 v7, v4  }
0x17: {  	[tilespmem:s16], [sflag:$0x1] =	stream.indirect_vreg.gather [hbm4b:s2+s10], $0x1, v0, vm0, $0x4038;
	v63 =	vand.u32 $0x7F, v5;
	v1 =	vor.u32 v1, v4;
	[tilespmem:$0x140] =	vst v63  }
0x18: {  	s15 =	sadd.s32 $0x10, s15;
	(ifvalue) =	ssetifvalue $0x7FFFFFFF;
	v0 =	vor.u32 v63, v1  }
0x19: {  	[tilespmem:s15], [sflag:$0x1] =	stream.indirect_vreg.gather [hbm4b:s2+s10], $0x1, v2, vm0, $0x4038;
	[tilespmem:$0x140] =	vst v63  }
0x1a: {  	s15 =	sadd.s32 $0x10, s15;
	(ifvalue) =	ssetifvalue $0x7FFFFFFF  }
0x1b: {  	[tilespmem:s15], [sflag:$0x1] =	stream.indirect_vreg.gather [hbm4b:s2+s10], $0x1, v3, vm0, $0x4038;
	[tilespmem:$0x140] =	vst v63  }
0x1c: {  	s15 =	sadd.s32 $0x10, s15;
	(ifvalue) =	ssetifvalue $0x7FFFFFFF  }
0x1d: {  	[tilespmem:s15], [sflag:$0x1] =	stream.indirect_vreg.gather [hbm4b:s2+s10], $0x1, v0, vm0, $0x4038;
	[tilespmem:$0x140] =	vst v63  }
0x1e: {  	_ =	swait.ge [sflag:s5], $0x50  }
0x1f: {  	s30 =	sshrl.u32 s13, $0x3;
	[sflag:s5] =	ssyncset.done $0x0  }
0x20: {  	s31 =	sand.u32 $0x7, s13;
	s15 =	sadd.s32 s8, s30;
	[sflag:s5] =	ssyncadd.s32 $0xFFFFFFB0  }
0x21: {  	[hbm4b:s15+s31] =	stream.linear.scatter [tilespmem:s14], [sflag:$0x3], $0x50, $0x38;
	[tilespmem:$0x140] =	vst v63  }
.LBB2_5:
0x22: {  	s15 =	sadd.s32 $0xA00, s11  }
0x23: {  	p1 =	sgt.s32 s15, $0xC7F  }
0x24: {  	s15 =	smov.u32 @p1 s4;
	p1 =	sne.s32 s12, s9  }
.Ltmp1:
0x25: {  	p0 =	slt.u32 s12, $0x2;
	(pc) =	sbr.rel @!p1 .LBB2_6-.Ltmp1, $4  }
0x26: {  	s14 =	simm.s32 @!p0 $0x3  }
0x27: {  	_ =	swait.ge @!p0 [sflag:s14], $0x50  }
0x28: {  	s16 =	sadd.s32 $0x1, s12;
	s13 =	smov.u32 s11;
	[sflag:s14] =	ssyncset.done @!p0 $0x0  }
0x29: {  	s12 =	smov.u32 s16;
	s11 =	smov.u32 s15;
	[sflag:s14] =	ssyncadd.s32 @!p0 $0xFFFFFFB0  }
.LBB2_1:
0x2a: {  	p0 =	sge.u32 s12, s7  }
0x2b: {  	s14 =	sxor.u32 @!p0 $0x1, s12  }
0x2c: {  	s14 =	smul.u32 @!p0 $0x140, s14  }
0x2d: {  	s31 =	sadd.s32 $0xFFFFFFFF, s12;
	s15 =	sshrl.u32 @!p0 s11, $0x3  }
0x2e: {  	s16 =	sand.u32 @!p0 $0x7, s11;
	s15 =	sadd.s32 @!p0 s3, s15;
	s14 =	sshra.s32 @!p0 s14, $0x2  }
0x2f: {  	[tilespmem:s14], [sflag:$0x2] =	stream.linear.gather @!p0 [hbm4b:s15+s16], $0x50, $0x38;
	[tilespmem:$0x140] =	vst v63  }
0x30: {  	p0 =	sge.u32 s31, s7  }
.Ltmp2:
0x31: {  	_ = 	snop;
	(pc) =	sbr.rel @p0 .LBB2_5-.Ltmp2, $1  }
0x32: {  	_ =	sdelay $0x3  }
0x33: {  	s14 =	sand.u32 $0x1, s12  }
0x34: {  	_ =	swait.ge [sflag:s6], $0x50;
	p0 =	seq.s32 s14, $0x1;
	s14 =	simm.s32 $0x50  }
0x35: {  	[sflag:s6] =	ssyncset.done $0x0;
	s14 =	simm.s32 @!p0 $0x0  }
0x36: {  	[sflag:s6] =	ssyncadd.s32 $0xFFFFFFB0;
	(ifvalue) =	ssetifvalue $0x7FFFFFFF;
	v0 =	vld.msk [tilespmem:s14+$0x0 ss:$0x1], $0xffff  }
0x37: {  	s15 =	sadd.s32 $0x10, s14  }
0x38: {  	v1 =	vld.msk [tilespmem:s15+$0x0 ss:$0x1], $0xffff;
	_ =	sdelay $0x2  }
0x39: {  	v2 =	vshrl.u32 v0, $0x4  }
0x3a: {  	vm1 =	veq.s32 v0, $0x80000000;
	v0 =	vand.u32 $0xF, v0;
	v2 =	vand.u32 $0x3FFF, v2  }
0x3b: {  	v0 =	vsel vm1, $0xFFFFFFFF, v0;
	v6 =	vshrl.u32 v1, $0x4;
	v2 =	vsel vm1, $0xFFFFFFFF, v2  }
0x3c: {  	v3 =	vshrl.u32 v0, $0x3;
	v0 =	vshll.u32 v0, $0x7;
	vm1 =	veq.s32 v1, $0x80000000  }
0x3d: {  	s15 =	sadd.s32 $0x10, s15;
	v1 =	vand.u32 $0xF, v1;
	v4 =	vshll.u32 v2, $0x3;
	v3 =	vmul.u32 $0x1F400, v3  }
0x3e: {  	v0 =	vand.u32 $0x380, v0;
	v7 =	vand.u32 $0x7F, v2;
	v5 =	vand.u32 $0xFFFFFC00, v4;
	v4 =	vld.msk [tilespmem:s15+$0x0 ss:$0x1], $0xffff  }
0x3f: {  	v1 =	vsel vm1, $0xFFFFFFFF, v1;
	v2 =	vadd.s32 v3, v5;
	v3 =	vand.u32 $0x3FFF, v6  }
0x40: {  	v3 =	vsel vm1, $0xFFFFFFFF, v3;
	v0 =	vor.u32 v0, v2;
	v2 =	vshrl.u32 v1, $0x3  }
0x41: {  	v1 =	vshll.u32 v1, $0x7;
	v5 =	vshll.u32 v3, $0x3;
	v8 =	vmul.u32 $0x1F400, v2  }
0x42: {  	s18 =	simm.s32 $0x30;
	s14 =	sor.u32 $0xA0, s14;
	s17 =	sadd.s32 $0x10, s15;
	v2 =	vand.u32 $0x380, v1;
	v0 =	vor.u32 v7, v0;
	v5 =	vand.u32 $0xFFFFFC00, v5  }
0x43: {  	s16 =	smov.u32 s14;
	s15 =	smov.u32 s14;
	v1 =	vld.msk [tilespmem:s17+$0x0 ss:$0x1], $0xffff;
	v3 =	vand.u32 $0x7F, v3;
	(ifvalue) =	ssetifvalue $0x7FFFFFFF;
	v6 =	vshrl.u32 v4, $0x4;
	v5 =	vadd.s32 v8, v5  }
.LBB2_3:
0x44: {  	s18 =	sadd.s32 $0x10, s18  }
0x45: {  	vm1 =	veq.s32 v4, $0x80000000;
	v4 =	vand.u32 $0xF, v4;
	v6 =	vand.u32 $0x3FFF, v6;
	s15 =	sadd.s32 $0x10, s15;
	p0 =	slt.u32 s18, $0x40  }
.Ltmp3:
0x46: {  	v5 =	vor.u32 v2, v5;
	v4 =	vsel vm1, $0xFFFFFFFF, v4;
	v7 =	vsel vm1, $0xFFFFFFFF, v6;
	(pc) =	sbr.rel @p0 .LBB2_3-.Ltmp3, $4  }
0x47: {  	v2 =	vshrl.u32 v4, $0x3;
	v6 =	vshll.u32 v7, $0x3;
	v4 =	vshll.u32 v4, $0x7;
	[tilespmem:s16], [sflag:$0x1] =	stream.indirect_vreg.gather [hbm4b:s2+s10], $0x1, v0, vm0, $0x4038;
	[tilespmem:$0x140] =	vst v63  }
0x48: {  	v0 =	vor.u32 v3, v5;
	s16 =	smov.u32 s15;
	v8 =	vmul.u32 $0x1F400, v2;
	v2 =	vand.u32 $0x380, v4  }
0x49: {  	s17 =	sadd.s32 $0x10, s17;
	v9 =	vand.u32 $0xFFFFFC00, v6  }
0x4a: {  	v3 =	vand.u32 $0x7F, v7;
	v6 =	vshrl.u32 v1, $0x4;
	v5 =	vadd.s32 v8, v9;
	(ifvalue) =	ssetifvalue $0x7FFFFFFF;
	v4 =	vmovc v1;
	v1 =	vld.msk [tilespmem:s17+$0x0 ss:$0x1], $0xffff  }
.Ltmp4:
0x4b: {  	_ = 	snop;
	(pc) =	sbr.rel .LBB2_4-.Ltmp4, $1  }
0x4c: {  	_ =	sdelay $0x3  }
.LBB2_6:
0x4d: {  	_ =	sfence.sel $0x180000  }
0x4e: {  	s2 =	simm.s32 $0x2;
	[bflag:$0x0] =	sbarrier.arrive $0xFFFF  }
0x4f: {  	s30 =	simm.s32 $0x3;
	[sflag:s2] =	ssyncpa.u1 $0x1  }
0x50: {  	s31 =	simm.s32 $0x1;
	[sflag:s30] =	ssyncpa.u1 $0x1  }
0x51: {  	[sflag:s31] =	ssyncpa.u1 $0x1  }
0x52: {  	p0 =	sne.s32 s0, $0x0;
	_ =	strace $0x9000005F  }
0x53: {  	s0 =	sadd.s32 @!p0 $0x100000, s1;
	[bflag:$0x2] =	sbarrier.arrive $0xFFFF  }
0x54: {  	[sflag:s0] =	ssyncadd.tile.s32 @!p0 $0x1;
	_ =	shalt  }
.Lfunc_end2:
_tile_overlayer_lowered:
.L_overlay_start_2:
0x55: {  	(tag) =	ssettag $0x2  }
0x56: {  	s0 =	rddreg [dreg:$0x0];
	s2 =	stileid.u32  }
0x57: {  	s1 =	rddreg [dreg:$0x1];
	p0 =	sne.s32 s2, $0x0  }
0x58: {  	s3 =	rddreg [dreg:$0x2];
	[bflag:$0x3] =	sbarrier.arrive $0xFFFF;
	s2 =	simm.s32 @!p0 $0x1C01  }
0x59: {  	[timem:s3], [sflag:s2] =	dma.local @!p0 [hbm:s0], s1  }
0x5a: {  	s0 =	simm.s32 @!p0 $0x1  }
0x5b: {  	_ =	swait.ge @!p0 [sflag:s0], s1  }
0x5c: {  	s1 =	ssub.s32 @!p0 $0x0, s1;
	[sflag:s0] =	ssyncset.done @!p0 $0x0  }
0x5d: {  	[sflag:s0] =	ssyncadd.s32 @!p0 s1  }
0x5e: {  	[bflag:$0x3] =	sbarrier.arrive $0xFFFF  }
0x5f: {  	_ =	shalt  }

// kernel: gather_offload_async_start.6
scs
__scs_entry_jumppad:
0x0: {  	(pc) =	sbr.rel $0x88, $3  }
0x1: {  	(tag) =	ssettag $0x0;
	lr =	simm.s32 $0x1  }
0x2: {  	[smem:$0x3F9E] =	sst lr;
	_ =	strace $0xD0000000  }
0x3: {  	_ = 	snop  }
0x4: {  	_ = 	snop  }
0x5: {  	_ = 	snop  }
0x6: {  	_ = 	snop  }
0x7: {  	_ = 	snop  }
__scs_overlays_trampoline_lowered:
0x8: {  	[smem:$0x3FAD] =	sst s0  }
0x9: {  	[smem:$0x3FAE] =	sst s1  }
0xa: {  	[smem:$0x3FAF] =	sst s2  }
0xb: {  	[smem:$0x3FB0] =	sst s3  }
0xc: {  	[smem:$0x3FB1] =	sst s4  }
0xd: {  	[smem:$0x3FB2] =	sst s5  }
0xe: {  	[smem:$0x3FB3] =	sst s6  }
0xf: {  	[smem:$0x3FB4] =	sst s7  }
0x10: {  	[smem:$0x3FB5] =	sst s8  }
0x11: {  	[smem:$0x3FB6] =	sst s9;
	s0 =	simm.s32 @!p0 $0x0  }
0x12: {  	s1 =	sld [smem:$0x3F9C];
	s0 =	simm.s32 @p0 $0x1  }
0x13: {  	[smem:$0x3FB7] =	sst s0;
	s0 =	simm.s32 @!p1 $0x0  }
0x14: {  	s2 =	sld [smem:$0x3F9B];
	s0 =	simm.s32 @p1 $0x1  }
0x15: {  	[smem:$0x3FB8] =	sst s0;
	s0 =	simm.s32 @!p2 $0x0  }
0x16: {  	s3 =	sld [smem:$0x3FDB];
	s0 =	simm.s32 @p2 $0x1  }
0x17: {  	s4 =	simm.s32 $0x1BF5;
	[smem:$0x3FBA] =	sst s0  }
0x18: {  	s0 =	sld [smem:$0x3F9D];
	_ =	swait.ge [sflag:s4], $0x0  }
0x19: {  	s7 =	sld [smem:$0x3F9E]  }
0x1a: {  	s8 =	sadd.s32 $0xFFFFE003, lr  }
0x1b: {  	s9 =	sadd.s32 $0xFFFFFEF7, lr;
	s5 =	simm.s32 $0xFFFFFFFF;
	p2 =	slt.u32 s8, $0xFFFFF086  }
0x1c: {  	p1 =	slt.u32 s9, $0xF7A;
	s5 =	simm.s32 @!p2 $0x0  }
0x1d: {  	s5 =	simm.s32 @p1 $0x1;
	p0 =	seq.s32 s7, s2  }
0x1e: {  	s7 =	smul.u32 @!p0 $0xF7A, s2;
	p2 =	seq.s32 @!p0 s5, $0x0  }
0x1f: {  	s9 =	smul.u32 $0xF7A, s1;
	s8 =	simm.s32 @!p0 $0x1BF5;
	p2 =	por !p2, p0  }
0x20: {  	[sflag:s8] =	ssyncset.s32 @!p0 $0xFFFFF086;
	s6 =	sadd.s32 @!p0 s3, s7;
	s7 =	simm.s32 @!p0 $0x108  }
0x21: {  	s3 =	sadd.s32 s3, s9;
	s6 =	sadd.s32 @!p0 $0x88, s6;
	s7 =	simm.s32 @p2 $0x1082  }
0x22: {  	[simem:s7], [sflag:s8] =	dma.local @!p0 [hbm:s6], $0xF7A  }
0x23: {  	s9 =	sor.u32 $0xD0000000, s2;
	s6 =	simm.s32 $0x108;
	_ =	swait.ge @!p0 [sflag:s8], $0x0  }
0x24: {  	s3 =	sadd.s32 $0x88, s3;
	s6 =	simm.s32 @!p1 $0x1082;
	[sflag:s4] =	ssyncset.s32 $0xFFFFF086  }
0x25: {  	[simem:s6], [sflag:s4] =	dma.local [hbm:s3], $0xF7A  }
0x26: {  	[smem:$0x3F9E] =	sst s1;
	(tag) =	ssettag s2;
	_ =	strace s9  }
0x27: {  	s1 =	sld [smem:$0x3FAE]  }
0x28: {  	s2 =	sld [smem:$0x3FAF]  }
0x29: {  	s4 =	sld [smem:$0x3FB1]  }
0x2a: {  	p0 =	seq.s32 s5, $0x0;
	s5 =	sld [smem:$0x3FB2]  }
0x2b: {  	s6 =	sld [smem:$0x3FB3]  }
0x2c: {  	s7 =	sld [smem:$0x3FB4]  }
0x2d: {  	s3 =	simm.s32 $0x108;
	s8 =	sld [smem:$0x3FB5]  }
0x2e: {  	s3 =	simm.s32 @!p0 $0x1082;
	s9 =	sld [smem:$0x3FB6]  }
0x2f: {  	lr =	sadd.s32 s0, s3;
	s0 =	sld [smem:$0x3FAD]  }
0x30: {  	s3 =	sld [smem:$0x3FB0]  }
0x31: {  	[smem:$0x3FB9] =	sst s10  }
0x32: {  	s10 =	sld [smem:$0x3FB7];
	_ =	sdelay $0x3  }
0x33: {  	p0 =	seq.s32 s10, $0x1;
	s10 =	sld [smem:$0x3FB9];
	_ =	sdelay $0x3  }
0x34: {  	[smem:$0x3FB9] =	sst s10  }
0x35: {  	s10 =	sld [smem:$0x3FB8];
	_ =	sdelay $0x3  }
0x36: {  	p1 =	seq.s32 s10, $0x1;
	s10 =	sld [smem:$0x3FB9];
	_ =	sdelay $0x3  }
0x37: {  	[smem:$0x3FB9] =	sst s10  }
0x38: {  	s10 =	sld [smem:$0x3FBA]  }
0x39: {  	_ = 	snop;
	(pc) =	sbr.ind lr, $3  }
0x3a: {  	_ = 	snop  }
0x3b: {  	_ = 	snop  }
0x3c: {  	p2 =	seq.s32 s10, $0x1;
	s10 =	sld [smem:$0x3FB9]  }
0x3d: {  	_ =	shalt  }
0x3e: {  	_ =	shalt  }
0x3f: {  	_ =	shalt  }
0x40: {  	_ =	shalt  }
0x41: {  	_ =	shalt  }
0x42: {  	_ =	shalt  }
0x43: {  	_ =	shalt  }
0x44: {  	_ =	shalt  }
0x45: {  	_ =	shalt  }
0x46: {  	_ =	shalt  }
0x47: {  	_ =	shalt  }
0x48: {  	_ =	shalt  }
0x49: {  	_ =	shalt  }
0x4a: {  	_ =	shalt  }
0x4b: {  	_ =	shalt  }
0x4c: {  	_ =	shalt  }
0x4d: {  	_ =	shalt  }
0x4e: {  	_ =	shalt  }
0x4f: {  	_ =	shalt  }
0x50: {  	_ =	shalt  }
0x51: {  	_ =	shalt  }
0x52: {  	_ =	shalt  }
0x53: {  	_ =	shalt  }
0x54: {  	_ =	shalt  }
0x55: {  	_ =	shalt  }
0x56: {  	_ =	shalt  }
0x57: {  	_ =	shalt  }
0x58: {  	_ =	shalt  }
0x59: {  	_ =	shalt  }
0x5a: {  	_ =	shalt  }
0x5b: {  	_ =	shalt  }
0x5c: {  	_ =	shalt  }
0x5d: {  	_ =	shalt  }
0x5e: {  	_ =	shalt  }
0x5f: {  	_ =	shalt  }
0x60: {  	_ =	shalt  }
0x61: {  	_ =	shalt  }
0x62: {  	_ =	shalt  }
0x63: {  	_ =	shalt  }
0x64: {  	_ =	shalt  }
0x65: {  	_ =	shalt  }
0x66: {  	_ =	shalt  }
0x67: {  	_ =	shalt  }
0x68: {  	_ =	shalt  }
0x69: {  	_ =	shalt  }
0x6a: {  	_ =	shalt  }
0x6b: {  	_ =	shalt  }
0x6c: {  	_ =	shalt  }
0x6d: {  	_ =	shalt  }
0x6e: {  	_ =	shalt  }
0x6f: {  	_ =	shalt  }
0x70: {  	_ =	shalt  }
0x71: {  	_ =	shalt  }
0x72: {  	_ =	shalt  }
0x73: {  	_ =	shalt  }
0x74: {  	_ =	shalt  }
0x75: {  	_ =	shalt  }
0x76: {  	_ =	shalt  }
0x77: {  	_ =	shalt  }
0x78: {  	_ =	shalt  }
0x79: {  	_ =	shalt  }
0x7a: {  	_ =	shalt  }
0x7b: {  	_ =	shalt  }
0x7c: {  	_ =	shalt  }
0x7d: {  	_ =	shalt  }
0x7e: {  	_ =	shalt  }
0x7f: {  	_ =	shalt  }
0x80: {  	_ =	shalt  }
0x81: {  	_ =	shalt  }
0x82: {  	_ =	shalt  }
0x83: {  	_ =	shalt  }
0x84: {  	_ =	shalt  }
0x85: {  	_ =	shalt  }
0x86: {  	_ =	shalt  }
0x87: {  	_ =	shalt  }
.Lfunc_end0:
.L_simem_size_0:
called_computation.7_lowered:
.L_overlay_start_0:
0x88: {  	s2 =	sld [smem:$0x3FD9]  }
0x89: {  	s3 =	sld [smem:$0x3FFE];
	_ =	sdelay $0x1  }
0x8a: {  	s1 =	srdreg.scid  }
0x8b: {  	s0 =	sand.u32 $0x1, s1  }
0x8c: {  	s15 =	sshll.u32 s0, $0xA;
	s2 =	sadd.s32 s3, s2  }
0x8d: {  	s2 =	sadd.s32 s2, s15  }
0x8e: {  	[smem:$0x3FC5] =	sst s2  }
0x8f: {  	_ = 	snop  }
0x90: {  	s2 =	sld [smem:$0x3FD0];
	_ =	sdelay $0x2  }
0x91: {  	s16 =	simm.s32 $0xB;
	s4 =	simm.s32 $0x10  }
0x92: {  	[smem:s4], [sflag:s16] =	dma.local [hbm:s2], $0x1  }
0x93: {  	_ =	swait.eq [sflag:s16], $0x1  }
0x94: {  	[sflag:s16] =	ssyncset.done $0x0  }
0x95: {  	[sflag:s16] =	ssyncadd.s32 $0xFFFFFFFF  }
0x96: {  	s17 =	sld [smem:$0x10];
	(tm) =	ssettm $0x1  }
0x97: {  	s18 =	sld [smem:$0x3FFB];
	_ =	sdelay $0x3  }
0x98: {  	_ =	strace s18  }
0x99: {  	s2 =	sld [smem:$0x3FFC];
	_ =	sdelay $0x3  }
0x9a: {  	_ =	strace s2  }
0x9b: {  	s2 =	sld [smem:$0x3FFD];
	_ =	sdelay $0x3  }
0x9c: {  	_ =	strace s2  }
0x9d: {  	_ =	strace $0x8FFFFFFF  }
0x9e: {  	s19 =	sld [smem:$0x3FDB];
	_ =	sdelay $0x1  }
0x9f: {  	s20 =	simm.s32 $_scs_section_size  }
0xa0: {  	s5 =	simm.s32 $_size__tile_overlayer_lowered;
	s6 =	simm.s32 $_tile_overlayer_lowered  }
0xa1: {  	s7 =	simm.s32 $0x1BFF;
	s21 =	sshll.u32 s6, $0x1;
	s4 =	sadd.s32 s20, s19  }
0xa2: {  	s22 =	simm.s32 $0x0;
	s5 =	sshll.u32 s5, $0x1;
	s6 =	sadd.s32 s21, s4  }
0xa3: {  	[timem:s22], [sflag:s7] =	dma.local [hbm:s6], s5  }
0xa4: {  	_ =	swait.ge [sflag:s7], s5  }
0xa5: {  	s5 =	ssub.s32 $0x0, s5;
	[sflag:s7] =	ssyncset.done $0x0  }
0xa6: {  	[sflag:s7] =	ssyncadd.s32 s5;
	_ =	sdelay $0x1  }
0xa7: {  	s23 =	simm.s32 $0x1B8B  }
0xa8: {  	_ =	swait.ge [sflag:s23], $0x1  }
0xa9: {  	[sflag:s23] =	ssyncset.done $0x0  }
0xaa: {  	[sflag:s23] =	ssyncadd.s32 $0xFFFFFFFF  }
0xab: {  	s5 =	sld [smem:$0x0]  }
0xac: {  	s6 =	sand.u32 $0xFFFFFFFE, s1  }
0xad: {  	p0 =	sne.s32 s1, s6  }
0xae: {  	s6 =	sshll.u32 @p0 s6, $0xE  }
0xaf: {  	s6 =	sadd.s32 @p0 $0x11B8D, s6;
	s7 =	sshll.u32 @p0 s5, $0x11  }
0xb0: {  	s6 =	sor.u32 @p0 s7, s6  }
0xb1: {  	[sflag:s6] =	ssyncadd.remote.s32 @p0 $0x1;
	_ =	sdelay $0x1  }
0xb2: {  	s6 =	simm.s32 @p0 $0x1B8D  }
0xb3: {  	_ =	swait.eq @p0 [sflag:s6], $0x1  }
0xb4: {  	[sflag:s6] =	ssyncadd.s32 @p0 $0xFFFFFFFF  }
0xb5: {  	s7 =	sshll.u32 @!p0 s1, $0xE  }
0xb6: {  	s7 =	sor.u32 @!p0 $0x4000, s7;
	s6 =	simm.s32 @!p0 $0x1B8D  }
0xb7: {  	s5 =	sshll.u32 @!p0 s5, $0x11;
	s7 =	sadd.s32 @!p0 $0x11B8D, s7;
	_ =	swait.eq @!p0 [sflag:s6], $0x1  }
0xb8: {  	s5 =	sor.u32 @!p0 s5, s7;
	[sflag:s6] =	ssyncadd.s32 @!p0 $0xFFFFFFFF  }
0xb9: {  	s25 =	simm.s32 $0x1B8E;
	s24 =	sld [smem:$0x3FFE];
	[sflag:s5] =	ssyncadd.remote.s32 @!p0 $0x1  }
0xba: {  	s26 =	simm.s32 $execute0_lowered;
	[smem:$0x3FD2] =	sst s25  }
0xbb: {  	s6 =	sshll.u32 s26, $0x1;
	_ =	strace $0x8000005B;
	[dreg:$0x1] =	wrdreg $0xFFFFFFFF  }
0xbc: {  	s28 =	simm.s32 $_size_execute0_lowered;
	s4 =	sadd.s32 s4, s6;
	[dreg:$0x0] =	wrdreg $0x0  }
0xbd: {  	s6 =	sshll.u32 s28, $0x1;
	[dreg:$0x2] =	wrdreg s4  }
0xbe: {  	[dreg:$0x3] =	wrdreg s6  }
0xbf: {  	[dreg:$0x4] =	wrdreg $0xC0  }
0xc0: {  	_ =	task [dreg:s22], $0x5FFFF  }
0xc1: {  	[dreg:$0x1] =	wrdreg $0xFFFFFFFF  }
0xc2: {  	[dreg:$0x0] =	wrdreg $0x60  }
0xc3: {  	[dreg:$0x2] =	wrdreg s24  }
0xc4: {  	[dreg:$0x3] =	wrdreg s17  }
0xc5: {  	[dreg:$0x4] =	wrdreg $0x9  }
0xc6: {  	_ =	task.clear_ibuf [dreg:s22], $0x5FFFF;
	_ =	strace $0x9000005B  }
0xc7: {  	s29 =	simm.s32 $0x9;
	_ =	strace $0x8000005D  }
0xc8: {  	_ =	swait.ge [sflag:s29], $0x1  }
0xc9: {  	[sflag:s29] =	ssyncadd.s32 $0xFFFFFFFF  }
0xca: {  	_ =	strace $0x9000005D  }
0xcb: {  	_ =	sfence  }
0xcc: {  	s30 =	sld [smem:$0x0];
	_ =	sdelay $0x2  }
0xcd: {  	s31 =	sshll.u32 s1, $0xD;
	s1 =	sshrl.u32 s1, $0x2  }
0xce: {  	s4 =	sand.u32 $0x4000, s31;
	s1 =	sadd.s32 s1, s30  }
0xcf: {  	s0 =	sor.u32 s4, s0;
	s1 =	sshll.u32 s1, $0x11  }
0xd0: {  	s0 =	sor.u32 s1, s0  }
0xd1: {  	s0 =	sadd.s32 $0x8F2B, s0  }
0xd2: {  	[sflag:s0] =	ssyncadd.remote.s32 $0x1  }
0xd3: {  	_ =	sfence.sel $0xFFFF  }
0xd4: {  	[dreg:$0x0] =	wrdreg $0xFFFFFFFF;
	(pc) =	sbr.abs _section_cstart, $3  }
0xd5: {  	[dreg:$0x1] =	wrdreg $0xFFFFFFFF  }
0xd6: {  	_ =	task.clear_ibuf [dreg:s22], $0x2FFFF;
	_ =	strace $0x9FFFFFFF  }
0xd7: {  	(tm) =	ssettm $0x7FFFFFFF  }
tec
execute0_lowered:
.L_overlay_start_1:
0x0: {  	(tag) =	ssettag $0x1  }
0x1: {  	s8 =	rddreg [dreg:$0x0]  }
0x2: {  	s2 =	rddreg [dreg:$0x1]  }
0x3: {  	s1 =	stileid.u32;
	s3 =	srdreg.scid  }
0x4: {  	s0 =	rddreg [dreg:$0x2];
	_ =	strace $0x8000005C;
	s5 =	simm.s32 $0x1  }
0x5: {  	s9 =	simm.s32 $0x1;
	s3 =	sand.u32 $0x1, s3;
	s4 =	sshll.u32 s1, $0x1  }
0x6: {  	s10 =	simm.s32 $0x3;
	s13 =	simm.s32 $0x0;
	s6 =	sor.u32 s4, s3  }
0x7: {  	s12 =	simm.s32 $0x0;
	[sflag:s5] =	ssyncpa.u1 $0x0;
	s4 =	smul.u32 $0x50, s6  }
0x8: {  	s3 =	sadd.s32 $0x496600, s8;
	p0 =	slt.u32 s6, $0x9;
	s6 =	simm.s32 $0xA00  }
.Ltmp0:
0x9: {  	s6 =	simm.s32 @!p0 $0x0;
	s7 =	ssub.s32 $0xC80, s4;
	(pc) =	sbr.rel .LBB2_1-.Ltmp0, $4  }
0xa: {  	s9 =	simm.s32 @!p0 $0x0;
	p0 =	sne.s32 s7, s6;
	s7 =	simm.s32 $0x1  }
0xb: {  	s8 =	sadd.s32 $0x8000, s8;
	s6 =	simm.s32 $0x2;
	s7 =	simm.s32 @!p0 $0x0  }
0xc: {  	s11 =	smov.u32 s4;
	[sflag:s6] =	ssyncpa.u1 $0x0;
	s7 =	sadd.s32 s9, s7  }
0xd: {  	vm0 =	vmmov $0xffff;
	[sflag:s10] =	ssyncpa.u1 $0x0;
	s10 =	simm.s32 $0x0;
	s9 =	sadd.s32 $0x1, s7  }
.LBB2_4:
0xe: {  	vm1 =	veq.s32 v4, $0x80000000;
	v56 =	vand.u32 $0xF, v4;
	v6 =	vand.u32 $0x3FFF, v6  }
0xf: {  	v2 =	vor.u32 v2, v5;
	v59 =	vshrl.u32 v1, $0x4;
	v60 =	vand.u32 $0xF, v1  }
0x10: {  	v4 =	vsel vm1, $0xFFFFFFFF, v56;
	v6 =	vsel vm1, $0xFFFFFFFF, v6;
	v2 =	vor.u32 v3, v2  }
0x11: {  	vm1 =	veq.s32 v1, $0x80000000;
	v5 =	vand.u32 $0x3FFF, v59;
	v7 =	vshrl.u32 v4, $0x3  }
0x12: {  	v57 =	vshll.u32 v6, $0x3;
	v4 =	vshll.u32 v4, $0x7;
	v1 =	vsel vm1, $0xFFFFFFFF, v60  }
0x13: {  	v5 =	vsel vm1, $0xFFFFFFFF, v5;
	v6 =	vand.u32 $0x7F, v6;
	v7 =	vmul.u32 $0x1F400, v7  }
0x14: {  	v58 =	vand.u32 $0xFFFFFC00, v57;
	v4 =	vand.u32 $0x380, v4;
	v61 =	vshrl.u32 v1, $0x3  }
0x15: {  	v62 =	vshll.u32 v5, $0x3;
	v3 =	vadd.s32 v7, v58;
	v7 =	vmul.u32 $0x1F400, v61  }
0x16: {  	v1 =	vshll.u32 v1, $0x7;
	v3 =	vor.u32 v4, v3;
	v4 =	vand.u32 $0xFFFFFC00, v62  }
0x17: {  	v1 =	vand.u32 $0x380, v1;
	v3 =	vor.u32 v6, v3;
	v4 =	vadd.s32 v7, v4  }
0x18: {  	[tilespmem:s16], [sflag:$0x1] =	stream.indirect_vreg.gather [hbm4b:s3+s10], $0x1, v0, vm0, $0x4038;
	v63 =	vand.u32 $0x7F, v5;
	v1 =	vor.u32 v1, v4;
	[tilespmem:$0x140] =	vst v63  }
0x19: {  	s15 =	sadd.s32 $0x10, s15;
	(ifvalue) =	ssetifvalue $0x7FFFFFFF;
	v0 =	vor.u32 v63, v1  }
0x1a: {  	[tilespmem:s15], [sflag:$0x1] =	stream.indirect_vreg.gather [hbm4b:s3+s10], $0x1, v2, vm0, $0x4038;
	[tilespmem:$0x140] =	vst v63  }
0x1b: {  	s15 =	sadd.s32 $0x10, s15;
	(ifvalue) =	ssetifvalue $0x7FFFFFFF  }
0x1c: {  	[tilespmem:s15], [sflag:$0x1] =	stream.indirect_vreg.gather [hbm4b:s3+s10], $0x1, v3, vm0, $0x4038;
	[tilespmem:$0x140] =	vst v63  }
0x1d: {  	s15 =	sadd.s32 $0x10, s15;
	(ifvalue) =	ssetifvalue $0x7FFFFFFF  }
0x1e: {  	[tilespmem:s15], [sflag:$0x1] =	stream.indirect_vreg.gather [hbm4b:s3+s10], $0x1, v0, vm0, $0x4038;
	[tilespmem:$0x140] =	vst v63  }
0x1f: {  	_ =	swait.ge [sflag:s5], $0x50  }
0x20: {  	s30 =	sshrl.u32 s13, $0x3;
	[sflag:s5] =	ssyncset.done $0x0  }
0x21: {  	s31 =	sand.u32 $0x7, s13;
	s15 =	sadd.s32 s8, s30;
	[sflag:s5] =	ssyncadd.s32 $0xFFFFFFB0  }
0x22: {  	[hbm4b:s15+s31] =	stream.linear.scatter [tilespmem:s14], [sflag:$0x3], $0x50, $0x38;
	[tilespmem:$0x140] =	vst v63  }
.LBB2_5:
0x23: {  	s15 =	sadd.s32 $0xA00, s11  }
0x24: {  	p1 =	sgt.s32 s15, $0xC7F  }
0x25: {  	s15 =	smov.u32 @p1 s4;
	p1 =	sne.s32 s12, s9  }
.Ltmp1:
0x26: {  	p0 =	slt.u32 s12, $0x2;
	(pc) =	sbr.rel @!p1 .LBB2_6-.Ltmp1, $4  }
0x27: {  	s14 =	simm.s32 @!p0 $0x3  }
0x28: {  	_ =	swait.ge @!p0 [sflag:s14], $0x50  }
0x29: {  	s16 =	sadd.s32 $0x1, s12;
	s13 =	smov.u32 s11;
	[sflag:s14] =	ssyncset.done @!p0 $0x0  }
0x2a: {  	s12 =	smov.u32 s16;
	s11 =	smov.u32 s15;
	[sflag:s14] =	ssyncadd.s32 @!p0 $0xFFFFFFB0  }
.LBB2_1:
0x2b: {  	p0 =	sge.u32 s12, s7  }
0x2c: {  	s14 =	sxor.u32 @!p0 $0x1, s12  }
0x2d: {  	s14 =	smul.u32 @!p0 $0x140, s14  }
0x2e: {  	s31 =	sadd.s32 $0xFFFFFFFF, s12;
	s15 =	sshrl.u32 @!p0 s11, $0x3  }
0x2f: {  	s16 =	sand.u32 @!p0 $0x7, s11;
	s15 =	sadd.s32 @!p0 s2, s15;
	s14 =	sshra.s32 @!p0 s14, $0x2  }
0x30: {  	[tilespmem:s14], [sflag:$0x2] =	stream.linear.gather @!p0 [hbm4b:s15+s16], $0x50, $0x38;
	[tilespmem:$0x140] =	vst v63  }
0x31: {  	p0 =	sge.u32 s31, s7  }
.Ltmp2:
0x32: {  	_ = 	snop;
	(pc) =	sbr.rel @p0 .LBB2_5-.Ltmp2, $1  }
0x33: {  	_ =	sdelay $0x3  }
0x34: {  	s14 =	sand.u32 $0x1, s12  }
0x35: {  	_ =	swait.ge [sflag:s6], $0x50;
	p0 =	seq.s32 s14, $0x1;
	s14 =	simm.s32 $0x50  }
0x36: {  	[sflag:s6] =	ssyncset.done $0x0;
	s14 =	simm.s32 @!p0 $0x0  }
0x37: {  	[sflag:s6] =	ssyncadd.s32 $0xFFFFFFB0;
	(ifvalue) =	ssetifvalue $0x7FFFFFFF;
	v0 =	vld.msk [tilespmem:s14+$0x0 ss:$0x1], $0xffff  }
0x38: {  	s15 =	sadd.s32 $0x10, s14  }
0x39: {  	v1 =	vld.msk [tilespmem:s15+$0x0 ss:$0x1], $0xffff;
	_ =	sdelay $0x2  }
0x3a: {  	v2 =	vshrl.u32 v0, $0x4  }
0x3b: {  	vm1 =	veq.s32 v0, $0x80000000;
	v0 =	vand.u32 $0xF, v0;
	v2 =	vand.u32 $0x3FFF, v2  }
0x3c: {  	v0 =	vsel vm1, $0xFFFFFFFF, v0;
	v6 =	vshrl.u32 v1, $0x4;
	v2 =	vsel vm1, $0xFFFFFFFF, v2  }
0x3d: {  	v3 =	vshrl.u32 v0, $0x3;
	v0 =	vshll.u32 v0, $0x7;
	vm1 =	veq.s32 v1, $0x80000000  }
0x3e: {  	s15 =	sadd.s32 $0x10, s15;
	v1 =	vand.u32 $0xF, v1;
	v4 =	vshll.u32 v2, $0x3;
	v3 =	vmul.u32 $0x1F400, v3  }
0x3f: {  	v0 =	vand.u32 $0x380, v0;
	v7 =	vand.u32 $0x7F, v2;
	v5 =	vand.u32 $0xFFFFFC00, v4;
	v4 =	vld.msk [tilespmem:s15+$0x0 ss:$0x1], $0xffff  }
0x40: {  	v1 =	vsel vm1, $0xFFFFFFFF, v1;
	v2 =	vadd.s32 v3, v5;
	v3 =	vand.u32 $0x3FFF, v6  }
0x41: {  	v3 =	vsel vm1, $0xFFFFFFFF, v3;
	v0 =	vor.u32 v0, v2;
	v2 =	vshrl.u32 v1, $0x3  }
0x42: {  	v1 =	vshll.u32 v1, $0x7;
	v5 =	vshll.u32 v3, $0x3;
	v8 =	vmul.u32 $0x1F400, v2  }
0x43: {  	s18 =	simm.s32 $0x30;
	s14 =	sor.u32 $0xA0, s14;
	s17 =	sadd.s32 $0x10, s15;
	v2 =	vand.u32 $0x380, v1;
	v0 =	vor.u32 v7, v0;
	v5 =	vand.u32 $0xFFFFFC00, v5  }
0x44: {  	s16 =	smov.u32 s14;
	s15 =	smov.u32 s14;
	v1 =	vld.msk [tilespmem:s17+$0x0 ss:$0x1], $0xffff;
	v3 =	vand.u32 $0x7F, v3;
	(ifvalue) =	ssetifvalue $0x7FFFFFFF;
	v6 =	vshrl.u32 v4, $0x4;
	v5 =	vadd.s32 v8, v5  }
.LBB2_3:
0x45: {  	s18 =	sadd.s32 $0x10, s18  }
0x46: {  	vm1 =	veq.s32 v4, $0x80000000;
	v4 =	vand.u32 $0xF, v4;
	v6 =	vand.u32 $0x3FFF, v6;
	s15 =	sadd.s32 $0x10, s15;
	p0 =	slt.u32 s18, $0x40  }
.Ltmp3:
0x47: {  	v5 =	vor.u32 v2, v5;
	v4 =	vsel vm1, $0xFFFFFFFF, v4;
	v7 =	vsel vm1, $0xFFFFFFFF, v6;
	(pc) =	sbr.rel @p0 .LBB2_3-.Ltmp3, $4  }
0x48: {  	v2 =	vshrl.u32 v4, $0x3;
	v6 =	vshll.u32 v7, $0x3;
	v4 =	vshll.u32 v4, $0x7;
	[tilespmem:s16], [sflag:$0x1] =	stream.indirect_vreg.gather [hbm4b:s3+s10], $0x1, v0, vm0, $0x4038;
	[tilespmem:$0x140] =	vst v63  }
0x49: {  	v0 =	vor.u32 v3, v5;
	s16 =	smov.u32 s15;
	v8 =	vmul.u32 $0x1F400, v2;
	v2 =	vand.u32 $0x380, v4  }
0x4a: {  	s17 =	sadd.s32 $0x10, s17;
	v9 =	vand.u32 $0xFFFFFC00, v6  }
0x4b: {  	v3 =	vand.u32 $0x7F, v7;
	v6 =	vshrl.u32 v1, $0x4;
	v5 =	vadd.s32 v8, v9;
	(ifvalue) =	ssetifvalue $0x7FFFFFFF;
	v4 =	vmovc v1;
	v1 =	vld.msk [tilespmem:s17+$0x0 ss:$0x1], $0xffff  }
.Ltmp4:
0x4c: {  	_ = 	snop;
	(pc) =	sbr.rel .LBB2_4-.Ltmp4, $1  }
0x4d: {  	_ =	sdelay $0x3  }
.LBB2_6:
0x4e: {  	_ =	sfence.sel $0x180000  }
0x4f: {  	s2 =	simm.s32 $0x2;
	[bflag:$0x0] =	sbarrier.arrive $0xFFFF  }
0x50: {  	s30 =	simm.s32 $0x3;
	[sflag:s2] =	ssyncpa.u1 $0x1  }
0x51: {  	s31 =	simm.s32 $0x1;
	[sflag:s30] =	ssyncpa.u1 $0x1  }
0x52: {  	[sflag:s31] =	ssyncpa.u1 $0x1  }
0x53: {  	p0 =	sne.s32 s1, $0x0;
	_ =	strace $0x9000005C  }
0x54: {  	s0 =	sadd.s32 @!p0 $0x100000, s0;
	[bflag:$0x2] =	sbarrier.arrive $0xFFFF  }
0x55: {  	[sflag:s0] =	ssyncadd.tile.s32 @!p0 $0x1;
	_ =	shalt  }
.Lfunc_end2:
_tile_overlayer_lowered:
.L_overlay_start_2:
0x56: {  	(tag) =	ssettag $0x2  }
0x57: {  	s0 =	rddreg [dreg:$0x0];
	s2 =	stileid.u32  }
0x58: {  	s1 =	rddreg [dreg:$0x1];
	p0 =	sne.s32 s2, $0x0  }
0x59: {  	s3 =	rddreg [dreg:$0x2];
	[bflag:$0x3] =	sbarrier.arrive $0xFFFF;
	s2 =	simm.s32 @!p0 $0x1C01  }
0x5a: {  	[timem:s3], [sflag:s2] =	dma.local @!p0 [hbm:s0], s1  }
0x5b: {  	s0 =	simm.s32 @!p0 $0x1  }
0x5c: {  	_ =	swait.ge @!p0 [sflag:s0], s1  }
0x5d: {  	s1 =	ssub.s32 @!p0 $0x0, s1;
	[sflag:s0] =	ssyncset.done @!p0 $0x0  }
0x5e: {  	[sflag:s0] =	ssyncadd.s32 @!p0 s1  }
0x5f: {  	[bflag:$0x3] =	sbarrier.arrive $0xFFFF  }
0x60: {  	_ =	shalt  }

// kernel: gather_offload_async_start.7
scs
__scs_entry_jumppad:
0x0: {  	(pc) =	sbr.rel $0x88, $3  }
0x1: {  	(tag) =	ssettag $0x0;
	lr =	simm.s32 $0x1  }
0x2: {  	[smem:$0x3F9E] =	sst lr;
	_ =	strace $0xD0000000  }
0x3: {  	_ = 	snop  }
0x4: {  	_ = 	snop  }
0x5: {  	_ = 	snop  }
0x6: {  	_ = 	snop  }
0x7: {  	_ = 	snop  }
__scs_overlays_trampoline_lowered:
0x8: {  	[smem:$0x3FAD] =	sst s0  }
0x9: {  	[smem:$0x3FAE] =	sst s1  }
0xa: {  	[smem:$0x3FAF] =	sst s2  }
0xb: {  	[smem:$0x3FB0] =	sst s3  }
0xc: {  	[smem:$0x3FB1] =	sst s4  }
0xd: {  	[smem:$0x3FB2] =	sst s5  }
0xe: {  	[smem:$0x3FB3] =	sst s6  }
0xf: {  	[smem:$0x3FB4] =	sst s7  }
0x10: {  	[smem:$0x3FB5] =	sst s8  }
0x11: {  	[smem:$0x3FB6] =	sst s9;
	s0 =	simm.s32 @!p0 $0x0  }
0x12: {  	s1 =	sld [smem:$0x3F9C];
	s0 =	simm.s32 @p0 $0x1  }
0x13: {  	[smem:$0x3FB7] =	sst s0;
	s0 =	simm.s32 @!p1 $0x0  }
0x14: {  	s2 =	sld [smem:$0x3F9B];
	s0 =	simm.s32 @p1 $0x1  }
0x15: {  	[smem:$0x3FB8] =	sst s0;
	s0 =	simm.s32 @!p2 $0x0  }
0x16: {  	s3 =	sld [smem:$0x3FDB];
	s0 =	simm.s32 @p2 $0x1  }
0x17: {  	s4 =	simm.s32 $0x1BF5;
	[smem:$0x3FBA] =	sst s0  }
0x18: {  	s0 =	sld [smem:$0x3F9D];
	_ =	swait.ge [sflag:s4], $0x0  }
0x19: {  	s7 =	sld [smem:$0x3F9E]  }
0x1a: {  	s8 =	sadd.s32 $0xFFFFE003, lr  }
0x1b: {  	s9 =	sadd.s32 $0xFFFFFEF7, lr;
	s5 =	simm.s32 $0xFFFFFFFF;
	p2 =	slt.u32 s8, $0xFFFFF086  }
0x1c: {  	p1 =	slt.u32 s9, $0xF7A;
	s5 =	simm.s32 @!p2 $0x0  }
0x1d: {  	s5 =	simm.s32 @p1 $0x1;
	p0 =	seq.s32 s7, s2  }
0x1e: {  	s7 =	smul.u32 @!p0 $0xF7A, s2;
	p2 =	seq.s32 @!p0 s5, $0x0  }
0x1f: {  	s9 =	smul.u32 $0xF7A, s1;
	s8 =	simm.s32 @!p0 $0x1BF5;
	p2 =	por !p2, p0  }
0x20: {  	[sflag:s8] =	ssyncset.s32 @!p0 $0xFFFFF086;
	s6 =	sadd.s32 @!p0 s3, s7;
	s7 =	simm.s32 @!p0 $0x108  }
0x21: {  	s3 =	sadd.s32 s3, s9;
	s6 =	sadd.s32 @!p0 $0x88, s6;
	s7 =	simm.s32 @p2 $0x1082  }
0x22: {  	[simem:s7], [sflag:s8] =	dma.local @!p0 [hbm:s6], $0xF7A  }
0x23: {  	s9 =	sor.u32 $0xD0000000, s2;
	s6 =	simm.s32 $0x108;
	_ =	swait.ge @!p0 [sflag:s8], $0x0  }
0x24: {  	s3 =	sadd.s32 $0x88, s3;
	s6 =	simm.s32 @!p1 $0x1082;
	[sflag:s4] =	ssyncset.s32 $0xFFFFF086  }
0x25: {  	[simem:s6], [sflag:s4] =	dma.local [hbm:s3], $0xF7A  }
0x26: {  	[smem:$0x3F9E] =	sst s1;
	(tag) =	ssettag s2;
	_ =	strace s9  }
0x27: {  	s1 =	sld [smem:$0x3FAE]  }
0x28: {  	s2 =	sld [smem:$0x3FAF]  }
0x29: {  	s4 =	sld [smem:$0x3FB1]  }
0x2a: {  	p0 =	seq.s32 s5, $0x0;
	s5 =	sld [smem:$0x3FB2]  }
0x2b: {  	s6 =	sld [smem:$0x3FB3]  }
0x2c: {  	s7 =	sld [smem:$0x3FB4]  }
0x2d: {  	s3 =	simm.s32 $0x108;
	s8 =	sld [smem:$0x3FB5]  }
0x2e: {  	s3 =	simm.s32 @!p0 $0x1082;
	s9 =	sld [smem:$0x3FB6]  }
0x2f: {  	lr =	sadd.s32 s0, s3;
	s0 =	sld [smem:$0x3FAD]  }
0x30: {  	s3 =	sld [smem:$0x3FB0]  }
0x31: {  	[smem:$0x3FB9] =	sst s10  }
0x32: {  	s10 =	sld [smem:$0x3FB7];
	_ =	sdelay $0x3  }
0x33: {  	p0 =	seq.s32 s10, $0x1;
	s10 =	sld [smem:$0x3FB9];
	_ =	sdelay $0x3  }
0x34: {  	[smem:$0x3FB9] =	sst s10  }
0x35: {  	s10 =	sld [smem:$0x3FB8];
	_ =	sdelay $0x3  }
0x36: {  	p1 =	seq.s32 s10, $0x1;
	s10 =	sld [smem:$0x3FB9];
	_ =	sdelay $0x3  }
0x37: {  	[smem:$0x3FB9] =	sst s10  }
0x38: {  	s10 =	sld [smem:$0x3FBA]  }
0x39: {  	_ = 	snop;
	(pc) =	sbr.ind lr, $3  }
0x3a: {  	_ = 	snop  }
0x3b: {  	_ = 	snop  }
0x3c: {  	p2 =	seq.s32 s10, $0x1;
	s10 =	sld [smem:$0x3FB9]  }
0x3d: {  	_ =	shalt  }
0x3e: {  	_ =	shalt  }
0x3f: {  	_ =	shalt  }
0x40: {  	_ =	shalt  }
0x41: {  	_ =	shalt  }
0x42: {  	_ =	shalt  }
0x43: {  	_ =	shalt  }
0x44: {  	_ =	shalt  }
0x45: {  	_ =	shalt  }
0x46: {  	_ =	shalt  }
0x47: {  	_ =	shalt  }
0x48: {  	_ =	shalt  }
0x49: {  	_ =	shalt  }
0x4a: {  	_ =	shalt  }
0x4b: {  	_ =	shalt  }
0x4c: {  	_ =	shalt  }
0x4d: {  	_ =	shalt  }
0x4e: {  	_ =	shalt  }
0x4f: {  	_ =	shalt  }
0x50: {  	_ =	shalt  }
0x51: {  	_ =	shalt  }
0x52: {  	_ =	shalt  }
0x53: {  	_ =	shalt  }
0x54: {  	_ =	shalt  }
0x55: {  	_ =	shalt  }
0x56: {  	_ =	shalt  }
0x57: {  	_ =	shalt  }
0x58: {  	_ =	shalt  }
0x59: {  	_ =	shalt  }
0x5a: {  	_ =	shalt  }
0x5b: {  	_ =	shalt  }
0x5c: {  	_ =	shalt  }
0x5d: {  	_ =	shalt  }
0x5e: {  	_ =	shalt  }
0x5f: {  	_ =	shalt  }
0x60: {  	_ =	shalt  }
0x61: {  	_ =	shalt  }
0x62: {  	_ =	shalt  }
0x63: {  	_ =	shalt  }
0x64: {  	_ =	shalt  }
0x65: {  	_ =	shalt  }
0x66: {  	_ =	shalt  }
0x67: {  	_ =	shalt  }
0x68: {  	_ =	shalt  }
0x69: {  	_ =	shalt  }
0x6a: {  	_ =	shalt  }
0x6b: {  	_ =	shalt  }
0x6c: {  	_ =	shalt  }
0x6d: {  	_ =	shalt  }
0x6e: {  	_ =	shalt  }
0x6f: {  	_ =	shalt  }
0x70: {  	_ =	shalt  }
0x71: {  	_ =	shalt  }
0x72: {  	_ =	shalt  }
0x73: {  	_ =	shalt  }
0x74: {  	_ =	shalt  }
0x75: {  	_ =	shalt  }
0x76: {  	_ =	shalt  }
0x77: {  	_ =	shalt  }
0x78: {  	_ =	shalt  }
0x79: {  	_ =	shalt  }
0x7a: {  	_ =	shalt  }
0x7b: {  	_ =	shalt  }
0x7c: {  	_ =	shalt  }
0x7d: {  	_ =	shalt  }
0x7e: {  	_ =	shalt  }
0x7f: {  	_ =	shalt  }
0x80: {  	_ =	shalt  }
0x81: {  	_ =	shalt  }
0x82: {  	_ =	shalt  }
0x83: {  	_ =	shalt  }
0x84: {  	_ =	shalt  }
0x85: {  	_ =	shalt  }
0x86: {  	_ =	shalt  }
0x87: {  	_ =	shalt  }
.Lfunc_end0:
.L_simem_size_0:
called_computation.8_lowered:
.L_overlay_start_0:
0x88: {  	s2 =	sld [smem:$0x3FD9]  }
0x89: {  	s3 =	sld [smem:$0x3FFE];
	_ =	sdelay $0x1  }
0x8a: {  	s1 =	srdreg.scid  }
0x8b: {  	s0 =	sand.u32 $0x1, s1  }
0x8c: {  	s14 =	sshll.u32 s0, $0xA;
	s2 =	sadd.s32 s3, s2  }
0x8d: {  	s2 =	sadd.s32 s2, s14  }
0x8e: {  	[smem:$0x3FC5] =	sst s2  }
0x8f: {  	_ = 	snop  }
0x90: {  	s2 =	sld [smem:$0x3FD0];
	_ =	sdelay $0x2  }
0x91: {  	s15 =	simm.s32 $0xB;
	s4 =	simm.s32 $0x10  }
0x92: {  	[smem:s4], [sflag:s15] =	dma.local [hbm:s2], $0x1  }
0x93: {  	_ =	swait.eq [sflag:s15], $0x1  }
0x94: {  	[sflag:s15] =	ssyncset.done $0x0  }
0x95: {  	[sflag:s15] =	ssyncadd.s32 $0xFFFFFFFF  }
0x96: {  	s16 =	sld [smem:$0x10];
	(tm) =	ssettm $0x1  }
0x97: {  	s17 =	sld [smem:$0x3FFB];
	_ =	sdelay $0x3  }
0x98: {  	_ =	strace s17  }
0x99: {  	s3 =	sld [smem:$0x3FFC];
	_ =	sdelay $0x3  }
0x9a: {  	_ =	strace s3  }
0x9b: {  	s3 =	sld [smem:$0x3FFD];
	_ =	sdelay $0x3  }
0x9c: {  	_ =	strace s3  }
0x9d: {  	_ =	strace $0x8FFFFFFF  }
0x9e: {  	s18 =	sld [smem:$0x3FDB];
	_ =	sdelay $0x1  }
0x9f: {  	s19 =	simm.s32 $_scs_section_size  }
0xa0: {  	s5 =	simm.s32 $_size__tile_overlayer_lowered;
	s6 =	simm.s32 $_tile_overlayer_lowered  }
0xa1: {  	s22 =	simm.s32 $0x1BFF;
	s21 =	sshll.u32 s6, $0x1;
	s3 =	sadd.s32 s19, s18  }
0xa2: {  	s7 =	simm.s32 $0x0;
	s20 =	sshll.u32 s5, $0x1;
	s5 =	sadd.s32 s21, s3  }
0xa3: {  	[timem:s7], [sflag:s22] =	dma.local [hbm:s5], s20  }
0xa4: {  	_ =	swait.ge [sflag:s22], s20  }
0xa5: {  	s4 =	ssub.s32 $0x0, s20;
	[sflag:s22] =	ssyncset.done $0x0  }
0xa6: {  	[sflag:s22] =	ssyncadd.s32 s4;
	_ =	sdelay $0x1  }
0xa7: {  	s23 =	simm.s32 $0x1B8B  }
0xa8: {  	_ =	swait.ge [sflag:s23], $0x1  }
0xa9: {  	[sflag:s23] =	ssyncset.done $0x0  }
0xaa: {  	s25 =	simm.s32 $0x1B8E;
	s24 =	sld [smem:$0x3FFE];
	[sflag:s23] =	ssyncadd.s32 $0xFFFFFFFF  }
0xab: {  	s26 =	simm.s32 $execute0_lowered;
	[smem:$0x3FD2] =	sst s25  }
0xac: {  	s5 =	sshll.u32 s26, $0x1;
	_ =	strace $0x80000058;
	[dreg:$0x1] =	wrdreg $0xFFFFFFFF  }
0xad: {  	s28 =	simm.s32 $_size_execute0_lowered;
	s3 =	sadd.s32 s3, s5;
	[dreg:$0x0] =	wrdreg $0x0  }
0xae: {  	s5 =	sshll.u32 s28, $0x1;
	[dreg:$0x2] =	wrdreg s3  }
0xaf: {  	[dreg:$0x3] =	wrdreg s5  }
0xb0: {  	[dreg:$0x4] =	wrdreg $0xC0  }
0xb1: {  	_ =	task [dreg:s7], $0x5FFFF  }
0xb2: {  	[dreg:$0x1] =	wrdreg $0xFFFFFFFF  }
0xb3: {  	[dreg:$0x0] =	wrdreg $0x60  }
0xb4: {  	[dreg:$0x2] =	wrdreg s24  }
0xb5: {  	[dreg:$0x3] =	wrdreg s16  }
0xb6: {  	[dreg:$0x4] =	wrdreg $0xA  }
0xb7: {  	_ =	task.clear_ibuf [dreg:s7], $0x5FFFF;
	_ =	strace $0x90000058  }
0xb8: {  	s29 =	simm.s32 $0xA;
	_ =	strace $0x8000005A  }
0xb9: {  	_ =	swait.ge [sflag:s29], $0x1  }
0xba: {  	[sflag:s29] =	ssyncadd.s32 $0xFFFFFFFF  }
0xbb: {  	_ =	strace $0x9000005A  }
0xbc: {  	_ =	sfence  }
0xbd: {  	s30 =	sld [smem:$0x0];
	_ =	sdelay $0x2  }
0xbe: {  	s31 =	sshll.u32 s1, $0xD;
	s1 =	sshrl.u32 s1, $0x2  }
0xbf: {  	s3 =	sand.u32 $0x4000, s31;
	s1 =	sadd.s32 s1, s30  }
0xc0: {  	s0 =	sor.u32 s3, s0;
	s1 =	sshll.u32 s1, $0x11  }
0xc1: {  	s0 =	sor.u32 s1, s0  }
0xc2: {  	s0 =	sadd.s32 $0x8F2B, s0  }
0xc3: {  	[sflag:s0] =	ssyncadd.remote.s32 $0x1  }
0xc4: {  	_ =	sfence.sel $0xFFFF  }
0xc5: {  	[dreg:$0x0] =	wrdreg $0xFFFFFFFF;
	(pc) =	sbr.abs _section_cstart, $3  }
0xc6: {  	[dreg:$0x1] =	wrdreg $0xFFFFFFFF  }
0xc7: {  	_ =	task.clear_ibuf [dreg:s7], $0x2FFFF;
	_ =	strace $0x9FFFFFFF  }
0xc8: {  	(tm) =	ssettm $0x7FFFFFFF  }
0xc9: {  	_ =	shalt  }
tec
execute0_lowered:
.L_overlay_start_1:
0x0: {  	(tag) =	ssettag $0x1  }
0x1: {  	s8 =	rddreg [dreg:$0x0]  }
0x2: {  	s2 =	rddreg [dreg:$0x1]  }
0x3: {  	s1 =	stileid.u32;
	s3 =	srdreg.scid  }
0x4: {  	s0 =	rddreg [dreg:$0x2];
	_ =	strace $0x80000059;
	s5 =	simm.s32 $0x1  }
0x5: {  	s9 =	simm.s32 $0x1;
	s3 =	sand.u32 $0x1, s3;
	s4 =	sshll.u32 s1, $0x1  }
0x6: {  	s10 =	simm.s32 $0x3;
	s13 =	simm.s32 $0x0;
	s6 =	sor.u32 s4, s3  }
0x7: {  	s12 =	simm.s32 $0x0;
	[sflag:s5] =	ssyncpa.u1 $0x0;
	s4 =	smul.u32 $0x50, s6  }
0x8: {  	s3 =	sadd.s32 $0x49E400, s8;
	p0 =	slt.u32 s6, $0x9;
	s6 =	simm.s32 $0xA00  }
.Ltmp0:
0x9: {  	s6 =	simm.s32 @!p0 $0x0;
	s7 =	ssub.s32 $0xC80, s4;
	(pc) =	sbr.rel .LBB2_1-.Ltmp0, $4  }
0xa: {  	s9 =	simm.s32 @!p0 $0x0;
	p0 =	sne.s32 s7, s6;
	s7 =	simm.s32 $0x1  }
0xb: {  	s8 =	sadd.s32 $0x7E00, s8;
	s6 =	simm.s32 $0x2;
	s7 =	simm.s32 @!p0 $0x0  }
0xc: {  	s11 =	smov.u32 s4;
	[sflag:s6] =	ssyncpa.u1 $0x0;
	s7 =	sadd.s32 s9, s7  }
0xd: {  	vm0 =	vmmov $0xffff;
	[sflag:s10] =	ssyncpa.u1 $0x0;
	s10 =	simm.s32 $0x0;
	s9 =	sadd.s32 $0x1, s7  }
.LBB2_4:
0xe: {  	vm1 =	veq.s32 v4, $0x80000000;
	v56 =	vand.u32 $0xF, v4;
	v6 =	vand.u32 $0x3FFF, v6  }
0xf: {  	v2 =	vor.u32 v2, v5;
	v59 =	vshrl.u32 v1, $0x4;
	v60 =	vand.u32 $0xF, v1  }
0x10: {  	v4 =	vsel vm1, $0xFFFFFFFF, v56;
	v6 =	vsel vm1, $0xFFFFFFFF, v6;
	v2 =	vor.u32 v3, v2  }
0x11: {  	vm1 =	veq.s32 v1, $0x80000000;
	v5 =	vand.u32 $0x3FFF, v59;
	v7 =	vshrl.u32 v4, $0x3  }
0x12: {  	v57 =	vshll.u32 v6, $0x3;
	v4 =	vshll.u32 v4, $0x7;
	v1 =	vsel vm1, $0xFFFFFFFF, v60  }
0x13: {  	v5 =	vsel vm1, $0xFFFFFFFF, v5;
	v6 =	vand.u32 $0x7F, v6;
	v7 =	vmul.u32 $0x1F400, v7  }
0x14: {  	v58 =	vand.u32 $0xFFFFFC00, v57;
	v4 =	vand.u32 $0x380, v4;
	v61 =	vshrl.u32 v1, $0x3  }
0x15: {  	v62 =	vshll.u32 v5, $0x3;
	v3 =	vadd.s32 v7, v58;
	v7 =	vmul.u32 $0x1F400, v61  }
0x16: {  	v1 =	vshll.u32 v1, $0x7;
	v3 =	vor.u32 v4, v3;
	v4 =	vand.u32 $0xFFFFFC00, v62  }
0x17: {  	v1 =	vand.u32 $0x380, v1;
	v3 =	vor.u32 v6, v3;
	v4 =	vadd.s32 v7, v4  }
0x18: {  	[tilespmem:s16], [sflag:$0x1] =	stream.indirect_vreg.gather [hbm4b:s3+s10], $0x1, v0, vm0, $0x4038;
	v63 =	vand.u32 $0x7F, v5;
	v1 =	vor.u32 v1, v4;
	[tilespmem:$0x140] =	vst v63  }
0x19: {  	s15 =	sadd.s32 $0x10, s15;
	(ifvalue) =	ssetifvalue $0x7FFFFFFF;
	v0 =	vor.u32 v63, v1  }
0x1a: {  	[tilespmem:s15], [sflag:$0x1] =	stream.indirect_vreg.gather [hbm4b:s3+s10], $0x1, v2, vm0, $0x4038;
	[tilespmem:$0x140] =	vst v63  }
0x1b: {  	s15 =	sadd.s32 $0x10, s15;
	(ifvalue) =	ssetifvalue $0x7FFFFFFF  }
0x1c: {  	[tilespmem:s15], [sflag:$0x1] =	stream.indirect_vreg.gather [hbm4b:s3+s10], $0x1, v3, vm0, $0x4038;
	[tilespmem:$0x140] =	vst v63  }
0x1d: {  	s15 =	sadd.s32 $0x10, s15;
	(ifvalue) =	ssetifvalue $0x7FFFFFFF  }
0x1e: {  	[tilespmem:s15], [sflag:$0x1] =	stream.indirect_vreg.gather [hbm4b:s3+s10], $0x1, v0, vm0, $0x4038;
	[tilespmem:$0x140] =	vst v63  }
0x1f: {  	_ =	swait.ge [sflag:s5], $0x50  }
0x20: {  	s30 =	sshrl.u32 s13, $0x3;
	[sflag:s5] =	ssyncset.done $0x0  }
0x21: {  	s31 =	sand.u32 $0x7, s13;
	s15 =	sadd.s32 s8, s30;
	[sflag:s5] =	ssyncadd.s32 $0xFFFFFFB0  }
0x22: {  	[hbm4b:s15+s31] =	stream.linear.scatter [tilespmem:s14], [sflag:$0x3], $0x50, $0x38;
	[tilespmem:$0x140] =	vst v63  }
.LBB2_5:
0x23: {  	s15 =	sadd.s32 $0xA00, s11  }
0x24: {  	p1 =	sgt.s32 s15, $0xC7F  }
0x25: {  	s15 =	smov.u32 @p1 s4;
	p1 =	sne.s32 s12, s9  }
.Ltmp1:
0x26: {  	p0 =	slt.u32 s12, $0x2;
	(pc) =	sbr.rel @!p1 .LBB2_6-.Ltmp1, $4  }
0x27: {  	s14 =	simm.s32 @!p0 $0x3  }
0x28: {  	_ =	swait.ge @!p0 [sflag:s14], $0x50  }
0x29: {  	s16 =	sadd.s32 $0x1, s12;
	s13 =	smov.u32 s11;
	[sflag:s14] =	ssyncset.done @!p0 $0x0  }
0x2a: {  	s12 =	smov.u32 s16;
	s11 =	smov.u32 s15;
	[sflag:s14] =	ssyncadd.s32 @!p0 $0xFFFFFFB0  }
.LBB2_1:
0x2b: {  	p0 =	sge.u32 s12, s7  }
0x2c: {  	s14 =	sxor.u32 @!p0 $0x1, s12  }
0x2d: {  	s14 =	smul.u32 @!p0 $0x140, s14  }
0x2e: {  	s31 =	sadd.s32 $0xFFFFFFFF, s12;
	s15 =	sshrl.u32 @!p0 s11, $0x3  }
0x2f: {  	s16 =	sand.u32 @!p0 $0x7, s11;
	s15 =	sadd.s32 @!p0 s2, s15;
	s14 =	sshra.s32 @!p0 s14, $0x2  }
0x30: {  	[tilespmem:s14], [sflag:$0x2] =	stream.linear.gather @!p0 [hbm4b:s15+s16], $0x50, $0x38;
	[tilespmem:$0x140] =	vst v63  }
0x31: {  	p0 =	sge.u32 s31, s7  }
.Ltmp2:
0x32: {  	_ = 	snop;
	(pc) =	sbr.rel @p0 .LBB2_5-.Ltmp2, $1  }
0x33: {  	_ =	sdelay $0x3  }
0x34: {  	s14 =	sand.u32 $0x1, s12  }
0x35: {  	_ =	swait.ge [sflag:s6], $0x50;
	p0 =	seq.s32 s14, $0x1;
	s14 =	simm.s32 $0x50  }
0x36: {  	[sflag:s6] =	ssyncset.done $0x0;
	s14 =	simm.s32 @!p0 $0x0  }
0x37: {  	[sflag:s6] =	ssyncadd.s32 $0xFFFFFFB0;
	(ifvalue) =	ssetifvalue $0x7FFFFFFF;
	v0 =	vld.msk [tilespmem:s14+$0x0 ss:$0x1], $0xffff  }
0x38: {  	s15 =	sadd.s32 $0x10, s14  }
0x39: {  	v1 =	vld.msk [tilespmem:s15+$0x0 ss:$0x1], $0xffff;
	_ =	sdelay $0x2  }
0x3a: {  	v2 =	vshrl.u32 v0, $0x4  }
0x3b: {  	vm1 =	veq.s32 v0, $0x80000000;
	v0 =	vand.u32 $0xF, v0;
	v2 =	vand.u32 $0x3FFF, v2  }
0x3c: {  	v0 =	vsel vm1, $0xFFFFFFFF, v0;
	v6 =	vshrl.u32 v1, $0x4;
	v2 =	vsel vm1, $0xFFFFFFFF, v2  }
0x3d: {  	v3 =	vshrl.u32 v0, $0x3;
	v0 =	vshll.u32 v0, $0x7;
	vm1 =	veq.s32 v1, $0x80000000  }
0x3e: {  	s15 =	sadd.s32 $0x10, s15;
	v1 =	vand.u32 $0xF, v1;
	v4 =	vshll.u32 v2, $0x3;
	v3 =	vmul.u32 $0x1F400, v3  }
0x3f: {  	v0 =	vand.u32 $0x380, v0;
	v7 =	vand.u32 $0x7F, v2;
	v5 =	vand.u32 $0xFFFFFC00, v4;
	v4 =	vld.msk [tilespmem:s15+$0x0 ss:$0x1], $0xffff  }
0x40: {  	v1 =	vsel vm1, $0xFFFFFFFF, v1;
	v2 =	vadd.s32 v3, v5;
	v3 =	vand.u32 $0x3FFF, v6  }
0x41: {  	v3 =	vsel vm1, $0xFFFFFFFF, v3;
	v0 =	vor.u32 v0, v2;
	v2 =	vshrl.u32 v1, $0x3  }
0x42: {  	v1 =	vshll.u32 v1, $0x7;
	v5 =	vshll.u32 v3, $0x3;
	v8 =	vmul.u32 $0x1F400, v2  }
0x43: {  	s18 =	simm.s32 $0x30;
	s14 =	sor.u32 $0xA0, s14;
	s17 =	sadd.s32 $0x10, s15;
	v2 =	vand.u32 $0x380, v1;
	v0 =	vor.u32 v7, v0;
	v5 =	vand.u32 $0xFFFFFC00, v5  }
0x44: {  	s16 =	smov.u32 s14;
	s15 =	smov.u32 s14;
	v1 =	vld.msk [tilespmem:s17+$0x0 ss:$0x1], $0xffff;
	v3 =	vand.u32 $0x7F, v3;
	(ifvalue) =	ssetifvalue $0x7FFFFFFF;
	v6 =	vshrl.u32 v4, $0x4;
	v5 =	vadd.s32 v8, v5  }
.LBB2_3:
0x45: {  	s18 =	sadd.s32 $0x10, s18  }
0x46: {  	vm1 =	veq.s32 v4, $0x80000000;
	v4 =	vand.u32 $0xF, v4;
	v6 =	vand.u32 $0x3FFF, v6;
	s15 =	sadd.s32 $0x10, s15;
	p0 =	slt.u32 s18, $0x40  }
.Ltmp3:
0x47: {  	v5 =	vor.u32 v2, v5;
	v4 =	vsel vm1, $0xFFFFFFFF, v4;
	v7 =	vsel vm1, $0xFFFFFFFF, v6;
	(pc) =	sbr.rel @p0 .LBB2_3-.Ltmp3, $4  }
0x48: {  	v2 =	vshrl.u32 v4, $0x3;
	v6 =	vshll.u32 v7, $0x3;
	v4 =	vshll.u32 v4, $0x7;
	[tilespmem:s16], [sflag:$0x1] =	stream.indirect_vreg.gather [hbm4b:s3+s10], $0x1, v0, vm0, $0x4038;
	[tilespmem:$0x140] =	vst v63  }
0x49: {  	v0 =	vor.u32 v3, v5;
	s16 =	smov.u32 s15;
	v8 =	vmul.u32 $0x1F400, v2;
	v2 =	vand.u32 $0x380, v4  }
0x4a: {  	s17 =	sadd.s32 $0x10, s17;
	v9 =	vand.u32 $0xFFFFFC00, v6  }
0x4b: {  	v3 =	vand.u32 $0x7F, v7;
	v6 =	vshrl.u32 v1, $0x4;
	v5 =	vadd.s32 v8, v9;
	(ifvalue) =	ssetifvalue $0x7FFFFFFF;
	v4 =	vmovc v1;
	v1 =	vld.msk [tilespmem:s17+$0x0 ss:$0x1], $0xffff  }
.Ltmp4:
0x4c: {  	_ = 	snop;
	(pc) =	sbr.rel .LBB2_4-.Ltmp4, $1  }
0x4d: {  	_ =	sdelay $0x3  }
.LBB2_6:
0x4e: {  	_ =	sfence.sel $0x180000  }
0x4f: {  	s2 =	simm.s32 $0x2;
	[bflag:$0x0] =	sbarrier.arrive $0xFFFF  }
0x50: {  	s30 =	simm.s32 $0x3;
	[sflag:s2] =	ssyncpa.u1 $0x1  }
0x51: {  	s31 =	simm.s32 $0x1;
	[sflag:s30] =	ssyncpa.u1 $0x1  }
0x52: {  	[sflag:s31] =	ssyncpa.u1 $0x1  }
0x53: {  	p0 =	sne.s32 s1, $0x0;
	_ =	strace $0x90000059  }
0x54: {  	s0 =	sadd.s32 @!p0 $0x100000, s0;
	[bflag:$0x2] =	sbarrier.arrive $0xFFFF  }
0x55: {  	[sflag:s0] =	ssyncadd.tile.s32 @!p0 $0x1;
	_ =	shalt  }
.Lfunc_end2:
_tile_overlayer_lowered:
.L_overlay_start_2:
0x56: {  	(tag) =	ssettag $0x2  }
0x57: {  	s0 =	rddreg [dreg:$0x0];
	s2 =	stileid.u32  }
0x58: {  	s1 =	rddreg [dreg:$0x1];
	p0 =	sne.s32 s2, $0x0  }
0x59: {  	s3 =	rddreg [dreg:$0x2];
	[bflag:$0x3] =	sbarrier.arrive $0xFFFF;
	s2 =	simm.s32 @!p0 $0x1C01  }
0x5a: {  	[timem:s3], [sflag:s2] =	dma.local @!p0 [hbm:s0], s1  }
0x5b: {  	s0 =	simm.s32 @!p0 $0x1  }
0x5c: {  	_ =	swait.ge @!p0 [sflag:s0], s1  }
0x5d: {  	s1 =	ssub.s32 @!p0 $0x0, s1;
	[sflag:s0] =	ssyncset.done @!p0 $0x0  }
0x5e: {  	[sflag:s0] =	ssyncadd.s32 @!p0 s1  }
0x5f: {  	[bflag:$0x3] =	sbarrier.arrive $0xFFFF  }
0x60: {  	_ =	shalt  }

// kernel: gather_offload_async_start
scs
__scs_entry_jumppad:
0x0: {  	(pc) =	sbr.rel $0x88, $3  }
0x1: {  	(tag) =	ssettag $0x0;
	lr =	simm.s32 $0x1  }
0x2: {  	[smem:$0x3F9E] =	sst lr;
	_ =	strace $0xD0000000  }
0x3: {  	_ = 	snop  }
0x4: {  	_ = 	snop  }
0x5: {  	_ = 	snop  }
0x6: {  	_ = 	snop  }
0x7: {  	_ = 	snop  }
__scs_overlays_trampoline_lowered:
0x8: {  	[smem:$0x3FAD] =	sst s0  }
0x9: {  	[smem:$0x3FAE] =	sst s1  }
0xa: {  	[smem:$0x3FAF] =	sst s2  }
0xb: {  	[smem:$0x3FB0] =	sst s3  }
0xc: {  	[smem:$0x3FB1] =	sst s4  }
0xd: {  	[smem:$0x3FB2] =	sst s5  }
0xe: {  	[smem:$0x3FB3] =	sst s6  }
0xf: {  	[smem:$0x3FB4] =	sst s7  }
0x10: {  	[smem:$0x3FB5] =	sst s8  }
0x11: {  	[smem:$0x3FB6] =	sst s9;
	s0 =	simm.s32 @!p0 $0x0  }
0x12: {  	s1 =	sld [smem:$0x3F9C];
	s0 =	simm.s32 @p0 $0x1  }
0x13: {  	[smem:$0x3FB7] =	sst s0;
	s0 =	simm.s32 @!p1 $0x0  }
0x14: {  	s2 =	sld [smem:$0x3F9B];
	s0 =	simm.s32 @p1 $0x1  }
0x15: {  	[smem:$0x3FB8] =	sst s0;
	s0 =	simm.s32 @!p2 $0x0  }
0x16: {  	s3 =	sld [smem:$0x3FDB];
	s0 =	simm.s32 @p2 $0x1  }
0x17: {  	s4 =	simm.s32 $0x1BF5;
	[smem:$0x3FBA] =	sst s0  }
0x18: {  	s0 =	sld [smem:$0x3F9D];
	_ =	swait.ge [sflag:s4], $0x0  }
0x19: {  	s7 =	sld [smem:$0x3F9E]  }
0x1a: {  	s8 =	sadd.s32 $0xFFFFE003, lr  }
0x1b: {  	s9 =	sadd.s32 $0xFFFFFEF7, lr;
	s5 =	simm.s32 $0xFFFFFFFF;
	p2 =	slt.u32 s8, $0xFFFFF086  }
0x1c: {  	p1 =	slt.u32 s9, $0xF7A;
	s5 =	simm.s32 @!p2 $0x0  }
0x1d: {  	s5 =	simm.s32 @p1 $0x1;
	p0 =	seq.s32 s7, s2  }
0x1e: {  	s7 =	smul.u32 @!p0 $0xF7A, s2;
	p2 =	seq.s32 @!p0 s5, $0x0  }
0x1f: {  	s9 =	smul.u32 $0xF7A, s1;
	s8 =	simm.s32 @!p0 $0x1BF5;
	p2 =	por !p2, p0  }
0x20: {  	[sflag:s8] =	ssyncset.s32 @!p0 $0xFFFFF086;
	s6 =	sadd.s32 @!p0 s3, s7;
	s7 =	simm.s32 @!p0 $0x108  }
0x21: {  	s3 =	sadd.s32 s3, s9;
	s6 =	sadd.s32 @!p0 $0x88, s6;
	s7 =	simm.s32 @p2 $0x1082  }
0x22: {  	[simem:s7], [sflag:s8] =	dma.local @!p0 [hbm:s6], $0xF7A  }
0x23: {  	s9 =	sor.u32 $0xD0000000, s2;
	s6 =	simm.s32 $0x108;
	_ =	swait.ge @!p0 [sflag:s8], $0x0  }
0x24: {  	s3 =	sadd.s32 $0x88, s3;
	s6 =	simm.s32 @!p1 $0x1082;
	[sflag:s4] =	ssyncset.s32 $0xFFFFF086  }
0x25: {  	[simem:s6], [sflag:s4] =	dma.local [hbm:s3], $0xF7A  }
0x26: {  	[smem:$0x3F9E] =	sst s1;
	(tag) =	ssettag s2;
	_ =	strace s9  }
0x27: {  	s1 =	sld [smem:$0x3FAE]  }
0x28: {  	s2 =	sld [smem:$0x3FAF]  }
0x29: {  	s4 =	sld [smem:$0x3FB1]  }
0x2a: {  	p0 =	seq.s32 s5, $0x0;
	s5 =	sld [smem:$0x3FB2]  }
0x2b: {  	s6 =	sld [smem:$0x3FB3]  }
0x2c: {  	s7 =	sld [smem:$0x3FB4]  }
0x2d: {  	s3 =	simm.s32 $0x108;
	s8 =	sld [smem:$0x3FB5]  }
0x2e: {  	s3 =	simm.s32 @!p0 $0x1082;
	s9 =	sld [smem:$0x3FB6]  }
0x2f: {  	lr =	sadd.s32 s0, s3;
	s0 =	sld [smem:$0x3FAD]  }
0x30: {  	s3 =	sld [smem:$0x3FB0]  }
0x31: {  	[smem:$0x3FB9] =	sst s10  }
0x32: {  	s10 =	sld [smem:$0x3FB7];
	_ =	sdelay $0x3  }
0x33: {  	p0 =	seq.s32 s10, $0x1;
	s10 =	sld [smem:$0x3FB9];
	_ =	sdelay $0x3  }
0x34: {  	[smem:$0x3FB9] =	sst s10  }
0x35: {  	s10 =	sld [smem:$0x3FB8];
	_ =	sdelay $0x3  }
0x36: {  	p1 =	seq.s32 s10, $0x1;
	s10 =	sld [smem:$0x3FB9];
	_ =	sdelay $0x3  }
0x37: {  	[smem:$0x3FB9] =	sst s10  }
0x38: {  	s10 =	sld [smem:$0x3FBA]  }
0x39: {  	_ = 	snop;
	(pc) =	sbr.ind lr, $3  }
0x3a: {  	_ = 	snop  }
0x3b: {  	_ = 	snop  }
0x3c: {  	p2 =	seq.s32 s10, $0x1;
	s10 =	sld [smem:$0x3FB9]  }
0x3d: {  	_ =	shalt  }
0x3e: {  	_ =	shalt  }
0x3f: {  	_ =	shalt  }
0x40: {  	_ =	shalt  }
0x41: {  	_ =	shalt  }
0x42: {  	_ =	shalt  }
0x43: {  	_ =	shalt  }
0x44: {  	_ =	shalt  }
0x45: {  	_ =	shalt  }
0x46: {  	_ =	shalt  }
0x47: {  	_ =	shalt  }
0x48: {  	_ =	shalt  }
0x49: {  	_ =	shalt  }
0x4a: {  	_ =	shalt  }
0x4b: {  	_ =	shalt  }
0x4c: {  	_ =	shalt  }
0x4d: {  	_ =	shalt  }
0x4e: {  	_ =	shalt  }
0x4f: {  	_ =	shalt  }
0x50: {  	_ =	shalt  }
0x51: {  	_ =	shalt  }
0x52: {  	_ =	shalt  }
0x53: {  	_ =	shalt  }
0x54: {  	_ =	shalt  }
0x55: {  	_ =	shalt  }
0x56: {  	_ =	shalt  }
0x57: {  	_ =	shalt  }
0x58: {  	_ =	shalt  }
0x59: {  	_ =	shalt  }
0x5a: {  	_ =	shalt  }
0x5b: {  	_ =	shalt  }
0x5c: {  	_ =	shalt  }
0x5d: {  	_ =	shalt  }
0x5e: {  	_ =	shalt  }
0x5f: {  	_ =	shalt  }
0x60: {  	_ =	shalt  }
0x61: {  	_ =	shalt  }
0x62: {  	_ =	shalt  }
0x63: {  	_ =	shalt  }
0x64: {  	_ =	shalt  }
0x65: {  	_ =	shalt  }
0x66: {  	_ =	shalt  }
0x67: {  	_ =	shalt  }
0x68: {  	_ =	shalt  }
0x69: {  	_ =	shalt  }
0x6a: {  	_ =	shalt  }
0x6b: {  	_ =	shalt  }
0x6c: {  	_ =	shalt  }
0x6d: {  	_ =	shalt  }
0x6e: {  	_ =	shalt  }
0x6f: {  	_ =	shalt  }
0x70: {  	_ =	shalt  }
0x71: {  	_ =	shalt  }
0x72: {  	_ =	shalt  }
0x73: {  	_ =	shalt  }
0x74: {  	_ =	shalt  }
0x75: {  	_ =	shalt  }
0x76: {  	_ =	shalt  }
0x77: {  	_ =	shalt  }
0x78: {  	_ =	shalt  }
0x79: {  	_ =	shalt  }
0x7a: {  	_ =	shalt  }
0x7b: {  	_ =	shalt  }
0x7c: {  	_ =	shalt  }
0x7d: {  	_ =	shalt  }
0x7e: {  	_ =	shalt  }
0x7f: {  	_ =	shalt  }
0x80: {  	_ =	shalt  }
0x81: {  	_ =	shalt  }
0x82: {  	_ =	shalt  }
0x83: {  	_ =	shalt  }
0x84: {  	_ =	shalt  }
0x85: {  	_ =	shalt  }
0x86: {  	_ =	shalt  }
0x87: {  	_ =	shalt  }
.Lfunc_end0:
.L_simem_size_0:
called_computation.1_lowered:
.L_overlay_start_0:
0x88: {  	s2 =	sld [smem:$0x3FD9]  }
0x89: {  	s3 =	sld [smem:$0x3FFE];
	_ =	sdelay $0x1  }
0x8a: {  	s1 =	srdreg.scid  }
0x8b: {  	s0 =	sand.u32 $0x1, s1  }
0x8c: {  	s16 =	sshll.u32 s0, $0xA;
	s2 =	sadd.s32 s3, s2  }
0x8d: {  	s2 =	sadd.s32 s2, s16  }
0x8e: {  	[smem:$0x3FC5] =	sst s2  }
0x8f: {  	_ = 	snop  }
0x90: {  	(tm) =	ssettm $0x1  }
0x91: {  	s17 =	sld [smem:$0x3FFB];
	_ =	sdelay $0x3  }
0x92: {  	_ =	strace s17  }
0x93: {  	s2 =	sld [smem:$0x3FFC];
	_ =	sdelay $0x3  }
0x94: {  	_ =	strace s2  }
0x95: {  	s2 =	sld [smem:$0x3FFD];
	_ =	sdelay $0x3  }
0x96: {  	_ =	strace s2  }
0x97: {  	_ =	strace $0x8FFFFFFF  }
0x98: {  	s18 =	sld [smem:$0x3FDB];
	_ =	sdelay $0x1  }
0x99: {  	s19 =	simm.s32 $_scs_section_size  }
0x9a: {  	s4 =	simm.s32 $_size__tile_overlayer_lowered;
	s5 =	simm.s32 $_tile_overlayer_lowered  }
0x9b: {  	s22 =	simm.s32 $0x1BFF;
	s21 =	sshll.u32 s5, $0x1;
	s2 =	sadd.s32 s19, s18  }
0x9c: {  	s6 =	simm.s32 $0x0;
	s20 =	sshll.u32 s4, $0x1;
	s4 =	sadd.s32 s21, s2  }
0x9d: {  	[timem:s6], [sflag:s22] =	dma.local [hbm:s4], s20  }
0x9e: {  	_ =	swait.ge [sflag:s22], s20  }
0x9f: {  	s3 =	ssub.s32 $0x0, s20;
	[sflag:s22] =	ssyncset.done $0x0  }
0xa0: {  	[sflag:s22] =	ssyncadd.s32 s3;
	_ =	sdelay $0x1  }
0xa1: {  	s23 =	simm.s32 $0x1B8B  }
0xa2: {  	_ =	swait.ge [sflag:s23], $0x1  }
0xa3: {  	[sflag:s23] =	ssyncset.done $0x0  }
0xa4: {  	s25 =	simm.s32 $0x1B8E;
	s24 =	sld [smem:$0x3FFE];
	[sflag:s23] =	ssyncadd.s32 $0xFFFFFFFF  }
0xa5: {  	s26 =	simm.s32 $execute0_lowered;
	[smem:$0x3FD2] =	sst s25  }
0xa6: {  	s4 =	sshll.u32 s26, $0x1;
	_ =	strace $0x8000004C;
	[dreg:$0x1] =	wrdreg $0xFFFFFFFF  }
0xa7: {  	s28 =	simm.s32 $_size_execute0_lowered;
	s2 =	sadd.s32 s2, s4;
	[dreg:$0x0] =	wrdreg $0x0  }
0xa8: {  	s4 =	sshll.u32 s28, $0x1;
	[dreg:$0x2] =	wrdreg s2  }
0xa9: {  	[dreg:$0x3] =	wrdreg s4  }
0xaa: {  	[dreg:$0x4] =	wrdreg $0xC0  }
0xab: {  	_ =	task [dreg:s6], $0x5FFFF  }
0xac: {  	[dreg:$0x1] =	wrdreg $0xFFFFFFFF  }
0xad: {  	[dreg:$0x0] =	wrdreg $0x60  }
0xae: {  	[dreg:$0x2] =	wrdreg s24  }
0xaf: {  	[dreg:$0x3] =	wrdreg $0x9  }
0xb0: {  	_ =	task.clear_ibuf [dreg:s6], $0x4FFFF;
	_ =	strace $0x9000004C  }
0xb1: {  	s29 =	simm.s32 $0x9;
	_ =	strace $0x8000004E  }
0xb2: {  	_ =	swait.ge [sflag:s29], $0x1  }
0xb3: {  	[sflag:s29] =	ssyncadd.s32 $0xFFFFFFFF  }
0xb4: {  	_ =	strace $0x9000004E  }
0xb5: {  	_ =	sfence  }
0xb6: {  	s30 =	sld [smem:$0x0];
	_ =	sdelay $0x2  }
0xb7: {  	s31 =	sshll.u32 s1, $0xD;
	s1 =	sshrl.u32 s1, $0x2  }
0xb8: {  	s3 =	sand.u32 $0x4000, s31;
	s1 =	sadd.s32 s1, s30  }
0xb9: {  	s0 =	sor.u32 s3, s0;
	s1 =	sshll.u32 s1, $0x11  }
0xba: {  	s0 =	sor.u32 s1, s0  }
0xbb: {  	s0 =	sadd.s32 $0x8F2B, s0  }
0xbc: {  	[sflag:s0] =	ssyncadd.remote.s32 $0x1  }
0xbd: {  	_ =	sfence.sel $0xFFFF  }
0xbe: {  	[dreg:$0x0] =	wrdreg $0xFFFFFFFF;
	(pc) =	sbr.abs _section_cstart, $3  }
0xbf: {  	[dreg:$0x1] =	wrdreg $0xFFFFFFFF  }
0xc0: {  	_ =	task.clear_ibuf [dreg:s6], $0x2FFFF;
	_ =	strace $0x9FFFFFFF  }
0xc1: {  	(tm) =	ssettm $0x7FFFFFFF  }
tec
execute0_lowered:
.L_overlay_start_1:
0x0: {  	(tag) =	ssettag $0x1  }
0x1: {  	s8 =	rddreg [dreg:$0x0];
	s1 =	stileid.u32  }
0x2: {  	s2 =	srdreg.scid;
	s0 =	rddreg [dreg:$0x1]  }
0x3: {  	_ =	strace $0x8000004D;
	s5 =	simm.s32 $0x1;
	s9 =	simm.s32 $0x1  }
0x4: {  	s10 =	simm.s32 $0x3;
	s2 =	sand.u32 $0x1, s2;
	s3 =	sshll.u32 s1, $0x1  }
0x5: {  	s13 =	simm.s32 $0x0;
	s12 =	simm.s32 $0x0;
	s6 =	sor.u32 s3, s2  }
0x6: {  	[sflag:s5] =	ssyncpa.u1 $0x0;
	s2 =	sadd.s32 $0x4AD800, s8;
	s4 =	smul.u32 $0x1900, s6  }
0x7: {  	s3 =	sadd.s32 $0x478000, s8;
	p0 =	slt.u32 s6, $0x9;
	s6 =	simm.s32 $0x32000  }
.Ltmp0:
0x8: {  	s6 =	simm.s32 @!p0 $0x0;
	s7 =	ssub.s32 $0x3E800, s4;
	(pc) =	sbr.rel .LBB2_1-.Ltmp0, $4  }
0x9: {  	s9 =	simm.s32 @!p0 $0x0;
	p0 =	sne.s32 s7, s6;
	s7 =	simm.s32 $0x1  }
0xa: {  	s8 =	sadd.s32 $0x496600, s8;
	s6 =	simm.s32 $0x2;
	s7 =	simm.s32 @!p0 $0x0  }
0xb: {  	s11 =	smov.u32 s4;
	[sflag:s6] =	ssyncpa.u1 $0x0;
	s7 =	sadd.s32 s9, s7  }
0xc: {  	vm0 =	vmmov $0xffff;
	[sflag:s10] =	ssyncpa.u1 $0x0;
	s10 =	simm.s32 $0x0;
	s9 =	sadd.s32 $0x1, s7  }
.LBB2_4:
0xd: {  	vm1 =	veq.s32 v4, $0x80000000;
	v56 =	vand.u32 $0xF, v4;
	v6 =	vand.u32 $0x3FFF, v6  }
0xe: {  	v2 =	vor.u32 v2, v5;
	v59 =	vshrl.u32 v1, $0x4;
	v60 =	vand.u32 $0xF, v1  }
0xf: {  	v4 =	vsel vm1, $0xFFFFFFFF, v56;
	v6 =	vsel vm1, $0xFFFFFFFF, v6;
	v2 =	vor.u32 v3, v2  }
0x10: {  	vm1 =	veq.s32 v1, $0x80000000;
	v5 =	vand.u32 $0x3FFF, v59;
	v7 =	vshrl.u32 v4, $0x3  }
0x11: {  	v57 =	vshll.u32 v6, $0x3;
	v4 =	vshll.u32 v4, $0x7;
	v1 =	vsel vm1, $0xFFFFFFFF, v60  }
0x12: {  	v5 =	vsel vm1, $0xFFFFFFFF, v5;
	v6 =	vand.u32 $0x7F, v6;
	v7 =	vmul.u32 $0x1DC00, v7  }
0x13: {  	v58 =	vand.u32 $0xFFFFFC00, v57;
	v4 =	vand.u32 $0x380, v4;
	v61 =	vshrl.u32 v1, $0x3  }
0x14: {  	v62 =	vshll.u32 v5, $0x3;
	v3 =	vadd.s32 v7, v58;
	v7 =	vmul.u32 $0x1DC00, v61  }
0x15: {  	v1 =	vshll.u32 v1, $0x7;
	v3 =	vor.u32 v4, v3;
	v4 =	vand.u32 $0xFFFFFC00, v62  }
0x16: {  	v1 =	vand.u32 $0x380, v1;
	v3 =	vor.u32 v6, v3;
	v4 =	vadd.s32 v7, v4  }
0x17: {  	[tilespmem:s16], [sflag:$0x1] =	stream.indirect_vreg.gather [hbm4b:s2+s10], $0x1, v0, vm0, $0x4038;
	v63 =	vand.u32 $0x7F, v5;
	v1 =	vor.u32 v1, v4;
	[tilespmem:$0x6400] =	vst v63  }
0x18: {  	s15 =	sadd.s32 $0x10, s15;
	(ifvalue) =	ssetifvalue $0x7FFFFFFF;
	v0 =	vor.u32 v63, v1  }
0x19: {  	[tilespmem:s15], [sflag:$0x1] =	stream.indirect_vreg.gather [hbm4b:s2+s10], $0x1, v2, vm0, $0x4038;
	[tilespmem:$0x6400] =	vst v63  }
0x1a: {  	s15 =	sadd.s32 $0x10, s15;
	(ifvalue) =	ssetifvalue $0x7FFFFFFF  }
0x1b: {  	[tilespmem:s15], [sflag:$0x1] =	stream.indirect_vreg.gather [hbm4b:s2+s10], $0x1, v3, vm0, $0x4038;
	[tilespmem:$0x6400] =	vst v63  }
0x1c: {  	s15 =	sadd.s32 $0x10, s15;
	(ifvalue) =	ssetifvalue $0x7FFFFFFF  }
0x1d: {  	[tilespmem:s15], [sflag:$0x1] =	stream.indirect_vreg.gather [hbm4b:s2+s10], $0x1, v0, vm0, $0x4038;
	[tilespmem:$0x6400] =	vst v63  }
0x1e: {  	_ =	swait.ge [sflag:s5], $0x1900  }
0x1f: {  	s30 =	sshrl.u32 s13, $0x3;
	[sflag:s5] =	ssyncset.done $0x0  }
0x20: {  	s31 =	sand.u32 $0x7, s13;
	s15 =	sadd.s32 s8, s30;
	[sflag:s5] =	ssyncadd.s32 $0xFFFFE700  }
0x21: {  	[hbm4b:s15+s31] =	stream.linear.scatter [tilespmem:s14], [sflag:$0x3], $0x1900, $0x38;
	[tilespmem:$0x6400] =	vst v63  }
.LBB2_5:
0x22: {  	s15 =	sadd.s32 $0x32000, s11  }
0x23: {  	p1 =	sgt.s32 s15, $0x3E7FF  }
0x24: {  	s15 =	smov.u32 @p1 s4;
	p1 =	sne.s32 s12, s9  }
.Ltmp1:
0x25: {  	p0 =	slt.u32 s12, $0x2;
	(pc) =	sbr.rel @!p1 .LBB2_6-.Ltmp1, $4  }
0x26: {  	s14 =	simm.s32 @!p0 $0x3  }
0x27: {  	_ =	swait.ge @!p0 [sflag:s14], $0x1900  }
0x28: {  	s16 =	sadd.s32 $0x1, s12;
	s13 =	smov.u32 s11;
	[sflag:s14] =	ssyncset.done @!p0 $0x0  }
0x29: {  	s12 =	smov.u32 s16;
	s11 =	smov.u32 s15;
	[sflag:s14] =	ssyncadd.s32 @!p0 $0xFFFFE700  }
.LBB2_1:
0x2a: {  	p0 =	sge.u32 s12, s7  }
0x2b: {  	s14 =	sxor.u32 @!p0 $0x1, s12  }
0x2c: {  	s14 =	smul.u32 @!p0 $0x6400, s14  }
0x2d: {  	s31 =	sadd.s32 $0xFFFFFFFF, s12;
	s15 =	sshrl.u32 @!p0 s11, $0x3  }
0x2e: {  	s16 =	sand.u32 @!p0 $0x7, s11;
	s15 =	sadd.s32 @!p0 s3, s15;
	s14 =	sshra.s32 @!p0 s14, $0x2  }
0x2f: {  	[tilespmem:s14], [sflag:$0x2] =	stream.linear.gather @!p0 [hbm4b:s15+s16], $0x1900, $0x38;
	[tilespmem:$0x6400] =	vst v63  }
0x30: {  	p0 =	sge.u32 s31, s7  }
.Ltmp2:
0x31: {  	_ = 	snop;
	(pc) =	sbr.rel @p0 .LBB2_5-.Ltmp2, $1  }
0x32: {  	_ =	sdelay $0x3  }
0x33: {  	s14 =	sand.u32 $0x1, s12  }
0x34: {  	_ =	swait.ge [sflag:s6], $0x1900;
	p0 =	seq.s32 s14, $0x1;
	s14 =	simm.s32 $0x1900  }
0x35: {  	[sflag:s6] =	ssyncset.done $0x0;
	s14 =	simm.s32 @!p0 $0x0  }
0x36: {  	[sflag:s6] =	ssyncadd.s32 $0xFFFFE700;
	(ifvalue) =	ssetifvalue $0x7FFFFFFF;
	v0 =	vld.msk [tilespmem:s14+$0x0 ss:$0x1], $0xffff  }
0x37: {  	s15 =	sadd.s32 $0x10, s14  }
0x38: {  	v1 =	vld.msk [tilespmem:s15+$0x0 ss:$0x1], $0xffff;
	_ =	sdelay $0x2  }
0x39: {  	v2 =	vshrl.u32 v0, $0x4  }
0x3a: {  	vm1 =	veq.s32 v0, $0x80000000;
	v0 =	vand.u32 $0xF, v0;
	v2 =	vand.u32 $0x3FFF, v2  }
0x3b: {  	v0 =	vsel vm1, $0xFFFFFFFF, v0;
	v6 =	vshrl.u32 v1, $0x4;
	v2 =	vsel vm1, $0xFFFFFFFF, v2  }
0x3c: {  	v3 =	vshrl.u32 v0, $0x3;
	v0 =	vshll.u32 v0, $0x7;
	vm1 =	veq.s32 v1, $0x80000000  }
0x3d: {  	s15 =	sadd.s32 $0x10, s15;
	v1 =	vand.u32 $0xF, v1;
	v4 =	vshll.u32 v2, $0x3;
	v3 =	vmul.u32 $0x1DC00, v3  }
0x3e: {  	v0 =	vand.u32 $0x380, v0;
	v7 =	vand.u32 $0x7F, v2;
	v5 =	vand.u32 $0xFFFFFC00, v4;
	v4 =	vld.msk [tilespmem:s15+$0x0 ss:$0x1], $0xffff  }
0x3f: {  	v1 =	vsel vm1, $0xFFFFFFFF, v1;
	v2 =	vadd.s32 v3, v5;
	v3 =	vand.u32 $0x3FFF, v6  }
0x40: {  	v3 =	vsel vm1, $0xFFFFFFFF, v3;
	v0 =	vor.u32 v0, v2;
	v2 =	vshrl.u32 v1, $0x3  }
0x41: {  	v1 =	vshll.u32 v1, $0x7;
	v5 =	vshll.u32 v3, $0x3;
	v8 =	vmul.u32 $0x1DC00, v2  }
0x42: {  	s18 =	simm.s32 $0x30;
	s14 =	sadd.s32 $0x3200, s14;
	s17 =	sadd.s32 $0x10, s15;
	v2 =	vand.u32 $0x380, v1;
	v0 =	vor.u32 v7, v0;
	v5 =	vand.u32 $0xFFFFFC00, v5  }
0x43: {  	s16 =	smov.u32 s14;
	s15 =	smov.u32 s14;
	v1 =	vld.msk [tilespmem:s17+$0x0 ss:$0x1], $0xffff;
	v3 =	vand.u32 $0x7F, v3;
	(ifvalue) =	ssetifvalue $0x7FFFFFFF;
	v6 =	vshrl.u32 v4, $0x4;
	v5 =	vadd.s32 v8, v5  }
.LBB2_3:
0x44: {  	s18 =	sadd.s32 $0x10, s18  }
0x45: {  	vm1 =	veq.s32 v4, $0x80000000;
	v4 =	vand.u32 $0xF, v4;
	v6 =	vand.u32 $0x3FFF, v6;
	s15 =	sadd.s32 $0x10, s15;
	p0 =	slt.u32 s18, $0x18F0  }
.Ltmp3:
0x46: {  	v5 =	vor.u32 v2, v5;
	v4 =	vsel vm1, $0xFFFFFFFF, v4;
	v7 =	vsel vm1, $0xFFFFFFFF, v6;
	(pc) =	sbr.rel @p0 .LBB2_3-.Ltmp3, $4  }
0x47: {  	v2 =	vshrl.u32 v4, $0x3;
	v6 =	vshll.u32 v7, $0x3;
	v4 =	vshll.u32 v4, $0x7;
	[tilespmem:s16], [sflag:$0x1] =	stream.indirect_vreg.gather [hbm4b:s2+s10], $0x1, v0, vm0, $0x4038;
	[tilespmem:$0x6400] =	vst v63  }
0x48: {  	v0 =	vor.u32 v3, v5;
	s16 =	smov.u32 s15;
	v8 =	vmul.u32 $0x1DC00, v2;
	v2 =	vand.u32 $0x380, v4  }
0x49: {  	s17 =	sadd.s32 $0x10, s17;
	v9 =	vand.u32 $0xFFFFFC00, v6  }
0x4a: {  	v3 =	vand.u32 $0x7F, v7;
	v6 =	vshrl.u32 v1, $0x4;
	v5 =	vadd.s32 v8, v9;
	(ifvalue) =	ssetifvalue $0x7FFFFFFF;
	v4 =	vmovc v1;
	v1 =	vld.msk [tilespmem:s17+$0x0 ss:$0x1], $0xffff  }
.Ltmp4:
0x4b: {  	_ = 	snop;
	(pc) =	sbr.rel .LBB2_4-.Ltmp4, $1  }
0x4c: {  	_ =	sdelay $0x3  }
.LBB2_6:
0x4d: {  	_ =	sfence.sel $0x180000  }
0x4e: {  	s2 =	simm.s32 $0x2;
	[bflag:$0x0] =	sbarrier.arrive $0xFFFF  }
0x4f: {  	s30 =	simm.s32 $0x3;
	[sflag:s2] =	ssyncpa.u1 $0x1  }
0x50: {  	s31 =	simm.s32 $0x1;
	[sflag:s30] =	ssyncpa.u1 $0x1  }
0x51: {  	[sflag:s31] =	ssyncpa.u1 $0x1  }
0x52: {  	p0 =	sne.s32 s1, $0x0;
	_ =	strace $0x9000004D  }
0x53: {  	s0 =	sadd.s32 @!p0 $0x100000, s0;
	[bflag:$0x2] =	sbarrier.arrive $0xFFFF  }
0x54: {  	[sflag:s0] =	ssyncadd.tile.s32 @!p0 $0x1;
	_ =	shalt  }
.Lfunc_end2:
_tile_overlayer_lowered:
.L_overlay_start_2:
0x55: {  	(tag) =	ssettag $0x2  }
0x56: {  	s0 =	rddreg [dreg:$0x0];
	s2 =	stileid.u32  }
0x57: {  	s1 =	rddreg [dreg:$0x1];
	p0 =	sne.s32 s2, $0x0  }
0x58: {  	s3 =	rddreg [dreg:$0x2];
	[bflag:$0x3] =	sbarrier.arrive $0xFFFF;
	s2 =	simm.s32 @!p0 $0x1C01  }
0x59: {  	[timem:s3], [sflag:s2] =	dma.local @!p0 [hbm:s0], s1  }
0x5a: {  	s0 =	simm.s32 @!p0 $0x1  }
0x5b: {  	_ =	swait.ge @!p0 [sflag:s0], s1  }
0x5c: {  	s1 =	ssub.s32 @!p0 $0x0, s1;
	[sflag:s0] =	ssyncset.done @!p0 $0x0  }
0x5d: {  	[sflag:s0] =	ssyncadd.s32 @!p0 s1  }
0x5e: {  	[bflag:$0x3] =	sbarrier.arrive $0xFFFF  }
0x5f: {  	_ =	shalt  }

// kernel: sparse-core-data-format-call.cloned.1.call-start
scs
called_computation_lowered:
.L_overlay_start_0:
0x0: {  	s1 =	sld [smem:$0x3FD9]  }
0x1: {  	s2 =	sld [smem:$0x3FFE];
	_ =	sdelay $0x1  }
0x2: {  	s3 =	srdreg.scid  }
0x3: {  	s0 =	sand.u32 $0x1, s3  }
0x4: {  	s17 =	sshll.u32 s0, $0xA;
	s1 =	sadd.s32 s2, s1  }
0x5: {  	s1 =	sadd.s32 s1, s17  }
0x6: {  	[smem:$0x3FC5] =	sst s1  }
0x7: {  	_ = 	snop  }
0x8: {  	(tm) =	ssettm $0x1  }
0x9: {  	s18 =	sld [smem:$0x3FFB];
	_ =	sdelay $0x3  }
0xa: {  	_ =	strace s18  }
0xb: {  	s1 =	sld [smem:$0x3FFC];
	_ =	sdelay $0x3  }
0xc: {  	_ =	strace s1  }
0xd: {  	s1 =	sld [smem:$0x3FFD];
	_ =	sdelay $0x3  }
0xe: {  	_ =	strace s1  }
0xf: {  	_ =	strace $0x8FFFFFFF  }
0x10: {  	s19 =	sld [smem:$0x3FDB];
	_ =	sdelay $0x1  }
0x11: {  	s20 =	simm.s32 $_scs_section_size  }
0x12: {  	s4 =	simm.s32 $_size__tile_overlayer_lowered;
	s5 =	simm.s32 $_tile_overlayer_lowered  }
0x13: {  	s23 =	simm.s32 $0x1BFF;
	s22 =	sshll.u32 s5, $0x1;
	s1 =	sadd.s32 s20, s19  }
0x14: {  	s6 =	simm.s32 $0x0;
	s21 =	sshll.u32 s4, $0x1;
	s4 =	sadd.s32 s22, s1  }
0x15: {  	[timem:s6], [sflag:s23] =	dma.local [hbm:s4], s21  }
0x16: {  	_ =	swait.ge [sflag:s23], s21  }
0x17: {  	s2 =	ssub.s32 $0x0, s21;
	[sflag:s23] =	ssyncset.done $0x0  }
0x18: {  	[sflag:s23] =	ssyncadd.s32 s2;
	_ =	sdelay $0x1  }
0x19: {  	s24 =	simm.s32 $0x1B8B  }
0x1a: {  	_ =	swait.ge [sflag:s24], $0x1  }
0x1b: {  	[sflag:s24] =	ssyncset.done $0x0  }
0x1c: {  	s26 =	simm.s32 $0x1B8E;
	s25 =	sld [smem:$0x3FFE];
	[sflag:s24] =	ssyncadd.s32 $0xFFFFFFFF  }
0x1d: {  	s27 =	simm.s32 $execute0_lowered;
	[smem:$0x3FD2] =	sst s26  }
0x1e: {  	s4 =	sshll.u32 s27, $0x1;
	_ =	strace $0x80000046;
	[dreg:$0x1] =	wrdreg $0xFFFFFFFF  }
0x1f: {  	s28 =	simm.s32 $_size_execute0_lowered;
	s1 =	sadd.s32 s1, s4;
	[dreg:$0x0] =	wrdreg $0x0  }
0x20: {  	s4 =	sshll.u32 s28, $0x1;
	[dreg:$0x2] =	wrdreg s1  }
0x21: {  	[dreg:$0x3] =	wrdreg s4  }
0x22: {  	[dreg:$0x4] =	wrdreg $0xC0  }
0x23: {  	_ =	task [dreg:s6], $0x5FFFF  }
0x24: {  	[dreg:$0x1] =	wrdreg $0xFFFFFFFF  }
0x25: {  	[dreg:$0x0] =	wrdreg $0x60  }
0x26: {  	[dreg:$0x2] =	wrdreg s25  }
0x27: {  	[dreg:$0x3] =	wrdreg $0x9  }
0x28: {  	_ =	task.clear_ibuf [dreg:s6], $0x4FFFF;
	_ =	strace $0x90000046  }
0x29: {  	s29 =	simm.s32 $0x9;
	_ =	strace $0x80000048  }
0x2a: {  	_ =	swait.ge [sflag:s29], $0x1  }
0x2b: {  	[sflag:s29] =	ssyncadd.s32 $0xFFFFFFFF  }
0x2c: {  	_ =	strace $0x90000048  }
0x2d: {  	_ =	sfence  }
0x2e: {  	s30 =	sld [smem:$0x0];
	_ =	sdelay $0x2  }
0x2f: {  	s31 =	sshll.u32 s3, $0xD;
	s3 =	sshrl.u32 s3, $0x2  }
0x30: {  	s2 =	sand.u32 $0x4000, s31;
	s1 =	sadd.s32 s3, s30  }
0x31: {  	s0 =	sor.u32 s2, s0;
	s1 =	sshll.u32 s1, $0x11  }
0x32: {  	s0 =	sor.u32 s1, s0  }
0x33: {  	s0 =	sadd.s32 $0x8F2B, s0  }
0x34: {  	[sflag:s0] =	ssyncadd.remote.s32 $0x1  }
0x35: {  	_ =	sfence.sel $0xFFFF  }
0x36: {  	[dreg:$0x0] =	wrdreg $0xFFFFFFFF;
	(pc) =	sbr.abs _section_cstart, $3  }
0x37: {  	[dreg:$0x1] =	wrdreg $0xFFFFFFFF  }
0x38: {  	_ =	task.clear_ibuf [dreg:s6], $0x2FFFF;
	_ =	strace $0x9FFFFFFF  }
0x39: {  	(tm) =	ssettm $0x7FFFFFFF  }
tec
execute0_lowered:
.L_overlay_start_1:
0x0: {  	(tag) =	ssettag $0x1  }
0x1: {  	s0 =	srdreg.scid;
	s3 =	rddreg [dreg:$0x0]  }
0x2: {  	s6 =	simm.s32 $0x2;
	s15 =	simm.s32 $0x0;
	s1 =	sshll.u32 s0, $0x4  }
0x3: {  	s8 =	simm.s32 $0x129800;
	s0 =	stileid.u32;
	s1 =	sand.u32 $0x10, s1  }
0x4: {  	s9 =	simm.s32 $0x0;
	s14 =	simm.s32 $0x0;
	s1 =	sor.u32 s0, s1  }
0x5: {  	s16 =	simm.s32 $0x0;
	s11 =	simm.s32 $0x0;
	s2 =	sshll.u32 s1, $0x7  }
.Ltmp0:
0x6: {  	s12 =	simm.s32 $0x0;
	s4 =	ssub.s32 $0x3B00, s2;
	(pc) =	sbr.rel .LBB1_1-.Ltmp0, $4  }
0x7: {  	s13 =	simm.s32 $0x0;
	s1 =	rddreg [dreg:$0x1];
	s5 =	sshrl.u32 s4, $0xC  }
0x8: {  	_ =	strace $0x80000047;
	s4 =	simm.s32 $0x1;
	s7 =	smul.u32 $0xA, s5  }
0x9: {  	s10 =	smov.u32 s2;
	[sflag:s4] =	ssyncpa.u1 $0x0;
	s5 =	sadd.s32 $0x25A800, s3  }
0xa: {  	[sflag:s6] =	ssyncpa.u1 $0x0;
	s6 =	sadd.s32 $0xA, s7;
	s7 =	sadd.s32 $0xB, s7  }
.LBB1_7:
0xb: {  	s17 =	sadd.s32 $0x1000, s10  }
0xc: {  	s14 =	sadd.s32 $0x10, s11;
	s18 =	smov.u32 s11;
	p1 =	sgt.s32 s17, $0x3B19  }
0xd: {  	s18 =	smov.u32 @p1 s14  }
0xe: {  	s20 =	smov.u32 s12;
	s14 =	sadd.s32 $0x8, s12;
	p2 =	sgt.s32 s18, $0xF  }
0xf: {  	s20 =	smov.u32 @p2 s14  }
0x10: {  	s17 =	smov.u32 @p1 s2;
	p1 =	sgt.s32 s20, $0x4F  }
0x11: {  	p0 =	slt.u32 s13, $0x2;
	s20 =	simm.s32 @p1 $0x0;
	p1 =	sne.s32 s13, s7  }
.Ltmp1:
0x12: {  	s19 =	simm.s32 @!p0 $0x2;
	(pc) =	sbr.rel @!p1 .LBB1_8-.Ltmp1, $4  }
0x13: {  	s15 =	smov.u32 s10;
	s16 =	smov.u32 s12;
	_ =	swait.ge @!p0 [sflag:s19], $0x4000  }
0x14: {  	s9 =	sadd.s32 $0x4000, s9;
	[sflag:s19] =	ssyncset.done @!p0 $0x0;
	s10 =	smov.u32 s17  }
0x15: {  	s18 =	simm.s32 @p2 $0x0;
	s14 =	smov.u32 s11;
	[sflag:s19] =	ssyncadd.s32 @!p0 $0xFFFFC000  }
0x16: {  	s11 =	smov.u32 s18;
	s13 =	sadd.s32 $0x1, s13;
	s12 =	smov.u32 s20  }
.LBB1_1:
0x17: {  	p0 =	sge.u32 s13, s6  }
0x18: {  	s17 =	sshrl.u32 @!p0 s11, $0x3  }
0x19: {  	s18 =	sshll.u32 @!p0 s10, $0x3;
	s17 =	smul.u32 @!p0 $0x1DC00, s17  }
0x1a: {  	s19 =	sshll.u32 @!p0 s11, $0x7;
	s18 =	sand.u32 @!p0 $0xFFFFFC00, s18  }
0x1b: {  	s17 =	sadd.s32 @!p0 s17, s18;
	s18 =	sand.u32 @!p0 $0x380, s19  }
0x1c: {  	s19 =	sand.u32 @!p0 $0x7F, s10;
	s17 =	sor.u32 @!p0 s18, s17  }
0x1d: {  	s18 =	sor.u32 @!p0 s19, s17  }
0x1e: {  	s19 =	smulhi.u32 @!p0 $0x44D72045, s18  }
0x1f: {  	s17 =	smulhi.u32 @!p0 $0x44D72045, s17  }
0x20: {  	s19 =	sshrl.u32 @!p0 s19, $0xC  }
0x21: {  	s17 =	sshrl.u32 @!p0 s17, $0xC;
	s19 =	smul.u32 @!p0 $0x3B80, s19  }
0x22: {  	s20 =	sxor.u32 @!p0 $0xFFFFFFFF, s13;
	s21 =	smul.u32 @!p0 $0x7700, s12;
	s17 =	sand.u32 @!p0 $0xF, s17  }
0x23: {  	s20 =	sshll.u32 @!p0 s20, $0xE;
	s17 =	smul.u32 @!p0 $0x770, s17;
	s18 =	ssub.s32 @!p0 s18, s19  }
0x24: {  	s19 =	sand.u32 @!p0 $0x4000, s20;
	s20 =	sadd.s32 @!p0 s5, s21;
	s21 =	sand.u32 @!p0 $0x7, s18  }
0x25: {  	s18 =	sshrl.u32 @!p0 s18, $0x3;
	s17 =	sadd.s32 @!p0 s17, s20;
	s20 =	sshll.u32 @!p0 s21, $0x12  }
0x26: {  	s17 =	sadd.s32 @!p0 s18, s17;
	s18 =	sor.u32 @!p0 $0x400, s20;
	s20 =	simm.s32 @!p0 $0x1DC00  }
0x27: {  	[tilespmem:s19], [sflag:$0x1] =	stream.strided.gather @!p0 [hbm4b:s17+s18], $0x4000, s20, s18, $0x38;
	[tilespmem:$0x10000] =	vst v63  }
0x28: {  	p0 =	seq.s32 s13, $0x0  }
0x29: {  	p1 =	sge.u32 @!p0 s13, s7  }
0x2a: {  	p0 =	por p0, p1  }
.Ltmp2:
0x2b: {  	_ = 	snop;
	(pc) =	sbr.rel @p0 .LBB1_7-.Ltmp2, $1  }
0x2c: {  	_ =	sdelay $0x3  }
0x2d: {  	s17 =	sand.u32 $0x4000, s9  }
0x2e: {  	_ =	swait.ge [sflag:s4], $0x4000;
	s20 =	sshll.u32 s13, $0xE;
	s18 =	sor.u32 $0x8040, s17  }
0x2f: {  	s19 =	sor.u32 $0x40, s17;
	[sflag:s4] =	ssyncset.done $0x0;
	s31 =	sand.u32 $0x4000, s20  }
0x30: {  	s20 =	simm.s32 $0x0;
	[sflag:s4] =	ssyncadd.s32 $0xFFFFC000;
	s17 =	sor.u32 $0x8000, s31  }
.LBB1_3:
0x31: {  	v0 =	vmov s19;
	_ =	sdelay $0x3  }
0x32: {  	s22 =	simm.s32 $0x0  }
0x33: {  	v6 =	vld.idx.msk [tilespmem:v0+s22+$0x30 ss:$0x1], $0xffff  }
0x34: {  	v7 =	vld.idx.msk [tilespmem:v0+s22+$0xFFFFFFC0 ss:$0x1], $0xffff  }
0x35: {  	v5 =	vld.idx.msk [tilespmem:v0+s22+$0xFFFFFFD0 ss:$0x1], $0xffff  }
0x36: {  	v4 =	vld.idx.msk [tilespmem:v0+s22+$0xFFFFFFE0 ss:$0x1], $0xffff  }
0x37: {  	v3 =	vld.idx.msk [tilespmem:v0+s22+$0xFFFFFFF0 ss:$0x1], $0xffff  }
0x38: {  	v1 =	vld.idx.msk [tilespmem:v0+s22+$0x0 ss:$0x1], $0xffff  }
0x39: {  	v2 =	vld.idx.msk [tilespmem:v0+s22+$0x10 ss:$0x1], $0xffff;
	[tilespmem:s18+$0x30] =	vst v6  }
0x3a: {  	s21 =	simm.s32 $0x80;
	s23 =	simm.s32 $0x400;
	[tilespmem:s18+$0xFFFFFFC0] =	vst v7;
	v6 =	vld.idx.msk [tilespmem:v0+s22+$0x20 ss:$0x1], $0xffff;
	s22 =	smov.u32 s18  }
.LBB1_4:
0x3b: {  	p0 =	sne.s32 s23, $0x1E00;
	v7 =	vld.idx.msk [tilespmem:v0+s21+$0x30 ss:$0x1], $0xffff;
	[tilespmem:s22+$0xFFFFFFD0] =	vst v5  }
0x3c: {  	v8 =	vld.idx.msk [tilespmem:v0+s21+$0xFFFFFFC0 ss:$0x1], $0xffff;
	[tilespmem:s22+$0xFFFFFFE0] =	vst v4  }
0x3d: {  	v5 =	vld.idx.msk [tilespmem:v0+s21+$0xFFFFFFD0 ss:$0x1], $0xffff;
	[tilespmem:s22+$0xFFFFFFF0] =	vst v3  }
.Ltmp3:
0x3e: {  	v4 =	vld.idx.msk [tilespmem:v0+s21+$0xFFFFFFE0 ss:$0x1], $0xffff;
	[tilespmem:s22+$0x0] =	vst v1;
	(pc) =	sbr.rel @p0 .LBB1_4-.Ltmp3, $4  }
0x3f: {  	v3 =	vld.idx.msk [tilespmem:v0+s21+$0xFFFFFFF0 ss:$0x1], $0xffff;
	[tilespmem:s22+$0x10] =	vst v2  }
0x40: {  	v1 =	vld.idx.msk [tilespmem:v0+s21+$0x0 ss:$0x1], $0xffff;
	[tilespmem:s22+$0x20] =	vst v6;
	s22 =	sadd.s32 $0x400, s22  }
0x41: {  	v2 =	vld.idx.msk [tilespmem:v0+s21+$0x10 ss:$0x1], $0xffff;
	[tilespmem:s22+$0x30] =	vst v7  }
0x42: {  	[tilespmem:s22+$0xFFFFFFC0] =	vst v8;
	v6 =	vld.idx.msk [tilespmem:v0+s21+$0x20 ss:$0x1], $0xffff;
	s21 =	sshra.s32 s23, $0x2;
	s23 =	sadd.s32 $0x200, s23  }
0x43: {  	_ =	sdelay $0x2  }
0x44: {  	[tilespmem:s22+$0xFFFFFFD0] =	vst v5  }
0x45: {  	v56 =	vld.idx.msk [tilespmem:v0+s21+$0x30 ss:$0x1], $0xffff;
	[tilespmem:s22+$0xFFFFFFE0] =	vst v4  }
0x46: {  	v57 =	vld.idx.msk [tilespmem:v0+s21+$0xFFFFFFC0 ss:$0x1], $0xffff;
	[tilespmem:s22+$0xFFFFFFF0] =	vst v3  }
0x47: {  	v58 =	vld.idx.msk [tilespmem:v0+s21+$0xFFFFFFD0 ss:$0x1], $0xffff;
	[tilespmem:s22+$0x0] =	vst v1  }
0x48: {  	v59 =	vld.idx.msk [tilespmem:v0+s21+$0xFFFFFFE0 ss:$0x1], $0xffff;
	[tilespmem:s22+$0x10] =	vst v2  }
0x49: {  	v60 =	vld.idx.msk [tilespmem:v0+s21+$0xFFFFFFF0 ss:$0x1], $0xffff;
	s31 =	sadd.s32 $0x400, s22;
	[tilespmem:s22+$0x20] =	vst v6  }
0x4a: {  	v61 =	vld.idx.msk [tilespmem:v0+s21+$0x0 ss:$0x1], $0xffff;
	[tilespmem:s31+$0x30] =	vst v56  }
0x4b: {  	v62 =	vld.idx.msk [tilespmem:v0+s21+$0x10 ss:$0x1], $0xffff;
	s20 =	sadd.s32 $0x1, s20;
	[tilespmem:s31+$0xFFFFFFC0] =	vst v57  }
0x4c: {  	v63 =	vld.idx.msk [tilespmem:v0+s21+$0x20 ss:$0x1], $0xffff;
	p0 =	sne.s32 s20, $0x8;
	[tilespmem:s31+$0xFFFFFFD0] =	vst v58  }
.Ltmp4:
0x4d: {  	[tilespmem:s31+$0xFFFFFFE0] =	vst v59;
	(pc) =	sbr.rel @p0 .LBB1_3-.Ltmp4, $4  }
0x4e: {  	[tilespmem:s31+$0xFFFFFFF0] =	vst v60  }
0x4f: {  	[tilespmem:s31+$0x0] =	vst v61  }
0x50: {  	[tilespmem:s31+$0x10] =	vst v62  }
0x51: {  	s18 =	sadd.s32 $0x80, s18;
	s19 =	sadd.s32 $0x800, s19;
	[tilespmem:s31+$0x20] =	vst v63  }
0x52: {  	s18 =	sshrl.u32 s16, $0x3  }
0x53: {  	s19 =	sshll.u32 s15, $0x3;
	s18 =	smul.u32 $0x1DC00, s18  }
0x54: {  	s25 =	sshll.u32 s16, $0x7;
	s19 =	sand.u32 $0xFFFFFC00, s19  }
0x55: {  	s16 =	sand.u32 $0x380, s25;
	s18 =	sadd.s32 s18, s19  }
0x56: {  	s16 =	sor.u32 s16, s18  }
0x57: {  	s18 =	smulhi.u32 $0x44D72045, s16;
	_ =	sdelay $0x1  }
0x58: {  	s26 =	sand.u32 $0x7F, s15;
	s18 =	sshrl.u32 s18, $0xC  }
0x59: {  	s15 =	sor.u32 s26, s16;
	s27 =	smulhi.u32 $0x3333334, s18  }
0x5a: {  	s16 =	smulhi.u32 $0x44D72045, s15  }
0x5b: {  	s19 =	smul.u32 $0x50, s27  }
0x5c: {  	s14 =	smul.u32 $0x25300, s14;
	s16 =	sshrl.u32 s16, $0xC  }
0x5d: {  	s16 =	smul.u32 $0x3B80, s16;
	s18 =	ssub.s32 s18, s19  }
0x5e: {  	s28 =	smul.u32 $0x770, s18  }
.Ltmp5:
0x5f: {  	s15 =	ssub.s32 s15, s16;
	(pc) =	sbr.rel .LBB1_7-.Ltmp5, $4  }
0x60: {  	s14 =	sadd.s32 s3, s14;
	s29 =	sand.u32 $0x7, s15  }
0x61: {  	s15 =	sshrl.u32 s15, $0x3;
	s30 =	sshll.u32 s29, $0x12;
	s14 =	sadd.s32 s28, s14  }
0x62: {  	s31 =	sor.u32 $0x400, s30;
	s14 =	sadd.s32 s15, s14  }
0x63: {  	[hbm4b:s14+s31] =	stream.strided.scatter [tilespmem:s17], [sflag:$0x2], $0x4000, s8, s31, $0x38;
	[tilespmem:$0x10000] =	vst v63  }
.LBB1_8:
0x64: {  	_ =	sfence.sel $0x180000  }
0x65: {  	s2 =	simm.s32 $0x1;
	[bflag:$0x0] =	sbarrier.arrive $0xFFFF  }
0x66: {  	s31 =	simm.s32 $0x2;
	[sflag:s2] =	ssyncpa.u1 $0x1  }
0x67: {  	[sflag:s31] =	ssyncpa.u1 $0x1  }
0x68: {  	p0 =	sne.s32 s0, $0x0;
	_ =	strace $0x90000047  }
0x69: {  	s0 =	sadd.s32 @!p0 $0x100000, s1;
	[bflag:$0x2] =	sbarrier.arrive $0xFFFF  }
0x6a: {  	[sflag:s0] =	ssyncadd.tile.s32 @!p0 $0x1;
	_ =	shalt  }
.Lfunc_end1:
_tile_overlayer_lowered:
.L_overlay_start_2:
0x6b: {  	(tag) =	ssettag $0x2  }
0x6c: {  	s0 =	rddreg [dreg:$0x0];
	s2 =	stileid.u32  }
0x6d: {  	s1 =	rddreg [dreg:$0x1];
	p0 =	sne.s32 s2, $0x0  }
0x6e: {  	s3 =	rddreg [dreg:$0x2];
	[bflag:$0x3] =	sbarrier.arrive $0xFFFF;
	s2 =	simm.s32 @!p0 $0x1C01  }
0x6f: {  	[timem:s3], [sflag:s2] =	dma.local @!p0 [hbm:s0], s1  }
0x70: {  	s0 =	simm.s32 @!p0 $0x1  }
0x71: {  	_ =	swait.ge @!p0 [sflag:s0], s1  }
0x72: {  	s1 =	ssub.s32 @!p0 $0x0, s1;
	[sflag:s0] =	ssyncset.done @!p0 $0x0  }
0x73: {  	[sflag:s0] =	ssyncadd.s32 @!p0 s1  }
0x74: {  	[bflag:$0x3] =	sbarrier.arrive $0xFFFF  }
0x75: {  	_ =	shalt  }

</sc_bundles>
